<compile_context>
chip_gen: v7x
topology: tpu7x:2x2x1
jax: 0.10.2.dev20260603
libtpu: 0.0.44.dev20260713+nightly
codegen_flags: <defaults>
</compile_context>

<pallas_src>
import functools

import jax
import jax.numpy as jnp
from jax import lax
from jax.experimental import pallas as pl
from jax.experimental.pallas import tpu as pltpu
from jax.experimental.pallas import tpu_sc as plsc

f32 = jnp.float32

NC = 2
NS = 16
NW = NC * NS

@functools.lru_cache(maxsize=None)
def _mesh():
    return plsc.VectorSubcoreMesh(core_axis_name="c", subcore_axis_name="s",
                                  num_cores=NC, num_subcores=NS)


def _shuf_idx(v, idx):
    return lax.gather(
        v, idx[:, None],
        lax.GatherDimensionNumbers(offset_dims=(), collapsed_slice_dims=(0,),
                                   start_index_map=(0,)),
        (1,), mode=lax.GatherScatterMode.PROMISE_IN_BOUNDS)


def _shuf_xor(v, k, lane):
    idx = lane ^ k
    return lax.gather(
        v, idx[:, None],
        lax.GatherDimensionNumbers(offset_dims=(), collapsed_slice_dims=(0,),
                                   start_index_map=(0,)),
        (1,), mode=lax.GatherScatterMode.PROMISE_IN_BOUNDS)


def _bcast_max(v, lane):
    for k in (1, 2, 4, 8):
        v = jnp.maximum(v, _shuf_xor(v, k, lane))
    return v




def _tc_project(x, w_cat, n, d):

    def body(x_ref, w_ref, xl_ref, xr_ref):
        y = jnp.dot(x_ref[...], w_ref[...], preferred_element_type=f32)
        xl_ref[...] = y[:, :64]
        xr_ref[...] = y[:, 64:]

    return pl.pallas_call(
        body,
        out_shape=[jax.ShapeDtypeStruct((n, 64), f32),
                   jax.ShapeDtypeStruct((n, 64), f32)],
    )(x, w_cat)


def _tc_mid(part1, b1, gamma, beta, expander, w24, w3, b3, n):

    def body(p_ref, b1_ref, g_ref, be_ref, ex_ref, w24_ref, w3_ref, b3_ref,
             t2_ref, y3_ref):
        p = p_ref[0] + p_ref[1]
        num = p[:, :64]
        den = p[:, 64:68]
        dinv = 1.0 / (den + 1e-16)
        denb = jnp.dot(dinv, ex_ref[...], preferred_element_type=f32)
        pre = num * denb + b1_ref[...]
        h = jnp.where(pre > 0, pre, jnp.exp(pre) - 1.0)
        mean = jnp.mean(h, axis=0)
        cent = h - mean
        var = jnp.mean(cent * cent, axis=0)
        hbn = g_ref[...] * cent / jnp.sqrt(var + 1e-5) + be_ref[...]
        t2_ref[...] = jnp.dot(hbn, w24_ref[...], preferred_element_type=f32)
        y3_ref[...] = (jnp.dot(hbn, w3_ref[...], preferred_element_type=f32)
                       + b3_ref[...])

    return pl.pallas_call(
        body,
        out_shape=[jax.ShapeDtypeStruct((n, 16), f32),
                   jax.ShapeDtypeStruct((n, 2), f32)],
    )(part1, b1, gamma, beta, expander, w24, w3, b3)


def _tc_final(part2, y3, b2, n):
    def body(p_ref, y3_ref, b2_ref, o_ref):
        p = p_ref[0] + p_ref[1]
        num = p[:, 0:2]
        den = p[:, 2:4]
        z = num / (den + 1e-16) + b2_ref[...] + y3_ref[...]
        o_ref[...] = jnp.where(z > 0, z, jnp.exp(z) - 1.0)

    return pl.pallas_call(
        body,
        out_shape=jax.ShapeDtypeStruct((n, 2), f32),
    )(part2, y3, b2)




def _sc_logits1(xl, xr, src, dst, att1, e_total, blk):
    ew = e_total // NW
    nchunk = ew // blk

    @functools.partial(
        pl.kernel,
        mesh=_mesh(),
        compiler_params=pltpu.CompilerParams(needs_layout_passes=False, use_tc_tiling_on_sc=False),
        out_type=[jax.ShapeDtypeStruct((e_total * 4,), f32),
                  jax.ShapeDtypeStruct((NW * 16,), f32)],
        scratch_types=[
            pltpu.VMEM((blk,), jnp.int32),
            pltpu.VMEM((blk,), jnp.int32),
            pltpu.VMEM((blk, 64), f32),
            pltpu.VMEM((blk, 64), f32),
            pltpu.VMEM((blk * 4,), f32),
            pltpu.VMEM((4, 16), f32),
            pltpu.VMEM((16,), f32),
            pltpu.SemaphoreType.DMA,
        ],
    )
    def k(xl_h, xr_h, src_h, dst_h, att_h, lg_h, wmax_h,
          srcv, dstv, xlv, xrv, lgv, attv, wmv, sem):
        c = lax.axis_index("c")
        s = lax.axis_index("s")
        wid = c * NS + s
        pltpu.sync_copy(att_h, attv)
        att_rows = [attv[h, :] for h in range(4)]
        base0 = wid * ew
        lane = lax.iota(jnp.int32, 16)
        diag = [(lane + c0) & 15 for c0 in range(16)]

        def chunk(i, vmax):
            base = base0 + i * blk
            pltpu.sync_copy(src_h.at[pl.ds(base, blk)], srcv)
            pltpu.sync_copy(dst_h.at[pl.ds(base, blk)], dstv)
            cp1 = pltpu.async_copy(xl_h.at[srcv], xlv, sem)
            cp2 = pltpu.async_copy(xr_h.at[dstv], xrv, sem)
            cp1.wait()
            cp2.wait()

            def grp(g, vm):
                eidx = lane + g * 16
                sidx = eidx * 4
                for h in range(4):
                    acc = jnp.zeros((16,), f32)
                    for c0 in range(16):
                        cidx = diag[c0] + h * 16
                        attr = _shuf_idx(att_rows[h], diag[c0])
                        z = (plsc.load_gather(xlv, [eidx, cidx])
                             + plsc.load_gather(xrv, [eidx, cidx]))
                        z = jnp.maximum(z, 0.2 * z)
                        acc = acc + z * attr
                    plsc.store_scatter(lgv, [sidx + h], acc)
                    vm = jnp.maximum(vm, acc)
                return vm

            vmax = lax.fori_loop(0, blk // 16, grp, vmax)
            pltpu.sync_copy(lgv, lg_h.at[pl.ds(base * 4, blk * 4)])
            return vmax

        vmax = lax.fori_loop(0, nchunk, chunk,
                             jnp.full((16,), -3e38, dtype=f32))
        wmv[...] = vmax
        pltpu.sync_copy(wmv, wmax_h.at[pl.ds(wid * 16, 16)])

    return k(xl, xr, src, dst, att1)


def _sc_accum1(xl, src, dst, lg, wmax, zin, e_total, n, blk):
    ew = e_total // NW
    nchunk = ew // blk
    stripe = n // NS

    @functools.partial(
        pl.kernel,
        mesh=_mesh(),
        compiler_params=pltpu.CompilerParams(needs_layout_passes=False, use_tc_tiling_on_sc=False),
        out_type=[jax.ShapeDtypeStruct((NC, n, 80), f32)],
        scratch_types=[
            pltpu.VMEM((blk,), jnp.int32),
            pltpu.VMEM((blk,), jnp.int32),
            pltpu.VMEM((blk,), jnp.int32),
            pltpu.VMEM((blk, 64), f32),
            pltpu.VMEM((blk * 4,), f32),
            pltpu.VMEM((blk * 4 + 16,), f32),
            pltpu.VMEM((blk, 80), f32),
            pltpu.VMEM((blk, 80), f32),
            pltpu.VMEM((NW * 16,), f32),
            pltpu.VMEM_SHARED((n, 80), f32),
            pltpu.SemaphoreType.DMA,
            pltpu.SemaphoreType.DMA,
        ],
    )
    def k(xl_h, src_h, dst_h, lg_h, wmax_h, zin_h, out_h,
          srcv, dstv0, dstv1, xlv, lgcv, exf, accv0, accv1, wmv, sh,
          sem, sems):
        c = lax.axis_index("c")
        s = lax.axis_index("s")
        wid = c * NS + s
        lane = lax.iota(jnp.int32, 16)

        pltpu.sync_copy(wmax_h, wmv)

        def mx(j, vm):
            return jnp.maximum(vm, wmv[pl.ds(j * 16, 16)])

        vm = lax.fori_loop(0, NW, mx, jnp.full((16,), -3e38, dtype=f32))
        gmaxv = _bcast_max(vm, lane)

        pltpu.sync_copy(zin_h.at[pl.ds(s * stripe, stripe)],
                        sh.at[pl.ds(s * stripe, stripe)])
        pltpu.sync_copy(zin_h.at[pl.ds(0, blk)], accv0)
        pltpu.sync_copy(zin_h.at[pl.ds(0, blk)], accv1)
        plsc.subcore_barrier()

        base0 = wid * ew

        def do_chunk(i, dstv, accv):
            base = base0 + i * blk
            pltpu.sync_copy(src_h.at[pl.ds(base, blk)], srcv)
            pltpu.sync_copy(lg_h.at[pl.ds(base * 4, blk * 4)], lgcv)
            cp = pltpu.async_copy(xl_h.at[srcv], xlv, sem)

            def expj(j, _2):
                exf[pl.ds(j * 16, 16)] = jnp.exp(
                    lgcv[pl.ds(j * 16, 16)] - gmaxv)
                return 0

            lax.fori_loop(0, blk * 4 // 16, expj, 0)

            @pl.when(i >= 2)
            def _():
                pltpu.make_async_copy(accv, sh.at[dstv], sems).wait()

            pltpu.sync_copy(dst_h.at[pl.ds(base, blk)], dstv)
            cp.wait()

            def edge(e, _2):
                exvec = exf[pl.ds(e * 4, 16)]
                for h in range(4):
                    accv[e, pl.ds(h * 16, 16)] = (
                        xlv[e, pl.ds(h * 16, 16)] * exvec[h])
                accv[e, pl.ds(64, 16)] = exvec
                return 0

            lax.fori_loop(0, blk, edge, 0)
            pltpu.async_copy(accv, sh.at[dstv], sems, add=True)

        def chunk(i, _):
            @pl.when(i % 2 == 0)
            def _():
                do_chunk(i, dstv0, accv0)

            @pl.when(i % 2 == 1)
            def _():
                do_chunk(i, dstv1, accv1)

            return 0

        lax.fori_loop(0, nchunk, chunk, 0)
        pltpu.make_async_copy(accv0, sh.at[dstv0], sems).wait()
        pltpu.make_async_copy(accv1, sh.at[dstv1], sems).wait()
        plsc.subcore_barrier()
        pltpu.sync_copy(sh.at[pl.ds(s * stripe, stripe)],
                        out_h.at[c, pl.ds(s * stripe, stripe)])

    return k(xl, src, dst, lg, wmax, zin)[0]




def _sc_logits2(t2, src, dst, att2, e_total, blk):
    ew = e_total // NW
    nchunk = ew // blk
    ngrp = blk // 16

    @functools.partial(
        pl.kernel,
        mesh=_mesh(),
        compiler_params=pltpu.CompilerParams(needs_layout_passes=False, use_tc_tiling_on_sc=False),
        out_type=[jax.ShapeDtypeStruct((e_total,), f32),
                  jax.ShapeDtypeStruct((NW * 16,), f32)],
        scratch_types=[
            pltpu.VMEM((blk,), jnp.int32),
            pltpu.VMEM((blk,), jnp.int32),
            pltpu.VMEM((blk, 16), f32),
            pltpu.VMEM((blk, 16), f32),
            pltpu.VMEM((blk,), f32),
            pltpu.VMEM((16,), f32),
            pltpu.VMEM((16,), f32),
            pltpu.SemaphoreType.DMA,
        ],
    )
    def k(t2_h, src_h, dst_h, att_h, lg_h, wmax_h,
          srcv, dstv, tsv, tdv, lgv, attv, wmv, sem):
        c = lax.axis_index("c")
        s = lax.axis_index("s")
        wid = c * NS + s
        pltpu.sync_copy(att_h, attv)
        av = attv[...]
        t0 = av[0]
        t1 = av[1]
        iota = lax.iota(jnp.int32, 16)
        c0 = jnp.zeros((16,), jnp.int32)
        c1 = c0 + 1
        c2 = c0 + 2
        c3 = c0 + 3
        base0 = wid * ew

        def chunk(i, vmax):
            base = base0 + i * blk
            pltpu.sync_copy(src_h.at[pl.ds(base, blk)], srcv)
            pltpu.sync_copy(dst_h.at[pl.ds(base, blk)], dstv)
            cp1 = pltpu.async_copy(t2_h.at[srcv], tsv, sem)
            cp2 = pltpu.async_copy(t2_h.at[dstv], tdv, sem)
            cp1.wait()
            cp2.wait()

            def grp(g, vm):
                i0 = iota + g * 16
                a0 = plsc.load_gather(tsv, [i0, c0])
                a1 = plsc.load_gather(tsv, [i0, c1])
                d0 = plsc.load_gather(tdv, [i0, c2])
                d1 = plsc.load_gather(tdv, [i0, c3])
                z0 = a0 + d0
                z0 = jnp.maximum(z0, 0.2 * z0)
                z1 = a1 + d1
                z1 = jnp.maximum(z1, 0.2 * z1)
                lgvec = z0 * t0 + z1 * t1
                lgv[pl.ds(g * 16, 16)] = lgvec
                return jnp.maximum(vm, lgvec)

            vmax = lax.fori_loop(0, ngrp, grp, vmax)
            pltpu.sync_copy(lgv, lg_h.at[pl.ds(base, blk)])
            return vmax

        vmax = lax.fori_loop(0, nchunk, chunk,
                             jnp.full((16,), -3e38, dtype=f32))
        wmv[...] = vmax
        pltpu.sync_copy(wmv, wmax_h.at[pl.ds(wid * 16, 16)])

    return k(t2, src, dst, att2)


def _sc_accum2(t2, src, dst, lg, wmax, zin, e_total, n, blk):
    ew = e_total // NW
    nchunk = ew // blk
    ngrp = blk // 16
    stripe = n // NS

    @functools.partial(
        pl.kernel,
        mesh=_mesh(),
        compiler_params=pltpu.CompilerParams(needs_layout_passes=False, use_tc_tiling_on_sc=False),
        out_type=[jax.ShapeDtypeStruct((NC, n, 8), f32)],
        scratch_types=[
            pltpu.VMEM((blk,), jnp.int32),
            pltpu.VMEM((blk,), jnp.int32),
            pltpu.VMEM((blk, 16), f32),
            pltpu.VMEM((blk,), f32),
            pltpu.VMEM((blk, 8), f32),
            pltpu.VMEM((NW * 16,), f32),
            pltpu.VMEM_SHARED((n, 8), f32),
            pltpu.SemaphoreType.DMA,
        ],
    )
    def k(t2_h, src_h, dst_h, lg_h, wmax_h, zin_h, out_h,
          srcv, dstv, tsv, lgv, accv, wmv, sh, sem):
        c = lax.axis_index("c")
        s = lax.axis_index("s")
        wid = c * NS + s

        pltpu.sync_copy(wmax_h, wmv)

        def mx(j, vm):
            return jnp.maximum(vm, wmv[pl.ds(j * 16, 16)])

        vm = lax.fori_loop(0, NW, mx, jnp.full((16,), -3e38, dtype=f32))
        gmaxv = _bcast_max(vm, lax.iota(jnp.int32, 16))

        pltpu.sync_copy(zin_h.at[pl.ds(s * stripe, stripe)],
                        sh.at[pl.ds(s * stripe, stripe)])
        pltpu.sync_copy(zin_h.at[pl.ds(0, blk)], accv)
        plsc.subcore_barrier()

        iota = lax.iota(jnp.int32, 16)
        c0 = jnp.zeros((16,), jnp.int32)
        c1 = c0 + 1
        c2 = c0 + 2
        c3 = c0 + 3
        base0 = wid * ew

        def chunk(i, _):
            base = base0 + i * blk
            pltpu.sync_copy(src_h.at[pl.ds(base, blk)], srcv)
            pltpu.sync_copy(dst_h.at[pl.ds(base, blk)], dstv)
            pltpu.sync_copy(lg_h.at[pl.ds(base, blk)], lgv)
            cp = pltpu.async_copy(t2_h.at[srcv], tsv, sem)
            cp.wait()

            def grp(g, _2):
                i0 = iota + g * 16
                ex = jnp.exp(lgv[pl.ds(g * 16, 16)] - gmaxv)
                a0 = plsc.load_gather(tsv, [i0, c0])
                a1 = plsc.load_gather(tsv, [i0, c1])
                plsc.store_scatter(accv, [i0, c0], a0 * ex)
                plsc.store_scatter(accv, [i0, c1], a1 * ex)
                plsc.store_scatter(accv, [i0, c2], ex)
                plsc.store_scatter(accv, [i0, c3], ex)
                return 0

            lax.fori_loop(0, ngrp, grp, 0)
            pltpu.sync_copy(accv, sh.at[dstv], add=True)
            return 0

        lax.fori_loop(0, nchunk, chunk, 0)
        plsc.subcore_barrier()
        pltpu.sync_copy(sh.at[pl.ds(s * stripe, stripe)],
                        out_h.at[c, pl.ds(s * stripe, stripe)])

    return k(t2, src, dst, lg, wmax, zin)[0]






def kernel(x, edge_index, W1l, W1r, att1, b1, gamma, beta, W2l, W2r, att2,
           b2, W3, b3):
    n, d = x.shape
    e_total = edge_index.shape[1]
    blk = 400
    assert e_total % (NW * blk) == 0 and n % NS == 0

    src = edge_index[0]
    dst = edge_index[1]
    w1cat = jnp.concatenate([W1l, W1r], axis=1)
    w24 = jnp.concatenate(
        [W2l, W2r, jnp.zeros((64, 12), f32)], axis=1)
    expander = jnp.repeat(jnp.eye(4, dtype=f32), 16, axis=1)
    zin1 = jnp.zeros((n, 80), f32)
    zin2 = jnp.zeros((n, 8), f32)

    att2p = jnp.zeros((16,), f32).at[:2].set(att2.reshape(-1))
    xl, xr = _tc_project(x, w1cat, n, d)
    lg1, wmax1 = _sc_logits1(xl, xr, src, dst, att1, e_total, blk)
    part1 = _sc_accum1(xl, src, dst, lg1, wmax1, zin1, e_total, n, 200)
    t2, y3 = _tc_mid(part1, b1, gamma, beta, expander, w24, W3, b3, n)
    lg2, wmax2 = _sc_logits2(t2, src, dst, att2p, e_total, blk)
    part2 = _sc_accum2(t2, src, dst, lg2, wmax2, zin2, e_total, n, blk)
    return _tc_final(part2, y3, b2, n)

# --- scband reference (transcript-rebuilt; emitter-appended) ---
"""Pipeline reference for scband-gat-37443524886886 (READ-ONLY COPY).

The authoritative reference and input builder live on the scoring server;
editing this copy changes nothing except your own understanding.
"""

import jax, jax.numpy as jnp
import numpy as np

N = 10000
E = 320000
D = 128


def _glorot(key, shape):
    fan_in, fan_out = shape[0], shape[-1]
    limit = float(np.sqrt(6.0 / (fan_in + fan_out)))
    return jax.random.uniform(key, shape, dtype=jnp.float32, minval=-limit, maxval=limit)


def setup_inputs(seed: int = 0) -> dict:
    key = jax.random.key(seed)
    ks = jax.random.split(key, 12)
    x = jax.random.normal(ks[0], (N, D), dtype=jnp.float32)
    edge_index = jax.random.randint(ks[1], (2, E), 0, N, dtype=jnp.int32)
    W1l = _glorot(ks[2], (D, 64))
    W1r = _glorot(ks[3], (D, 64))
    att1 = _glorot(ks[4], (4, 16))
    b1 = jnp.zeros((64,), dtype=jnp.float32)
    gamma = jnp.ones((64,), dtype=jnp.float32)
    beta = jnp.zeros((64,), dtype=jnp.float32)
    W2l = _glorot(ks[5], (64, 2))
    W2r = _glorot(ks[6], (64, 2))
    att2 = _glorot(ks[7], (1, 2))
    b2 = jnp.zeros((2,), dtype=jnp.float32)
    W3 = _glorot(ks[8], (64, 2))
    b3 = jnp.zeros((2,), dtype=jnp.float32)
    return {"x": x, "edge_index": edge_index, "W1l": W1l, "W1r": W1r, "att1": att1, "b1": b1, "gamma": gamma, "beta": beta, "W2l": W2l, "W2r": W2r, "att2": att2, "b2": b2, "W3": W3, "b3": b3}


def _gatv2(x, ei, Wl, Wr, att, bias, heads, ch):
    n = x.shape[0]
    src, dst = ei[0], ei[1]
    xl = (x @ Wl).reshape(n, heads, ch)
    xr = (x @ Wr).reshape(n, heads, ch)
    xj = xl[src]
    xi = xr[dst]
    e = jax.nn.leaky_relu(xi + xj, negative_slope=0.2)
    logits = (e * att[None, :, :]).sum(-1)
    m = jax.lax.stop_gradient(jax.ops.segment_max(logits, dst, num_segments=n))
    m = jnp.where(jnp.isfinite(m), m, 0.0)
    ex = jnp.exp(logits - m[dst])
    denom = jax.ops.segment_sum(ex, dst, num_segments=n)
    alpha = ex / (denom[dst] + 1e-16)
    out = jax.ops.segment_sum(xj * alpha[:, :, None], dst, num_segments=n)
    return out.reshape(n, heads * ch) + bias


def _bn(x, gamma, beta):
    mean = x.mean(axis=0)
    var = x.var(axis=0)
    return gamma * (x - mean) / jnp.sqrt(var + 1e-5) + beta


def reference(x, edge_index, W1l, W1r, att1, b1, gamma, beta, W2l, W2r, att2, b2, W3, b3):
    h = _gatv2(x, edge_index, W1l, W1r, att1, b1, 4, 16)
    h = jax.nn.elu(h)
    h = _bn(h, gamma, beta)
    out = _gatv2(h, edge_index, W2l, W2r, att2, b2, 1, 2) + (h @ W3 + b3)
    return jax.nn.elu(out)

if __name__ == "__main__":
    import jax
    _d = setup_inputs()
    print(jax.jit(kernel)(*tuple(_d.values())))

</pallas_src>

<mosaic_0001>
#map = affine_map<(d0, d1) -> (0, 0)>
#map1 = affine_map<(d0, d1) -> (0)>
#map2 = affine_map<(d0, d1) -> (0, 0, 0)>
module attributes {stable_mosaic.version = 14 : i64} {
  func.func @k(%arg0: i32, %arg1: i32, %arg2: memref<10000x64xf32, #tpu.memory_space<hbm>>, %arg3: memref<320000xi32, #tpu.memory_space<hbm>>, %arg4: memref<320000xi32, #tpu.memory_space<hbm>>, %arg5: memref<1280000xf32, #tpu.memory_space<hbm>>, %arg6: memref<512xf32, #tpu.memory_space<hbm>>, %arg7: memref<10000x80xf32, #tpu.memory_space<hbm>>, %arg8: memref<2x10000x80xf32, #tpu.memory_space<hbm>>, %arg9: memref<200xi32, #tpu.memory_space<vmem>>, %arg10: memref<200xi32, #tpu.memory_space<vmem>>, %arg11: memref<200xi32, #tpu.memory_space<vmem>>, %arg12: memref<200x64xf32, #tpu.memory_space<vmem>>, %arg13: memref<800xf32, #tpu.memory_space<vmem>>, %arg14: memref<816xf32, #tpu.memory_space<vmem>>, %arg15: memref<200x80xf32, #tpu.memory_space<vmem>>, %arg16: memref<200x80xf32, #tpu.memory_space<vmem>>, %arg17: memref<512xf32, #tpu.memory_space<vmem>>, %arg18: memref<10000x80xf32, #tpu.memory_space<vmem_shared>>, %arg19: memref<!tpu.dma_semaphore, #tpu.memory_space<semaphore_mem>>, %arg20: memref<!tpu.dma_semaphore, #tpu.memory_space<semaphore_mem>>) attributes {dimension_semantics = [#tpu.dimension_semantics<core_parallel>, #tpu.dimension_semantics<subcore_parallel>], iteration_bounds = array<i64: 2, 16>, scalar_prefetch = 0 : i64, scratch_operands = 12 : i64, tpu.core_type = #tpu.core_type<sc_vector_subcore>, window_params = [{transform_indices = #map}, {transform_indices = #map1}, {transform_indices = #map1}, {transform_indices = #map1}, {transform_indices = #map1}, {transform_indices = #map}, {transform_indices = #map2}]} {
    %mul3A = arith.constant 16 : i32
    %mul3A_0 = arith.muli %arg0, %mul3A : i32
    %add3A = arith.addi %mul3A_0, %arg1 : i32
    %iota3A = tpu.iota {dimensions = array<i32: 0>} : vector<16xi32>
    "tpu.region"() ({
      %run_scoped3A = tpu.sem_alloc : memref<!tpu.dma_semaphore, #tpu.memory_space<semaphore_mem>>
      tpu.enqueue_dma source(%arg6 : memref<512xf32, #tpu.memory_space<hbm>>) target(%arg17 : memref<512xf32, #tpu.memory_space<vmem>>) target_semaphore(%run_scoped3A : memref<!tpu.dma_semaphore, #tpu.memory_space<semaphore_mem>>)
      tpu.wait_dma2 semaphore(%run_scoped3A : memref<!tpu.dma_semaphore, #tpu.memory_space<semaphore_mem>>) src(%arg6 : memref<512xf32, #tpu.memory_space<hbm>>) dst(%arg17 : memref<512xf32, #tpu.memory_space<vmem>>)
      tpu.yield
    }) : () -> ()
    %broadcast_in_dim3A = arith.constant -3.000000e+38 : f32
    %broadcast_in_dim3A_1 = vector.broadcast %broadcast_in_dim3A : f32 to vector<16xf32>
    %scan3A = arith.constant 0 : i32
    %scan3A_2 = arith.constant 32 : i32
    %scan3A_3 = arith.addi %scan3A, %scan3A_2 : i32
    %scan3A_4 = arith.constant 1 : i32
    %scan3A_5 = scf.for %scan3A_55 = %scan3A to %scan3A_3 step %scan3A_4 iter_args(%scan3A_56 = %broadcast_in_dim3A_1) -> (vector<16xf32>)  : i32 {
      %mul3A_57 = arith.constant 16 : i32
      %mul3A_58 = arith.muli %scan3A_55, %mul3A_57 : i32
      %get3A = arith.index_cast %mul3A_58 : i32 to index
      %get3A_59 = tpu.vector_load %arg17[%get3A] {strides = array<i32>} : memref<512xf32, #tpu.memory_space<vmem>>, vector<16xf32>,
      %max3A_60 = arith.maximumf %scan3A_56, %get3A_59 : vector<16xf32>
      scf.yield %max3A_60 : vector<16xf32>
    }
    %scan3A_6 = arith.constant 32 : i32
    %xor3A = arith.constant 1 : i32
    %xor3A_7 = vector.broadcast %xor3A : i32 to vector<16xi32>
    %xor3A_8 = arith.xori %iota3A, %xor3A_7 : vector<16xi32>
    %broadcast_in_dim3A_9 = vector.shape_cast %xor3A_8 : vector<16xi32> to vector<16x1xi32>
    %gather3A = vector.shape_cast %broadcast_in_dim3A_9 : vector<16x1xi32> to vector<16xi32>
    %gather3A_10 = tpu.dynamic_gather %scan3A_5[%gather3A] in [0] : vector<16xf32>, vector<16xi32> -> vector<16xf32>
    %max3A = arith.maximumf %scan3A_5, %gather3A_10 : vector<16xf32>
    %xor3A_11 = arith.constant 2 : i32
    %xor3A_12 = vector.broadcast %xor3A_11 : i32 to vector<16xi32>
    %xor3A_13 = arith.xori %iota3A, %xor3A_12 : vector<16xi32>
    %broadcast_in_dim3A_14 = vector.shape_cast %xor3A_13 : vector<16xi32> to vector<16x1xi32>
    %gather3A_15 = vector.shape_cast %broadcast_in_dim3A_14 : vector<16x1xi32> to vector<16xi32>
    %gather3A_16 = tpu.dynamic_gather %max3A[%gather3A_15] in [0] : vector<16xf32>, vector<16xi32> -> vector<16xf32>
    %max3A_17 = arith.maximumf %max3A, %gather3A_16 : vector<16xf32>
    %xor3A_18 = arith.constant 4 : i32
    %xor3A_19 = vector.broadcast %xor3A_18 : i32 to vector<16xi32>
    %xor3A_20 = arith.xori %iota3A, %xor3A_19 : vector<16xi32>
    %broadcast_in_dim3A_21 = vector.shape_cast %xor3A_20 : vector<16xi32> to vector<16x1xi32>
    %gather3A_22 = vector.shape_cast %broadcast_in_dim3A_21 : vector<16x1xi32> to vector<16xi32>
    %gather3A_23 = tpu.dynamic_gather %max3A_17[%gather3A_22] in [0] : vector<16xf32>, vector<16xi32> -> vector<16xf32>
    %max3A_24 = arith.maximumf %max3A_17, %gather3A_23 : vector<16xf32>
    %xor3A_25 = arith.constant 8 : i32
    %xor3A_26 = vector.broadcast %xor3A_25 : i32 to vector<16xi32>
    %xor3A_27 = arith.xori %iota3A, %xor3A_26 : vector<16xi32>
    %broadcast_in_dim3A_28 = vector.shape_cast %xor3A_27 : vector<16xi32> to vector<16x1xi32>
    %gather3A_29 = vector.shape_cast %broadcast_in_dim3A_28 : vector<16x1xi32> to vector<16xi32>
    %gather3A_30 = tpu.dynamic_gather %max3A_24[%gather3A_29] in [0] : vector<16xf32>, vector<16xi32> -> vector<16xf32>
    %max3A_31 = arith.maximumf %max3A_24, %gather3A_30 : vector<16xf32>
    %mul3A_32 = arith.constant 625 : i32
    %mul3A_33 = arith.muli %arg1, %mul3A_32 : i32
    %mul3A_34 = arith.constant 625 : i32
    %mul3A_35 = arith.muli %arg1, %mul3A_34 : i32
    "tpu.region"() ({
      %run_scoped3A = tpu.sem_alloc : memref<!tpu.dma_semaphore, #tpu.memory_space<semaphore_mem>>
      %dma_start3A = arith.constant 0 : i32
      %dma_start3A_55 = tpu.memref_slice %arg18[%mul3A_35, %dma_start3A] : memref<10000x80xf32, #tpu.memory_space<vmem_shared>> -> memref<625x80xf32, #tpu.memory_space<vmem_shared>>
      %dma_start3A_56 = arith.constant 0 : i32
      %dma_start3A_57 = tpu.memref_slice %arg7[%mul3A_33, %dma_start3A_56] : memref<10000x80xf32, #tpu.memory_space<hbm>> -> memref<625x80xf32, #tpu.memory_space<hbm>>
      tpu.enqueue_dma source(%dma_start3A_57 : memref<625x80xf32, #tpu.memory_space<hbm>>) target(%dma_start3A_55 : memref<625x80xf32, #tpu.memory_space<vmem_shared>>) target_semaphore(%run_scoped3A : memref<!tpu.dma_semaphore, #tpu.memory_space<semaphore_mem>>)
      %dma_wait3A_58 = arith.constant 0 : i32
      %dma_wait3A_59 = tpu.memref_slice %arg18[%mul3A_35, %dma_wait3A_58] : memref<10000x80xf32, #tpu.memory_space<vmem_shared>> -> memref<625x80xf32, #tpu.memory_space<vmem_shared>>
      %dma_wait3A_60 = arith.constant 0 : i32
      %dma_wait3A_61 = tpu.memref_slice %arg7[%mul3A_33, %dma_wait3A_60] : memref<10000x80xf32, #tpu.memory_space<hbm>> -> memref<625x80xf32, #tpu.memory_space<hbm>>
      tpu.wait_dma2 semaphore(%run_scoped3A : memref<!tpu.dma_semaphore, #tpu.memory_space<semaphore_mem>>) src(%dma_wait3A_61 : memref<625x80xf32, #tpu.memory_space<hbm>>) dst(%dma_wait3A_59 : memref<625x80xf32, #tpu.memory_space<vmem_shared>>)
      tpu.yield
    }) : () -> ()
    "tpu.region"() ({
      %run_scoped3A = tpu.sem_alloc : memref<!tpu.dma_semaphore, #tpu.memory_space<semaphore_mem>>
      %dma_start3A = arith.constant 0 : i32
      %dma_start3A_55 = arith.constant 0 : i32
      %dma_start3A_56 = tpu.memref_slice %arg7[%dma_start3A, %dma_start3A_55] : memref<10000x80xf32, #tpu.memory_space<hbm>> -> memref<200x80xf32, #tpu.memory_space<hbm>>
      %dma_start3A_57 = arith.constant 0 : i32
      %dma_start3A_58 = arith.constant 0 : i32
      %dma_start3A_59 = tpu.memref_slice %arg7[%dma_start3A_57, %dma_start3A_58] : memref<10000x80xf32, #tpu.memory_space<hbm>> -> memref<200x80xf32, #tpu.memory_space<hbm>>
      tpu.enqueue_dma source(%dma_start3A_59 : memref<200x80xf32, #tpu.memory_space<hbm>>) target(%arg15 : memref<200x80xf32, #tpu.memory_space<vmem>>) target_semaphore(%run_scoped3A : memref<!tpu.dma_semaphore, #tpu.memory_space<semaphore_mem>>)
      %dma_wait3A_60 = arith.constant 0 : i32
      %dma_wait3A_61 = arith.constant 0 : i32
      %dma_wait3A_62 = tpu.memref_slice %arg7[%dma_wait3A_60, %dma_wait3A_61] : memref<10000x80xf32, #tpu.memory_space<hbm>> -> memref<200x80xf32, #tpu.memory_space<hbm>>
      %dma_wait3A_63 = arith.constant 0 : i32
      %dma_wait3A_64 = arith.constant 0 : i32
      %dma_wait3A_65 = tpu.memref_slice %arg7[%dma_wait3A_63, %dma_wait3A_64] : memref<10000x80xf32, #tpu.memory_space<hbm>> -> memref<200x80xf32, #tpu.memory_space<hbm>>
      tpu.wait_dma2 semaphore(%run_scoped3A : memref<!tpu.dma_semaphore, #tpu.memory_space<semaphore_mem>>) src(%dma_wait3A_65 : memref<200x80xf32, #tpu.memory_space<hbm>>) dst(%arg15 : memref<200x80xf32, #tpu.memory_space<vmem>>)
      tpu.yield
    }) : () -> ()
    "tpu.region"() ({
      %run_scoped3A = tpu.sem_alloc : memref<!tpu.dma_semaphore, #tpu.memory_space<semaphore_mem>>
      %dma_start3A = arith.constant 0 : i32
      %dma_start3A_55 = arith.constant 0 : i32
      %dma_start3A_56 = tpu.memref_slice %arg7[%dma_start3A, %dma_start3A_55] : memref<10000x80xf32, #tpu.memory_space<hbm>> -> memref<200x80xf32, #tpu.memory_space<hbm>>
      %dma_start3A_57 = arith.constant 0 : i32
      %dma_start3A_58 = arith.constant 0 : i32
      %dma_start3A_59 = tpu.memref_slice %arg7[%dma_start3A_57, %dma_start3A_58] : memref<10000x80xf32, #tpu.memory_space<hbm>> -> memref<200x80xf32, #tpu.memory_space<hbm>>
      tpu.enqueue_dma source(%dma_start3A_59 : memref<200x80xf32, #tpu.memory_space<hbm>>) target(%arg16 : memref<200x80xf32, #tpu.memory_space<vmem>>) target_semaphore(%run_scoped3A : memref<!tpu.dma_semaphore, #tpu.memory_space<semaphore_mem>>)
      %dma_wait3A_60 = arith.constant 0 : i32
      %dma_wait3A_61 = arith.constant 0 : i32
      %dma_wait3A_62 = tpu.memref_slice %arg7[%dma_wait3A_60, %dma_wait3A_61] : memref<10000x80xf32, #tpu.memory_space<hbm>> -> memref<200x80xf32, #tpu.memory_space<hbm>>
      %dma_wait3A_63 = arith.constant 0 : i32
      %dma_wait3A_64 = arith.constant 0 : i32
      %dma_wait3A_65 = tpu.memref_slice %arg7[%dma_wait3A_63, %dma_wait3A_64] : memref<10000x80xf32, #tpu.memory_space<hbm>> -> memref<200x80xf32, #tpu.memory_space<hbm>>
      tpu.wait_dma2 semaphore(%run_scoped3A : memref<!tpu.dma_semaphore, #tpu.memory_space<semaphore_mem>>) src(%dma_wait3A_65 : memref<200x80xf32, #tpu.memory_space<hbm>>) dst(%arg16 : memref<200x80xf32, #tpu.memory_space<vmem>>)
      tpu.yield
    }) : () -> ()
    %barrier3A = arith.constant 0 : index
    tpu.barrier barrier_id(%barrier3A)
    %mul3A_36 = arith.constant 10000 : i32
    %mul3A_37 = arith.muli %add3A, %mul3A_36 : i32
    %scan3A_38 = arith.constant 0 : i32
    %scan3A_39 = arith.constant 0 : i32
    %scan3A_40 = arith.constant 50 : i32
    %scan3A_41 = arith.addi %scan3A_39, %scan3A_40 : i32
    %scan3A_42 = arith.constant 1 : i32
    %scan3A_43 = scf.for %scan3A_55 = %scan3A_39 to %scan3A_41 step %scan3A_42 iter_args(%scan3A_56 = %scan3A_38) -> (i32)  : i32 {
      %jit3A = arith.constant 2 : i32
      %eq3A = arith.constant 0 : i32
      %eq3A_57 = arith.cmpi eq, %jit3A, %eq3A : i32
      %jit3A_58 = arith.constant 1 : i32
      %select_n3A = arith.select %eq3A_57, %jit3A_58, %jit3A : i32
      %rem3A = arith.remsi %scan3A_55, %select_n3A : i32
      %ne3A = arith.constant 0 : i32
      %ne3A_59 = arith.cmpi ne, %rem3A, %ne3A : i32
      %lt3A = arith.constant 0 : i32
      %lt3A_60 = arith.cmpi slt, %rem3A, %lt3A : i32
      %lt3A_61 = arith.constant 0 : i32
      %lt3A_62 = arith.cmpi slt, %select_n3A, %lt3A_61 : i32
      %ne3A_63 = arith.xori %lt3A_60, %lt3A_62 : i1
      %and3A = arith.andi %ne3A_63, %ne3A_59 : i1
      %add3A_64 = arith.addi %rem3A, %select_n3A : i32
      %select_n3A_65 = arith.select %and3A, %add3A_64, %rem3A : i32
      %eq3A_66 = arith.constant 0 : i32
      %eq3A_67 = arith.cmpi eq, %select_n3A_65, %eq3A_66 : i32
      %convert_element_type3A = arith.extui %eq3A_67 : i1 to i32
      %cond3A = arith.constant 0 : i32
      %cond3A_68 = arith.cmpi ne, %convert_element_type3A, %cond3A : i32
      scf.if %cond3A_68 {
        %mul3A_91 = arith.constant 200 : i32
        %mul3A_92 = arith.muli %scan3A_55, %mul3A_91 : i32
        %add3A_93 = arith.addi %mul3A_37, %mul3A_92 : i32
        "tpu.region"() ({
          %run_scoped3A = tpu.sem_alloc : memref<!tpu.dma_semaphore, #tpu.memory_space<semaphore_mem>>
          %dma_start3A_122 = tpu.memref_slice %arg3[%add3A_93] : memref<320000xi32, #tpu.memory_space<hbm>> -> memref<200xi32, #tpu.memory_space<hbm>>
          %dma_start3A_123 = tpu.memref_slice %arg3[%add3A_93] : memref<320000xi32, #tpu.memory_space<hbm>> -> memref<200xi32, #tpu.memory_space<hbm>>
          tpu.enqueue_dma source(%dma_start3A_123 : memref<200xi32, #tpu.memory_space<hbm>>) target(%arg9 : memref<200xi32, #tpu.memory_space<vmem>>) target_semaphore(%run_scoped3A : memref<!tpu.dma_semaphore, #tpu.memory_space<semaphore_mem>>)
          %dma_wait3A_124 = tpu.memref_slice %arg3[%add3A_93] : memref<320000xi32, #tpu.memory_space<hbm>> -> memref<200xi32, #tpu.memory_space<hbm>>
          %dma_wait3A_125 = tpu.memref_slice %arg3[%add3A_93] : memref<320000xi32, #tpu.memory_space<hbm>> -> memref<200xi32, #tpu.memory_space<hbm>>
          tpu.wait_dma2 semaphore(%run_scoped3A : memref<!tpu.dma_semaphore, #tpu.memory_space<semaphore_mem>>) src(%dma_wait3A_125 : memref<200xi32, #tpu.memory_space<hbm>>) dst(%arg9 : memref<200xi32, #tpu.memory_space<vmem>>)
          tpu.yield
        }) : () -> ()
        %mul3A_94 = arith.constant 4 : i32
        %mul3A_95 = arith.muli %add3A_93, %mul3A_94 : i32
        "tpu.region"() ({
          %run_scoped3A = tpu.sem_alloc : memref<!tpu.dma_semaphore, #tpu.memory_space<semaphore_mem>>
          %dma_start3A_122 = tpu.memref_slice %arg5[%mul3A_95] : memref<1280000xf32, #tpu.memory_space<hbm>> -> memref<800xf32, #tpu.memory_space<hbm>>
          %dma_start3A_123 = tpu.memref_slice %arg5[%mul3A_95] : memref<1280000xf32, #tpu.memory_space<hbm>> -> memref<800xf32, #tpu.memory_space<hbm>>
          tpu.enqueue_dma source(%dma_start3A_123 : memref<800xf32, #tpu.memory_space<hbm>>) target(%arg13 : memref<800xf32, #tpu.memory_space<vmem>>) target_semaphore(%run_scoped3A : memref<!tpu.dma_semaphore, #tpu.memory_space<semaphore_mem>>)
          %dma_wait3A_124 = tpu.memref_slice %arg5[%mul3A_95] : memref<1280000xf32, #tpu.memory_space<hbm>> -> memref<800xf32, #tpu.memory_space<hbm>>
          %dma_wait3A_125 = tpu.memref_slice %arg5[%mul3A_95] : memref<1280000xf32, #tpu.memory_space<hbm>> -> memref<800xf32, #tpu.memory_space<hbm>>
          tpu.wait_dma2 semaphore(%run_scoped3A : memref<!tpu.dma_semaphore, #tpu.memory_space<semaphore_mem>>) src(%dma_wait3A_125 : memref<800xf32, #tpu.memory_space<hbm>>) dst(%arg13 : memref<800xf32, #tpu.memory_space<vmem>>)
          tpu.yield
        }) : () -> ()
        %dma_start3A = arith.constant 0 : i32
        %dma_start3A_96 = arith.constant 0 : i32
        %dma_start3A_97 = tpu.memref_slice %arg2[%dma_start3A, %dma_start3A_96] : memref<10000x64xf32, #tpu.memory_space<hbm>> -> memref<10000x64xf32, #tpu.memory_space<hbm>>
        tpu.enqueue_indirect_dma source(%dma_start3A_97 : memref<10000x64xf32, #tpu.memory_space<hbm>>) target(%arg12 : memref<200x64xf32, #tpu.memory_space<vmem>>) offsets(%arg9 : memref<200xi32, #tpu.memory_space<vmem>>) semaphore(%arg19 : memref<!tpu.dma_semaphore, #tpu.memory_space<semaphore_mem>>)
        %scan3A_98 = arith.constant 0 : i32
        %scan3A_99 = arith.constant 0 : i32
        %scan3A_100 = arith.constant 50 : i32
        %scan3A_101 = arith.addi %scan3A_99, %scan3A_100 : i32
        %scan3A_102 = arith.constant 1 : i32
        %scan3A_103 = scf.for %scan3A_122 = %scan3A_99 to %scan3A_101 step %scan3A_102 iter_args(%scan3A_123 = %scan3A_98) -> (i32)  : i32 {
          %mul3A_124 = arith.constant 16 : i32
          %mul3A_125 = arith.muli %scan3A_122, %mul3A_124 : i32
          %get3A = arith.index_cast %mul3A_125 : i32 to index
          %get3A_126 = tpu.vector_load %arg13[%get3A] {strides = array<i32>} : memref<800xf32, #tpu.memory_space<vmem>>, vector<16xf32>,
          %sub3A = arith.subf %get3A_126, %max3A_31 : vector<16xf32>
          %exp3A = math.exp %sub3A : vector<16xf32>
          %mul3A_127 = arith.constant 16 : i32
          %mul3A_128 = arith.muli %scan3A_122, %mul3A_127 : i32
          %swap3A = arith.index_cast %mul3A_128 : i32 to index
          %swap3A_129 = tpu.vector_load %arg14[%swap3A] {strides = array<i32>} : memref<816xf32, #tpu.memory_space<vmem>>, vector<16xf32>,
          tpu.vector_store %arg14[%swap3A], %exp3A {strides = array<i32>} : memref<816xf32, #tpu.memory_space<vmem>>, vector<16xf32>,
          %scan3A_130 = arith.constant 0 : i32
          scf.yield %scan3A_130 : i32
        }
        %scan3A_104 = arith.constant 50 : i32
        %ge3A = arith.constant 2 : i32
        %ge3A_105 = arith.cmpi sge, %scan3A_55, %ge3A : i32
        %convert_element_type3A_106 = arith.extui %ge3A_105 : i1 to i32
        %cond3A_107 = arith.constant 0 : i32
        %cond3A_108 = arith.cmpi ne, %convert_element_type3A_106, %cond3A_107 : i32
        scf.if %cond3A_108 {
          %dma_wait3A_122 = arith.constant 0 : i32
          %dma_wait3A_123 = arith.constant 0 : i32
          %dma_wait3A_124 = tpu.memref_slice %arg18[%dma_wait3A_122, %dma_wait3A_123] : memref<10000x80xf32, #tpu.memory_space<vmem_shared>> -> memref<10000x80xf32, #tpu.memory_space<vmem_shared>>
          tpu.wait_indirect_dma semaphore(%arg20 : memref<!tpu.dma_semaphore, #tpu.memory_space<semaphore_mem>>) src(%arg15 : memref<200x80xf32, #tpu.memory_space<vmem>>) dst(%dma_wait3A_124 : memref<10000x80xf32, #tpu.memory_space<vmem_shared>>)
        } else {
        }
        "tpu.region"() ({
          %run_scoped3A = tpu.sem_alloc : memref<!tpu.dma_semaphore, #tpu.memory_space<semaphore_mem>>
          %dma_start3A_122 = tpu.memref_slice %arg4[%add3A_93] : memref<320000xi32, #tpu.memory_space<hbm>> -> memref<200xi32, #tpu.memory_space<hbm>>
          %dma_start3A_123 = tpu.memref_slice %arg4[%add3A_93] : memref<320000xi32, #tpu.memory_space<hbm>> -> memref<200xi32, #tpu.memory_space<hbm>>
          tpu.enqueue_dma source(%dma_start3A_123 : memref<200xi32, #tpu.memory_space<hbm>>) target(%arg10 : memref<200xi32, #tpu.memory_space<vmem>>) target_semaphore(%run_scoped3A : memref<!tpu.dma_semaphore, #tpu.memory_space<semaphore_mem>>)
          %dma_wait3A_124 = tpu.memref_slice %arg4[%add3A_93] : memref<320000xi32, #tpu.memory_space<hbm>> -> memref<200xi32, #tpu.memory_space<hbm>>
          %dma_wait3A_125 = tpu.memref_slice %arg4[%add3A_93] : memref<320000xi32, #tpu.memory_space<hbm>> -> memref<200xi32, #tpu.memory_space<hbm>>
          tpu.wait_dma2 semaphore(%run_scoped3A : memref<!tpu.dma_semaphore, #tpu.memory_space<semaphore_mem>>) src(%dma_wait3A_125 : memref<200xi32, #tpu.memory_space<hbm>>) dst(%arg10 : memref<200xi32, #tpu.memory_space<vmem>>)
          tpu.yield
        }) : () -> ()
        %dma_wait3A_109 = arith.constant 0 : i32
        %dma_wait3A_110 = arith.constant 0 : i32
        %dma_wait3A_111 = tpu.memref_slice %arg2[%dma_wait3A_109, %dma_wait3A_110] : memref<10000x64xf32, #tpu.memory_space<hbm>> -> memref<10000x64xf32, #tpu.memory_space<hbm>>
        tpu.wait_indirect_dma semaphore(%arg19 : memref<!tpu.dma_semaphore, #tpu.memory_space<semaphore_mem>>) src(%dma_wait3A_111 : memref<10000x64xf32, #tpu.memory_space<hbm>>) dst(%arg12 : memref<200x64xf32, #tpu.memory_space<vmem>>)
        %scan3A_112 = arith.constant 0 : i32
        %scan3A_113 = arith.constant 0 : i32
        %scan3A_114 = arith.constant 200 : i32
        %scan3A_115 = arith.addi %scan3A_113, %scan3A_114 : i32
        %scan3A_116 = arith.constant 1 : i32
        %scan3A_117 = scf.for %scan3A_122 = %scan3A_113 to %scan3A_115 step %scan3A_116 iter_args(%scan3A_123 = %scan3A_112) -> (i32)  : i32 {
          %mul3A_124 = arith.constant 4 : i32
          %mul3A_125 = arith.muli %scan3A_122, %mul3A_124 : i32
          %get3A = arith.index_cast %mul3A_125 : i32 to index
          %get3A_126 = tpu.vector_load %arg14[%get3A] {strides = array<i32>} : memref<816xf32, #tpu.memory_space<vmem>>, vector<16xf32>,
          %get3A_127 = arith.index_cast %scan3A_122 : i32 to index
          %get3A_128 = arith.constant 0 : index
          %get3A_129 = tpu.vector_load %arg12[%get3A_127, %get3A_128] {strides = array<i32>} : memref<200x64xf32, #tpu.memory_space<vmem>>, vector<16xf32>,
          %slice3A = vector.extract_strided_slice %get3A_126 {offsets = [0], sizes = [1], strides = [1]} : vector<16xf32> to vector<1xf32>
          %squeeze3A = vector.extract %slice3A[0] : f32 from vector<1xf32>
          %mul3A_130 = vector.broadcast %squeeze3A : f32 to vector<16xf32>
          %mul3A_131 = arith.mulf %get3A_129, %mul3A_130 : vector<16xf32>
          %swap3A = arith.index_cast %scan3A_122 : i32 to index
          %swap3A_132 = arith.constant 0 : index
          %swap3A_133 = tpu.vector_load %arg15[%swap3A, %swap3A_132] {strides = array<i32>} : memref<200x80xf32, #tpu.memory_space<vmem>>, vector<16xf32>,
          tpu.vector_store %arg15[%swap3A, %swap3A_132], %mul3A_131 {strides = array<i32>} : memref<200x80xf32, #tpu.memory_space<vmem>>, vector<16xf32>,
          %get3A_134 = arith.index_cast %scan3A_122 : i32 to index
          %get3A_135 = arith.constant 16 : index
          %get3A_136 = tpu.vector_load %arg12[%get3A_134, %get3A_135] {strides = array<i32>} : memref<200x64xf32, #tpu.memory_space<vmem>>, vector<16xf32>,
          %slice3A_137 = vector.extract_strided_slice %get3A_126 {offsets = [1], sizes = [1], strides = [1]} : vector<16xf32> to vector<1xf32>
          %squeeze3A_138 = vector.extract %slice3A_137[0] : f32 from vector<1xf32>
          %mul3A_139 = vector.broadcast %squeeze3A_138 : f32 to vector<16xf32>
          %mul3A_140 = arith.mulf %get3A_136, %mul3A_139 : vector<16xf32>
          %swap3A_141 = arith.index_cast %scan3A_122 : i32 to index
          %swap3A_142 = arith.constant 16 : index
          %swap3A_143 = tpu.vector_load %arg15[%swap3A_141, %swap3A_142] {strides = array<i32>} : memref<200x80xf32, #tpu.memory_space<vmem>>, vector<16xf32>,
          tpu.vector_store %arg15[%swap3A_141, %swap3A_142], %mul3A_140 {strides = array<i32>} : memref<200x80xf32, #tpu.memory_space<vmem>>, vector<16xf32>,
          %get3A_144 = arith.index_cast %scan3A_122 : i32 to index
          %get3A_145 = arith.constant 32 : index
          %get3A_146 = tpu.vector_load %arg12[%get3A_144, %get3A_145] {strides = array<i32>} : memref<200x64xf32, #tpu.memory_space<vmem>>, vector<16xf32>,
          %slice3A_147 = vector.extract_strided_slice %get3A_126 {offsets = [2], sizes = [1], strides = [1]} : vector<16xf32> to vector<1xf32>
          %squeeze3A_148 = vector.extract %slice3A_147[0] : f32 from vector<1xf32>
          %mul3A_149 = vector.broadcast %squeeze3A_148 : f32 to vector<16xf32>
          %mul3A_150 = arith.mulf %get3A_146, %mul3A_149 : vector<16xf32>
          %swap3A_151 = arith.index_cast %scan3A_122 : i32 to index
          %swap3A_152 = arith.constant 32 : index
          %swap3A_153 = tpu.vector_load %arg15[%swap3A_151, %swap3A_152] {strides = array<i32>} : memref<200x80xf32, #tpu.memory_space<vmem>>, vector<16xf32>,
          tpu.vector_store %arg15[%swap3A_151, %swap3A_152], %mul3A_150 {strides = array<i32>} : memref<200x80xf32, #tpu.memory_space<vmem>>, vector<16xf32>,
          %get3A_154 = arith.index_cast %scan3A_122 : i32 to index
          %get3A_155 = arith.constant 48 : index
          %get3A_156 = tpu.vector_load %arg12[%get3A_154, %get3A_155] {strides = array<i32>} : memref<200x64xf32, #tpu.memory_space<vmem>>, vector<16xf32>,
          %slice3A_157 = vector.extract_strided_slice %get3A_126 {offsets = [3], sizes = [1], strides = [1]} : vector<16xf32> to vector<1xf32>
          %squeeze3A_158 = vector.extract %slice3A_157[0] : f32 from vector<1xf32>
          %mul3A_159 = vector.broadcast %squeeze3A_158 : f32 to vector<16xf32>
          %mul3A_160 = arith.mulf %get3A_156, %mul3A_159 : vector<16xf32>
          %swap3A_161 = arith.index_cast %scan3A_122 : i32 to index
          %swap3A_162 = arith.constant 48 : index
          %swap3A_163 = tpu.vector_load %arg15[%swap3A_161, %swap3A_162] {strides = array<i32>} : memref<200x80xf32, #tpu.memory_space<vmem>>, vector<16xf32>,
          tpu.vector_store %arg15[%swap3A_161, %swap3A_162], %mul3A_160 {strides = array<i32>} : memref<200x80xf32, #tpu.memory_space<vmem>>, vector<16xf32>,
          %swap3A_164 = arith.index_cast %scan3A_122 : i32 to index
          %swap3A_165 = arith.constant 64 : index
          %swap3A_166 = tpu.vector_load %arg15[%swap3A_164, %swap3A_165] {strides = array<i32>} : memref<200x80xf32, #tpu.memory_space<vmem>>, vector<16xf32>,
          tpu.vector_store %arg15[%swap3A_164, %swap3A_165], %get3A_126 {strides = array<i32>} : memref<200x80xf32, #tpu.memory_space<vmem>>, vector<16xf32>,
          %scan3A_167 = arith.constant 0 : i32
          scf.yield %scan3A_167 : i32
        }
        %scan3A_118 = arith.constant 200 : i32
        %dma_start3A_119 = arith.constant 0 : i32
        %dma_start3A_120 = arith.constant 0 : i32
        %dma_start3A_121 = tpu.memref_slice %arg18[%dma_start3A_119, %dma_start3A_120] : memref<10000x80xf32, #tpu.memory_space<vmem_shared>> -> memref<10000x80xf32, #tpu.memory_space<vmem_shared>>
        tpu.enqueue_indirect_dma source(%arg15 : memref<200x80xf32, #tpu.memory_space<vmem>>) target(%dma_start3A_121 : memref<10000x80xf32, #tpu.memory_space<vmem_shared>>) offsets(%arg10 : memref<200xi32, #tpu.memory_space<vmem>>) semaphore(%arg20 : memref<!tpu.dma_semaphore, #tpu.memory_space<semaphore_mem>>) {add = true}
      } else {
      }
      %jit3A_69 = arith.constant 2 : i32
      %eq3A_70 = arith.constant 0 : i32
      %eq3A_71 = arith.cmpi eq, %jit3A_69, %eq3A_70 : i32
      %jit3A_72 = arith.constant 1 : i32
      %select_n3A_73 = arith.select %eq3A_71, %jit3A_72, %jit3A_69 : i32
      %rem3A_74 = arith.remsi %scan3A_55, %select_n3A_73 : i32
      %ne3A_75 = arith.constant 0 : i32
      %ne3A_76 = arith.cmpi ne, %rem3A_74, %ne3A_75 : i32
      %lt3A_77 = arith.constant 0 : i32
      %lt3A_78 = arith.cmpi slt, %rem3A_74, %lt3A_77 : i32
      %lt3A_79 = arith.constant 0 : i32
      %lt3A_80 = arith.cmpi slt, %select_n3A_73, %lt3A_79 : i32
      %ne3A_81 = arith.xori %lt3A_78, %lt3A_80 : i1
      %and3A_82 = arith.andi %ne3A_81, %ne3A_76 : i1
      %add3A_83 = arith.addi %rem3A_74, %select_n3A_73 : i32
      %select_n3A_84 = arith.select %and3A_82, %add3A_83, %rem3A_74 : i32
      %eq3A_85 = arith.constant 1 : i32
      %eq3A_86 = arith.cmpi eq, %select_n3A_84, %eq3A_85 : i32
      %convert_element_type3A_87 = arith.extui %eq3A_86 : i1 to i32
      %cond3A_88 = arith.constant 0 : i32
      %cond3A_89 = arith.cmpi ne, %convert_element_type3A_87, %cond3A_88 : i32
      scf.if %cond3A_89 {
        %mul3A_91 = arith.constant 200 : i32
        %mul3A_92 = arith.muli %scan3A_55, %mul3A_91 : i32
        %add3A_93 = arith.addi %mul3A_37, %mul3A_92 : i32
        "tpu.region"() ({
          %run_scoped3A = tpu.sem_alloc : memref<!tpu.dma_semaphore, #tpu.memory_space<semaphore_mem>>
          %dma_start3A_122 = tpu.memref_slice %arg3[%add3A_93] : memref<320000xi32, #tpu.memory_space<hbm>> -> memref<200xi32, #tpu.memory_space<hbm>>
          %dma_start3A_123 = tpu.memref_slice %arg3[%add3A_93] : memref<320000xi32, #tpu.memory_space<hbm>> -> memref<200xi32, #tpu.memory_space<hbm>>
          tpu.enqueue_dma source(%dma_start3A_123 : memref<200xi32, #tpu.memory_space<hbm>>) target(%arg9 : memref<200xi32, #tpu.memory_space<vmem>>) target_semaphore(%run_scoped3A : memref<!tpu.dma_semaphore, #tpu.memory_space<semaphore_mem>>)
          %dma_wait3A_124 = tpu.memref_slice %arg3[%add3A_93] : memref<320000xi32, #tpu.memory_space<hbm>> -> memref<200xi32, #tpu.memory_space<hbm>>
          %dma_wait3A_125 = tpu.memref_slice %arg3[%add3A_93] : memref<320000xi32, #tpu.memory_space<hbm>> -> memref<200xi32, #tpu.memory_space<hbm>>
          tpu.wait_dma2 semaphore(%run_scoped3A : memref<!tpu.dma_semaphore, #tpu.memory_space<semaphore_mem>>) src(%dma_wait3A_125 : memref<200xi32, #tpu.memory_space<hbm>>) dst(%arg9 : memref<200xi32, #tpu.memory_space<vmem>>)
          tpu.yield
        }) : () -> ()
        %mul3A_94 = arith.constant 4 : i32
        %mul3A_95 = arith.muli %add3A_93, %mul3A_94 : i32
        "tpu.region"() ({
          %run_scoped3A = tpu.sem_alloc : memref<!tpu.dma_semaphore, #tpu.memory_space<semaphore_mem>>
          %dma_start3A_122 = tpu.memref_slice %arg5[%mul3A_95] : memref<1280000xf32, #tpu.memory_space<hbm>> -> memref<800xf32, #tpu.memory_space<hbm>>
          %dma_start3A_123 = tpu.memref_slice %arg5[%mul3A_95] : memref<1280000xf32, #tpu.memory_space<hbm>> -> memref<800xf32, #tpu.memory_space<hbm>>
          tpu.enqueue_dma source(%dma_start3A_123 : memref<800xf32, #tpu.memory_space<hbm>>) target(%arg13 : memref<800xf32, #tpu.memory_space<vmem>>) target_semaphore(%run_scoped3A : memref<!tpu.dma_semaphore, #tpu.memory_space<semaphore_mem>>)
          %dma_wait3A_124 = tpu.memref_slice %arg5[%mul3A_95] : memref<1280000xf32, #tpu.memory_space<hbm>> -> memref<800xf32, #tpu.memory_space<hbm>>
          %dma_wait3A_125 = tpu.memref_slice %arg5[%mul3A_95] : memref<1280000xf32, #tpu.memory_space<hbm>> -> memref<800xf32, #tpu.memory_space<hbm>>
          tpu.wait_dma2 semaphore(%run_scoped3A : memref<!tpu.dma_semaphore, #tpu.memory_space<semaphore_mem>>) src(%dma_wait3A_125 : memref<800xf32, #tpu.memory_space<hbm>>) dst(%arg13 : memref<800xf32, #tpu.memory_space<vmem>>)
          tpu.yield
        }) : () -> ()
        %dma_start3A = arith.constant 0 : i32
        %dma_start3A_96 = arith.constant 0 : i32
        %dma_start3A_97 = tpu.memref_slice %arg2[%dma_start3A, %dma_start3A_96] : memref<10000x64xf32, #tpu.memory_space<hbm>> -> memref<10000x64xf32, #tpu.memory_space<hbm>>
        tpu.enqueue_indirect_dma source(%dma_start3A_97 : memref<10000x64xf32, #tpu.memory_space<hbm>>) target(%arg12 : memref<200x64xf32, #tpu.memory_space<vmem>>) offsets(%arg9 : memref<200xi32, #tpu.memory_space<vmem>>) semaphore(%arg19 : memref<!tpu.dma_semaphore, #tpu.memory_space<semaphore_mem>>)
        %scan3A_98 = arith.constant 0 : i32
        %scan3A_99 = arith.constant 0 : i32
        %scan3A_100 = arith.constant 50 : i32
        %scan3A_101 = arith.addi %scan3A_99, %scan3A_100 : i32
        %scan3A_102 = arith.constant 1 : i32
        %scan3A_103 = scf.for %scan3A_122 = %scan3A_99 to %scan3A_101 step %scan3A_102 iter_args(%scan3A_123 = %scan3A_98) -> (i32)  : i32 {
          %mul3A_124 = arith.constant 16 : i32
          %mul3A_125 = arith.muli %scan3A_122, %mul3A_124 : i32
          %get3A = arith.index_cast %mul3A_125 : i32 to index
          %get3A_126 = tpu.vector_load %arg13[%get3A] {strides = array<i32>} : memref<800xf32, #tpu.memory_space<vmem>>, vector<16xf32>,
          %sub3A = arith.subf %get3A_126, %max3A_31 : vector<16xf32>
          %exp3A = math.exp %sub3A : vector<16xf32>
          %mul3A_127 = arith.constant 16 : i32
          %mul3A_128 = arith.muli %scan3A_122, %mul3A_127 : i32
          %swap3A = arith.index_cast %mul3A_128 : i32 to index
          %swap3A_129 = tpu.vector_load %arg14[%swap3A] {strides = array<i32>} : memref<816xf32, #tpu.memory_space<vmem>>, vector<16xf32>,
          tpu.vector_store %arg14[%swap3A], %exp3A {strides = array<i32>} : memref<816xf32, #tpu.memory_space<vmem>>, vector<16xf32>,
          %scan3A_130 = arith.constant 0 : i32
          scf.yield %scan3A_130 : i32
        }
        %scan3A_104 = arith.constant 50 : i32
        %ge3A = arith.constant 2 : i32
        %ge3A_105 = arith.cmpi sge, %scan3A_55, %ge3A : i32
        %convert_element_type3A_106 = arith.extui %ge3A_105 : i1 to i32
        %cond3A_107 = arith.constant 0 : i32
        %cond3A_108 = arith.cmpi ne, %convert_element_type3A_106, %cond3A_107 : i32
        scf.if %cond3A_108 {
          %dma_wait3A_122 = arith.constant 0 : i32
          %dma_wait3A_123 = arith.constant 0 : i32
          %dma_wait3A_124 = tpu.memref_slice %arg18[%dma_wait3A_122, %dma_wait3A_123] : memref<10000x80xf32, #tpu.memory_space<vmem_shared>> -> memref<10000x80xf32, #tpu.memory_space<vmem_shared>>
          tpu.wait_indirect_dma semaphore(%arg20 : memref<!tpu.dma_semaphore, #tpu.memory_space<semaphore_mem>>) src(%arg16 : memref<200x80xf32, #tpu.memory_space<vmem>>) dst(%dma_wait3A_124 : memref<10000x80xf32, #tpu.memory_space<vmem_shared>>)
        } else {
        }
        "tpu.region"() ({
          %run_scoped3A = tpu.sem_alloc : memref<!tpu.dma_semaphore, #tpu.memory_space<semaphore_mem>>
          %dma_start3A_122 = tpu.memref_slice %arg4[%add3A_93] : memref<320000xi32, #tpu.memory_space<hbm>> -> memref<200xi32, #tpu.memory_space<hbm>>
          %dma_start3A_123 = tpu.memref_slice %arg4[%add3A_93] : memref<320000xi32, #tpu.memory_space<hbm>> -> memref<200xi32, #tpu.memory_space<hbm>>
          tpu.enqueue_dma source(%dma_start3A_123 : memref<200xi32, #tpu.memory_space<hbm>>) target(%arg11 : memref<200xi32, #tpu.memory_space<vmem>>) target_semaphore(%run_scoped3A : memref<!tpu.dma_semaphore, #tpu.memory_space<semaphore_mem>>)
          %dma_wait3A_124 = tpu.memref_slice %arg4[%add3A_93] : memref<320000xi32, #tpu.memory_space<hbm>> -> memref<200xi32, #tpu.memory_space<hbm>>
          %dma_wait3A_125 = tpu.memref_slice %arg4[%add3A_93] : memref<320000xi32, #tpu.memory_space<hbm>> -> memref<200xi32, #tpu.memory_space<hbm>>
          tpu.wait_dma2 semaphore(%run_scoped3A : memref<!tpu.dma_semaphore, #tpu.memory_space<semaphore_mem>>) src(%dma_wait3A_125 : memref<200xi32, #tpu.memory_space<hbm>>) dst(%arg11 : memref<200xi32, #tpu.memory_space<vmem>>)
          tpu.yield
        }) : () -> ()
        %dma_wait3A_109 = arith.constant 0 : i32
        %dma_wait3A_110 = arith.constant 0 : i32
        %dma_wait3A_111 = tpu.memref_slice %arg2[%dma_wait3A_109, %dma_wait3A_110] : memref<10000x64xf32, #tpu.memory_space<hbm>> -> memref<10000x64xf32, #tpu.memory_space<hbm>>
        tpu.wait_indirect_dma semaphore(%arg19 : memref<!tpu.dma_semaphore, #tpu.memory_space<semaphore_mem>>) src(%dma_wait3A_111 : memref<10000x64xf32, #tpu.memory_space<hbm>>) dst(%arg12 : memref<200x64xf32, #tpu.memory_space<vmem>>)
        %scan3A_112 = arith.constant 0 : i32
        %scan3A_113 = arith.constant 0 : i32
        %scan3A_114 = arith.constant 200 : i32
        %scan3A_115 = arith.addi %scan3A_113, %scan3A_114 : i32
        %scan3A_116 = arith.constant 1 : i32
        %scan3A_117 = scf.for %scan3A_122 = %scan3A_113 to %scan3A_115 step %scan3A_116 iter_args(%scan3A_123 = %scan3A_112) -> (i32)  : i32 {
          %mul3A_124 = arith.constant 4 : i32
          %mul3A_125 = arith.muli %scan3A_122, %mul3A_124 : i32
          %get3A = arith.index_cast %mul3A_125 : i32 to index
          %get3A_126 = tpu.vector_load %arg14[%get3A] {strides = array<i32>} : memref<816xf32, #tpu.memory_space<vmem>>, vector<16xf32>,
          %get3A_127 = arith.index_cast %scan3A_122 : i32 to index
          %get3A_128 = arith.constant 0 : index
          %get3A_129 = tpu.vector_load %arg12[%get3A_127, %get3A_128] {strides = array<i32>} : memref<200x64xf32, #tpu.memory_space<vmem>>, vector<16xf32>,
          %slice3A = vector.extract_strided_slice %get3A_126 {offsets = [0], sizes = [1], strides = [1]} : vector<16xf32> to vector<1xf32>
          %squeeze3A = vector.extract %slice3A[0] : f32 from vector<1xf32>
          %mul3A_130 = vector.broadcast %squeeze3A : f32 to vector<16xf32>
          %mul3A_131 = arith.mulf %get3A_129, %mul3A_130 : vector<16xf32>
          %swap3A = arith.index_cast %scan3A_122 : i32 to index
          %swap3A_132 = arith.constant 0 : index
          %swap3A_133 = tpu.vector_load %arg16[%swap3A, %swap3A_132] {strides = array<i32>} : memref<200x80xf32, #tpu.memory_space<vmem>>, vector<16xf32>,
          tpu.vector_store %arg16[%swap3A, %swap3A_132], %mul3A_131 {strides = array<i32>} : memref<200x80xf32, #tpu.memory_space<vmem>>, vector<16xf32>,
          %get3A_134 = arith.index_cast %scan3A_122 : i32 to index
          %get3A_135 = arith.constant 16 : index
          %get3A_136 = tpu.vector_load %arg12[%get3A_134, %get3A_135] {strides = array<i32>} : memref<200x64xf32, #tpu.memory_space<vmem>>, vector<16xf32>,
          %slice3A_137 = vector.extract_strided_slice %get3A_126 {offsets = [1], sizes = [1], strides = [1]} : vector<16xf32> to vector<1xf32>
          %squeeze3A_138 = vector.extract %slice3A_137[0] : f32 from vector<1xf32>
          %mul3A_139 = vector.broadcast %squeeze3A_138 : f32 to vector<16xf32>
          %mul3A_140 = arith.mulf %get3A_136, %mul3A_139 : vector<16xf32>
          %swap3A_141 = arith.index_cast %scan3A_122 : i32 to index
          %swap3A_142 = arith.constant 16 : index
          %swap3A_143 = tpu.vector_load %arg16[%swap3A_141, %swap3A_142] {strides = array<i32>} : memref<200x80xf32, #tpu.memory_space<vmem>>, vector<16xf32>,
          tpu.vector_store %arg16[%swap3A_141, %swap3A_142], %mul3A_140 {strides = array<i32>} : memref<200x80xf32, #tpu.memory_space<vmem>>, vector<16xf32>,
          %get3A_144 = arith.index_cast %scan3A_122 : i32 to index
          %get3A_145 = arith.constant 32 : index
          %get3A_146 = tpu.vector_load %arg12[%get3A_144, %get3A_145] {strides = array<i32>} : memref<200x64xf32, #tpu.memory_space<vmem>>, vector<16xf32>,
          %slice3A_147 = vector.extract_strided_slice %get3A_126 {offsets = [2], sizes = [1], strides = [1]} : vector<16xf32> to vector<1xf32>
          %squeeze3A_148 = vector.extract %slice3A_147[0] : f32 from vector<1xf32>
          %mul3A_149 = vector.broadcast %squeeze3A_148 : f32 to vector<16xf32>
          %mul3A_150 = arith.mulf %get3A_146, %mul3A_149 : vector<16xf32>
          %swap3A_151 = arith.index_cast %scan3A_122 : i32 to index
          %swap3A_152 = arith.constant 32 : index
          %swap3A_153 = tpu.vector_load %arg16[%swap3A_151, %swap3A_152] {strides = array<i32>} : memref<200x80xf32, #tpu.memory_space<vmem>>, vector<16xf32>,
          tpu.vector_store %arg16[%swap3A_151, %swap3A_152], %mul3A_150 {strides = array<i32>} : memref<200x80xf32, #tpu.memory_space<vmem>>, vector<16xf32>,
          %get3A_154 = arith.index_cast %scan3A_122 : i32 to index
          %get3A_155 = arith.constant 48 : index
          %get3A_156 = tpu.vector_load %arg12[%get3A_154, %get3A_155] {strides = array<i32>} : memref<200x64xf32, #tpu.memory_space<vmem>>, vector<16xf32>,
          %slice3A_157 = vector.extract_strided_slice %get3A_126 {offsets = [3], sizes = [1], strides = [1]} : vector<16xf32> to vector<1xf32>
          %squeeze3A_158 = vector.extract %slice3A_157[0] : f32 from vector<1xf32>
          %mul3A_159 = vector.broadcast %squeeze3A_158 : f32 to vector<16xf32>
          %mul3A_160 = arith.mulf %get3A_156, %mul3A_159 : vector<16xf32>
          %swap3A_161 = arith.index_cast %scan3A_122 : i32 to index
          %swap3A_162 = arith.constant 48 : index
          %swap3A_163 = tpu.vector_load %arg16[%swap3A_161, %swap3A_162] {strides = array<i32>} : memref<200x80xf32, #tpu.memory_space<vmem>>, vector<16xf32>,
          tpu.vector_store %arg16[%swap3A_161, %swap3A_162], %mul3A_160 {strides = array<i32>} : memref<200x80xf32, #tpu.memory_space<vmem>>, vector<16xf32>,
          %swap3A_164 = arith.index_cast %scan3A_122 : i32 to index
          %swap3A_165 = arith.constant 64 : index
          %swap3A_166 = tpu.vector_load %arg16[%swap3A_164, %swap3A_165] {strides = array<i32>} : memref<200x80xf32, #tpu.memory_space<vmem>>, vector<16xf32>,
          tpu.vector_store %arg16[%swap3A_164, %swap3A_165], %get3A_126 {strides = array<i32>} : memref<200x80xf32, #tpu.memory_space<vmem>>, vector<16xf32>,
          %scan3A_167 = arith.constant 0 : i32
          scf.yield %scan3A_167 : i32
        }
        %scan3A_118 = arith.constant 200 : i32
        %dma_start3A_119 = arith.constant 0 : i32
        %dma_start3A_120 = arith.constant 0 : i32
        %dma_start3A_121 = tpu.memref_slice %arg18[%dma_start3A_119, %dma_start3A_120] : memref<10000x80xf32, #tpu.memory_space<vmem_shared>> -> memref<10000x80xf32, #tpu.memory_space<vmem_shared>>
        tpu.enqueue_indirect_dma source(%arg16 : memref<200x80xf32, #tpu.memory_space<vmem>>) target(%dma_start3A_121 : memref<10000x80xf32, #tpu.memory_space<vmem_shared>>) offsets(%arg11 : memref<200xi32, #tpu.memory_space<vmem>>) semaphore(%arg20 : memref<!tpu.dma_semaphore, #tpu.memory_space<semaphore_mem>>) {add = true}
      } else {
      }
      %scan3A_90 = arith.constant 0 : i32
      scf.yield %scan3A_90 : i32
    }
    %scan3A_44 = arith.constant 50 : i32
    %dma_wait3A = arith.constant 0 : i32
    %dma_wait3A_45 = arith.constant 0 : i32
    %dma_wait3A_46 = tpu.memref_slice %arg18[%dma_wait3A, %dma_wait3A_45] : memref<10000x80xf32, #tpu.memory_space<vmem_shared>> -> memref<10000x80xf32, #tpu.memory_space<vmem_shared>>
    tpu.wait_indirect_dma semaphore(%arg20 : memref<!tpu.dma_semaphore, #tpu.memory_space<semaphore_mem>>) src(%arg15 : memref<200x80xf32, #tpu.memory_space<vmem>>) dst(%dma_wait3A_46 : memref<10000x80xf32, #tpu.memory_space<vmem_shared>>)
    %dma_wait3A_47 = arith.constant 0 : i32
    %dma_wait3A_48 = arith.constant 0 : i32
    %dma_wait3A_49 = tpu.memref_slice %arg18[%dma_wait3A_47, %dma_wait3A_48] : memref<10000x80xf32, #tpu.memory_space<vmem_shared>> -> memref<10000x80xf32, #tpu.memory_space<vmem_shared>>
    tpu.wait_indirect_dma semaphore(%arg20 : memref<!tpu.dma_semaphore, #tpu.memory_space<semaphore_mem>>) src(%arg16 : memref<200x80xf32, #tpu.memory_space<vmem>>) dst(%dma_wait3A_49 : memref<10000x80xf32, #tpu.memory_space<vmem_shared>>)
    %barrier3A_50 = arith.constant 0 : index
    tpu.barrier barrier_id(%barrier3A_50)
    %mul3A_51 = arith.constant 625 : i32
    %mul3A_52 = arith.muli %arg1, %mul3A_51 : i32
    %mul3A_53 = arith.constant 625 : i32
    %mul3A_54 = arith.muli %arg1, %mul3A_53 : i32
    "tpu.region"() ({
      %run_scoped3A = tpu.sem_alloc : memref<!tpu.dma_semaphore, #tpu.memory_space<semaphore_mem>>
      %dma_start3A = arith.constant 0 : i32
      %dma_start3A_55 = tpu.memref_slice %arg8[%arg0, %mul3A_54, %dma_start3A] : memref<2x10000x80xf32, #tpu.memory_space<hbm>> -> memref<1x625x80xf32, #tpu.memory_space<hbm>>
      %dma_start3A_56 = tpu.memref_squeeze %dma_start3A_55 : memref<1x625x80xf32, #tpu.memory_space<hbm>> -> memref<625x80xf32, #tpu.memory_space<hbm>>
      %dma_start3A_57 = arith.constant 0 : i32
      %dma_start3A_58 = tpu.memref_slice %arg18[%mul3A_52, %dma_start3A_57] : memref<10000x80xf32, #tpu.memory_space<vmem_shared>> -> memref<625x80xf32, #tpu.memory_space<vmem_shared>>
      tpu.enqueue_dma source(%dma_start3A_58 : memref<625x80xf32, #tpu.memory_space<vmem_shared>>) target(%dma_start3A_56 : memref<625x80xf32, #tpu.memory_space<hbm>>) target_semaphore(%run_scoped3A : memref<!tpu.dma_semaphore, #tpu.memory_space<semaphore_mem>>)
      %dma_wait3A_59 = arith.constant 0 : i32
      %dma_wait3A_60 = tpu.memref_slice %arg8[%arg0, %mul3A_54, %dma_wait3A_59] : memref<2x10000x80xf32, #tpu.memory_space<hbm>> -> memref<1x625x80xf32, #tpu.memory_space<hbm>>
      %dma_wait3A_61 = tpu.memref_squeeze %dma_wait3A_60 : memref<1x625x80xf32, #tpu.memory_space<hbm>> -> memref<625x80xf32, #tpu.memory_space<hbm>>
      %dma_wait3A_62 = arith.constant 0 : i32
      %dma_wait3A_63 = tpu.memref_slice %arg18[%mul3A_52, %dma_wait3A_62] : memref<10000x80xf32, #tpu.memory_space<vmem_shared>> -> memref<625x80xf32, #tpu.memory_space<vmem_shared>>
      tpu.wait_dma2 semaphore(%run_scoped3A : memref<!tpu.dma_semaphore, #tpu.memory_space<semaphore_mem>>) src(%dma_wait3A_63 : memref<625x80xf32, #tpu.memory_space<vmem_shared>>) dst(%dma_wait3A_61 : memref<625x80xf32, #tpu.memory_space<hbm>>)
      tpu.yield
    }) : () -> ()
    return
  }
}

#map = affine_map<(d0, d1) -> (0, 0)>
#map1 = affine_map<(d0, d1) -> (0)>
#map2 = affine_map<(d0, d1) -> (0, 0, 0)>
module attributes {stable_mosaic.version = 14 : i64} {
  func.func @k(%arg0: i32, %arg1: i32, %arg2: memref<10000x16xf32, #tpu.memory_space<hbm>>, %arg3: memref<320000xi32, #tpu.memory_space<hbm>>, %arg4: memref<320000xi32, #tpu.memory_space<hbm>>, %arg5: memref<320000xf32, #tpu.memory_space<hbm>>, %arg6: memref<512xf32, #tpu.memory_space<hbm>>, %arg7: memref<10000x8xf32, #tpu.memory_space<hbm>>, %arg8: memref<2x10000x8xf32, #tpu.memory_space<hbm>>, %arg9: memref<400xi32, #tpu.memory_space<vmem>>, %arg10: memref<400xi32, #tpu.memory_space<vmem>>, %arg11: memref<400x16xf32, #tpu.memory_space<vmem>>, %arg12: memref<400xf32, #tpu.memory_space<vmem>>, %arg13: memref<400x8xf32, #tpu.memory_space<vmem>>, %arg14: memref<512xf32, #tpu.memory_space<vmem>>, %arg15: memref<10000x8xf32, #tpu.memory_space<vmem_shared>>, %arg16: memref<!tpu.dma_semaphore, #tpu.memory_space<semaphore_mem>>) attributes {dimension_semantics = [#tpu.dimension_semantics<core_parallel>, #tpu.dimension_semantics<subcore_parallel>], iteration_bounds = array<i64: 2, 16>, scalar_prefetch = 0 : i64, scratch_operands = 8 : i64, tpu.core_type = #tpu.core_type<sc_vector_subcore>, window_params = [{transform_indices = #map}, {transform_indices = #map1}, {transform_indices = #map1}, {transform_indices = #map1}, {transform_indices = #map1}, {transform_indices = #map}, {transform_indices = #map2}]} {
    %mul3A = arith.constant 16 : i32
    %mul3A_0 = arith.muli %arg0, %mul3A : i32
    %add3A = arith.addi %mul3A_0, %arg1 : i32
    "tpu.region"() ({
      %run_scoped3A = tpu.sem_alloc : memref<!tpu.dma_semaphore, #tpu.memory_space<semaphore_mem>>
      tpu.enqueue_dma source(%arg6 : memref<512xf32, #tpu.memory_space<hbm>>) target(%arg14 : memref<512xf32, #tpu.memory_space<vmem>>) target_semaphore(%run_scoped3A : memref<!tpu.dma_semaphore, #tpu.memory_space<semaphore_mem>>)
      tpu.wait_dma2 semaphore(%run_scoped3A : memref<!tpu.dma_semaphore, #tpu.memory_space<semaphore_mem>>) src(%arg6 : memref<512xf32, #tpu.memory_space<hbm>>) dst(%arg14 : memref<512xf32, #tpu.memory_space<vmem>>)
      tpu.yield
    }) : () -> ()
    %broadcast_in_dim3A = arith.constant -3.000000e+38 : f32
    %broadcast_in_dim3A_1 = vector.broadcast %broadcast_in_dim3A : f32 to vector<16xf32>
    %scan3A = arith.constant 0 : i32
    %scan3A_2 = arith.constant 32 : i32
    %scan3A_3 = arith.addi %scan3A, %scan3A_2 : i32
    %scan3A_4 = arith.constant 1 : i32
    %scan3A_5 = scf.for %scan3A_62 = %scan3A to %scan3A_3 step %scan3A_4 iter_args(%scan3A_63 = %broadcast_in_dim3A_1) -> (vector<16xf32>)  : i32 {
      %mul3A_64 = arith.constant 16 : i32
      %mul3A_65 = arith.muli %scan3A_62, %mul3A_64 : i32
      %get3A = arith.index_cast %mul3A_65 : i32 to index
      %get3A_66 = tpu.vector_load %arg14[%get3A] {strides = array<i32>} : memref<512xf32, #tpu.memory_space<vmem>>, vector<16xf32>,
      %max3A_67 = arith.maximumf %scan3A_63, %get3A_66 : vector<16xf32>
      scf.yield %max3A_67 : vector<16xf32>
    }
    %scan3A_6 = arith.constant 32 : i32
    %iota3A = tpu.iota {dimensions = array<i32: 0>} : vector<16xi32>
    %xor3A = arith.constant 1 : i32
    %xor3A_7 = vector.broadcast %xor3A : i32 to vector<16xi32>
    %xor3A_8 = arith.xori %iota3A, %xor3A_7 : vector<16xi32>
    %broadcast_in_dim3A_9 = vector.shape_cast %xor3A_8 : vector<16xi32> to vector<16x1xi32>
    %gather3A = vector.shape_cast %broadcast_in_dim3A_9 : vector<16x1xi32> to vector<16xi32>
    %gather3A_10 = tpu.dynamic_gather %scan3A_5[%gather3A] in [0] : vector<16xf32>, vector<16xi32> -> vector<16xf32>
    %max3A = arith.maximumf %scan3A_5, %gather3A_10 : vector<16xf32>
    %xor3A_11 = arith.constant 2 : i32
    %xor3A_12 = vector.broadcast %xor3A_11 : i32 to vector<16xi32>
    %xor3A_13 = arith.xori %iota3A, %xor3A_12 : vector<16xi32>
    %broadcast_in_dim3A_14 = vector.shape_cast %xor3A_13 : vector<16xi32> to vector<16x1xi32>
    %gather3A_15 = vector.shape_cast %broadcast_in_dim3A_14 : vector<16x1xi32> to vector<16xi32>
    %gather3A_16 = tpu.dynamic_gather %max3A[%gather3A_15] in [0] : vector<16xf32>, vector<16xi32> -> vector<16xf32>
    %max3A_17 = arith.maximumf %max3A, %gather3A_16 : vector<16xf32>
    %xor3A_18 = arith.constant 4 : i32
    %xor3A_19 = vector.broadcast %xor3A_18 : i32 to vector<16xi32>
    %xor3A_20 = arith.xori %iota3A, %xor3A_19 : vector<16xi32>
    %broadcast_in_dim3A_21 = vector.shape_cast %xor3A_20 : vector<16xi32> to vector<16x1xi32>
    %gather3A_22 = vector.shape_cast %broadcast_in_dim3A_21 : vector<16x1xi32> to vector<16xi32>
    %gather3A_23 = tpu.dynamic_gather %max3A_17[%gather3A_22] in [0] : vector<16xf32>, vector<16xi32> -> vector<16xf32>
    %max3A_24 = arith.maximumf %max3A_17, %gather3A_23 : vector<16xf32>
    %xor3A_25 = arith.constant 8 : i32
    %xor3A_26 = vector.broadcast %xor3A_25 : i32 to vector<16xi32>
    %xor3A_27 = arith.xori %iota3A, %xor3A_26 : vector<16xi32>
    %broadcast_in_dim3A_28 = vector.shape_cast %xor3A_27 : vector<16xi32> to vector<16x1xi32>
    %gather3A_29 = vector.shape_cast %broadcast_in_dim3A_28 : vector<16x1xi32> to vector<16xi32>
    %gather3A_30 = tpu.dynamic_gather %max3A_24[%gather3A_29] in [0] : vector<16xf32>, vector<16xi32> -> vector<16xf32>
    %max3A_31 = arith.maximumf %max3A_24, %gather3A_30 : vector<16xf32>
    %mul3A_32 = arith.constant 625 : i32
    %mul3A_33 = arith.muli %arg1, %mul3A_32 : i32
    %mul3A_34 = arith.constant 625 : i32
    %mul3A_35 = arith.muli %arg1, %mul3A_34 : i32
    "tpu.region"() ({
      %run_scoped3A = tpu.sem_alloc : memref<!tpu.dma_semaphore, #tpu.memory_space<semaphore_mem>>
      %dma_start3A = arith.constant 0 : i32
      %dma_start3A_62 = tpu.memref_slice %arg15[%mul3A_35, %dma_start3A] : memref<10000x8xf32, #tpu.memory_space<vmem_shared>> -> memref<625x8xf32, #tpu.memory_space<vmem_shared>>
      %dma_start3A_63 = arith.constant 0 : i32
      %dma_start3A_64 = tpu.memref_slice %arg7[%mul3A_33, %dma_start3A_63] : memref<10000x8xf32, #tpu.memory_space<hbm>> -> memref<625x8xf32, #tpu.memory_space<hbm>>
      tpu.enqueue_dma source(%dma_start3A_64 : memref<625x8xf32, #tpu.memory_space<hbm>>) target(%dma_start3A_62 : memref<625x8xf32, #tpu.memory_space<vmem_shared>>) target_semaphore(%run_scoped3A : memref<!tpu.dma_semaphore, #tpu.memory_space<semaphore_mem>>)
      %dma_wait3A = arith.constant 0 : i32
      %dma_wait3A_65 = tpu.memref_slice %arg15[%mul3A_35, %dma_wait3A] : memref<10000x8xf32, #tpu.memory_space<vmem_shared>> -> memref<625x8xf32, #tpu.memory_space<vmem_shared>>
      %dma_wait3A_66 = arith.constant 0 : i32
      %dma_wait3A_67 = tpu.memref_slice %arg7[%mul3A_33, %dma_wait3A_66] : memref<10000x8xf32, #tpu.memory_space<hbm>> -> memref<625x8xf32, #tpu.memory_space<hbm>>
      tpu.wait_dma2 semaphore(%run_scoped3A : memref<!tpu.dma_semaphore, #tpu.memory_space<semaphore_mem>>) src(%dma_wait3A_67 : memref<625x8xf32, #tpu.memory_space<hbm>>) dst(%dma_wait3A_65 : memref<625x8xf32, #tpu.memory_space<vmem_shared>>)
      tpu.yield
    }) : () -> ()
    "tpu.region"() ({
      %run_scoped3A = tpu.sem_alloc : memref<!tpu.dma_semaphore, #tpu.memory_space<semaphore_mem>>
      %dma_start3A = arith.constant 0 : i32
      %dma_start3A_62 = arith.constant 0 : i32
      %dma_start3A_63 = tpu.memref_slice %arg7[%dma_start3A, %dma_start3A_62] : memref<10000x8xf32, #tpu.memory_space<hbm>> -> memref<400x8xf32, #tpu.memory_space<hbm>>
      %dma_start3A_64 = arith.constant 0 : i32
      %dma_start3A_65 = arith.constant 0 : i32
      %dma_start3A_66 = tpu.memref_slice %arg7[%dma_start3A_64, %dma_start3A_65] : memref<10000x8xf32, #tpu.memory_space<hbm>> -> memref<400x8xf32, #tpu.memory_space<hbm>>
      tpu.enqueue_dma source(%dma_start3A_66 : memref<400x8xf32, #tpu.memory_space<hbm>>) target(%arg13 : memref<400x8xf32, #tpu.memory_space<vmem>>) target_semaphore(%run_scoped3A : memref<!tpu.dma_semaphore, #tpu.memory_space<semaphore_mem>>)
      %dma_wait3A = arith.constant 0 : i32
      %dma_wait3A_67 = arith.constant 0 : i32
      %dma_wait3A_68 = tpu.memref_slice %arg7[%dma_wait3A, %dma_wait3A_67] : memref<10000x8xf32, #tpu.memory_space<hbm>> -> memref<400x8xf32, #tpu.memory_space<hbm>>
      %dma_wait3A_69 = arith.constant 0 : i32
      %dma_wait3A_70 = arith.constant 0 : i32
      %dma_wait3A_71 = tpu.memref_slice %arg7[%dma_wait3A_69, %dma_wait3A_70] : memref<10000x8xf32, #tpu.memory_space<hbm>> -> memref<400x8xf32, #tpu.memory_space<hbm>>
      tpu.wait_dma2 semaphore(%run_scoped3A : memref<!tpu.dma_semaphore, #tpu.memory_space<semaphore_mem>>) src(%dma_wait3A_71 : memref<400x8xf32, #tpu.memory_space<hbm>>) dst(%arg13 : memref<400x8xf32, #tpu.memory_space<vmem>>)
      tpu.yield
    }) : () -> ()
    %barrier3A = arith.constant 0 : index
    tpu.barrier barrier_id(%barrier3A)
    %iota3A_36 = tpu.iota {dimensions = array<i32: 0>} : vector<16xi32>
    %broadcast_in_dim3A_37 = arith.constant 0 : i32
    %broadcast_in_dim3A_38 = vector.broadcast %broadcast_in_dim3A_37 : i32 to vector<16xi32>
    %add3A_39 = arith.constant 1 : i32
    %add3A_40 = vector.broadcast %add3A_39 : i32 to vector<16xi32>
    %add3A_41 = arith.addi %broadcast_in_dim3A_38, %add3A_40 : vector<16xi32>
    %add3A_42 = arith.constant 2 : i32
    %add3A_43 = vector.broadcast %add3A_42 : i32 to vector<16xi32>
    %add3A_44 = arith.addi %broadcast_in_dim3A_38, %add3A_43 : vector<16xi32>
    %add3A_45 = arith.constant 3 : i32
    %add3A_46 = vector.broadcast %add3A_45 : i32 to vector<16xi32>
    %add3A_47 = arith.addi %broadcast_in_dim3A_38, %add3A_46 : vector<16xi32>
    %mul3A_48 = arith.constant 10000 : i32
    %mul3A_49 = arith.muli %add3A, %mul3A_48 : i32
    %scan3A_50 = arith.constant 0 : i32
    %scan3A_51 = arith.constant 0 : i32
    %scan3A_52 = arith.constant 25 : i32
    %scan3A_53 = arith.addi %scan3A_51, %scan3A_52 : i32
    %scan3A_54 = arith.constant 1 : i32
    %scan3A_55 = scf.for %scan3A_62 = %scan3A_51 to %scan3A_53 step %scan3A_54 iter_args(%scan3A_63 = %scan3A_50) -> (i32)  : i32 {
      %mul3A_64 = arith.constant 400 : i32
      %mul3A_65 = arith.muli %scan3A_62, %mul3A_64 : i32
      %add3A_66 = arith.addi %mul3A_49, %mul3A_65 : i32
      "tpu.region"() ({
        %run_scoped3A = tpu.sem_alloc : memref<!tpu.dma_semaphore, #tpu.memory_space<semaphore_mem>>
        %dma_start3A_79 = tpu.memref_slice %arg3[%add3A_66] : memref<320000xi32, #tpu.memory_space<hbm>> -> memref<400xi32, #tpu.memory_space<hbm>>
        %dma_start3A_80 = tpu.memref_slice %arg3[%add3A_66] : memref<320000xi32, #tpu.memory_space<hbm>> -> memref<400xi32, #tpu.memory_space<hbm>>
        tpu.enqueue_dma source(%dma_start3A_80 : memref<400xi32, #tpu.memory_space<hbm>>) target(%arg9 : memref<400xi32, #tpu.memory_space<vmem>>) target_semaphore(%run_scoped3A : memref<!tpu.dma_semaphore, #tpu.memory_space<semaphore_mem>>)
        %dma_wait3A_81 = tpu.memref_slice %arg3[%add3A_66] : memref<320000xi32, #tpu.memory_space<hbm>> -> memref<400xi32, #tpu.memory_space<hbm>>
        %dma_wait3A_82 = tpu.memref_slice %arg3[%add3A_66] : memref<320000xi32, #tpu.memory_space<hbm>> -> memref<400xi32, #tpu.memory_space<hbm>>
        tpu.wait_dma2 semaphore(%run_scoped3A : memref<!tpu.dma_semaphore, #tpu.memory_space<semaphore_mem>>) src(%dma_wait3A_82 : memref<400xi32, #tpu.memory_space<hbm>>) dst(%arg9 : memref<400xi32, #tpu.memory_space<vmem>>)
        tpu.yield
      }) : () -> ()
      "tpu.region"() ({
        %run_scoped3A = tpu.sem_alloc : memref<!tpu.dma_semaphore, #tpu.memory_space<semaphore_mem>>
        %dma_start3A_79 = tpu.memref_slice %arg4[%add3A_66] : memref<320000xi32, #tpu.memory_space<hbm>> -> memref<400xi32, #tpu.memory_space<hbm>>
        %dma_start3A_80 = tpu.memref_slice %arg4[%add3A_66] : memref<320000xi32, #tpu.memory_space<hbm>> -> memref<400xi32, #tpu.memory_space<hbm>>
        tpu.enqueue_dma source(%dma_start3A_80 : memref<400xi32, #tpu.memory_space<hbm>>) target(%arg10 : memref<400xi32, #tpu.memory_space<vmem>>) target_semaphore(%run_scoped3A : memref<!tpu.dma_semaphore, #tpu.memory_space<semaphore_mem>>)
        %dma_wait3A_81 = tpu.memref_slice %arg4[%add3A_66] : memref<320000xi32, #tpu.memory_space<hbm>> -> memref<400xi32, #tpu.memory_space<hbm>>
        %dma_wait3A_82 = tpu.memref_slice %arg4[%add3A_66] : memref<320000xi32, #tpu.memory_space<hbm>> -> memref<400xi32, #tpu.memory_space<hbm>>
        tpu.wait_dma2 semaphore(%run_scoped3A : memref<!tpu.dma_semaphore, #tpu.memory_space<semaphore_mem>>) src(%dma_wait3A_82 : memref<400xi32, #tpu.memory_space<hbm>>) dst(%arg10 : memref<400xi32, #tpu.memory_space<vmem>>)
        tpu.yield
      }) : () -> ()
      "tpu.region"() ({
        %run_scoped3A = tpu.sem_alloc : memref<!tpu.dma_semaphore, #tpu.memory_space<semaphore_mem>>
        %dma_start3A_79 = tpu.memref_slice %arg5[%add3A_66] : memref<320000xf32, #tpu.memory_space<hbm>> -> memref<400xf32, #tpu.memory_space<hbm>>
        %dma_start3A_80 = tpu.memref_slice %arg5[%add3A_66] : memref<320000xf32, #tpu.memory_space<hbm>> -> memref<400xf32, #tpu.memory_space<hbm>>
        tpu.enqueue_dma source(%dma_start3A_80 : memref<400xf32, #tpu.memory_space<hbm>>) target(%arg12 : memref<400xf32, #tpu.memory_space<vmem>>) target_semaphore(%run_scoped3A : memref<!tpu.dma_semaphore, #tpu.memory_space<semaphore_mem>>)
        %dma_wait3A_81 = tpu.memref_slice %arg5[%add3A_66] : memref<320000xf32, #tpu.memory_space<hbm>> -> memref<400xf32, #tpu.memory_space<hbm>>
        %dma_wait3A_82 = tpu.memref_slice %arg5[%add3A_66] : memref<320000xf32, #tpu.memory_space<hbm>> -> memref<400xf32, #tpu.memory_space<hbm>>
        tpu.wait_dma2 semaphore(%run_scoped3A : memref<!tpu.dma_semaphore, #tpu.memory_space<semaphore_mem>>) src(%dma_wait3A_82 : memref<400xf32, #tpu.memory_space<hbm>>) dst(%arg12 : memref<400xf32, #tpu.memory_space<vmem>>)
        tpu.yield
      }) : () -> ()
      %dma_start3A = arith.constant 0 : i32
      %dma_start3A_67 = arith.constant 0 : i32
      %dma_start3A_68 = tpu.memref_slice %arg2[%dma_start3A, %dma_start3A_67] : memref<10000x16xf32, #tpu.memory_space<hbm>> -> memref<10000x16xf32, #tpu.memory_space<hbm>>
      tpu.enqueue_indirect_dma source(%dma_start3A_68 : memref<10000x16xf32, #tpu.memory_space<hbm>>) target(%arg11 : memref<400x16xf32, #tpu.memory_space<vmem>>) offsets(%arg9 : memref<400xi32, #tpu.memory_space<vmem>>) semaphore(%arg16 : memref<!tpu.dma_semaphore, #tpu.memory_space<semaphore_mem>>)
      %dma_wait3A = arith.constant 0 : i32
      %dma_wait3A_69 = arith.constant 0 : i32
      %dma_wait3A_70 = tpu.memref_slice %arg2[%dma_wait3A, %dma_wait3A_69] : memref<10000x16xf32, #tpu.memory_space<hbm>> -> memref<10000x16xf32, #tpu.memory_space<hbm>>
      tpu.wait_indirect_dma semaphore(%arg16 : memref<!tpu.dma_semaphore, #tpu.memory_space<semaphore_mem>>) src(%dma_wait3A_70 : memref<10000x16xf32, #tpu.memory_space<hbm>>) dst(%arg11 : memref<400x16xf32, #tpu.memory_space<vmem>>)
      %scan3A_71 = arith.constant 0 : i32
      %scan3A_72 = arith.constant 0 : i32
      %scan3A_73 = arith.constant 25 : i32
      %scan3A_74 = arith.addi %scan3A_72, %scan3A_73 : i32
      %scan3A_75 = arith.constant 1 : i32
      %scan3A_76 = scf.for %scan3A_79 = %scan3A_72 to %scan3A_74 step %scan3A_75 iter_args(%scan3A_80 = %scan3A_71) -> (i32)  : i32 {
        %mul3A_81 = arith.constant 16 : i32
        %mul3A_82 = arith.muli %scan3A_79, %mul3A_81 : i32
        %add3A_83 = vector.broadcast %mul3A_82 : i32 to vector<16xi32>
        %add3A_84 = arith.addi %iota3A_36, %add3A_83 : vector<16xi32>
        %mul3A_85 = arith.constant 16 : i32
        %mul3A_86 = arith.muli %scan3A_79, %mul3A_85 : i32
        %get3A = arith.index_cast %mul3A_86 : i32 to index
        %get3A_87 = tpu.vector_load %arg12[%get3A] {strides = array<i32>} : memref<400xf32, #tpu.memory_space<vmem>>, vector<16xf32>,
        %sub3A = arith.subf %get3A_87, %max3A_31 : vector<16xf32>
        %exp3A = math.exp %sub3A : vector<16xf32>
        %gather3A_88 = tpu.vector_load_idx %arg11[%add3A_84, %broadcast_in_dim3A_38] : memref<400x16xf32, #tpu.memory_space<vmem>>[vector<16xi32>, vector<16xi32>], vector<16xf32>,
        %gather3A_89 = tpu.vector_load_idx %arg11[%add3A_84, %add3A_41] : memref<400x16xf32, #tpu.memory_space<vmem>>[vector<16xi32>, vector<16xi32>], vector<16xf32>,
        %mul3A_90 = arith.mulf %gather3A_88, %exp3A : vector<16xf32>
        tpu.vector_store_idx %arg13[%add3A_84, %broadcast_in_dim3A_38], %mul3A_90 : memref<400x8xf32, #tpu.memory_space<vmem>>[vector<16xi32>, vector<16xi32>], vector<16xf32>,
        %mul3A_91 = arith.mulf %gather3A_89, %exp3A : vector<16xf32>
        tpu.vector_store_idx %arg13[%add3A_84, %add3A_41], %mul3A_91 : memref<400x8xf32, #tpu.memory_space<vmem>>[vector<16xi32>, vector<16xi32>], vector<16xf32>,
        tpu.vector_store_idx %arg13[%add3A_84, %add3A_44], %exp3A : memref<400x8xf32, #tpu.memory_space<vmem>>[vector<16xi32>, vector<16xi32>], vector<16xf32>,
        tpu.vector_store_idx %arg13[%add3A_84, %add3A_47], %exp3A : memref<400x8xf32, #tpu.memory_space<vmem>>[vector<16xi32>, vector<16xi32>], vector<16xf32>,
        %scan3A_92 = arith.constant 0 : i32
        scf.yield %scan3A_92 : i32
      }
      %scan3A_77 = arith.constant 25 : i32
      "tpu.region"() ({
        %run_scoped3A = tpu.sem_alloc : memref<!tpu.dma_semaphore, #tpu.memory_space<semaphore_mem>>
        %dma_start3A_79 = arith.constant 0 : i32
        %dma_start3A_80 = arith.constant 0 : i32
        %dma_start3A_81 = tpu.memref_slice %arg15[%dma_start3A_79, %dma_start3A_80] : memref<10000x8xf32, #tpu.memory_space<vmem_shared>> -> memref<10000x8xf32, #tpu.memory_space<vmem_shared>>
        tpu.enqueue_indirect_dma source(%arg13 : memref<400x8xf32, #tpu.memory_space<vmem>>) target(%dma_start3A_81 : memref<10000x8xf32, #tpu.memory_space<vmem_shared>>) offsets(%arg10 : memref<400xi32, #tpu.memory_space<vmem>>) semaphore(%run_scoped3A : memref<!tpu.dma_semaphore, #tpu.memory_space<semaphore_mem>>) {add = true}
        %dma_wait3A_82 = arith.constant 0 : i32
        %dma_wait3A_83 = arith.constant 0 : i32
        %dma_wait3A_84 = tpu.memref_slice %arg15[%dma_wait3A_82, %dma_wait3A_83] : memref<10000x8xf32, #tpu.memory_space<vmem_shared>> -> memref<10000x8xf32, #tpu.memory_space<vmem_shared>>
        tpu.wait_indirect_dma semaphore(%run_scoped3A : memref<!tpu.dma_semaphore, #tpu.memory_space<semaphore_mem>>) src(%arg13 : memref<400x8xf32, #tpu.memory_space<vmem>>) dst(%dma_wait3A_84 : memref<10000x8xf32, #tpu.memory_space<vmem_shared>>)
        tpu.yield
      }) : () -> ()
      %scan3A_78 = arith.constant 0 : i32
      scf.yield %scan3A_78 : i32
    }
    %scan3A_56 = arith.constant 25 : i32
    %barrier3A_57 = arith.constant 0 : index
    tpu.barrier barrier_id(%barrier3A_57)
    %mul3A_58 = arith.constant 625 : i32
    %mul3A_59 = arith.muli %arg1, %mul3A_58 : i32
    %mul3A_60 = arith.constant 625 : i32
    %mul3A_61 = arith.muli %arg1, %mul3A_60 : i32
    "tpu.region"() ({
      %run_scoped3A = tpu.sem_alloc : memref<!tpu.dma_semaphore, #tpu.memory_space<semaphore_mem>>
      %dma_start3A = arith.constant 0 : i32
      %dma_start3A_62 = tpu.memref_slice %arg8[%arg0, %mul3A_61, %dma_start3A] : memref<2x10000x8xf32, #tpu.memory_space<hbm>> -> memref<1x625x8xf32, #tpu.memory_space<hbm>>
      %dma_start3A_63 = tpu.memref_squeeze %dma_start3A_62 : memref<1x625x8xf32, #tpu.memory_space<hbm>> -> memref<625x8xf32, #tpu.memory_space<hbm>>
      %dma_start3A_64 = arith.constant 0 : i32
      %dma_start3A_65 = tpu.memref_slice %arg15[%mul3A_59, %dma_start3A_64] : memref<10000x8xf32, #tpu.memory_space<vmem_shared>> -> memref<625x8xf32, #tpu.memory_space<vmem_shared>>
      tpu.enqueue_dma source(%dma_start3A_65 : memref<625x8xf32, #tpu.memory_space<vmem_shared>>) target(%dma_start3A_63 : memref<625x8xf32, #tpu.memory_space<hbm>>) target_semaphore(%run_scoped3A : memref<!tpu.dma_semaphore, #tpu.memory_space<semaphore_mem>>)
      %dma_wait3A = arith.constant 0 : i32
      %dma_wait3A_66 = tpu.memref_slice %arg8[%arg0, %mul3A_61, %dma_wait3A] : memref<2x10000x8xf32, #tpu.memory_space<hbm>> -> memref<1x625x8xf32, #tpu.memory_space<hbm>>
      %dma_wait3A_67 = tpu.memref_squeeze %dma_wait3A_66 : memref<1x625x8xf32, #tpu.memory_space<hbm>> -> memref<625x8xf32, #tpu.memory_space<hbm>>
      %dma_wait3A_68 = arith.constant 0 : i32
      %dma_wait3A_69 = tpu.memref_slice %arg15[%mul3A_59, %dma_wait3A_68] : memref<10000x8xf32, #tpu.memory_space<vmem_shared>> -> memref<625x8xf32, #tpu.memory_space<vmem_shared>>
      tpu.wait_dma2 semaphore(%run_scoped3A : memref<!tpu.dma_semaphore, #tpu.memory_space<semaphore_mem>>) src(%dma_wait3A_69 : memref<625x8xf32, #tpu.memory_space<vmem_shared>>) dst(%dma_wait3A_67 : memref<625x8xf32, #tpu.memory_space<hbm>>)
      tpu.yield
    }) : () -> ()
    return
  }
}

#map = affine_map<(d0, d1) -> (0, 0)>
#map1 = affine_map<(d0, d1) -> (0)>
module attributes {stable_mosaic.version = 14 : i64} {
  func.func @k(%arg0: i32, %arg1: i32, %arg2: memref<10000x64xf32, #tpu.memory_space<hbm>>, %arg3: memref<10000x64xf32, #tpu.memory_space<hbm>>, %arg4: memref<320000xi32, #tpu.memory_space<hbm>>, %arg5: memref<320000xi32, #tpu.memory_space<hbm>>, %arg6: memref<4x16xf32, #tpu.memory_space<hbm>>, %arg7: memref<1280000xf32, #tpu.memory_space<hbm>>, %arg8: memref<512xf32, #tpu.memory_space<hbm>>, %arg9: memref<400xi32, #tpu.memory_space<vmem>>, %arg10: memref<400xi32, #tpu.memory_space<vmem>>, %arg11: memref<400x64xf32, #tpu.memory_space<vmem>>, %arg12: memref<400x64xf32, #tpu.memory_space<vmem>>, %arg13: memref<1600xf32, #tpu.memory_space<vmem>>, %arg14: memref<4x16xf32, #tpu.memory_space<vmem>>, %arg15: memref<16xf32, #tpu.memory_space<vmem>>, %arg16: memref<!tpu.dma_semaphore, #tpu.memory_space<semaphore_mem>>) attributes {dimension_semantics = [#tpu.dimension_semantics<core_parallel>, #tpu.dimension_semantics<subcore_parallel>], iteration_bounds = array<i64: 2, 16>, scalar_prefetch = 0 : i64, scratch_operands = 8 : i64, tpu.core_type = #tpu.core_type<sc_vector_subcore>, window_params = [{transform_indices = #map}, {transform_indices = #map}, {transform_indices = #map1}, {transform_indices = #map1}, {transform_indices = #map}, {transform_indices = #map1}, {transform_indices = #map1}]} {
    %mul3A = arith.constant 16 : i32
    %mul3A_0 = arith.muli %arg0, %mul3A : i32
    %add3A = arith.addi %mul3A_0, %arg1 : i32
    "tpu.region"() ({
      %run_scoped3A = tpu.sem_alloc : memref<!tpu.dma_semaphore, #tpu.memory_space<semaphore_mem>>
      tpu.enqueue_dma source(%arg6 : memref<4x16xf32, #tpu.memory_space<hbm>>) target(%arg14 : memref<4x16xf32, #tpu.memory_space<vmem>>) target_semaphore(%run_scoped3A : memref<!tpu.dma_semaphore, #tpu.memory_space<semaphore_mem>>)
      tpu.wait_dma2 semaphore(%run_scoped3A : memref<!tpu.dma_semaphore, #tpu.memory_space<semaphore_mem>>) src(%arg6 : memref<4x16xf32, #tpu.memory_space<hbm>>) dst(%arg14 : memref<4x16xf32, #tpu.memory_space<vmem>>)
      tpu.yield
    }) : () -> ()
    %get3A = arith.constant 0 : i32
    %get3A_1 = arith.index_cast %get3A : i32 to index
    %get3A_2 = arith.constant 0 : index
    %get3A_3 = tpu.vector_load %arg14[%get3A_1, %get3A_2] {strides = array<i32>} : memref<4x16xf32, #tpu.memory_space<vmem>>, vector<16xf32>,
    %get3A_4 = arith.constant 1 : i32
    %get3A_5 = arith.index_cast %get3A_4 : i32 to index
    %get3A_6 = arith.constant 0 : index
    %get3A_7 = tpu.vector_load %arg14[%get3A_5, %get3A_6] {strides = array<i32>} : memref<4x16xf32, #tpu.memory_space<vmem>>, vector<16xf32>,
    %get3A_8 = arith.constant 2 : i32
    %get3A_9 = arith.index_cast %get3A_8 : i32 to index
    %get3A_10 = arith.constant 0 : index
    %get3A_11 = tpu.vector_load %arg14[%get3A_9, %get3A_10] {strides = array<i32>} : memref<4x16xf32, #tpu.memory_space<vmem>>, vector<16xf32>,
    %get3A_12 = arith.constant 3 : i32
    %get3A_13 = arith.index_cast %get3A_12 : i32 to index
    %get3A_14 = arith.constant 0 : index
    %get3A_15 = tpu.vector_load %arg14[%get3A_13, %get3A_14] {strides = array<i32>} : memref<4x16xf32, #tpu.memory_space<vmem>>, vector<16xf32>,
    %mul3A_16 = arith.constant 10000 : i32
    %mul3A_17 = arith.muli %add3A, %mul3A_16 : i32
    %iota3A = tpu.iota {dimensions = array<i32: 0>} : vector<16xi32>
    %add3A_18 = arith.constant 0 : i32
    %add3A_19 = vector.broadcast %add3A_18 : i32 to vector<16xi32>
    %add3A_20 = arith.addi %iota3A, %add3A_19 : vector<16xi32>
    %and3A = arith.constant 15 : i32
    %and3A_21 = vector.broadcast %and3A : i32 to vector<16xi32>
    %and3A_22 = arith.andi %add3A_20, %and3A_21 : vector<16xi32>
    %add3A_23 = arith.constant 1 : i32
    %add3A_24 = vector.broadcast %add3A_23 : i32 to vector<16xi32>
    %add3A_25 = arith.addi %iota3A, %add3A_24 : vector<16xi32>
    %and3A_26 = arith.constant 15 : i32
    %and3A_27 = vector.broadcast %and3A_26 : i32 to vector<16xi32>
    %and3A_28 = arith.andi %add3A_25, %and3A_27 : vector<16xi32>
    %add3A_29 = arith.constant 2 : i32
    %add3A_30 = vector.broadcast %add3A_29 : i32 to vector<16xi32>
    %add3A_31 = arith.addi %iota3A, %add3A_30 : vector<16xi32>
    %and3A_32 = arith.constant 15 : i32
    %and3A_33 = vector.broadcast %and3A_32 : i32 to vector<16xi32>
    %and3A_34 = arith.andi %add3A_31, %and3A_33 : vector<16xi32>
    %add3A_35 = arith.constant 3 : i32
    %add3A_36 = vector.broadcast %add3A_35 : i32 to vector<16xi32>
    %add3A_37 = arith.addi %iota3A, %add3A_36 : vector<16xi32>
    %and3A_38 = arith.constant 15 : i32
    %and3A_39 = vector.broadcast %and3A_38 : i32 to vector<16xi32>
    %and3A_40 = arith.andi %add3A_37, %and3A_39 : vector<16xi32>
    %add3A_41 = arith.constant 4 : i32
    %add3A_42 = vector.broadcast %add3A_41 : i32 to vector<16xi32>
    %add3A_43 = arith.addi %iota3A, %add3A_42 : vector<16xi32>
    %and3A_44 = arith.constant 15 : i32
    %and3A_45 = vector.broadcast %and3A_44 : i32 to vector<16xi32>
    %and3A_46 = arith.andi %add3A_43, %and3A_45 : vector<16xi32>
    %add3A_47 = arith.constant 5 : i32
    %add3A_48 = vector.broadcast %add3A_47 : i32 to vector<16xi32>
    %add3A_49 = arith.addi %iota3A, %add3A_48 : vector<16xi32>
    %and3A_50 = arith.constant 15 : i32
    %and3A_51 = vector.broadcast %and3A_50 : i32 to vector<16xi32>
    %and3A_52 = arith.andi %add3A_49, %and3A_51 : vector<16xi32>
    %add3A_53 = arith.constant 6 : i32
    %add3A_54 = vector.broadcast %add3A_53 : i32 to vector<16xi32>
    %add3A_55 = arith.addi %iota3A, %add3A_54 : vector<16xi32>
    %and3A_56 = arith.constant 15 : i32
    %and3A_57 = vector.broadcast %and3A_56 : i32 to vector<16xi32>
    %and3A_58 = arith.andi %add3A_55, %and3A_57 : vector<16xi32>
    %add3A_59 = arith.constant 7 : i32
    %add3A_60 = vector.broadcast %add3A_59 : i32 to vector<16xi32>
    %add3A_61 = arith.addi %iota3A, %add3A_60 : vector<16xi32>
    %and3A_62 = arith.constant 15 : i32
    %and3A_63 = vector.broadcast %and3A_62 : i32 to vector<16xi32>
    %and3A_64 = arith.andi %add3A_61, %and3A_63 : vector<16xi32>
    %add3A_65 = arith.constant 8 : i32
    %add3A_66 = vector.broadcast %add3A_65 : i32 to vector<16xi32>
    %add3A_67 = arith.addi %iota3A, %add3A_66 : vector<16xi32>
    %and3A_68 = arith.constant 15 : i32
    %and3A_69 = vector.broadcast %and3A_68 : i32 to vector<16xi32>
    %and3A_70 = arith.andi %add3A_67, %and3A_69 : vector<16xi32>
    %add3A_71 = arith.constant 9 : i32
    %add3A_72 = vector.broadcast %add3A_71 : i32 to vector<16xi32>
    %add3A_73 = arith.addi %iota3A, %add3A_72 : vector<16xi32>
    %and3A_74 = arith.constant 15 : i32
    %and3A_75 = vector.broadcast %and3A_74 : i32 to vector<16xi32>
    %and3A_76 = arith.andi %add3A_73, %and3A_75 : vector<16xi32>
    %add3A_77 = arith.constant 10 : i32
    %add3A_78 = vector.broadcast %add3A_77 : i32 to vector<16xi32>
    %add3A_79 = arith.addi %iota3A, %add3A_78 : vector<16xi32>
    %and3A_80 = arith.constant 15 : i32
    %and3A_81 = vector.broadcast %and3A_80 : i32 to vector<16xi32>
    %and3A_82 = arith.andi %add3A_79, %and3A_81 : vector<16xi32>
    %add3A_83 = arith.constant 11 : i32
    %add3A_84 = vector.broadcast %add3A_83 : i32 to vector<16xi32>
    %add3A_85 = arith.addi %iota3A, %add3A_84 : vector<16xi32>
    %and3A_86 = arith.constant 15 : i32
    %and3A_87 = vector.broadcast %and3A_86 : i32 to vector<16xi32>
    %and3A_88 = arith.andi %add3A_85, %and3A_87 : vector<16xi32>
    %add3A_89 = arith.constant 12 : i32
    %add3A_90 = vector.broadcast %add3A_89 : i32 to vector<16xi32>
    %add3A_91 = arith.addi %iota3A, %add3A_90 : vector<16xi32>
    %and3A_92 = arith.constant 15 : i32
    %and3A_93 = vector.broadcast %and3A_92 : i32 to vector<16xi32>
    %and3A_94 = arith.andi %add3A_91, %and3A_93 : vector<16xi32>
    %add3A_95 = arith.constant 13 : i32
    %add3A_96 = vector.broadcast %add3A_95 : i32 to vector<16xi32>
    %add3A_97 = arith.addi %iota3A, %add3A_96 : vector<16xi32>
    %and3A_98 = arith.constant 15 : i32
    %and3A_99 = vector.broadcast %and3A_98 : i32 to vector<16xi32>
    %and3A_100 = arith.andi %add3A_97, %and3A_99 : vector<16xi32>
    %add3A_101 = arith.constant 14 : i32
    %add3A_102 = vector.broadcast %add3A_101 : i32 to vector<16xi32>
    %add3A_103 = arith.addi %iota3A, %add3A_102 : vector<16xi32>
    %and3A_104 = arith.constant 15 : i32
    %and3A_105 = vector.broadcast %and3A_104 : i32 to vector<16xi32>
    %and3A_106 = arith.andi %add3A_103, %and3A_105 : vector<16xi32>
    %add3A_107 = arith.constant 15 : i32
    %add3A_108 = vector.broadcast %add3A_107 : i32 to vector<16xi32>
    %add3A_109 = arith.addi %iota3A, %add3A_108 : vector<16xi32>
    %and3A_110 = arith.constant 15 : i32
    %and3A_111 = vector.broadcast %and3A_110 : i32 to vector<16xi32>
    %and3A_112 = arith.andi %add3A_109, %and3A_111 : vector<16xi32>
    %broadcast_in_dim3A = arith.constant -3.000000e+38 : f32
    %broadcast_in_dim3A_113 = vector.broadcast %broadcast_in_dim3A : f32 to vector<16xf32>
    %scan3A = arith.constant 0 : i32
    %scan3A_114 = arith.constant 25 : i32
    %scan3A_115 = arith.addi %scan3A, %scan3A_114 : i32
    %scan3A_116 = arith.constant 1 : i32
    %scan3A_117 = scf.for %scan3A_122 = %scan3A to %scan3A_115 step %scan3A_116 iter_args(%scan3A_123 = %broadcast_in_dim3A_113) -> (vector<16xf32>)  : i32 {
      %mul3A_124 = arith.constant 400 : i32
      %mul3A_125 = arith.muli %scan3A_122, %mul3A_124 : i32
      %add3A_126 = arith.addi %mul3A_17, %mul3A_125 : i32
      "tpu.region"() ({
        %run_scoped3A = tpu.sem_alloc : memref<!tpu.dma_semaphore, #tpu.memory_space<semaphore_mem>>
        %dma_start3A_145 = tpu.memref_slice %arg4[%add3A_126] : memref<320000xi32, #tpu.memory_space<hbm>> -> memref<400xi32, #tpu.memory_space<hbm>>
        %dma_start3A_146 = tpu.memref_slice %arg4[%add3A_126] : memref<320000xi32, #tpu.memory_space<hbm>> -> memref<400xi32, #tpu.memory_space<hbm>>
        tpu.enqueue_dma source(%dma_start3A_146 : memref<400xi32, #tpu.memory_space<hbm>>) target(%arg9 : memref<400xi32, #tpu.memory_space<vmem>>) target_semaphore(%run_scoped3A : memref<!tpu.dma_semaphore, #tpu.memory_space<semaphore_mem>>)
        %dma_wait3A_147 = tpu.memref_slice %arg4[%add3A_126] : memref<320000xi32, #tpu.memory_space<hbm>> -> memref<400xi32, #tpu.memory_space<hbm>>
        %dma_wait3A_148 = tpu.memref_slice %arg4[%add3A_126] : memref<320000xi32, #tpu.memory_space<hbm>> -> memref<400xi32, #tpu.memory_space<hbm>>
        tpu.wait_dma2 semaphore(%run_scoped3A : memref<!tpu.dma_semaphore, #tpu.memory_space<semaphore_mem>>) src(%dma_wait3A_148 : memref<400xi32, #tpu.memory_space<hbm>>) dst(%arg9 : memref<400xi32, #tpu.memory_space<vmem>>)
        tpu.yield
      }) : () -> ()
      "tpu.region"() ({
        %run_scoped3A = tpu.sem_alloc : memref<!tpu.dma_semaphore, #tpu.memory_space<semaphore_mem>>
        %dma_start3A_145 = tpu.memref_slice %arg5[%add3A_126] : memref<320000xi32, #tpu.memory_space<hbm>> -> memref<400xi32, #tpu.memory_space<hbm>>
        %dma_start3A_146 = tpu.memref_slice %arg5[%add3A_126] : memref<320000xi32, #tpu.memory_space<hbm>> -> memref<400xi32, #tpu.memory_space<hbm>>
        tpu.enqueue_dma source(%dma_start3A_146 : memref<400xi32, #tpu.memory_space<hbm>>) target(%arg10 : memref<400xi32, #tpu.memory_space<vmem>>) target_semaphore(%run_scoped3A : memref<!tpu.dma_semaphore, #tpu.memory_space<semaphore_mem>>)
        %dma_wait3A_147 = tpu.memref_slice %arg5[%add3A_126] : memref<320000xi32, #tpu.memory_space<hbm>> -> memref<400xi32, #tpu.memory_space<hbm>>
        %dma_wait3A_148 = tpu.memref_slice %arg5[%add3A_126] : memref<320000xi32, #tpu.memory_space<hbm>> -> memref<400xi32, #tpu.memory_space<hbm>>
        tpu.wait_dma2 semaphore(%run_scoped3A : memref<!tpu.dma_semaphore, #tpu.memory_space<semaphore_mem>>) src(%dma_wait3A_148 : memref<400xi32, #tpu.memory_space<hbm>>) dst(%arg10 : memref<400xi32, #tpu.memory_space<vmem>>)
        tpu.yield
      }) : () -> ()
      %dma_start3A = arith.constant 0 : i32
      %dma_start3A_127 = arith.constant 0 : i32
      %dma_start3A_128 = tpu.memref_slice %arg2[%dma_start3A, %dma_start3A_127] : memref<10000x64xf32, #tpu.memory_space<hbm>> -> memref<10000x64xf32, #tpu.memory_space<hbm>>
      tpu.enqueue_indirect_dma source(%dma_start3A_128 : memref<10000x64xf32, #tpu.memory_space<hbm>>) target(%arg11 : memref<400x64xf32, #tpu.memory_space<vmem>>) offsets(%arg9 : memref<400xi32, #tpu.memory_space<vmem>>) semaphore(%arg16 : memref<!tpu.dma_semaphore, #tpu.memory_space<semaphore_mem>>)
      %dma_start3A_129 = arith.constant 0 : i32
      %dma_start3A_130 = arith.constant 0 : i32
      %dma_start3A_131 = tpu.memref_slice %arg3[%dma_start3A_129, %dma_start3A_130] : memref<10000x64xf32, #tpu.memory_space<hbm>> -> memref<10000x64xf32, #tpu.memory_space<hbm>>
      tpu.enqueue_indirect_dma source(%dma_start3A_131 : memref<10000x64xf32, #tpu.memory_space<hbm>>) target(%arg12 : memref<400x64xf32, #tpu.memory_space<vmem>>) offsets(%arg10 : memref<400xi32, #tpu.memory_space<vmem>>) semaphore(%arg16 : memref<!tpu.dma_semaphore, #tpu.memory_space<semaphore_mem>>)
      %dma_wait3A = arith.constant 0 : i32
      %dma_wait3A_132 = arith.constant 0 : i32
      %dma_wait3A_133 = tpu.memref_slice %arg2[%dma_wait3A, %dma_wait3A_132] : memref<10000x64xf32, #tpu.memory_space<hbm>> -> memref<10000x64xf32, #tpu.memory_space<hbm>>
      tpu.wait_indirect_dma semaphore(%arg16 : memref<!tpu.dma_semaphore, #tpu.memory_space<semaphore_mem>>) src(%dma_wait3A_133 : memref<10000x64xf32, #tpu.memory_space<hbm>>) dst(%arg11 : memref<400x64xf32, #tpu.memory_space<vmem>>)
      %dma_wait3A_134 = arith.constant 0 : i32
      %dma_wait3A_135 = arith.constant 0 : i32
      %dma_wait3A_136 = tpu.memref_slice %arg3[%dma_wait3A_134, %dma_wait3A_135] : memref<10000x64xf32, #tpu.memory_space<hbm>> -> memref<10000x64xf32, #tpu.memory_space<hbm>>
      tpu.wait_indirect_dma semaphore(%arg16 : memref<!tpu.dma_semaphore, #tpu.memory_space<semaphore_mem>>) src(%dma_wait3A_136 : memref<10000x64xf32, #tpu.memory_space<hbm>>) dst(%arg12 : memref<400x64xf32, #tpu.memory_space<vmem>>)
      %scan3A_137 = arith.constant 0 : i32
      %scan3A_138 = arith.constant 25 : i32
      %scan3A_139 = arith.addi %scan3A_137, %scan3A_138 : i32
      %scan3A_140 = arith.constant 1 : i32
      %scan3A_141 = scf.for %scan3A_145 = %scan3A_137 to %scan3A_139 step %scan3A_140 iter_args(%scan3A_146 = %scan3A_123) -> (vector<16xf32>)  : i32 {
        %mul3A_147 = arith.constant 16 : i32
        %mul3A_148 = arith.muli %scan3A_145, %mul3A_147 : i32
        %add3A_149 = vector.broadcast %mul3A_148 : i32 to vector<16xi32>
        %add3A_150 = arith.addi %iota3A, %add3A_149 : vector<16xi32>
        %mul3A_151 = arith.constant 4 : i32
        %mul3A_152 = vector.broadcast %mul3A_151 : i32 to vector<16xi32>
        %mul3A_153 = arith.muli %add3A_150, %mul3A_152 : vector<16xi32>
        %broadcast_in_dim3A_154 = arith.constant 0.000000e+00 : f32
        %broadcast_in_dim3A_155 = vector.broadcast %broadcast_in_dim3A_154 : f32 to vector<16xf32>
        %add3A_156 = arith.constant 0 : i32
        %add3A_157 = vector.broadcast %add3A_156 : i32 to vector<16xi32>
        %add3A_158 = arith.addi %and3A_22, %add3A_157 : vector<16xi32>
        %broadcast_in_dim3A_159 = vector.shape_cast %and3A_22 : vector<16xi32> to vector<16x1xi32>
        %gather3A = vector.shape_cast %broadcast_in_dim3A_159 : vector<16x1xi32> to vector<16xi32>
        %gather3A_160 = tpu.dynamic_gather %get3A_3[%gather3A] in [0] : vector<16xf32>, vector<16xi32> -> vector<16xf32>
        %gather3A_161 = tpu.vector_load_idx %arg11[%add3A_150, %add3A_158] : memref<400x64xf32, #tpu.memory_space<vmem>>[vector<16xi32>, vector<16xi32>], vector<16xf32>,
        %gather3A_162 = tpu.vector_load_idx %arg12[%add3A_150, %add3A_158] : memref<400x64xf32, #tpu.memory_space<vmem>>[vector<16xi32>, vector<16xi32>], vector<16xf32>,
        %add3A_163 = arith.addf %gather3A_161, %gather3A_162 : vector<16xf32>
        %mul3A_164 = arith.constant 2.000000e-01 : f32
        %mul3A_165 = vector.broadcast %mul3A_164 : f32 to vector<16xf32>
        %mul3A_166 = arith.mulf %mul3A_165, %add3A_163 : vector<16xf32>
        %max3A = arith.maximumf %add3A_163, %mul3A_166 : vector<16xf32>
        %mul3A_167 = arith.mulf %max3A, %gather3A_160 : vector<16xf32>
        %add3A_168 = arith.addf %broadcast_in_dim3A_155, %mul3A_167 : vector<16xf32>
        %add3A_169 = arith.constant 0 : i32
        %add3A_170 = vector.broadcast %add3A_169 : i32 to vector<16xi32>
        %add3A_171 = arith.addi %and3A_28, %add3A_170 : vector<16xi32>
        %broadcast_in_dim3A_172 = vector.shape_cast %and3A_28 : vector<16xi32> to vector<16x1xi32>
        %gather3A_173 = vector.shape_cast %broadcast_in_dim3A_172 : vector<16x1xi32> to vector<16xi32>
        %gather3A_174 = tpu.dynamic_gather %get3A_3[%gather3A_173] in [0] : vector<16xf32>, vector<16xi32> -> vector<16xf32>
        %gather3A_175 = tpu.vector_load_idx %arg11[%add3A_150, %add3A_171] : memref<400x64xf32, #tpu.memory_space<vmem>>[vector<16xi32>, vector<16xi32>], vector<16xf32>,
        %gather3A_176 = tpu.vector_load_idx %arg12[%add3A_150, %add3A_171] : memref<400x64xf32, #tpu.memory_space<vmem>>[vector<16xi32>, vector<16xi32>], vector<16xf32>,
        %add3A_177 = arith.addf %gather3A_175, %gather3A_176 : vector<16xf32>
        %mul3A_178 = arith.constant 2.000000e-01 : f32
        %mul3A_179 = vector.broadcast %mul3A_178 : f32 to vector<16xf32>
        %mul3A_180 = arith.mulf %mul3A_179, %add3A_177 : vector<16xf32>
        %max3A_181 = arith.maximumf %add3A_177, %mul3A_180 : vector<16xf32>
        %mul3A_182 = arith.mulf %max3A_181, %gather3A_174 : vector<16xf32>
        %add3A_183 = arith.addf %add3A_168, %mul3A_182 : vector<16xf32>
        %add3A_184 = arith.constant 0 : i32
        %add3A_185 = vector.broadcast %add3A_184 : i32 to vector<16xi32>
        %add3A_186 = arith.addi %and3A_34, %add3A_185 : vector<16xi32>
        %broadcast_in_dim3A_187 = vector.shape_cast %and3A_34 : vector<16xi32> to vector<16x1xi32>
        %gather3A_188 = vector.shape_cast %broadcast_in_dim3A_187 : vector<16x1xi32> to vector<16xi32>
        %gather3A_189 = tpu.dynamic_gather %get3A_3[%gather3A_188] in [0] : vector<16xf32>, vector<16xi32> -> vector<16xf32>
        %gather3A_190 = tpu.vector_load_idx %arg11[%add3A_150, %add3A_186] : memref<400x64xf32, #tpu.memory_space<vmem>>[vector<16xi32>, vector<16xi32>], vector<16xf32>,
        %gather3A_191 = tpu.vector_load_idx %arg12[%add3A_150, %add3A_186] : memref<400x64xf32, #tpu.memory_space<vmem>>[vector<16xi32>, vector<16xi32>], vector<16xf32>,
        %add3A_192 = arith.addf %gather3A_190, %gather3A_191 : vector<16xf32>
        %mul3A_193 = arith.constant 2.000000e-01 : f32
        %mul3A_194 = vector.broadcast %mul3A_193 : f32 to vector<16xf32>
        %mul3A_195 = arith.mulf %mul3A_194, %add3A_192 : vector<16xf32>
        %max3A_196 = arith.maximumf %add3A_192, %mul3A_195 : vector<16xf32>
        %mul3A_197 = arith.mulf %max3A_196, %gather3A_189 : vector<16xf32>
        %add3A_198 = arith.addf %add3A_183, %mul3A_197 : vector<16xf32>
        %add3A_199 = arith.constant 0 : i32
        %add3A_200 = vector.broadcast %add3A_199 : i32 to vector<16xi32>
        %add3A_201 = arith.addi %and3A_40, %add3A_200 : vector<16xi32>
        %broadcast_in_dim3A_202 = vector.shape_cast %and3A_40 : vector<16xi32> to vector<16x1xi32>
        %gather3A_203 = vector.shape_cast %broadcast_in_dim3A_202 : vector<16x1xi32> to vector<16xi32>
        %gather3A_204 = tpu.dynamic_gather %get3A_3[%gather3A_203] in [0] : vector<16xf32>, vector<16xi32> -> vector<16xf32>
        %gather3A_205 = tpu.vector_load_idx %arg11[%add3A_150, %add3A_201] : memref<400x64xf32, #tpu.memory_space<vmem>>[vector<16xi32>, vector<16xi32>], vector<16xf32>,
        %gather3A_206 = tpu.vector_load_idx %arg12[%add3A_150, %add3A_201] : memref<400x64xf32, #tpu.memory_space<vmem>>[vector<16xi32>, vector<16xi32>], vector<16xf32>,
        %add3A_207 = arith.addf %gather3A_205, %gather3A_206 : vector<16xf32>
        %mul3A_208 = arith.constant 2.000000e-01 : f32
        %mul3A_209 = vector.broadcast %mul3A_208 : f32 to vector<16xf32>
        %mul3A_210 = arith.mulf %mul3A_209, %add3A_207 : vector<16xf32>
        %max3A_211 = arith.maximumf %add3A_207, %mul3A_210 : vector<16xf32>
        %mul3A_212 = arith.mulf %max3A_211, %gather3A_204 : vector<16xf32>
        %add3A_213 = arith.addf %add3A_198, %mul3A_212 : vector<16xf32>
        %add3A_214 = arith.constant 0 : i32
        %add3A_215 = vector.broadcast %add3A_214 : i32 to vector<16xi32>
        %add3A_216 = arith.addi %and3A_46, %add3A_215 : vector<16xi32>
        %broadcast_in_dim3A_217 = vector.shape_cast %and3A_46 : vector<16xi32> to vector<16x1xi32>
        %gather3A_218 = vector.shape_cast %broadcast_in_dim3A_217 : vector<16x1xi32> to vector<16xi32>
        %gather3A_219 = tpu.dynamic_gather %get3A_3[%gather3A_218] in [0] : vector<16xf32>, vector<16xi32> -> vector<16xf32>
        %gather3A_220 = tpu.vector_load_idx %arg11[%add3A_150, %add3A_216] : memref<400x64xf32, #tpu.memory_space<vmem>>[vector<16xi32>, vector<16xi32>], vector<16xf32>,
        %gather3A_221 = tpu.vector_load_idx %arg12[%add3A_150, %add3A_216] : memref<400x64xf32, #tpu.memory_space<vmem>>[vector<16xi32>, vector<16xi32>], vector<16xf32>,
        %add3A_222 = arith.addf %gather3A_220, %gather3A_221 : vector<16xf32>
        %mul3A_223 = arith.constant 2.000000e-01 : f32
        %mul3A_224 = vector.broadcast %mul3A_223 : f32 to vector<16xf32>
        %mul3A_225 = arith.mulf %mul3A_224, %add3A_222 : vector<16xf32>
        %max3A_226 = arith.maximumf %add3A_222, %mul3A_225 : vector<16xf32>
        %mul3A_227 = arith.mulf %max3A_226, %gather3A_219 : vector<16xf32>
        %add3A_228 = arith.addf %add3A_213, %mul3A_227 : vector<16xf32>
        %add3A_229 = arith.constant 0 : i32
        %add3A_230 = vector.broadcast %add3A_229 : i32 to vector<16xi32>
        %add3A_231 = arith.addi %and3A_52, %add3A_230 : vector<16xi32>
        %broadcast_in_dim3A_232 = vector.shape_cast %and3A_52 : vector<16xi32> to vector<16x1xi32>
        %gather3A_233 = vector.shape_cast %broadcast_in_dim3A_232 : vector<16x1xi32> to vector<16xi32>
        %gather3A_234 = tpu.dynamic_gather %get3A_3[%gather3A_233] in [0] : vector<16xf32>, vector<16xi32> -> vector<16xf32>
        %gather3A_235 = tpu.vector_load_idx %arg11[%add3A_150, %add3A_231] : memref<400x64xf32, #tpu.memory_space<vmem>>[vector<16xi32>, vector<16xi32>], vector<16xf32>,
        %gather3A_236 = tpu.vector_load_idx %arg12[%add3A_150, %add3A_231] : memref<400x64xf32, #tpu.memory_space<vmem>>[vector<16xi32>, vector<16xi32>], vector<16xf32>,
        %add3A_237 = arith.addf %gather3A_235, %gather3A_236 : vector<16xf32>
        %mul3A_238 = arith.constant 2.000000e-01 : f32
        %mul3A_239 = vector.broadcast %mul3A_238 : f32 to vector<16xf32>
        %mul3A_240 = arith.mulf %mul3A_239, %add3A_237 : vector<16xf32>
        %max3A_241 = arith.maximumf %add3A_237, %mul3A_240 : vector<16xf32>
        %mul3A_242 = arith.mulf %max3A_241, %gather3A_234 : vector<16xf32>
        %add3A_243 = arith.addf %add3A_228, %mul3A_242 : vector<16xf32>
        %add3A_244 = arith.constant 0 : i32
        %add3A_245 = vector.broadcast %add3A_244 : i32 to vector<16xi32>
        %add3A_246 = arith.addi %and3A_58, %add3A_245 : vector<16xi32>
        %broadcast_in_dim3A_247 = vector.shape_cast %and3A_58 : vector<16xi32> to vector<16x1xi32>
        %gather3A_248 = vector.shape_cast %broadcast_in_dim3A_247 : vector<16x1xi32> to vector<16xi32>
        %gather3A_249 = tpu.dynamic_gather %get3A_3[%gather3A_248] in [0] : vector<16xf32>, vector<16xi32> -> vector<16xf32>
        %gather3A_250 = tpu.vector_load_idx %arg11[%add3A_150, %add3A_246] : memref<400x64xf32, #tpu.memory_space<vmem>>[vector<16xi32>, vector<16xi32>], vector<16xf32>,
        %gather3A_251 = tpu.vector_load_idx %arg12[%add3A_150, %add3A_246] : memref<400x64xf32, #tpu.memory_space<vmem>>[vector<16xi32>, vector<16xi32>], vector<16xf32>,
        %add3A_252 = arith.addf %gather3A_250, %gather3A_251 : vector<16xf32>
        %mul3A_253 = arith.constant 2.000000e-01 : f32
        %mul3A_254 = vector.broadcast %mul3A_253 : f32 to vector<16xf32>
        %mul3A_255 = arith.mulf %mul3A_254, %add3A_252 : vector<16xf32>
        %max3A_256 = arith.maximumf %add3A_252, %mul3A_255 : vector<16xf32>
        %mul3A_257 = arith.mulf %max3A_256, %gather3A_249 : vector<16xf32>
        %add3A_258 = arith.addf %add3A_243, %mul3A_257 : vector<16xf32>
        %add3A_259 = arith.constant 0 : i32
        %add3A_260 = vector.broadcast %add3A_259 : i32 to vector<16xi32>
        %add3A_261 = arith.addi %and3A_64, %add3A_260 : vector<16xi32>
        %broadcast_in_dim3A_262 = vector.shape_cast %and3A_64 : vector<16xi32> to vector<16x1xi32>
        %gather3A_263 = vector.shape_cast %broadcast_in_dim3A_262 : vector<16x1xi32> to vector<16xi32>
        %gather3A_264 = tpu.dynamic_gather %get3A_3[%gather3A_263] in [0] : vector<16xf32>, vector<16xi32> -> vector<16xf32>
        %gather3A_265 = tpu.vector_load_idx %arg11[%add3A_150, %add3A_261] : memref<400x64xf32, #tpu.memory_space<vmem>>[vector<16xi32>, vector<16xi32>], vector<16xf32>,
        %gather3A_266 = tpu.vector_load_idx %arg12[%add3A_150, %add3A_261] : memref<400x64xf32, #tpu.memory_space<vmem>>[vector<16xi32>, vector<16xi32>], vector<16xf32>,
        %add3A_267 = arith.addf %gather3A_265, %gather3A_266 : vector<16xf32>
        %mul3A_268 = arith.constant 2.000000e-01 : f32
        %mul3A_269 = vector.broadcast %mul3A_268 : f32 to vector<16xf32>
        %mul3A_270 = arith.mulf %mul3A_269, %add3A_267 : vector<16xf32>
        %max3A_271 = arith.maximumf %add3A_267, %mul3A_270 : vector<16xf32>
        %mul3A_272 = arith.mulf %max3A_271, %gather3A_264 : vector<16xf32>
        %add3A_273 = arith.addf %add3A_258, %mul3A_272 : vector<16xf32>
        %add3A_274 = arith.constant 0 : i32
        %add3A_275 = vector.broadcast %add3A_274 : i32 to vector<16xi32>
        %add3A_276 = arith.addi %and3A_70, %add3A_275 : vector<16xi32>
        %broadcast_in_dim3A_277 = vector.shape_cast %and3A_70 : vector<16xi32> to vector<16x1xi32>
        %gather3A_278 = vector.shape_cast %broadcast_in_dim3A_277 : vector<16x1xi32> to vector<16xi32>
        %gather3A_279 = tpu.dynamic_gather %get3A_3[%gather3A_278] in [0] : vector<16xf32>, vector<16xi32> -> vector<16xf32>
        %gather3A_280 = tpu.vector_load_idx %arg11[%add3A_150, %add3A_276] : memref<400x64xf32, #tpu.memory_space<vmem>>[vector<16xi32>, vector<16xi32>], vector<16xf32>,
        %gather3A_281 = tpu.vector_load_idx %arg12[%add3A_150, %add3A_276] : memref<400x64xf32, #tpu.memory_space<vmem>>[vector<16xi32>, vector<16xi32>], vector<16xf32>,
        %add3A_282 = arith.addf %gather3A_280, %gather3A_281 : vector<16xf32>
        %mul3A_283 = arith.constant 2.000000e-01 : f32
        %mul3A_284 = vector.broadcast %mul3A_283 : f32 to vector<16xf32>
        %mul3A_285 = arith.mulf %mul3A_284, %add3A_282 : vector<16xf32>
        %max3A_286 = arith.maximumf %add3A_282, %mul3A_285 : vector<16xf32>
        %mul3A_287 = arith.mulf %max3A_286, %gather3A_279 : vector<16xf32>
        %add3A_288 = arith.addf %add3A_273, %mul3A_287 : vector<16xf32>
        %add3A_289 = arith.constant 0 : i32
        %add3A_290 = vector.broadcast %add3A_289 : i32 to vector<16xi32>
        %add3A_291 = arith.addi %and3A_76, %add3A_290 : vector<16xi32>
        %broadcast_in_dim3A_292 = vector.shape_cast %and3A_76 : vector<16xi32> to vector<16x1xi32>
        %gather3A_293 = vector.shape_cast %broadcast_in_dim3A_292 : vector<16x1xi32> to vector<16xi32>
        %gather3A_294 = tpu.dynamic_gather %get3A_3[%gather3A_293] in [0] : vector<16xf32>, vector<16xi32> -> vector<16xf32>
        %gather3A_295 = tpu.vector_load_idx %arg11[%add3A_150, %add3A_291] : memref<400x64xf32, #tpu.memory_space<vmem>>[vector<16xi32>, vector<16xi32>], vector<16xf32>,
        %gather3A_296 = tpu.vector_load_idx %arg12[%add3A_150, %add3A_291] : memref<400x64xf32, #tpu.memory_space<vmem>>[vector<16xi32>, vector<16xi32>], vector<16xf32>,
        %add3A_297 = arith.addf %gather3A_295, %gather3A_296 : vector<16xf32>
        %mul3A_298 = arith.constant 2.000000e-01 : f32
        %mul3A_299 = vector.broadcast %mul3A_298 : f32 to vector<16xf32>
        %mul3A_300 = arith.mulf %mul3A_299, %add3A_297 : vector<16xf32>
        %max3A_301 = arith.maximumf %add3A_297, %mul3A_300 : vector<16xf32>
        %mul3A_302 = arith.mulf %max3A_301, %gather3A_294 : vector<16xf32>
        %add3A_303 = arith.addf %add3A_288, %mul3A_302 : vector<16xf32>
        %add3A_304 = arith.constant 0 : i32
        %add3A_305 = vector.broadcast %add3A_304 : i32 to vector<16xi32>
        %add3A_306 = arith.addi %and3A_82, %add3A_305 : vector<16xi32>
        %broadcast_in_dim3A_307 = vector.shape_cast %and3A_82 : vector<16xi32> to vector<16x1xi32>
        %gather3A_308 = vector.shape_cast %broadcast_in_dim3A_307 : vector<16x1xi32> to vector<16xi32>
        %gather3A_309 = tpu.dynamic_gather %get3A_3[%gather3A_308] in [0] : vector<16xf32>, vector<16xi32> -> vector<16xf32>
        %gather3A_310 = tpu.vector_load_idx %arg11[%add3A_150, %add3A_306] : memref<400x64xf32, #tpu.memory_space<vmem>>[vector<16xi32>, vector<16xi32>], vector<16xf32>,
        %gather3A_311 = tpu.vector_load_idx %arg12[%add3A_150, %add3A_306] : memref<400x64xf32, #tpu.memory_space<vmem>>[vector<16xi32>, vector<16xi32>], vector<16xf32>,
        %add3A_312 = arith.addf %gather3A_310, %gather3A_311 : vector<16xf32>
        %mul3A_313 = arith.constant 2.000000e-01 : f32
        %mul3A_314 = vector.broadcast %mul3A_313 : f32 to vector<16xf32>
        %mul3A_315 = arith.mulf %mul3A_314, %add3A_312 : vector<16xf32>
        %max3A_316 = arith.maximumf %add3A_312, %mul3A_315 : vector<16xf32>
        %mul3A_317 = arith.mulf %max3A_316, %gather3A_309 : vector<16xf32>
        %add3A_318 = arith.addf %add3A_303, %mul3A_317 : vector<16xf32>
        %add3A_319 = arith.constant 0 : i32
        %add3A_320 = vector.broadcast %add3A_319 : i32 to vector<16xi32>
        %add3A_321 = arith.addi %and3A_88, %add3A_320 : vector<16xi32>
        %broadcast_in_dim3A_322 = vector.shape_cast %and3A_88 : vector<16xi32> to vector<16x1xi32>
        %gather3A_323 = vector.shape_cast %broadcast_in_dim3A_322 : vector<16x1xi32> to vector<16xi32>
        %gather3A_324 = tpu.dynamic_gather %get3A_3[%gather3A_323] in [0] : vector<16xf32>, vector<16xi32> -> vector<16xf32>
        %gather3A_325 = tpu.vector_load_idx %arg11[%add3A_150, %add3A_321] : memref<400x64xf32, #tpu.memory_space<vmem>>[vector<16xi32>, vector<16xi32>], vector<16xf32>,
        %gather3A_326 = tpu.vector_load_idx %arg12[%add3A_150, %add3A_321] : memref<400x64xf32, #tpu.memory_space<vmem>>[vector<16xi32>, vector<16xi32>], vector<16xf32>,
        %add3A_327 = arith.addf %gather3A_325, %gather3A_326 : vector<16xf32>
        %mul3A_328 = arith.constant 2.000000e-01 : f32
        %mul3A_329 = vector.broadcast %mul3A_328 : f32 to vector<16xf32>
        %mul3A_330 = arith.mulf %mul3A_329, %add3A_327 : vector<16xf32>
        %max3A_331 = arith.maximumf %add3A_327, %mul3A_330 : vector<16xf32>
        %mul3A_332 = arith.mulf %max3A_331, %gather3A_324 : vector<16xf32>
        %add3A_333 = arith.addf %add3A_318, %mul3A_332 : vector<16xf32>
        %add3A_334 = arith.constant 0 : i32
        %add3A_335 = vector.broadcast %add3A_334 : i32 to vector<16xi32>
        %add3A_336 = arith.addi %and3A_94, %add3A_335 : vector<16xi32>
        %broadcast_in_dim3A_337 = vector.shape_cast %and3A_94 : vector<16xi32> to vector<16x1xi32>
        %gather3A_338 = vector.shape_cast %broadcast_in_dim3A_337 : vector<16x1xi32> to vector<16xi32>
        %gather3A_339 = tpu.dynamic_gather %get3A_3[%gather3A_338] in [0] : vector<16xf32>, vector<16xi32> -> vector<16xf32>
        %gather3A_340 = tpu.vector_load_idx %arg11[%add3A_150, %add3A_336] : memref<400x64xf32, #tpu.memory_space<vmem>>[vector<16xi32>, vector<16xi32>], vector<16xf32>,
        %gather3A_341 = tpu.vector_load_idx %arg12[%add3A_150, %add3A_336] : memref<400x64xf32, #tpu.memory_space<vmem>>[vector<16xi32>, vector<16xi32>], vector<16xf32>,
        %add3A_342 = arith.addf %gather3A_340, %gather3A_341 : vector<16xf32>
        %mul3A_343 = arith.constant 2.000000e-01 : f32
        %mul3A_344 = vector.broadcast %mul3A_343 : f32 to vector<16xf32>
        %mul3A_345 = arith.mulf %mul3A_344, %add3A_342 : vector<16xf32>
        %max3A_346 = arith.maximumf %add3A_342, %mul3A_345 : vector<16xf32>
        %mul3A_347 = arith.mulf %max3A_346, %gather3A_339 : vector<16xf32>
        %add3A_348 = arith.addf %add3A_333, %mul3A_347 : vector<16xf32>
        %add3A_349 = arith.constant 0 : i32
        %add3A_350 = vector.broadcast %add3A_349 : i32 to vector<16xi32>
        %add3A_351 = arith.addi %and3A_100, %add3A_350 : vector<16xi32>
        %broadcast_in_dim3A_352 = vector.shape_cast %and3A_100 : vector<16xi32> to vector<16x1xi32>
        %gather3A_353 = vector.shape_cast %broadcast_in_dim3A_352 : vector<16x1xi32> to vector<16xi32>
        %gather3A_354 = tpu.dynamic_gather %get3A_3[%gather3A_353] in [0] : vector<16xf32>, vector<16xi32> -> vector<16xf32>
        %gather3A_355 = tpu.vector_load_idx %arg11[%add3A_150, %add3A_351] : memref<400x64xf32, #tpu.memory_space<vmem>>[vector<16xi32>, vector<16xi32>], vector<16xf32>,
        %gather3A_356 = tpu.vector_load_idx %arg12[%add3A_150, %add3A_351] : memref<400x64xf32, #tpu.memory_space<vmem>>[vector<16xi32>, vector<16xi32>], vector<16xf32>,
        %add3A_357 = arith.addf %gather3A_355, %gather3A_356 : vector<16xf32>
        %mul3A_358 = arith.constant 2.000000e-01 : f32
        %mul3A_359 = vector.broadcast %mul3A_358 : f32 to vector<16xf32>
        %mul3A_360 = arith.mulf %mul3A_359, %add3A_357 : vector<16xf32>
        %max3A_361 = arith.maximumf %add3A_357, %mul3A_360 : vector<16xf32>
        %mul3A_362 = arith.mulf %max3A_361, %gather3A_354 : vector<16xf32>
        %add3A_363 = arith.addf %add3A_348, %mul3A_362 : vector<16xf32>
        %add3A_364 = arith.constant 0 : i32
        %add3A_365 = vector.broadcast %add3A_364 : i32 to vector<16xi32>
        %add3A_366 = arith.addi %and3A_106, %add3A_365 : vector<16xi32>
        %broadcast_in_dim3A_367 = vector.shape_cast %and3A_106 : vector<16xi32> to vector<16x1xi32>
        %gather3A_368 = vector.shape_cast %broadcast_in_dim3A_367 : vector<16x1xi32> to vector<16xi32>
        %gather3A_369 = tpu.dynamic_gather %get3A_3[%gather3A_368] in [0] : vector<16xf32>, vector<16xi32> -> vector<16xf32>
        %gather3A_370 = tpu.vector_load_idx %arg11[%add3A_150, %add3A_366] : memref<400x64xf32, #tpu.memory_space<vmem>>[vector<16xi32>, vector<16xi32>], vector<16xf32>,
        %gather3A_371 = tpu.vector_load_idx %arg12[%add3A_150, %add3A_366] : memref<400x64xf32, #tpu.memory_space<vmem>>[vector<16xi32>, vector<16xi32>], vector<16xf32>,
        %add3A_372 = arith.addf %gather3A_370, %gather3A_371 : vector<16xf32>
        %mul3A_373 = arith.constant 2.000000e-01 : f32
        %mul3A_374 = vector.broadcast %mul3A_373 : f32 to vector<16xf32>
        %mul3A_375 = arith.mulf %mul3A_374, %add3A_372 : vector<16xf32>
        %max3A_376 = arith.maximumf %add3A_372, %mul3A_375 : vector<16xf32>
        %mul3A_377 = arith.mulf %max3A_376, %gather3A_369 : vector<16xf32>
        %add3A_378 = arith.addf %add3A_363, %mul3A_377 : vector<16xf32>
        %add3A_379 = arith.constant 0 : i32
        %add3A_380 = vector.broadcast %add3A_379 : i32 to vector<16xi32>
        %add3A_381 = arith.addi %and3A_112, %add3A_380 : vector<16xi32>
        %broadcast_in_dim3A_382 = vector.shape_cast %and3A_112 : vector<16xi32> to vector<16x1xi32>
        %gather3A_383 = vector.shape_cast %broadcast_in_dim3A_382 : vector<16x1xi32> to vector<16xi32>
        %gather3A_384 = tpu.dynamic_gather %get3A_3[%gather3A_383] in [0] : vector<16xf32>, vector<16xi32> -> vector<16xf32>
        %gather3A_385 = tpu.vector_load_idx %arg11[%add3A_150, %add3A_381] : memref<400x64xf32, #tpu.memory_space<vmem>>[vector<16xi32>, vector<16xi32>], vector<16xf32>,
        %gather3A_386 = tpu.vector_load_idx %arg12[%add3A_150, %add3A_381] : memref<400x64xf32, #tpu.memory_space<vmem>>[vector<16xi32>, vector<16xi32>], vector<16xf32>,
        %add3A_387 = arith.addf %gather3A_385, %gather3A_386 : vector<16xf32>
        %mul3A_388 = arith.constant 2.000000e-01 : f32
        %mul3A_389 = vector.broadcast %mul3A_388 : f32 to vector<16xf32>
        %mul3A_390 = arith.mulf %mul3A_389, %add3A_387 : vector<16xf32>
        %max3A_391 = arith.maximumf %add3A_387, %mul3A_390 : vector<16xf32>
        %mul3A_392 = arith.mulf %max3A_391, %gather3A_384 : vector<16xf32>
        %add3A_393 = arith.addf %add3A_378, %mul3A_392 : vector<16xf32>
        %add3A_394 = arith.constant 0 : i32
        %add3A_395 = vector.broadcast %add3A_394 : i32 to vector<16xi32>
        %add3A_396 = arith.addi %mul3A_153, %add3A_395 : vector<16xi32>
        tpu.vector_store_idx %arg13[%add3A_396], %add3A_393 : memref<1600xf32, #tpu.memory_space<vmem>>[vector<16xi32>], vector<16xf32>,
        %max3A_397 = arith.maximumf %scan3A_146, %add3A_393 : vector<16xf32>
        %broadcast_in_dim3A_398 = arith.constant 0.000000e+00 : f32
        %broadcast_in_dim3A_399 = vector.broadcast %broadcast_in_dim3A_398 : f32 to vector<16xf32>
        %add3A_400 = arith.constant 16 : i32
        %add3A_401 = vector.broadcast %add3A_400 : i32 to vector<16xi32>
        %add3A_402 = arith.addi %and3A_22, %add3A_401 : vector<16xi32>
        %broadcast_in_dim3A_403 = vector.shape_cast %and3A_22 : vector<16xi32> to vector<16x1xi32>
        %gather3A_404 = vector.shape_cast %broadcast_in_dim3A_403 : vector<16x1xi32> to vector<16xi32>
        %gather3A_405 = tpu.dynamic_gather %get3A_7[%gather3A_404] in [0] : vector<16xf32>, vector<16xi32> -> vector<16xf32>
        %gather3A_406 = tpu.vector_load_idx %arg11[%add3A_150, %add3A_402] : memref<400x64xf32, #tpu.memory_space<vmem>>[vector<16xi32>, vector<16xi32>], vector<16xf32>,
        %gather3A_407 = tpu.vector_load_idx %arg12[%add3A_150, %add3A_402] : memref<400x64xf32, #tpu.memory_space<vmem>>[vector<16xi32>, vector<16xi32>], vector<16xf32>,
        %add3A_408 = arith.addf %gather3A_406, %gather3A_407 : vector<16xf32>
        %mul3A_409 = arith.constant 2.000000e-01 : f32
        %mul3A_410 = vector.broadcast %mul3A_409 : f32 to vector<16xf32>
        %mul3A_411 = arith.mulf %mul3A_410, %add3A_408 : vector<16xf32>
        %max3A_412 = arith.maximumf %add3A_408, %mul3A_411 : vector<16xf32>
        %mul3A_413 = arith.mulf %max3A_412, %gather3A_405 : vector<16xf32>
        %add3A_414 = arith.addf %broadcast_in_dim3A_399, %mul3A_413 : vector<16xf32>
        %add3A_415 = arith.constant 16 : i32
        %add3A_416 = vector.broadcast %add3A_415 : i32 to vector<16xi32>
        %add3A_417 = arith.addi %and3A_28, %add3A_416 : vector<16xi32>
        %broadcast_in_dim3A_418 = vector.shape_cast %and3A_28 : vector<16xi32> to vector<16x1xi32>
        %gather3A_419 = vector.shape_cast %broadcast_in_dim3A_418 : vector<16x1xi32> to vector<16xi32>
        %gather3A_420 = tpu.dynamic_gather %get3A_7[%gather3A_419] in [0] : vector<16xf32>, vector<16xi32> -> vector<16xf32>
        %gather3A_421 = tpu.vector_load_idx %arg11[%add3A_150, %add3A_417] : memref<400x64xf32, #tpu.memory_space<vmem>>[vector<16xi32>, vector<16xi32>], vector<16xf32>,
        %gather3A_422 = tpu.vector_load_idx %arg12[%add3A_150, %add3A_417] : memref<400x64xf32, #tpu.memory_space<vmem>>[vector<16xi32>, vector<16xi32>], vector<16xf32>,
        %add3A_423 = arith.addf %gather3A_421, %gather3A_422 : vector<16xf32>
        %mul3A_424 = arith.constant 2.000000e-01 : f32
        %mul3A_425 = vector.broadcast %mul3A_424 : f32 to vector<16xf32>
        %mul3A_426 = arith.mulf %mul3A_425, %add3A_423 : vector<16xf32>
        %max3A_427 = arith.maximumf %add3A_423, %mul3A_426 : vector<16xf32>
        %mul3A_428 = arith.mulf %max3A_427, %gather3A_420 : vector<16xf32>
        %add3A_429 = arith.addf %add3A_414, %mul3A_428 : vector<16xf32>
        %add3A_430 = arith.constant 16 : i32
        %add3A_431 = vector.broadcast %add3A_430 : i32 to vector<16xi32>
        %add3A_432 = arith.addi %and3A_34, %add3A_431 : vector<16xi32>
        %broadcast_in_dim3A_433 = vector.shape_cast %and3A_34 : vector<16xi32> to vector<16x1xi32>
        %gather3A_434 = vector.shape_cast %broadcast_in_dim3A_433 : vector<16x1xi32> to vector<16xi32>
        %gather3A_435 = tpu.dynamic_gather %get3A_7[%gather3A_434] in [0] : vector<16xf32>, vector<16xi32> -> vector<16xf32>
        %gather3A_436 = tpu.vector_load_idx %arg11[%add3A_150, %add3A_432] : memref<400x64xf32, #tpu.memory_space<vmem>>[vector<16xi32>, vector<16xi32>], vector<16xf32>,
        %gather3A_437 = tpu.vector_load_idx %arg12[%add3A_150, %add3A_432] : memref<400x64xf32, #tpu.memory_space<vmem>>[vector<16xi32>, vector<16xi32>], vector<16xf32>,
        %add3A_438 = arith.addf %gather3A_436, %gather3A_437 : vector<16xf32>
        %mul3A_439 = arith.constant 2.000000e-01 : f32
        %mul3A_440 = vector.broadcast %mul3A_439 : f32 to vector<16xf32>
        %mul3A_441 = arith.mulf %mul3A_440, %add3A_438 : vector<16xf32>
        %max3A_442 = arith.maximumf %add3A_438, %mul3A_441 : vector<16xf32>
        %mul3A_443 = arith.mulf %max3A_442, %gather3A_435 : vector<16xf32>
        %add3A_444 = arith.addf %add3A_429, %mul3A_443 : vector<16xf32>
        %add3A_445 = arith.constant 16 : i32
        %add3A_446 = vector.broadcast %add3A_445 : i32 to vector<16xi32>
        %add3A_447 = arith.addi %and3A_40, %add3A_446 : vector<16xi32>
        %broadcast_in_dim3A_448 = vector.shape_cast %and3A_40 : vector<16xi32> to vector<16x1xi32>
        %gather3A_449 = vector.shape_cast %broadcast_in_dim3A_448 : vector<16x1xi32> to vector<16xi32>
        %gather3A_450 = tpu.dynamic_gather %get3A_7[%gather3A_449] in [0] : vector<16xf32>, vector<16xi32> -> vector<16xf32>
        %gather3A_451 = tpu.vector_load_idx %arg11[%add3A_150, %add3A_447] : memref<400x64xf32, #tpu.memory_space<vmem>>[vector<16xi32>, vector<16xi32>], vector<16xf32>,
        %gather3A_452 = tpu.vector_load_idx %arg12[%add3A_150, %add3A_447] : memref<400x64xf32, #tpu.memory_space<vmem>>[vector<16xi32>, vector<16xi32>], vector<16xf32>,
        %add3A_453 = arith.addf %gather3A_451, %gather3A_452 : vector<16xf32>
        %mul3A_454 = arith.constant 2.000000e-01 : f32
        %mul3A_455 = vector.broadcast %mul3A_454 : f32 to vector<16xf32>
        %mul3A_456 = arith.mulf %mul3A_455, %add3A_453 : vector<16xf32>
        %max3A_457 = arith.maximumf %add3A_453, %mul3A_456 : vector<16xf32>
        %mul3A_458 = arith.mulf %max3A_457, %gather3A_450 : vector<16xf32>
        %add3A_459 = arith.addf %add3A_444, %mul3A_458 : vector<16xf32>
        %add3A_460 = arith.constant 16 : i32
        %add3A_461 = vector.broadcast %add3A_460 : i32 to vector<16xi32>
        %add3A_462 = arith.addi %and3A_46, %add3A_461 : vector<16xi32>
        %broadcast_in_dim3A_463 = vector.shape_cast %and3A_46 : vector<16xi32> to vector<16x1xi32>
        %gather3A_464 = vector.shape_cast %broadcast_in_dim3A_463 : vector<16x1xi32> to vector<16xi32>
        %gather3A_465 = tpu.dynamic_gather %get3A_7[%gather3A_464] in [0] : vector<16xf32>, vector<16xi32> -> vector<16xf32>
        %gather3A_466 = tpu.vector_load_idx %arg11[%add3A_150, %add3A_462] : memref<400x64xf32, #tpu.memory_space<vmem>>[vector<16xi32>, vector<16xi32>], vector<16xf32>,
        %gather3A_467 = tpu.vector_load_idx %arg12[%add3A_150, %add3A_462] : memref<400x64xf32, #tpu.memory_space<vmem>>[vector<16xi32>, vector<16xi32>], vector<16xf32>,
        %add3A_468 = arith.addf %gather3A_466, %gather3A_467 : vector<16xf32>
        %mul3A_469 = arith.constant 2.000000e-01 : f32
        %mul3A_470 = vector.broadcast %mul3A_469 : f32 to vector<16xf32>
        %mul3A_471 = arith.mulf %mul3A_470, %add3A_468 : vector<16xf32>
        %max3A_472 = arith.maximumf %add3A_468, %mul3A_471 : vector<16xf32>
        %mul3A_473 = arith.mulf %max3A_472, %gather3A_465 : vector<16xf32>
        %add3A_474 = arith.addf %add3A_459, %mul3A_473 : vector<16xf32>
        %add3A_475 = arith.constant 16 : i32
        %add3A_476 = vector.broadcast %add3A_475 : i32 to vector<16xi32>
        %add3A_477 = arith.addi %and3A_52, %add3A_476 : vector<16xi32>
        %broadcast_in_dim3A_478 = vector.shape_cast %and3A_52 : vector<16xi32> to vector<16x1xi32>
        %gather3A_479 = vector.shape_cast %broadcast_in_dim3A_478 : vector<16x1xi32> to vector<16xi32>
        %gather3A_480 = tpu.dynamic_gather %get3A_7[%gather3A_479] in [0] : vector<16xf32>, vector<16xi32> -> vector<16xf32>
        %gather3A_481 = tpu.vector_load_idx %arg11[%add3A_150, %add3A_477] : memref<400x64xf32, #tpu.memory_space<vmem>>[vector<16xi32>, vector<16xi32>], vector<16xf32>,
        %gather3A_482 = tpu.vector_load_idx %arg12[%add3A_150, %add3A_477] : memref<400x64xf32, #tpu.memory_space<vmem>>[vector<16xi32>, vector<16xi32>], vector<16xf32>,
        %add3A_483 = arith.addf %gather3A_481, %gather3A_482 : vector<16xf32>
        %mul3A_484 = arith.constant 2.000000e-01 : f32
        %mul3A_485 = vector.broadcast %mul3A_484 : f32 to vector<16xf32>
        %mul3A_486 = arith.mulf %mul3A_485, %add3A_483 : vector<16xf32>
        %max3A_487 = arith.maximumf %add3A_483, %mul3A_486 : vector<16xf32>
        %mul3A_488 = arith.mulf %max3A_487, %gather3A_480 : vector<16xf32>
        %add3A_489 = arith.addf %add3A_474, %mul3A_488 : vector<16xf32>
        %add3A_490 = arith.constant 16 : i32
        %add3A_491 = vector.broadcast %add3A_490 : i32 to vector<16xi32>
        %add3A_492 = arith.addi %and3A_58, %add3A_491 : vector<16xi32>
        %broadcast_in_dim3A_493 = vector.shape_cast %and3A_58 : vector<16xi32> to vector<16x1xi32>
        %gather3A_494 = vector.shape_cast %broadcast_in_dim3A_493 : vector<16x1xi32> to vector<16xi32>
        %gather3A_495 = tpu.dynamic_gather %get3A_7[%gather3A_494] in [0] : vector<16xf32>, vector<16xi32> -> vector<16xf32>
        %gather3A_496 = tpu.vector_load_idx %arg11[%add3A_150, %add3A_492] : memref<400x64xf32, #tpu.memory_space<vmem>>[vector<16xi32>, vector<16xi32>], vector<16xf32>,
        %gather3A_497 = tpu.vector_load_idx %arg12[%add3A_150, %add3A_492] : memref<400x64xf32, #tpu.memory_space<vmem>>[vector<16xi32>, vector<16xi32>], vector<16xf32>,
        %add3A_498 = arith.addf %gather3A_496, %gather3A_497 : vector<16xf32>
        %mul3A_499 = arith.constant 2.000000e-01 : f32
        %mul3A_500 = vector.broadcast %mul3A_499 : f32 to vector<16xf32>
        %mul3A_501 = arith.mulf %mul3A_500, %add3A_498 : vector<16xf32>
        %max3A_502 = arith.maximumf %add3A_498, %mul3A_501 : vector<16xf32>
        %mul3A_503 = arith.mulf %max3A_502, %gather3A_495 : vector<16xf32>
        %add3A_504 = arith.addf %add3A_489, %mul3A_503 : vector<16xf32>
        %add3A_505 = arith.constant 16 : i32
        %add3A_506 = vector.broadcast %add3A_505 : i32 to vector<16xi32>
        %add3A_507 = arith.addi %and3A_64, %add3A_506 : vector<16xi32>
        %broadcast_in_dim3A_508 = vector.shape_cast %and3A_64 : vector<16xi32> to vector<16x1xi32>
        %gather3A_509 = vector.shape_cast %broadcast_in_dim3A_508 : vector<16x1xi32> to vector<16xi32>
        %gather3A_510 = tpu.dynamic_gather %get3A_7[%gather3A_509] in [0] : vector<16xf32>, vector<16xi32> -> vector<16xf32>
        %gather3A_511 = tpu.vector_load_idx %arg11[%add3A_150, %add3A_507] : memref<400x64xf32, #tpu.memory_space<vmem>>[vector<16xi32>, vector<16xi32>], vector<16xf32>,
        %gather3A_512 = tpu.vector_load_idx %arg12[%add3A_150, %add3A_507] : memref<400x64xf32, #tpu.memory_space<vmem>>[vector<16xi32>, vector<16xi32>], vector<16xf32>,
        %add3A_513 = arith.addf %gather3A_511, %gather3A_512 : vector<16xf32>
        %mul3A_514 = arith.constant 2.000000e-01 : f32
        %mul3A_515 = vector.broadcast %mul3A_514 : f32 to vector<16xf32>
        %mul3A_516 = arith.mulf %mul3A_515, %add3A_513 : vector<16xf32>
        %max3A_517 = arith.maximumf %add3A_513, %mul3A_516 : vector<16xf32>
        %mul3A_518 = arith.mulf %max3A_517, %gather3A_510 : vector<16xf32>
        %add3A_519 = arith.addf %add3A_504, %mul3A_518 : vector<16xf32>
        %add3A_520 = arith.constant 16 : i32
        %add3A_521 = vector.broadcast %add3A_520 : i32 to vector<16xi32>
        %add3A_522 = arith.addi %and3A_70, %add3A_521 : vector<16xi32>
        %broadcast_in_dim3A_523 = vector.shape_cast %and3A_70 : vector<16xi32> to vector<16x1xi32>
        %gather3A_524 = vector.shape_cast %broadcast_in_dim3A_523 : vector<16x1xi32> to vector<16xi32>
        %gather3A_525 = tpu.dynamic_gather %get3A_7[%gather3A_524] in [0] : vector<16xf32>, vector<16xi32> -> vector<16xf32>
        %gather3A_526 = tpu.vector_load_idx %arg11[%add3A_150, %add3A_522] : memref<400x64xf32, #tpu.memory_space<vmem>>[vector<16xi32>, vector<16xi32>], vector<16xf32>,
        %gather3A_527 = tpu.vector_load_idx %arg12[%add3A_150, %add3A_522] : memref<400x64xf32, #tpu.memory_space<vmem>>[vector<16xi32>, vector<16xi32>], vector<16xf32>,
        %add3A_528 = arith.addf %gather3A_526, %gather3A_527 : vector<16xf32>
        %mul3A_529 = arith.constant 2.000000e-01 : f32
        %mul3A_530 = vector.broadcast %mul3A_529 : f32 to vector<16xf32>
        %mul3A_531 = arith.mulf %mul3A_530, %add3A_528 : vector<16xf32>
        %max3A_532 = arith.maximumf %add3A_528, %mul3A_531 : vector<16xf32>
        %mul3A_533 = arith.mulf %max3A_532, %gather3A_525 : vector<16xf32>
        %add3A_534 = arith.addf %add3A_519, %mul3A_533 : vector<16xf32>
        %add3A_535 = arith.constant 16 : i32
        %add3A_536 = vector.broadcast %add3A_535 : i32 to vector<16xi32>
        %add3A_537 = arith.addi %and3A_76, %add3A_536 : vector<16xi32>
        %broadcast_in_dim3A_538 = vector.shape_cast %and3A_76 : vector<16xi32> to vector<16x1xi32>
        %gather3A_539 = vector.shape_cast %broadcast_in_dim3A_538 : vector<16x1xi32> to vector<16xi32>
        %gather3A_540 = tpu.dynamic_gather %get3A_7[%gather3A_539] in [0] : vector<16xf32>, vector<16xi32> -> vector<16xf32>
        %gather3A_541 = tpu.vector_load_idx %arg11[%add3A_150, %add3A_537] : memref<400x64xf32, #tpu.memory_space<vmem>>[vector<16xi32>, vector<16xi32>], vector<16xf32>,
        %gather3A_542 = tpu.vector_load_idx %arg12[%add3A_150, %add3A_537] : memref<400x64xf32, #tpu.memory_space<vmem>>[vector<16xi32>, vector<16xi32>], vector<16xf32>,
        %add3A_543 = arith.addf %gather3A_541, %gather3A_542 : vector<16xf32>
        %mul3A_544 = arith.constant 2.000000e-01 : f32
        %mul3A_545 = vector.broadcast %mul3A_544 : f32 to vector<16xf32>
        %mul3A_546 = arith.mulf %mul3A_545, %add3A_543 : vector<16xf32>
        %max3A_547 = arith.maximumf %add3A_543, %mul3A_546 : vector<16xf32>
        %mul3A_548 = arith.mulf %max3A_547, %gather3A_540 : vector<16xf32>
        %add3A_549 = arith.addf %add3A_534, %mul3A_548 : vector<16xf32>
        %add3A_550 = arith.constant 16 : i32
        %add3A_551 = vector.broadcast %add3A_550 : i32 to vector<16xi32>
        %add3A_552 = arith.addi %and3A_82, %add3A_551 : vector<16xi32>
        %broadcast_in_dim3A_553 = vector.shape_cast %and3A_82 : vector<16xi32> to vector<16x1xi32>
        %gather3A_554 = vector.shape_cast %broadcast_in_dim3A_553 : vector<16x1xi32> to vector<16xi32>
        %gather3A_555 = tpu.dynamic_gather %get3A_7[%gather3A_554] in [0] : vector<16xf32>, vector<16xi32> -> vector<16xf32>
        %gather3A_556 = tpu.vector_load_idx %arg11[%add3A_150, %add3A_552] : memref<400x64xf32, #tpu.memory_space<vmem>>[vector<16xi32>, vector<16xi32>], vector<16xf32>,
        %gather3A_557 = tpu.vector_load_idx %arg12[%add3A_150, %add3A_552] : memref<400x64xf32, #tpu.memory_space<vmem>>[vector<16xi32>, vector<16xi32>], vector<16xf32>,
        %add3A_558 = arith.addf %gather3A_556, %gather3A_557 : vector<16xf32>
        %mul3A_559 = arith.constant 2.000000e-01 : f32
        %mul3A_560 = vector.broadcast %mul3A_559 : f32 to vector<16xf32>
        %mul3A_561 = arith.mulf %mul3A_560, %add3A_558 : vector<16xf32>
        %max3A_562 = arith.maximumf %add3A_558, %mul3A_561 : vector<16xf32>
        %mul3A_563 = arith.mulf %max3A_562, %gather3A_555 : vector<16xf32>
        %add3A_564 = arith.addf %add3A_549, %mul3A_563 : vector<16xf32>
        %add3A_565 = arith.constant 16 : i32
        %add3A_566 = vector.broadcast %add3A_565 : i32 to vector<16xi32>
        %add3A_567 = arith.addi %and3A_88, %add3A_566 : vector<16xi32>
        %broadcast_in_dim3A_568 = vector.shape_cast %and3A_88 : vector<16xi32> to vector<16x1xi32>
        %gather3A_569 = vector.shape_cast %broadcast_in_dim3A_568 : vector<16x1xi32> to vector<16xi32>
        %gather3A_570 = tpu.dynamic_gather %get3A_7[%gather3A_569] in [0] : vector<16xf32>, vector<16xi32> -> vector<16xf32>
        %gather3A_571 = tpu.vector_load_idx %arg11[%add3A_150, %add3A_567] : memref<400x64xf32, #tpu.memory_space<vmem>>[vector<16xi32>, vector<16xi32>], vector<16xf32>,
        %gather3A_572 = tpu.vector_load_idx %arg12[%add3A_150, %add3A_567] : memref<400x64xf32, #tpu.memory_space<vmem>>[vector<16xi32>, vector<16xi32>], vector<16xf32>,
        %add3A_573 = arith.addf %gather3A_571, %gather3A_572 : vector<16xf32>
        %mul3A_574 = arith.constant 2.000000e-01 : f32
        %mul3A_575 = vector.broadcast %mul3A_574 : f32 to vector<16xf32>
        %mul3A_576 = arith.mulf %mul3A_575, %add3A_573 : vector<16xf32>
        %max3A_577 = arith.maximumf %add3A_573, %mul3A_576 : vector<16xf32>
        %mul3A_578 = arith.mulf %max3A_577, %gather3A_570 : vector<16xf32>
        %add3A_579 = arith.addf %add3A_564, %mul3A_578 : vector<16xf32>
        %add3A_580 = arith.constant 16 : i32
        %add3A_581 = vector.broadcast %add3A_580 : i32 to vector<16xi32>
        %add3A_582 = arith.addi %and3A_94, %add3A_581 : vector<16xi32>
        %broadcast_in_dim3A_583 = vector.shape_cast %and3A_94 : vector<16xi32> to vector<16x1xi32>
        %gather3A_584 = vector.shape_cast %broadcast_in_dim3A_583 : vector<16x1xi32> to vector<16xi32>
        %gather3A_585 = tpu.dynamic_gather %get3A_7[%gather3A_584] in [0] : vector<16xf32>, vector<16xi32> -> vector<16xf32>
        %gather3A_586 = tpu.vector_load_idx %arg11[%add3A_150, %add3A_582] : memref<400x64xf32, #tpu.memory_space<vmem>>[vector<16xi32>, vector<16xi32>], vector<16xf32>,
        %gather3A_587 = tpu.vector_load_idx %arg12[%add3A_150, %add3A_582] : memref<400x64xf32, #tpu.memory_space<vmem>>[vector<16xi32>, vector<16xi32>], vector<16xf32>,
        %add3A_588 = arith.addf %gather3A_586, %gather3A_587 : vector<16xf32>
        %mul3A_589 = arith.constant 2.000000e-01 : f32
        %mul3A_590 = vector.broadcast %mul3A_589 : f32 to vector<16xf32>
        %mul3A_591 = arith.mulf %mul3A_590, %add3A_588 : vector<16xf32>
        %max3A_592 = arith.maximumf %add3A_588, %mul3A_591 : vector<16xf32>
        %mul3A_593 = arith.mulf %max3A_592, %gather3A_585 : vector<16xf32>
        %add3A_594 = arith.addf %add3A_579, %mul3A_593 : vector<16xf32>
        %add3A_595 = arith.constant 16 : i32
        %add3A_596 = vector.broadcast %add3A_595 : i32 to vector<16xi32>
        %add3A_597 = arith.addi %and3A_100, %add3A_596 : vector<16xi32>
        %broadcast_in_dim3A_598 = vector.shape_cast %and3A_100 : vector<16xi32> to vector<16x1xi32>
        %gather3A_599 = vector.shape_cast %broadcast_in_dim3A_598 : vector<16x1xi32> to vector<16xi32>
        %gather3A_600 = tpu.dynamic_gather %get3A_7[%gather3A_599] in [0] : vector<16xf32>, vector<16xi32> -> vector<16xf32>
        %gather3A_601 = tpu.vector_load_idx %arg11[%add3A_150, %add3A_597] : memref<400x64xf32, #tpu.memory_space<vmem>>[vector<16xi32>, vector<16xi32>], vector<16xf32>,
        %gather3A_602 = tpu.vector_load_idx %arg12[%add3A_150, %add3A_597] : memref<400x64xf32, #tpu.memory_space<vmem>>[vector<16xi32>, vector<16xi32>], vector<16xf32>,
        %add3A_603 = arith.addf %gather3A_601, %gather3A_602 : vector<16xf32>
        %mul3A_604 = arith.constant 2.000000e-01 : f32
        %mul3A_605 = vector.broadcast %mul3A_604 : f32 to vector<16xf32>
        %mul3A_606 = arith.mulf %mul3A_605, %add3A_603 : vector<16xf32>
        %max3A_607 = arith.maximumf %add3A_603, %mul3A_606 : vector<16xf32>
        %mul3A_608 = arith.mulf %max3A_607, %gather3A_600 : vector<16xf32>
        %add3A_609 = arith.addf %add3A_594, %mul3A_608 : vector<16xf32>
        %add3A_610 = arith.constant 16 : i32
        %add3A_611 = vector.broadcast %add3A_610 : i32 to vector<16xi32>
        %add3A_612 = arith.addi %and3A_106, %add3A_611 : vector<16xi32>
        %broadcast_in_dim3A_613 = vector.shape_cast %and3A_106 : vector<16xi32> to vector<16x1xi32>
        %gather3A_614 = vector.shape_cast %broadcast_in_dim3A_613 : vector<16x1xi32> to vector<16xi32>
        %gather3A_615 = tpu.dynamic_gather %get3A_7[%gather3A_614] in [0] : vector<16xf32>, vector<16xi32> -> vector<16xf32>
        %gather3A_616 = tpu.vector_load_idx %arg11[%add3A_150, %add3A_612] : memref<400x64xf32, #tpu.memory_space<vmem>>[vector<16xi32>, vector<16xi32>], vector<16xf32>,
        %gather3A_617 = tpu.vector_load_idx %arg12[%add3A_150, %add3A_612] : memref<400x64xf32, #tpu.memory_space<vmem>>[vector<16xi32>, vector<16xi32>], vector<16xf32>,
        %add3A_618 = arith.addf %gather3A_616, %gather3A_617 : vector<16xf32>
        %mul3A_619 = arith.constant 2.000000e-01 : f32
        %mul3A_620 = vector.broadcast %mul3A_619 : f32 to vector<16xf32>
        %mul3A_621 = arith.mulf %mul3A_620, %add3A_618 : vector<16xf32>
        %max3A_622 = arith.maximumf %add3A_618, %mul3A_621 : vector<16xf32>
        %mul3A_623 = arith.mulf %max3A_622, %gather3A_615 : vector<16xf32>
        %add3A_624 = arith.addf %add3A_609, %mul3A_623 : vector<16xf32>
        %add3A_625 = arith.constant 16 : i32
        %add3A_626 = vector.broadcast %add3A_625 : i32 to vector<16xi32>
        %add3A_627 = arith.addi %and3A_112, %add3A_626 : vector<16xi32>
        %broadcast_in_dim3A_628 = vector.shape_cast %and3A_112 : vector<16xi32> to vector<16x1xi32>
        %gather3A_629 = vector.shape_cast %broadcast_in_dim3A_628 : vector<16x1xi32> to vector<16xi32>
        %gather3A_630 = tpu.dynamic_gather %get3A_7[%gather3A_629] in [0] : vector<16xf32>, vector<16xi32> -> vector<16xf32>
        %gather3A_631 = tpu.vector_load_idx %arg11[%add3A_150, %add3A_627] : memref<400x64xf32, #tpu.memory_space<vmem>>[vector<16xi32>, vector<16xi32>], vector<16xf32>,
        %gather3A_632 = tpu.vector_load_idx %arg12[%add3A_150, %add3A_627] : memref<400x64xf32, #tpu.memory_space<vmem>>[vector<16xi32>, vector<16xi32>], vector<16xf32>,
        %add3A_633 = arith.addf %gather3A_631, %gather3A_632 : vector<16xf32>
        %mul3A_634 = arith.constant 2.000000e-01 : f32
        %mul3A_635 = vector.broadcast %mul3A_634 : f32 to vector<16xf32>
        %mul3A_636 = arith.mulf %mul3A_635, %add3A_633 : vector<16xf32>
        %max3A_637 = arith.maximumf %add3A_633, %mul3A_636 : vector<16xf32>
        %mul3A_638 = arith.mulf %max3A_637, %gather3A_630 : vector<16xf32>
        %add3A_639 = arith.addf %add3A_624, %mul3A_638 : vector<16xf32>
        %add3A_640 = arith.constant 1 : i32
        %add3A_641 = vector.broadcast %add3A_640 : i32 to vector<16xi32>
        %add3A_642 = arith.addi %mul3A_153, %add3A_641 : vector<16xi32>
        tpu.vector_store_idx %arg13[%add3A_642], %add3A_639 : memref<1600xf32, #tpu.memory_space<vmem>>[vector<16xi32>], vector<16xf32>,
        %max3A_643 = arith.maximumf %max3A_397, %add3A_639 : vector<16xf32>
        %broadcast_in_dim3A_644 = arith.constant 0.000000e+00 : f32
        %broadcast_in_dim3A_645 = vector.broadcast %broadcast_in_dim3A_644 : f32 to vector<16xf32>
        %add3A_646 = arith.constant 32 : i32
        %add3A_647 = vector.broadcast %add3A_646 : i32 to vector<16xi32>
        %add3A_648 = arith.addi %and3A_22, %add3A_647 : vector<16xi32>
        %broadcast_in_dim3A_649 = vector.shape_cast %and3A_22 : vector<16xi32> to vector<16x1xi32>
        %gather3A_650 = vector.shape_cast %broadcast_in_dim3A_649 : vector<16x1xi32> to vector<16xi32>
        %gather3A_651 = tpu.dynamic_gather %get3A_11[%gather3A_650] in [0] : vector<16xf32>, vector<16xi32> -> vector<16xf32>
        %gather3A_652 = tpu.vector_load_idx %arg11[%add3A_150, %add3A_648] : memref<400x64xf32, #tpu.memory_space<vmem>>[vector<16xi32>, vector<16xi32>], vector<16xf32>,
        %gather3A_653 = tpu.vector_load_idx %arg12[%add3A_150, %add3A_648] : memref<400x64xf32, #tpu.memory_space<vmem>>[vector<16xi32>, vector<16xi32>], vector<16xf32>,
        %add3A_654 = arith.addf %gather3A_652, %gather3A_653 : vector<16xf32>
        %mul3A_655 = arith.constant 2.000000e-01 : f32
        %mul3A_656 = vector.broadcast %mul3A_655 : f32 to vector<16xf32>
        %mul3A_657 = arith.mulf %mul3A_656, %add3A_654 : vector<16xf32>
        %max3A_658 = arith.maximumf %add3A_654, %mul3A_657 : vector<16xf32>
        %mul3A_659 = arith.mulf %max3A_658, %gather3A_651 : vector<16xf32>
        %add3A_660 = arith.addf %broadcast_in_dim3A_645, %mul3A_659 : vector<16xf32>
        %add3A_661 = arith.constant 32 : i32
        %add3A_662 = vector.broadcast %add3A_661 : i32 to vector<16xi32>
        %add3A_663 = arith.addi %and3A_28, %add3A_662 : vector<16xi32>
        %broadcast_in_dim3A_664 = vector.shape_cast %and3A_28 : vector<16xi32> to vector<16x1xi32>
        %gather3A_665 = vector.shape_cast %broadcast_in_dim3A_664 : vector<16x1xi32> to vector<16xi32>
        %gather3A_666 = tpu.dynamic_gather %get3A_11[%gather3A_665] in [0] : vector<16xf32>, vector<16xi32> -> vector<16xf32>
        %gather3A_667 = tpu.vector_load_idx %arg11[%add3A_150, %add3A_663] : memref<400x64xf32, #tpu.memory_space<vmem>>[vector<16xi32>, vector<16xi32>], vector<16xf32>,
        %gather3A_668 = tpu.vector_load_idx %arg12[%add3A_150, %add3A_663] : memref<400x64xf32, #tpu.memory_space<vmem>>[vector<16xi32>, vector<16xi32>], vector<16xf32>,
        %add3A_669 = arith.addf %gather3A_667, %gather3A_668 : vector<16xf32>
        %mul3A_670 = arith.constant 2.000000e-01 : f32
        %mul3A_671 = vector.broadcast %mul3A_670 : f32 to vector<16xf32>
        %mul3A_672 = arith.mulf %mul3A_671, %add3A_669 : vector<16xf32>
        %max3A_673 = arith.maximumf %add3A_669, %mul3A_672 : vector<16xf32>
        %mul3A_674 = arith.mulf %max3A_673, %gather3A_666 : vector<16xf32>
        %add3A_675 = arith.addf %add3A_660, %mul3A_674 : vector<16xf32>
        %add3A_676 = arith.constant 32 : i32
        %add3A_677 = vector.broadcast %add3A_676 : i32 to vector<16xi32>
        %add3A_678 = arith.addi %and3A_34, %add3A_677 : vector<16xi32>
        %broadcast_in_dim3A_679 = vector.shape_cast %and3A_34 : vector<16xi32> to vector<16x1xi32>
        %gather3A_680 = vector.shape_cast %broadcast_in_dim3A_679 : vector<16x1xi32> to vector<16xi32>
        %gather3A_681 = tpu.dynamic_gather %get3A_11[%gather3A_680] in [0] : vector<16xf32>, vector<16xi32> -> vector<16xf32>
        %gather3A_682 = tpu.vector_load_idx %arg11[%add3A_150, %add3A_678] : memref<400x64xf32, #tpu.memory_space<vmem>>[vector<16xi32>, vector<16xi32>], vector<16xf32>,
        %gather3A_683 = tpu.vector_load_idx %arg12[%add3A_150, %add3A_678] : memref<400x64xf32, #tpu.memory_space<vmem>>[vector<16xi32>, vector<16xi32>], vector<16xf32>,
        %add3A_684 = arith.addf %gather3A_682, %gather3A_683 : vector<16xf32>
        %mul3A_685 = arith.constant 2.000000e-01 : f32
        %mul3A_686 = vector.broadcast %mul3A_685 : f32 to vector<16xf32>
        %mul3A_687 = arith.mulf %mul3A_686, %add3A_684 : vector<16xf32>
        %max3A_688 = arith.maximumf %add3A_684, %mul3A_687 : vector<16xf32>
        %mul3A_689 = arith.mulf %max3A_688, %gather3A_681 : vector<16xf32>
        %add3A_690 = arith.addf %add3A_675, %mul3A_689 : vector<16xf32>
        %add3A_691 = arith.constant 32 : i32
        %add3A_692 = vector.broadcast %add3A_691 : i32 to vector<16xi32>
        %add3A_693 = arith.addi %and3A_40, %add3A_692 : vector<16xi32>
        %broadcast_in_dim3A_694 = vector.shape_cast %and3A_40 : vector<16xi32> to vector<16x1xi32>
        %gather3A_695 = vector.shape_cast %broadcast_in_dim3A_694 : vector<16x1xi32> to vector<16xi32>
        %gather3A_696 = tpu.dynamic_gather %get3A_11[%gather3A_695] in [0] : vector<16xf32>, vector<16xi32> -> vector<16xf32>
        %gather3A_697 = tpu.vector_load_idx %arg11[%add3A_150, %add3A_693] : memref<400x64xf32, #tpu.memory_space<vmem>>[vector<16xi32>, vector<16xi32>], vector<16xf32>,
        %gather3A_698 = tpu.vector_load_idx %arg12[%add3A_150, %add3A_693] : memref<400x64xf32, #tpu.memory_space<vmem>>[vector<16xi32>, vector<16xi32>], vector<16xf32>,
        %add3A_699 = arith.addf %gather3A_697, %gather3A_698 : vector<16xf32>
        %mul3A_700 = arith.constant 2.000000e-01 : f32
        %mul3A_701 = vector.broadcast %mul3A_700 : f32 to vector<16xf32>
        %mul3A_702 = arith.mulf %mul3A_701, %add3A_699 : vector<16xf32>
        %max3A_703 = arith.maximumf %add3A_699, %mul3A_702 : vector<16xf32>
        %mul3A_704 = arith.mulf %max3A_703, %gather3A_696 : vector<16xf32>
        %add3A_705 = arith.addf %add3A_690, %mul3A_704 : vector<16xf32>
        %add3A_706 = arith.constant 32 : i32
        %add3A_707 = vector.broadcast %add3A_706 : i32 to vector<16xi32>
        %add3A_708 = arith.addi %and3A_46, %add3A_707 : vector<16xi32>
        %broadcast_in_dim3A_709 = vector.shape_cast %and3A_46 : vector<16xi32> to vector<16x1xi32>
        %gather3A_710 = vector.shape_cast %broadcast_in_dim3A_709 : vector<16x1xi32> to vector<16xi32>
        %gather3A_711 = tpu.dynamic_gather %get3A_11[%gather3A_710] in [0] : vector<16xf32>, vector<16xi32> -> vector<16xf32>
        %gather3A_712 = tpu.vector_load_idx %arg11[%add3A_150, %add3A_708] : memref<400x64xf32, #tpu.memory_space<vmem>>[vector<16xi32>, vector<16xi32>], vector<16xf32>,
        %gather3A_713 = tpu.vector_load_idx %arg12[%add3A_150, %add3A_708] : memref<400x64xf32, #tpu.memory_space<vmem>>[vector<16xi32>, vector<16xi32>], vector<16xf32>,
        %add3A_714 = arith.addf %gather3A_712, %gather3A_713 : vector<16xf32>
        %mul3A_715 = arith.constant 2.000000e-01 : f32
        %mul3A_716 = vector.broadcast %mul3A_715 : f32 to vector<16xf32>
        %mul3A_717 = arith.mulf %mul3A_716, %add3A_714 : vector<16xf32>
        %max3A_718 = arith.maximumf %add3A_714, %mul3A_717 : vector<16xf32>
        %mul3A_719 = arith.mulf %max3A_718, %gather3A_711 : vector<16xf32>
        %add3A_720 = arith.addf %add3A_705, %mul3A_719 : vector<16xf32>
        %add3A_721 = arith.constant 32 : i32
        %add3A_722 = vector.broadcast %add3A_721 : i32 to vector<16xi32>
        %add3A_723 = arith.addi %and3A_52, %add3A_722 : vector<16xi32>
        %broadcast_in_dim3A_724 = vector.shape_cast %and3A_52 : vector<16xi32> to vector<16x1xi32>
        %gather3A_725 = vector.shape_cast %broadcast_in_dim3A_724 : vector<16x1xi32> to vector<16xi32>
        %gather3A_726 = tpu.dynamic_gather %get3A_11[%gather3A_725] in [0] : vector<16xf32>, vector<16xi32> -> vector<16xf32>
        %gather3A_727 = tpu.vector_load_idx %arg11[%add3A_150, %add3A_723] : memref<400x64xf32, #tpu.memory_space<vmem>>[vector<16xi32>, vector<16xi32>], vector<16xf32>,
        %gather3A_728 = tpu.vector_load_idx %arg12[%add3A_150, %add3A_723] : memref<400x64xf32, #tpu.memory_space<vmem>>[vector<16xi32>, vector<16xi32>], vector<16xf32>,
        %add3A_729 = arith.addf %gather3A_727, %gather3A_728 : vector<16xf32>
        %mul3A_730 = arith.constant 2.000000e-01 : f32
        %mul3A_731 = vector.broadcast %mul3A_730 : f32 to vector<16xf32>
        %mul3A_732 = arith.mulf %mul3A_731, %add3A_729 : vector<16xf32>
        %max3A_733 = arith.maximumf %add3A_729, %mul3A_732 : vector<16xf32>
        %mul3A_734 = arith.mulf %max3A_733, %gather3A_726 : vector<16xf32>
        %add3A_735 = arith.addf %add3A_720, %mul3A_734 : vector<16xf32>
        %add3A_736 = arith.constant 32 : i32
        %add3A_737 = vector.broadcast %add3A_736 : i32 to vector<16xi32>
        %add3A_738 = arith.addi %and3A_58, %add3A_737 : vector<16xi32>
        %broadcast_in_dim3A_739 = vector.shape_cast %and3A_58 : vector<16xi32> to vector<16x1xi32>
        %gather3A_740 = vector.shape_cast %broadcast_in_dim3A_739 : vector<16x1xi32> to vector<16xi32>
        %gather3A_741 = tpu.dynamic_gather %get3A_11[%gather3A_740] in [0] : vector<16xf32>, vector<16xi32> -> vector<16xf32>
        %gather3A_742 = tpu.vector_load_idx %arg11[%add3A_150, %add3A_738] : memref<400x64xf32, #tpu.memory_space<vmem>>[vector<16xi32>, vector<16xi32>], vector<16xf32>,
        %gather3A_743 = tpu.vector_load_idx %arg12[%add3A_150, %add3A_738] : memref<400x64xf32, #tpu.memory_space<vmem>>[vector<16xi32>, vector<16xi32>], vector<16xf32>,
        %add3A_744 = arith.addf %gather3A_742, %gather3A_743 : vector<16xf32>
        %mul3A_745 = arith.constant 2.000000e-01 : f32
        %mul3A_746 = vector.broadcast %mul3A_745 : f32 to vector<16xf32>
        %mul3A_747 = arith.mulf %mul3A_746, %add3A_744 : vector<16xf32>
        %max3A_748 = arith.maximumf %add3A_744, %mul3A_747 : vector<16xf32>
        %mul3A_749 = arith.mulf %max3A_748, %gather3A_741 : vector<16xf32>
        %add3A_750 = arith.addf %add3A_735, %mul3A_749 : vector<16xf32>
        %add3A_751 = arith.constant 32 : i32
        %add3A_752 = vector.broadcast %add3A_751 : i32 to vector<16xi32>
        %add3A_753 = arith.addi %and3A_64, %add3A_752 : vector<16xi32>
        %broadcast_in_dim3A_754 = vector.shape_cast %and3A_64 : vector<16xi32> to vector<16x1xi32>
        %gather3A_755 = vector.shape_cast %broadcast_in_dim3A_754 : vector<16x1xi32> to vector<16xi32>
        %gather3A_756 = tpu.dynamic_gather %get3A_11[%gather3A_755] in [0] : vector<16xf32>, vector<16xi32> -> vector<16xf32>
        %gather3A_757 = tpu.vector_load_idx %arg11[%add3A_150, %add3A_753] : memref<400x64xf32, #tpu.memory_space<vmem>>[vector<16xi32>, vector<16xi32>], vector<16xf32>,
        %gather3A_758 = tpu.vector_load_idx %arg12[%add3A_150, %add3A_753] : memref<400x64xf32, #tpu.memory_space<vmem>>[vector<16xi32>, vector<16xi32>], vector<16xf32>,
        %add3A_759 = arith.addf %gather3A_757, %gather3A_758 : vector<16xf32>
        %mul3A_760 = arith.constant 2.000000e-01 : f32
        %mul3A_761 = vector.broadcast %mul3A_760 : f32 to vector<16xf32>
        %mul3A_762 = arith.mulf %mul3A_761, %add3A_759 : vector<16xf32>
        %max3A_763 = arith.maximumf %add3A_759, %mul3A_762 : vector<16xf32>
        %mul3A_764 = arith.mulf %max3A_763, %gather3A_756 : vector<16xf32>
        %add3A_765 = arith.addf %add3A_750, %mul3A_764 : vector<16xf32>
        %add3A_766 = arith.constant 32 : i32
        %add3A_767 = vector.broadcast %add3A_766 : i32 to vector<16xi32>
        %add3A_768 = arith.addi %and3A_70, %add3A_767 : vector<16xi32>
        %broadcast_in_dim3A_769 = vector.shape_cast %and3A_70 : vector<16xi32> to vector<16x1xi32>
        %gather3A_770 = vector.shape_cast %broadcast_in_dim3A_769 : vector<16x1xi32> to vector<16xi32>
        %gather3A_771 = tpu.dynamic_gather %get3A_11[%gather3A_770] in [0] : vector<16xf32>, vector<16xi32> -> vector<16xf32>
        %gather3A_772 = tpu.vector_load_idx %arg11[%add3A_150, %add3A_768] : memref<400x64xf32, #tpu.memory_space<vmem>>[vector<16xi32>, vector<16xi32>], vector<16xf32>,
        %gather3A_773 = tpu.vector_load_idx %arg12[%add3A_150, %add3A_768] : memref<400x64xf32, #tpu.memory_space<vmem>>[vector<16xi32>, vector<16xi32>], vector<16xf32>,
        %add3A_774 = arith.addf %gather3A_772, %gather3A_773 : vector<16xf32>
        %mul3A_775 = arith.constant 2.000000e-01 : f32
        %mul3A_776 = vector.broadcast %mul3A_775 : f32 to vector<16xf32>
        %mul3A_777 = arith.mulf %mul3A_776, %add3A_774 : vector<16xf32>
        %max3A_778 = arith.maximumf %add3A_774, %mul3A_777 : vector<16xf32>
        %mul3A_779 = arith.mulf %max3A_778, %gather3A_771 : vector<16xf32>
        %add3A_780 = arith.addf %add3A_765, %mul3A_779 : vector<16xf32>
        %add3A_781 = arith.constant 32 : i32
        %add3A_782 = vector.broadcast %add3A_781 : i32 to vector<16xi32>
        %add3A_783 = arith.addi %and3A_76, %add3A_782 : vector<16xi32>
        %broadcast_in_dim3A_784 = vector.shape_cast %and3A_76 : vector<16xi32> to vector<16x1xi32>
        %gather3A_785 = vector.shape_cast %broadcast_in_dim3A_784 : vector<16x1xi32> to vector<16xi32>
        %gather3A_786 = tpu.dynamic_gather %get3A_11[%gather3A_785] in [0] : vector<16xf32>, vector<16xi32> -> vector<16xf32>
        %gather3A_787 = tpu.vector_load_idx %arg11[%add3A_150, %add3A_783] : memref<400x64xf32, #tpu.memory_space<vmem>>[vector<16xi32>, vector<16xi32>], vector<16xf32>,
        %gather3A_788 = tpu.vector_load_idx %arg12[%add3A_150, %add3A_783] : memref<400x64xf32, #tpu.memory_space<vmem>>[vector<16xi32>, vector<16xi32>], vector<16xf32>,
        %add3A_789 = arith.addf %gather3A_787, %gather3A_788 : vector<16xf32>
        %mul3A_790 = arith.constant 2.000000e-01 : f32
        %mul3A_791 = vector.broadcast %mul3A_790 : f32 to vector<16xf32>
        %mul3A_792 = arith.mulf %mul3A_791, %add3A_789 : vector<16xf32>
        %max3A_793 = arith.maximumf %add3A_789, %mul3A_792 : vector<16xf32>
        %mul3A_794 = arith.mulf %max3A_793, %gather3A_786 : vector<16xf32>
        %add3A_795 = arith.addf %add3A_780, %mul3A_794 : vector<16xf32>
        %add3A_796 = arith.constant 32 : i32
        %add3A_797 = vector.broadcast %add3A_796 : i32 to vector<16xi32>
        %add3A_798 = arith.addi %and3A_82, %add3A_797 : vector<16xi32>
        %broadcast_in_dim3A_799 = vector.shape_cast %and3A_82 : vector<16xi32> to vector<16x1xi32>
        %gather3A_800 = vector.shape_cast %broadcast_in_dim3A_799 : vector<16x1xi32> to vector<16xi32>
        %gather3A_801 = tpu.dynamic_gather %get3A_11[%gather3A_800] in [0] : vector<16xf32>, vector<16xi32> -> vector<16xf32>
        %gather3A_802 = tpu.vector_load_idx %arg11[%add3A_150, %add3A_798] : memref<400x64xf32, #tpu.memory_space<vmem>>[vector<16xi32>, vector<16xi32>], vector<16xf32>,
        %gather3A_803 = tpu.vector_load_idx %arg12[%add3A_150, %add3A_798] : memref<400x64xf32, #tpu.memory_space<vmem>>[vector<16xi32>, vector<16xi32>], vector<16xf32>,
        %add3A_804 = arith.addf %gather3A_802, %gather3A_803 : vector<16xf32>
        %mul3A_805 = arith.constant 2.000000e-01 : f32
        %mul3A_806 = vector.broadcast %mul3A_805 : f32 to vector<16xf32>
        %mul3A_807 = arith.mulf %mul3A_806, %add3A_804 : vector<16xf32>
        %max3A_808 = arith.maximumf %add3A_804, %mul3A_807 : vector<16xf32>
        %mul3A_809 = arith.mulf %max3A_808, %gather3A_801 : vector<16xf32>
        %add3A_810 = arith.addf %add3A_795, %mul3A_809 : vector<16xf32>
        %add3A_811 = arith.constant 32 : i32
        %add3A_812 = vector.broadcast %add3A_811 : i32 to vector<16xi32>
        %add3A_813 = arith.addi %and3A_88, %add3A_812 : vector<16xi32>
        %broadcast_in_dim3A_814 = vector.shape_cast %and3A_88 : vector<16xi32> to vector<16x1xi32>
        %gather3A_815 = vector.shape_cast %broadcast_in_dim3A_814 : vector<16x1xi32> to vector<16xi32>
        %gather3A_816 = tpu.dynamic_gather %get3A_11[%gather3A_815] in [0] : vector<16xf32>, vector<16xi32> -> vector<16xf32>
        %gather3A_817 = tpu.vector_load_idx %arg11[%add3A_150, %add3A_813] : memref<400x64xf32, #tpu.memory_space<vmem>>[vector<16xi32>, vector<16xi32>], vector<16xf32>,
        %gather3A_818 = tpu.vector_load_idx %arg12[%add3A_150, %add3A_813] : memref<400x64xf32, #tpu.memory_space<vmem>>[vector<16xi32>, vector<16xi32>], vector<16xf32>,
        %add3A_819 = arith.addf %gather3A_817, %gather3A_818 : vector<16xf32>
        %mul3A_820 = arith.constant 2.000000e-01 : f32
        %mul3A_821 = vector.broadcast %mul3A_820 : f32 to vector<16xf32>
        %mul3A_822 = arith.mulf %mul3A_821, %add3A_819 : vector<16xf32>
        %max3A_823 = arith.maximumf %add3A_819, %mul3A_822 : vector<16xf32>
        %mul3A_824 = arith.mulf %max3A_823, %gather3A_816 : vector<16xf32>
        %add3A_825 = arith.addf %add3A_810, %mul3A_824 : vector<16xf32>
        %add3A_826 = arith.constant 32 : i32
        %add3A_827 = vector.broadcast %add3A_826 : i32 to vector<16xi32>
        %add3A_828 = arith.addi %and3A_94, %add3A_827 : vector<16xi32>
        %broadcast_in_dim3A_829 = vector.shape_cast %and3A_94 : vector<16xi32> to vector<16x1xi32>
        %gather3A_830 = vector.shape_cast %broadcast_in_dim3A_829 : vector<16x1xi32> to vector<16xi32>
        %gather3A_831 = tpu.dynamic_gather %get3A_11[%gather3A_830] in [0] : vector<16xf32>, vector<16xi32> -> vector<16xf32>
        %gather3A_832 = tpu.vector_load_idx %arg11[%add3A_150, %add3A_828] : memref<400x64xf32, #tpu.memory_space<vmem>>[vector<16xi32>, vector<16xi32>], vector<16xf32>,
        %gather3A_833 = tpu.vector_load_idx %arg12[%add3A_150, %add3A_828] : memref<400x64xf32, #tpu.memory_space<vmem>>[vector<16xi32>, vector<16xi32>], vector<16xf32>,
        %add3A_834 = arith.addf %gather3A_832, %gather3A_833 : vector<16xf32>
        %mul3A_835 = arith.constant 2.000000e-01 : f32
        %mul3A_836 = vector.broadcast %mul3A_835 : f32 to vector<16xf32>
        %mul3A_837 = arith.mulf %mul3A_836, %add3A_834 : vector<16xf32>
        %max3A_838 = arith.maximumf %add3A_834, %mul3A_837 : vector<16xf32>
        %mul3A_839 = arith.mulf %max3A_838, %gather3A_831 : vector<16xf32>
        %add3A_840 = arith.addf %add3A_825, %mul3A_839 : vector<16xf32>
        %add3A_841 = arith.constant 32 : i32
        %add3A_842 = vector.broadcast %add3A_841 : i32 to vector<16xi32>
        %add3A_843 = arith.addi %and3A_100, %add3A_842 : vector<16xi32>
        %broadcast_in_dim3A_844 = vector.shape_cast %and3A_100 : vector<16xi32> to vector<16x1xi32>
        %gather3A_845 = vector.shape_cast %broadcast_in_dim3A_844 : vector<16x1xi32> to vector<16xi32>
        %gather3A_846 = tpu.dynamic_gather %get3A_11[%gather3A_845] in [0] : vector<16xf32>, vector<16xi32> -> vector<16xf32>
        %gather3A_847 = tpu.vector_load_idx %arg11[%add3A_150, %add3A_843] : memref<400x64xf32, #tpu.memory_space<vmem>>[vector<16xi32>, vector<16xi32>], vector<16xf32>,
        %gather3A_848 = tpu.vector_load_idx %arg12[%add3A_150, %add3A_843] : memref<400x64xf32, #tpu.memory_space<vmem>>[vector<16xi32>, vector<16xi32>], vector<16xf32>,
        %add3A_849 = arith.addf %gather3A_847, %gather3A_848 : vector<16xf32>
        %mul3A_850 = arith.constant 2.000000e-01 : f32
        %mul3A_851 = vector.broadcast %mul3A_850 : f32 to vector<16xf32>
        %mul3A_852 = arith.mulf %mul3A_851, %add3A_849 : vector<16xf32>
        %max3A_853 = arith.maximumf %add3A_849, %mul3A_852 : vector<16xf32>
        %mul3A_854 = arith.mulf %max3A_853, %gather3A_846 : vector<16xf32>
        %add3A_855 = arith.addf %add3A_840, %mul3A_854 : vector<16xf32>
        %add3A_856 = arith.constant 32 : i32
        %add3A_857 = vector.broadcast %add3A_856 : i32 to vector<16xi32>
        %add3A_858 = arith.addi %and3A_106, %add3A_857 : vector<16xi32>
        %broadcast_in_dim3A_859 = vector.shape_cast %and3A_106 : vector<16xi32> to vector<16x1xi32>
        %gather3A_860 = vector.shape_cast %broadcast_in_dim3A_859 : vector<16x1xi32> to vector<16xi32>
        %gather3A_861 = tpu.dynamic_gather %get3A_11[%gather3A_860] in [0] : vector<16xf32>, vector<16xi32> -> vector<16xf32>
        %gather3A_862 = tpu.vector_load_idx %arg11[%add3A_150, %add3A_858] : memref<400x64xf32, #tpu.memory_space<vmem>>[vector<16xi32>, vector<16xi32>], vector<16xf32>,
        %gather3A_863 = tpu.vector_load_idx %arg12[%add3A_150, %add3A_858] : memref<400x64xf32, #tpu.memory_space<vmem>>[vector<16xi32>, vector<16xi32>], vector<16xf32>,
        %add3A_864 = arith.addf %gather3A_862, %gather3A_863 : vector<16xf32>
        %mul3A_865 = arith.constant 2.000000e-01 : f32
        %mul3A_866 = vector.broadcast %mul3A_865 : f32 to vector<16xf32>
        %mul3A_867 = arith.mulf %mul3A_866, %add3A_864 : vector<16xf32>
        %max3A_868 = arith.maximumf %add3A_864, %mul3A_867 : vector<16xf32>
        %mul3A_869 = arith.mulf %max3A_868, %gather3A_861 : vector<16xf32>
        %add3A_870 = arith.addf %add3A_855, %mul3A_869 : vector<16xf32>
        %add3A_871 = arith.constant 32 : i32
        %add3A_872 = vector.broadcast %add3A_871 : i32 to vector<16xi32>
        %add3A_873 = arith.addi %and3A_112, %add3A_872 : vector<16xi32>
        %broadcast_in_dim3A_874 = vector.shape_cast %and3A_112 : vector<16xi32> to vector<16x1xi32>
        %gather3A_875 = vector.shape_cast %broadcast_in_dim3A_874 : vector<16x1xi32> to vector<16xi32>
        %gather3A_876 = tpu.dynamic_gather %get3A_11[%gather3A_875] in [0] : vector<16xf32>, vector<16xi32> -> vector<16xf32>
        %gather3A_877 = tpu.vector_load_idx %arg11[%add3A_150, %add3A_873] : memref<400x64xf32, #tpu.memory_space<vmem>>[vector<16xi32>, vector<16xi32>], vector<16xf32>,
        %gather3A_878 = tpu.vector_load_idx %arg12[%add3A_150, %add3A_873] : memref<400x64xf32, #tpu.memory_space<vmem>>[vector<16xi32>, vector<16xi32>], vector<16xf32>,
        %add3A_879 = arith.addf %gather3A_877, %gather3A_878 : vector<16xf32>
        %mul3A_880 = arith.constant 2.000000e-01 : f32
        %mul3A_881 = vector.broadcast %mul3A_880 : f32 to vector<16xf32>
        %mul3A_882 = arith.mulf %mul3A_881, %add3A_879 : vector<16xf32>
        %max3A_883 = arith.maximumf %add3A_879, %mul3A_882 : vector<16xf32>
        %mul3A_884 = arith.mulf %max3A_883, %gather3A_876 : vector<16xf32>
        %add3A_885 = arith.addf %add3A_870, %mul3A_884 : vector<16xf32>
        %add3A_886 = arith.constant 2 : i32
        %add3A_887 = vector.broadcast %add3A_886 : i32 to vector<16xi32>
        %add3A_888 = arith.addi %mul3A_153, %add3A_887 : vector<16xi32>
        tpu.vector_store_idx %arg13[%add3A_888], %add3A_885 : memref<1600xf32, #tpu.memory_space<vmem>>[vector<16xi32>], vector<16xf32>,
        %max3A_889 = arith.maximumf %max3A_643, %add3A_885 : vector<16xf32>
        %broadcast_in_dim3A_890 = arith.constant 0.000000e+00 : f32
        %broadcast_in_dim3A_891 = vector.broadcast %broadcast_in_dim3A_890 : f32 to vector<16xf32>
        %add3A_892 = arith.constant 48 : i32
        %add3A_893 = vector.broadcast %add3A_892 : i32 to vector<16xi32>
        %add3A_894 = arith.addi %and3A_22, %add3A_893 : vector<16xi32>
        %broadcast_in_dim3A_895 = vector.shape_cast %and3A_22 : vector<16xi32> to vector<16x1xi32>
        %gather3A_896 = vector.shape_cast %broadcast_in_dim3A_895 : vector<16x1xi32> to vector<16xi32>
        %gather3A_897 = tpu.dynamic_gather %get3A_15[%gather3A_896] in [0] : vector<16xf32>, vector<16xi32> -> vector<16xf32>
        %gather3A_898 = tpu.vector_load_idx %arg11[%add3A_150, %add3A_894] : memref<400x64xf32, #tpu.memory_space<vmem>>[vector<16xi32>, vector<16xi32>], vector<16xf32>,
        %gather3A_899 = tpu.vector_load_idx %arg12[%add3A_150, %add3A_894] : memref<400x64xf32, #tpu.memory_space<vmem>>[vector<16xi32>, vector<16xi32>], vector<16xf32>,
        %add3A_900 = arith.addf %gather3A_898, %gather3A_899 : vector<16xf32>
        %mul3A_901 = arith.constant 2.000000e-01 : f32
        %mul3A_902 = vector.broadcast %mul3A_901 : f32 to vector<16xf32>
        %mul3A_903 = arith.mulf %mul3A_902, %add3A_900 : vector<16xf32>
        %max3A_904 = arith.maximumf %add3A_900, %mul3A_903 : vector<16xf32>
        %mul3A_905 = arith.mulf %max3A_904, %gather3A_897 : vector<16xf32>
        %add3A_906 = arith.addf %broadcast_in_dim3A_891, %mul3A_905 : vector<16xf32>
        %add3A_907 = arith.constant 48 : i32
        %add3A_908 = vector.broadcast %add3A_907 : i32 to vector<16xi32>
        %add3A_909 = arith.addi %and3A_28, %add3A_908 : vector<16xi32>
        %broadcast_in_dim3A_910 = vector.shape_cast %and3A_28 : vector<16xi32> to vector<16x1xi32>
        %gather3A_911 = vector.shape_cast %broadcast_in_dim3A_910 : vector<16x1xi32> to vector<16xi32>
        %gather3A_912 = tpu.dynamic_gather %get3A_15[%gather3A_911] in [0] : vector<16xf32>, vector<16xi32> -> vector<16xf32>
        %gather3A_913 = tpu.vector_load_idx %arg11[%add3A_150, %add3A_909] : memref<400x64xf32, #tpu.memory_space<vmem>>[vector<16xi32>, vector<16xi32>], vector<16xf32>,
        %gather3A_914 = tpu.vector_load_idx %arg12[%add3A_150, %add3A_909] : memref<400x64xf32, #tpu.memory_space<vmem>>[vector<16xi32>, vector<16xi32>], vector<16xf32>,
        %add3A_915 = arith.addf %gather3A_913, %gather3A_914 : vector<16xf32>
        %mul3A_916 = arith.constant 2.000000e-01 : f32
        %mul3A_917 = vector.broadcast %mul3A_916 : f32 to vector<16xf32>
        %mul3A_918 = arith.mulf %mul3A_917, %add3A_915 : vector<16xf32>
        %max3A_919 = arith.maximumf %add3A_915, %mul3A_918 : vector<16xf32>
        %mul3A_920 = arith.mulf %max3A_919, %gather3A_912 : vector<16xf32>
        %add3A_921 = arith.addf %add3A_906, %mul3A_920 : vector<16xf32>
        %add3A_922 = arith.constant 48 : i32
        %add3A_923 = vector.broadcast %add3A_922 : i32 to vector<16xi32>
        %add3A_924 = arith.addi %and3A_34, %add3A_923 : vector<16xi32>
        %broadcast_in_dim3A_925 = vector.shape_cast %and3A_34 : vector<16xi32> to vector<16x1xi32>
        %gather3A_926 = vector.shape_cast %broadcast_in_dim3A_925 : vector<16x1xi32> to vector<16xi32>
        %gather3A_927 = tpu.dynamic_gather %get3A_15[%gather3A_926] in [0] : vector<16xf32>, vector<16xi32> -> vector<16xf32>
        %gather3A_928 = tpu.vector_load_idx %arg11[%add3A_150, %add3A_924] : memref<400x64xf32, #tpu.memory_space<vmem>>[vector<16xi32>, vector<16xi32>], vector<16xf32>,
        %gather3A_929 = tpu.vector_load_idx %arg12[%add3A_150, %add3A_924] : memref<400x64xf32, #tpu.memory_space<vmem>>[vector<16xi32>, vector<16xi32>], vector<16xf32>,
        %add3A_930 = arith.addf %gather3A_928, %gather3A_929 : vector<16xf32>
        %mul3A_931 = arith.constant 2.000000e-01 : f32
        %mul3A_932 = vector.broadcast %mul3A_931 : f32 to vector<16xf32>
        %mul3A_933 = arith.mulf %mul3A_932, %add3A_930 : vector<16xf32>
        %max3A_934 = arith.maximumf %add3A_930, %mul3A_933 : vector<16xf32>
        %mul3A_935 = arith.mulf %max3A_934, %gather3A_927 : vector<16xf32>
        %add3A_936 = arith.addf %add3A_921, %mul3A_935 : vector<16xf32>
        %add3A_937 = arith.constant 48 : i32
        %add3A_938 = vector.broadcast %add3A_937 : i32 to vector<16xi32>
        %add3A_939 = arith.addi %and3A_40, %add3A_938 : vector<16xi32>
        %broadcast_in_dim3A_940 = vector.shape_cast %and3A_40 : vector<16xi32> to vector<16x1xi32>
        %gather3A_941 = vector.shape_cast %broadcast_in_dim3A_940 : vector<16x1xi32> to vector<16xi32>
        %gather3A_942 = tpu.dynamic_gather %get3A_15[%gather3A_941] in [0] : vector<16xf32>, vector<16xi32> -> vector<16xf32>
        %gather3A_943 = tpu.vector_load_idx %arg11[%add3A_150, %add3A_939] : memref<400x64xf32, #tpu.memory_space<vmem>>[vector<16xi32>, vector<16xi32>], vector<16xf32>,
        %gather3A_944 = tpu.vector_load_idx %arg12[%add3A_150, %add3A_939] : memref<400x64xf32, #tpu.memory_space<vmem>>[vector<16xi32>, vector<16xi32>], vector<16xf32>,
        %add3A_945 = arith.addf %gather3A_943, %gather3A_944 : vector<16xf32>
        %mul3A_946 = arith.constant 2.000000e-01 : f32
        %mul3A_947 = vector.broadcast %mul3A_946 : f32 to vector<16xf32>
        %mul3A_948 = arith.mulf %mul3A_947, %add3A_945 : vector<16xf32>
        %max3A_949 = arith.maximumf %add3A_945, %mul3A_948 : vector<16xf32>
        %mul3A_950 = arith.mulf %max3A_949, %gather3A_942 : vector<16xf32>
        %add3A_951 = arith.addf %add3A_936, %mul3A_950 : vector<16xf32>
        %add3A_952 = arith.constant 48 : i32
        %add3A_953 = vector.broadcast %add3A_952 : i32 to vector<16xi32>
        %add3A_954 = arith.addi %and3A_46, %add3A_953 : vector<16xi32>
        %broadcast_in_dim3A_955 = vector.shape_cast %and3A_46 : vector<16xi32> to vector<16x1xi32>
        %gather3A_956 = vector.shape_cast %broadcast_in_dim3A_955 : vector<16x1xi32> to vector<16xi32>
        %gather3A_957 = tpu.dynamic_gather %get3A_15[%gather3A_956] in [0] : vector<16xf32>, vector<16xi32> -> vector<16xf32>
        %gather3A_958 = tpu.vector_load_idx %arg11[%add3A_150, %add3A_954] : memref<400x64xf32, #tpu.memory_space<vmem>>[vector<16xi32>, vector<16xi32>], vector<16xf32>,
        %gather3A_959 = tpu.vector_load_idx %arg12[%add3A_150, %add3A_954] : memref<400x64xf32, #tpu.memory_space<vmem>>[vector<16xi32>, vector<16xi32>], vector<16xf32>,
        %add3A_960 = arith.addf %gather3A_958, %gather3A_959 : vector<16xf32>
        %mul3A_961 = arith.constant 2.000000e-01 : f32
        %mul3A_962 = vector.broadcast %mul3A_961 : f32 to vector<16xf32>
        %mul3A_963 = arith.mulf %mul3A_962, %add3A_960 : vector<16xf32>
        %max3A_964 = arith.maximumf %add3A_960, %mul3A_963 : vector<16xf32>
        %mul3A_965 = arith.mulf %max3A_964, %gather3A_957 : vector<16xf32>
        %add3A_966 = arith.addf %add3A_951, %mul3A_965 : vector<16xf32>
        %add3A_967 = arith.constant 48 : i32
        %add3A_968 = vector.broadcast %add3A_967 : i32 to vector<16xi32>
        %add3A_969 = arith.addi %and3A_52, %add3A_968 : vector<16xi32>
        %broadcast_in_dim3A_970 = vector.shape_cast %and3A_52 : vector<16xi32> to vector<16x1xi32>
        %gather3A_971 = vector.shape_cast %broadcast_in_dim3A_970 : vector<16x1xi32> to vector<16xi32>
        %gather3A_972 = tpu.dynamic_gather %get3A_15[%gather3A_971] in [0] : vector<16xf32>, vector<16xi32> -> vector<16xf32>
        %gather3A_973 = tpu.vector_load_idx %arg11[%add3A_150, %add3A_969] : memref<400x64xf32, #tpu.memory_space<vmem>>[vector<16xi32>, vector<16xi32>], vector<16xf32>,
        %gather3A_974 = tpu.vector_load_idx %arg12[%add3A_150, %add3A_969] : memref<400x64xf32, #tpu.memory_space<vmem>>[vector<16xi32>, vector<16xi32>], vector<16xf32>,
        %add3A_975 = arith.addf %gather3A_973, %gather3A_974 : vector<16xf32>
        %mul3A_976 = arith.constant 2.000000e-01 : f32
        %mul3A_977 = vector.broadcast %mul3A_976 : f32 to vector<16xf32>
        %mul3A_978 = arith.mulf %mul3A_977, %add3A_975 : vector<16xf32>
        %max3A_979 = arith.maximumf %add3A_975, %mul3A_978 : vector<16xf32>
        %mul3A_980 = arith.mulf %max3A_979, %gather3A_972 : vector<16xf32>
        %add3A_981 = arith.addf %add3A_966, %mul3A_980 : vector<16xf32>
        %add3A_982 = arith.constant 48 : i32
        %add3A_983 = vector.broadcast %add3A_982 : i32 to vector<16xi32>
        %add3A_984 = arith.addi %and3A_58, %add3A_983 : vector<16xi32>
        %broadcast_in_dim3A_985 = vector.shape_cast %and3A_58 : vector<16xi32> to vector<16x1xi32>
        %gather3A_986 = vector.shape_cast %broadcast_in_dim3A_985 : vector<16x1xi32> to vector<16xi32>
        %gather3A_987 = tpu.dynamic_gather %get3A_15[%gather3A_986] in [0] : vector<16xf32>, vector<16xi32> -> vector<16xf32>
        %gather3A_988 = tpu.vector_load_idx %arg11[%add3A_150, %add3A_984] : memref<400x64xf32, #tpu.memory_space<vmem>>[vector<16xi32>, vector<16xi32>], vector<16xf32>,
        %gather3A_989 = tpu.vector_load_idx %arg12[%add3A_150, %add3A_984] : memref<400x64xf32, #tpu.memory_space<vmem>>[vector<16xi32>, vector<16xi32>], vector<16xf32>,
        %add3A_990 = arith.addf %gather3A_988, %gather3A_989 : vector<16xf32>
        %mul3A_991 = arith.constant 2.000000e-01 : f32
        %mul3A_992 = vector.broadcast %mul3A_991 : f32 to vector<16xf32>
        %mul3A_993 = arith.mulf %mul3A_992, %add3A_990 : vector<16xf32>
        %max3A_994 = arith.maximumf %add3A_990, %mul3A_993 : vector<16xf32>
        %mul3A_995 = arith.mulf %max3A_994, %gather3A_987 : vector<16xf32>
        %add3A_996 = arith.addf %add3A_981, %mul3A_995 : vector<16xf32>
        %add3A_997 = arith.constant 48 : i32
        %add3A_998 = vector.broadcast %add3A_997 : i32 to vector<16xi32>
        %add3A_999 = arith.addi %and3A_64, %add3A_998 : vector<16xi32>
        %broadcast_in_dim3A_1000 = vector.shape_cast %and3A_64 : vector<16xi32> to vector<16x1xi32>
        %gather3A_1001 = vector.shape_cast %broadcast_in_dim3A_1000 : vector<16x1xi32> to vector<16xi32>
        %gather3A_1002 = tpu.dynamic_gather %get3A_15[%gather3A_1001] in [0] : vector<16xf32>, vector<16xi32> -> vector<16xf32>
        %gather3A_1003 = tpu.vector_load_idx %arg11[%add3A_150, %add3A_999] : memref<400x64xf32, #tpu.memory_space<vmem>>[vector<16xi32>, vector<16xi32>], vector<16xf32>,
        %gather3A_1004 = tpu.vector_load_idx %arg12[%add3A_150, %add3A_999] : memref<400x64xf32, #tpu.memory_space<vmem>>[vector<16xi32>, vector<16xi32>], vector<16xf32>,
        %add3A_1005 = arith.addf %gather3A_1003, %gather3A_1004 : vector<16xf32>
        %mul3A_1006 = arith.constant 2.000000e-01 : f32
        %mul3A_1007 = vector.broadcast %mul3A_1006 : f32 to vector<16xf32>
        %mul3A_1008 = arith.mulf %mul3A_1007, %add3A_1005 : vector<16xf32>
        %max3A_1009 = arith.maximumf %add3A_1005, %mul3A_1008 : vector<16xf32>
        %mul3A_1010 = arith.mulf %max3A_1009, %gather3A_1002 : vector<16xf32>
        %add3A_1011 = arith.addf %add3A_996, %mul3A_1010 : vector<16xf32>
        %add3A_1012 = arith.constant 48 : i32
        %add3A_1013 = vector.broadcast %add3A_1012 : i32 to vector<16xi32>
        %add3A_1014 = arith.addi %and3A_70, %add3A_1013 : vector<16xi32>
        %broadcast_in_dim3A_1015 = vector.shape_cast %and3A_70 : vector<16xi32> to vector<16x1xi32>
        %gather3A_1016 = vector.shape_cast %broadcast_in_dim3A_1015 : vector<16x1xi32> to vector<16xi32>
        %gather3A_1017 = tpu.dynamic_gather %get3A_15[%gather3A_1016] in [0] : vector<16xf32>, vector<16xi32> -> vector<16xf32>
        %gather3A_1018 = tpu.vector_load_idx %arg11[%add3A_150, %add3A_1014] : memref<400x64xf32, #tpu.memory_space<vmem>>[vector<16xi32>, vector<16xi32>], vector<16xf32>,
        %gather3A_1019 = tpu.vector_load_idx %arg12[%add3A_150, %add3A_1014] : memref<400x64xf32, #tpu.memory_space<vmem>>[vector<16xi32>, vector<16xi32>], vector<16xf32>,
        %add3A_1020 = arith.addf %gather3A_1018, %gather3A_1019 : vector<16xf32>
        %mul3A_1021 = arith.constant 2.000000e-01 : f32
        %mul3A_1022 = vector.broadcast %mul3A_1021 : f32 to vector<16xf32>
        %mul3A_1023 = arith.mulf %mul3A_1022, %add3A_1020 : vector<16xf32>
        %max3A_1024 = arith.maximumf %add3A_1020, %mul3A_1023 : vector<16xf32>
        %mul3A_1025 = arith.mulf %max3A_1024, %gather3A_1017 : vector<16xf32>
        %add3A_1026 = arith.addf %add3A_1011, %mul3A_1025 : vector<16xf32>
        %add3A_1027 = arith.constant 48 : i32
        %add3A_1028 = vector.broadcast %add3A_1027 : i32 to vector<16xi32>
        %add3A_1029 = arith.addi %and3A_76, %add3A_1028 : vector<16xi32>
        %broadcast_in_dim3A_1030 = vector.shape_cast %and3A_76 : vector<16xi32> to vector<16x1xi32>
        %gather3A_1031 = vector.shape_cast %broadcast_in_dim3A_1030 : vector<16x1xi32> to vector<16xi32>
        %gather3A_1032 = tpu.dynamic_gather %get3A_15[%gather3A_1031] in [0] : vector<16xf32>, vector<16xi32> -> vector<16xf32>
        %gather3A_1033 = tpu.vector_load_idx %arg11[%add3A_150, %add3A_1029] : memref<400x64xf32, #tpu.memory_space<vmem>>[vector<16xi32>, vector<16xi32>], vector<16xf32>,
        %gather3A_1034 = tpu.vector_load_idx %arg12[%add3A_150, %add3A_1029] : memref<400x64xf32, #tpu.memory_space<vmem>>[vector<16xi32>, vector<16xi32>], vector<16xf32>,
        %add3A_1035 = arith.addf %gather3A_1033, %gather3A_1034 : vector<16xf32>
        %mul3A_1036 = arith.constant 2.000000e-01 : f32
        %mul3A_1037 = vector.broadcast %mul3A_1036 : f32 to vector<16xf32>
        %mul3A_1038 = arith.mulf %mul3A_1037, %add3A_1035 : vector<16xf32>
        %max3A_1039 = arith.maximumf %add3A_1035, %mul3A_1038 : vector<16xf32>
        %mul3A_1040 = arith.mulf %max3A_1039, %gather3A_1032 : vector<16xf32>
        %add3A_1041 = arith.addf %add3A_1026, %mul3A_1040 : vector<16xf32>
        %add3A_1042 = arith.constant 48 : i32
        %add3A_1043 = vector.broadcast %add3A_1042 : i32 to vector<16xi32>
        %add3A_1044 = arith.addi %and3A_82, %add3A_1043 : vector<16xi32>
        %broadcast_in_dim3A_1045 = vector.shape_cast %and3A_82 : vector<16xi32> to vector<16x1xi32>
        %gather3A_1046 = vector.shape_cast %broadcast_in_dim3A_1045 : vector<16x1xi32> to vector<16xi32>
        %gather3A_1047 = tpu.dynamic_gather %get3A_15[%gather3A_1046] in [0] : vector<16xf32>, vector<16xi32> -> vector<16xf32>
        %gather3A_1048 = tpu.vector_load_idx %arg11[%add3A_150, %add3A_1044] : memref<400x64xf32, #tpu.memory_space<vmem>>[vector<16xi32>, vector<16xi32>], vector<16xf32>,
        %gather3A_1049 = tpu.vector_load_idx %arg12[%add3A_150, %add3A_1044] : memref<400x64xf32, #tpu.memory_space<vmem>>[vector<16xi32>, vector<16xi32>], vector<16xf32>,
        %add3A_1050 = arith.addf %gather3A_1048, %gather3A_1049 : vector<16xf32>
        %mul3A_1051 = arith.constant 2.000000e-01 : f32
        %mul3A_1052 = vector.broadcast %mul3A_1051 : f32 to vector<16xf32>
        %mul3A_1053 = arith.mulf %mul3A_1052, %add3A_1050 : vector<16xf32>
        %max3A_1054 = arith.maximumf %add3A_1050, %mul3A_1053 : vector<16xf32>
        %mul3A_1055 = arith.mulf %max3A_1054, %gather3A_1047 : vector<16xf32>
        %add3A_1056 = arith.addf %add3A_1041, %mul3A_1055 : vector<16xf32>
        %add3A_1057 = arith.constant 48 : i32
        %add3A_1058 = vector.broadcast %add3A_1057 : i32 to vector<16xi32>
        %add3A_1059 = arith.addi %and3A_88, %add3A_1058 : vector<16xi32>
        %broadcast_in_dim3A_1060 = vector.shape_cast %and3A_88 : vector<16xi32> to vector<16x1xi32>
        %gather3A_1061 = vector.shape_cast %broadcast_in_dim3A_1060 : vector<16x1xi32> to vector<16xi32>
        %gather3A_1062 = tpu.dynamic_gather %get3A_15[%gather3A_1061] in [0] : vector<16xf32>, vector<16xi32> -> vector<16xf32>
        %gather3A_1063 = tpu.vector_load_idx %arg11[%add3A_150, %add3A_1059] : memref<400x64xf32, #tpu.memory_space<vmem>>[vector<16xi32>, vector<16xi32>], vector<16xf32>,
        %gather3A_1064 = tpu.vector_load_idx %arg12[%add3A_150, %add3A_1059] : memref<400x64xf32, #tpu.memory_space<vmem>>[vector<16xi32>, vector<16xi32>], vector<16xf32>,
        %add3A_1065 = arith.addf %gather3A_1063, %gather3A_1064 : vector<16xf32>
        %mul3A_1066 = arith.constant 2.000000e-01 : f32
        %mul3A_1067 = vector.broadcast %mul3A_1066 : f32 to vector<16xf32>
        %mul3A_1068 = arith.mulf %mul3A_1067, %add3A_1065 : vector<16xf32>
        %max3A_1069 = arith.maximumf %add3A_1065, %mul3A_1068 : vector<16xf32>
        %mul3A_1070 = arith.mulf %max3A_1069, %gather3A_1062 : vector<16xf32>
        %add3A_1071 = arith.addf %add3A_1056, %mul3A_1070 : vector<16xf32>
        %add3A_1072 = arith.constant 48 : i32
        %add3A_1073 = vector.broadcast %add3A_1072 : i32 to vector<16xi32>
        %add3A_1074 = arith.addi %and3A_94, %add3A_1073 : vector<16xi32>
        %broadcast_in_dim3A_1075 = vector.shape_cast %and3A_94 : vector<16xi32> to vector<16x1xi32>
        %gather3A_1076 = vector.shape_cast %broadcast_in_dim3A_1075 : vector<16x1xi32> to vector<16xi32>
        %gather3A_1077 = tpu.dynamic_gather %get3A_15[%gather3A_1076] in [0] : vector<16xf32>, vector<16xi32> -> vector<16xf32>
        %gather3A_1078 = tpu.vector_load_idx %arg11[%add3A_150, %add3A_1074] : memref<400x64xf32, #tpu.memory_space<vmem>>[vector<16xi32>, vector<16xi32>], vector<16xf32>,
        %gather3A_1079 = tpu.vector_load_idx %arg12[%add3A_150, %add3A_1074] : memref<400x64xf32, #tpu.memory_space<vmem>>[vector<16xi32>, vector<16xi32>], vector<16xf32>,
        %add3A_1080 = arith.addf %gather3A_1078, %gather3A_1079 : vector<16xf32>
        %mul3A_1081 = arith.constant 2.000000e-01 : f32
        %mul3A_1082 = vector.broadcast %mul3A_1081 : f32 to vector<16xf32>
        %mul3A_1083 = arith.mulf %mul3A_1082, %add3A_1080 : vector<16xf32>
        %max3A_1084 = arith.maximumf %add3A_1080, %mul3A_1083 : vector<16xf32>
        %mul3A_1085 = arith.mulf %max3A_1084, %gather3A_1077 : vector<16xf32>
        %add3A_1086 = arith.addf %add3A_1071, %mul3A_1085 : vector<16xf32>
        %add3A_1087 = arith.constant 48 : i32
        %add3A_1088 = vector.broadcast %add3A_1087 : i32 to vector<16xi32>
        %add3A_1089 = arith.addi %and3A_100, %add3A_1088 : vector<16xi32>
        %broadcast_in_dim3A_1090 = vector.shape_cast %and3A_100 : vector<16xi32> to vector<16x1xi32>
        %gather3A_1091 = vector.shape_cast %broadcast_in_dim3A_1090 : vector<16x1xi32> to vector<16xi32>
        %gather3A_1092 = tpu.dynamic_gather %get3A_15[%gather3A_1091] in [0] : vector<16xf32>, vector<16xi32> -> vector<16xf32>
        %gather3A_1093 = tpu.vector_load_idx %arg11[%add3A_150, %add3A_1089] : memref<400x64xf32, #tpu.memory_space<vmem>>[vector<16xi32>, vector<16xi32>], vector<16xf32>,
        %gather3A_1094 = tpu.vector_load_idx %arg12[%add3A_150, %add3A_1089] : memref<400x64xf32, #tpu.memory_space<vmem>>[vector<16xi32>, vector<16xi32>], vector<16xf32>,
        %add3A_1095 = arith.addf %gather3A_1093, %gather3A_1094 : vector<16xf32>
        %mul3A_1096 = arith.constant 2.000000e-01 : f32
        %mul3A_1097 = vector.broadcast %mul3A_1096 : f32 to vector<16xf32>
        %mul3A_1098 = arith.mulf %mul3A_1097, %add3A_1095 : vector<16xf32>
        %max3A_1099 = arith.maximumf %add3A_1095, %mul3A_1098 : vector<16xf32>
        %mul3A_1100 = arith.mulf %max3A_1099, %gather3A_1092 : vector<16xf32>
        %add3A_1101 = arith.addf %add3A_1086, %mul3A_1100 : vector<16xf32>
        %add3A_1102 = arith.constant 48 : i32
        %add3A_1103 = vector.broadcast %add3A_1102 : i32 to vector<16xi32>
        %add3A_1104 = arith.addi %and3A_106, %add3A_1103 : vector<16xi32>
        %broadcast_in_dim3A_1105 = vector.shape_cast %and3A_106 : vector<16xi32> to vector<16x1xi32>
        %gather3A_1106 = vector.shape_cast %broadcast_in_dim3A_1105 : vector<16x1xi32> to vector<16xi32>
        %gather3A_1107 = tpu.dynamic_gather %get3A_15[%gather3A_1106] in [0] : vector<16xf32>, vector<16xi32> -> vector<16xf32>
        %gather3A_1108 = tpu.vector_load_idx %arg11[%add3A_150, %add3A_1104] : memref<400x64xf32, #tpu.memory_space<vmem>>[vector<16xi32>, vector<16xi32>], vector<16xf32>,
        %gather3A_1109 = tpu.vector_load_idx %arg12[%add3A_150, %add3A_1104] : memref<400x64xf32, #tpu.memory_space<vmem>>[vector<16xi32>, vector<16xi32>], vector<16xf32>,
        %add3A_1110 = arith.addf %gather3A_1108, %gather3A_1109 : vector<16xf32>
        %mul3A_1111 = arith.constant 2.000000e-01 : f32
        %mul3A_1112 = vector.broadcast %mul3A_1111 : f32 to vector<16xf32>
        %mul3A_1113 = arith.mulf %mul3A_1112, %add3A_1110 : vector<16xf32>
        %max3A_1114 = arith.maximumf %add3A_1110, %mul3A_1113 : vector<16xf32>
        %mul3A_1115 = arith.mulf %max3A_1114, %gather3A_1107 : vector<16xf32>
        %add3A_1116 = arith.addf %add3A_1101, %mul3A_1115 : vector<16xf32>
        %add3A_1117 = arith.constant 48 : i32
        %add3A_1118 = vector.broadcast %add3A_1117 : i32 to vector<16xi32>
        %add3A_1119 = arith.addi %and3A_112, %add3A_1118 : vector<16xi32>
        %broadcast_in_dim3A_1120 = vector.shape_cast %and3A_112 : vector<16xi32> to vector<16x1xi32>
        %gather3A_1121 = vector.shape_cast %broadcast_in_dim3A_1120 : vector<16x1xi32> to vector<16xi32>
        %gather3A_1122 = tpu.dynamic_gather %get3A_15[%gather3A_1121] in [0] : vector<16xf32>, vector<16xi32> -> vector<16xf32>
        %gather3A_1123 = tpu.vector_load_idx %arg11[%add3A_150, %add3A_1119] : memref<400x64xf32, #tpu.memory_space<vmem>>[vector<16xi32>, vector<16xi32>], vector<16xf32>,
        %gather3A_1124 = tpu.vector_load_idx %arg12[%add3A_150, %add3A_1119] : memref<400x64xf32, #tpu.memory_space<vmem>>[vector<16xi32>, vector<16xi32>], vector<16xf32>,
        %add3A_1125 = arith.addf %gather3A_1123, %gather3A_1124 : vector<16xf32>
        %mul3A_1126 = arith.constant 2.000000e-01 : f32
        %mul3A_1127 = vector.broadcast %mul3A_1126 : f32 to vector<16xf32>
        %mul3A_1128 = arith.mulf %mul3A_1127, %add3A_1125 : vector<16xf32>
        %max3A_1129 = arith.maximumf %add3A_1125, %mul3A_1128 : vector<16xf32>
        %mul3A_1130 = arith.mulf %max3A_1129, %gather3A_1122 : vector<16xf32>
        %add3A_1131 = arith.addf %add3A_1116, %mul3A_1130 : vector<16xf32>
        %add3A_1132 = arith.constant 3 : i32
        %add3A_1133 = vector.broadcast %add3A_1132 : i32 to vector<16xi32>
        %add3A_1134 = arith.addi %mul3A_153, %add3A_1133 : vector<16xi32>
        tpu.vector_store_idx %arg13[%add3A_1134], %add3A_1131 : memref<1600xf32, #tpu.memory_space<vmem>>[vector<16xi32>], vector<16xf32>,
        %max3A_1135 = arith.maximumf %max3A_889, %add3A_1131 : vector<16xf32>
        scf.yield %max3A_1135 : vector<16xf32>
      }
      %scan3A_142 = arith.constant 25 : i32
      %mul3A_143 = arith.constant 4 : i32
      %mul3A_144 = arith.muli %add3A_126, %mul3A_143 : i32
      "tpu.region"() ({
        %run_scoped3A = tpu.sem_alloc : memref<!tpu.dma_semaphore, #tpu.memory_space<semaphore_mem>>
        %dma_start3A_145 = tpu.memref_slice %arg7[%mul3A_144] : memref<1280000xf32, #tpu.memory_space<hbm>> -> memref<1600xf32, #tpu.memory_space<hbm>>
        %dma_start3A_146 = tpu.memref_slice %arg7[%mul3A_144] : memref<1280000xf32, #tpu.memory_space<hbm>> -> memref<1600xf32, #tpu.memory_space<hbm>>
        tpu.enqueue_dma source(%arg13 : memref<1600xf32, #tpu.memory_space<vmem>>) target(%dma_start3A_146 : memref<1600xf32, #tpu.memory_space<hbm>>) target_semaphore(%run_scoped3A : memref<!tpu.dma_semaphore, #tpu.memory_space<semaphore_mem>>)
        %dma_wait3A_147 = tpu.memref_slice %arg7[%mul3A_144] : memref<1280000xf32, #tpu.memory_space<hbm>> -> memref<1600xf32, #tpu.memory_space<hbm>>
        %dma_wait3A_148 = tpu.memref_slice %arg7[%mul3A_144] : memref<1280000xf32, #tpu.memory_space<hbm>> -> memref<1600xf32, #tpu.memory_space<hbm>>
        tpu.wait_dma2 semaphore(%run_scoped3A : memref<!tpu.dma_semaphore, #tpu.memory_space<semaphore_mem>>) src(%arg13 : memref<1600xf32, #tpu.memory_space<vmem>>) dst(%dma_wait3A_148 : memref<1600xf32, #tpu.memory_space<hbm>>)
        tpu.yield
      }) : () -> ()
      scf.yield %scan3A_141 : vector<16xf32>
    }
    %scan3A_118 = arith.constant 25 : i32
    %swap3A = arith.constant 0 : index
    %swap3A_119 = tpu.vector_load %arg15[%swap3A] {strides = array<i32>} : memref<16xf32, #tpu.memory_space<vmem>>, vector<16xf32>,
    tpu.vector_store %arg15[%swap3A], %scan3A_117 {strides = array<i32>} : memref<16xf32, #tpu.memory_space<vmem>>, vector<16xf32>,
    %mul3A_120 = arith.constant 16 : i32
    %mul3A_121 = arith.muli %add3A, %mul3A_120 : i32
    "tpu.region"() ({
      %run_scoped3A = tpu.sem_alloc : memref<!tpu.dma_semaphore, #tpu.memory_space<semaphore_mem>>
      %dma_start3A = tpu.memref_slice %arg8[%mul3A_121] : memref<512xf32, #tpu.memory_space<hbm>> -> memref<16xf32, #tpu.memory_space<hbm>>
      %dma_start3A_122 = tpu.memref_slice %arg8[%mul3A_121] : memref<512xf32, #tpu.memory_space<hbm>> -> memref<16xf32, #tpu.memory_space<hbm>>
      tpu.enqueue_dma source(%arg15 : memref<16xf32, #tpu.memory_space<vmem>>) target(%dma_start3A_122 : memref<16xf32, #tpu.memory_space<hbm>>) target_semaphore(%run_scoped3A : memref<!tpu.dma_semaphore, #tpu.memory_space<semaphore_mem>>)
      %dma_wait3A = tpu.memref_slice %arg8[%mul3A_121] : memref<512xf32, #tpu.memory_space<hbm>> -> memref<16xf32, #tpu.memory_space<hbm>>
      %dma_wait3A_123 = tpu.memref_slice %arg8[%mul3A_121] : memref<512xf32, #tpu.memory_space<hbm>> -> memref<16xf32, #tpu.memory_space<hbm>>
      tpu.wait_dma2 semaphore(%run_scoped3A : memref<!tpu.dma_semaphore, #tpu.memory_space<semaphore_mem>>) src(%arg15 : memref<16xf32, #tpu.memory_space<vmem>>) dst(%dma_wait3A_123 : memref<16xf32, #tpu.memory_space<hbm>>)
      tpu.yield
    }) : () -> ()
    return
  }
}

#map = affine_map<(d0, d1) -> (0, 0)>
#map1 = affine_map<(d0, d1) -> (0)>
module attributes {stable_mosaic.version = 14 : i64} {
  func.func @k(%arg0: i32, %arg1: i32, %arg2: memref<10000x16xf32, #tpu.memory_space<hbm>>, %arg3: memref<320000xi32, #tpu.memory_space<hbm>>, %arg4: memref<320000xi32, #tpu.memory_space<hbm>>, %arg5: memref<16xf32, #tpu.memory_space<hbm>>, %arg6: memref<320000xf32, #tpu.memory_space<hbm>>, %arg7: memref<512xf32, #tpu.memory_space<hbm>>, %arg8: memref<400xi32, #tpu.memory_space<vmem>>, %arg9: memref<400xi32, #tpu.memory_space<vmem>>, %arg10: memref<400x16xf32, #tpu.memory_space<vmem>>, %arg11: memref<400x16xf32, #tpu.memory_space<vmem>>, %arg12: memref<400xf32, #tpu.memory_space<vmem>>, %arg13: memref<16xf32, #tpu.memory_space<vmem>>, %arg14: memref<16xf32, #tpu.memory_space<vmem>>, %arg15: memref<!tpu.dma_semaphore, #tpu.memory_space<semaphore_mem>>) attributes {dimension_semantics = [#tpu.dimension_semantics<core_parallel>, #tpu.dimension_semantics<subcore_parallel>], iteration_bounds = array<i64: 2, 16>, scalar_prefetch = 0 : i64, scratch_operands = 8 : i64, tpu.core_type = #tpu.core_type<sc_vector_subcore>, window_params = [{transform_indices = #map}, {transform_indices = #map1}, {transform_indices = #map1}, {transform_indices = #map1}, {transform_indices = #map1}, {transform_indices = #map1}]} {
    %mul3A = arith.constant 16 : i32
    %mul3A_0 = arith.muli %arg0, %mul3A : i32
    %add3A = arith.addi %mul3A_0, %arg1 : i32
    "tpu.region"() ({
      %run_scoped3A = tpu.sem_alloc : memref<!tpu.dma_semaphore, #tpu.memory_space<semaphore_mem>>
      tpu.enqueue_dma source(%arg5 : memref<16xf32, #tpu.memory_space<hbm>>) target(%arg13 : memref<16xf32, #tpu.memory_space<vmem>>) target_semaphore(%run_scoped3A : memref<!tpu.dma_semaphore, #tpu.memory_space<semaphore_mem>>)
      tpu.wait_dma2 semaphore(%run_scoped3A : memref<!tpu.dma_semaphore, #tpu.memory_space<semaphore_mem>>) src(%arg5 : memref<16xf32, #tpu.memory_space<hbm>>) dst(%arg13 : memref<16xf32, #tpu.memory_space<vmem>>)
      tpu.yield
    }) : () -> ()
    %get3A = arith.constant 0 : index
    %get3A_1 = tpu.vector_load %arg13[%get3A] {strides = array<i32>} : memref<16xf32, #tpu.memory_space<vmem>>, vector<16xf32>,
    %slice3A = vector.extract_strided_slice %get3A_1 {offsets = [0], sizes = [1], strides = [1]} : vector<16xf32> to vector<1xf32>
    %squeeze3A = vector.extract %slice3A[0] : f32 from vector<1xf32>
    %slice3A_2 = vector.extract_strided_slice %get3A_1 {offsets = [1], sizes = [1], strides = [1]} : vector<16xf32> to vector<1xf32>
    %squeeze3A_3 = vector.extract %slice3A_2[0] : f32 from vector<1xf32>
    %iota3A = tpu.iota {dimensions = array<i32: 0>} : vector<16xi32>
    %broadcast_in_dim3A = arith.constant 0 : i32
    %broadcast_in_dim3A_4 = vector.broadcast %broadcast_in_dim3A : i32 to vector<16xi32>
    %add3A_5 = arith.constant 1 : i32
    %add3A_6 = vector.broadcast %add3A_5 : i32 to vector<16xi32>
    %add3A_7 = arith.addi %broadcast_in_dim3A_4, %add3A_6 : vector<16xi32>
    %add3A_8 = arith.constant 2 : i32
    %add3A_9 = vector.broadcast %add3A_8 : i32 to vector<16xi32>
    %add3A_10 = arith.addi %broadcast_in_dim3A_4, %add3A_9 : vector<16xi32>
    %add3A_11 = arith.constant 3 : i32
    %add3A_12 = vector.broadcast %add3A_11 : i32 to vector<16xi32>
    %add3A_13 = arith.addi %broadcast_in_dim3A_4, %add3A_12 : vector<16xi32>
    %mul3A_14 = arith.constant 10000 : i32
    %mul3A_15 = arith.muli %add3A, %mul3A_14 : i32
    %broadcast_in_dim3A_16 = arith.constant -3.000000e+38 : f32
    %broadcast_in_dim3A_17 = vector.broadcast %broadcast_in_dim3A_16 : f32 to vector<16xf32>
    %scan3A = arith.constant 0 : i32
    %scan3A_18 = arith.constant 25 : i32
    %scan3A_19 = arith.addi %scan3A, %scan3A_18 : i32
    %scan3A_20 = arith.constant 1 : i32
    %scan3A_21 = scf.for %scan3A_26 = %scan3A to %scan3A_19 step %scan3A_20 iter_args(%scan3A_27 = %broadcast_in_dim3A_17) -> (vector<16xf32>)  : i32 {
      %mul3A_28 = arith.constant 400 : i32
      %mul3A_29 = arith.muli %scan3A_26, %mul3A_28 : i32
      %add3A_30 = arith.addi %mul3A_15, %mul3A_29 : i32
      "tpu.region"() ({
        %run_scoped3A = tpu.sem_alloc : memref<!tpu.dma_semaphore, #tpu.memory_space<semaphore_mem>>
        %dma_start3A_47 = tpu.memref_slice %arg3[%add3A_30] : memref<320000xi32, #tpu.memory_space<hbm>> -> memref<400xi32, #tpu.memory_space<hbm>>
        %dma_start3A_48 = tpu.memref_slice %arg3[%add3A_30] : memref<320000xi32, #tpu.memory_space<hbm>> -> memref<400xi32, #tpu.memory_space<hbm>>
        tpu.enqueue_dma source(%dma_start3A_48 : memref<400xi32, #tpu.memory_space<hbm>>) target(%arg8 : memref<400xi32, #tpu.memory_space<vmem>>) target_semaphore(%run_scoped3A : memref<!tpu.dma_semaphore, #tpu.memory_space<semaphore_mem>>)
        %dma_wait3A_49 = tpu.memref_slice %arg3[%add3A_30] : memref<320000xi32, #tpu.memory_space<hbm>> -> memref<400xi32, #tpu.memory_space<hbm>>
        %dma_wait3A_50 = tpu.memref_slice %arg3[%add3A_30] : memref<320000xi32, #tpu.memory_space<hbm>> -> memref<400xi32, #tpu.memory_space<hbm>>
        tpu.wait_dma2 semaphore(%run_scoped3A : memref<!tpu.dma_semaphore, #tpu.memory_space<semaphore_mem>>) src(%dma_wait3A_50 : memref<400xi32, #tpu.memory_space<hbm>>) dst(%arg8 : memref<400xi32, #tpu.memory_space<vmem>>)
        tpu.yield
      }) : () -> ()
      "tpu.region"() ({
        %run_scoped3A = tpu.sem_alloc : memref<!tpu.dma_semaphore, #tpu.memory_space<semaphore_mem>>
        %dma_start3A_47 = tpu.memref_slice %arg4[%add3A_30] : memref<320000xi32, #tpu.memory_space<hbm>> -> memref<400xi32, #tpu.memory_space<hbm>>
        %dma_start3A_48 = tpu.memref_slice %arg4[%add3A_30] : memref<320000xi32, #tpu.memory_space<hbm>> -> memref<400xi32, #tpu.memory_space<hbm>>
        tpu.enqueue_dma source(%dma_start3A_48 : memref<400xi32, #tpu.memory_space<hbm>>) target(%arg9 : memref<400xi32, #tpu.memory_space<vmem>>) target_semaphore(%run_scoped3A : memref<!tpu.dma_semaphore, #tpu.memory_space<semaphore_mem>>)
        %dma_wait3A_49 = tpu.memref_slice %arg4[%add3A_30] : memref<320000xi32, #tpu.memory_space<hbm>> -> memref<400xi32, #tpu.memory_space<hbm>>
        %dma_wait3A_50 = tpu.memref_slice %arg4[%add3A_30] : memref<320000xi32, #tpu.memory_space<hbm>> -> memref<400xi32, #tpu.memory_space<hbm>>
        tpu.wait_dma2 semaphore(%run_scoped3A : memref<!tpu.dma_semaphore, #tpu.memory_space<semaphore_mem>>) src(%dma_wait3A_50 : memref<400xi32, #tpu.memory_space<hbm>>) dst(%arg9 : memref<400xi32, #tpu.memory_space<vmem>>)
        tpu.yield
      }) : () -> ()
      %dma_start3A = arith.constant 0 : i32
      %dma_start3A_31 = arith.constant 0 : i32
      %dma_start3A_32 = tpu.memref_slice %arg2[%dma_start3A, %dma_start3A_31] : memref<10000x16xf32, #tpu.memory_space<hbm>> -> memref<10000x16xf32, #tpu.memory_space<hbm>>
      tpu.enqueue_indirect_dma source(%dma_start3A_32 : memref<10000x16xf32, #tpu.memory_space<hbm>>) target(%arg10 : memref<400x16xf32, #tpu.memory_space<vmem>>) offsets(%arg8 : memref<400xi32, #tpu.memory_space<vmem>>) semaphore(%arg15 : memref<!tpu.dma_semaphore, #tpu.memory_space<semaphore_mem>>)
      %dma_start3A_33 = arith.constant 0 : i32
      %dma_start3A_34 = arith.constant 0 : i32
      %dma_start3A_35 = tpu.memref_slice %arg2[%dma_start3A_33, %dma_start3A_34] : memref<10000x16xf32, #tpu.memory_space<hbm>> -> memref<10000x16xf32, #tpu.memory_space<hbm>>
      tpu.enqueue_indirect_dma source(%dma_start3A_35 : memref<10000x16xf32, #tpu.memory_space<hbm>>) target(%arg11 : memref<400x16xf32, #tpu.memory_space<vmem>>) offsets(%arg9 : memref<400xi32, #tpu.memory_space<vmem>>) semaphore(%arg15 : memref<!tpu.dma_semaphore, #tpu.memory_space<semaphore_mem>>)
      %dma_wait3A = arith.constant 0 : i32
      %dma_wait3A_36 = arith.constant 0 : i32
      %dma_wait3A_37 = tpu.memref_slice %arg2[%dma_wait3A, %dma_wait3A_36] : memref<10000x16xf32, #tpu.memory_space<hbm>> -> memref<10000x16xf32, #tpu.memory_space<hbm>>
      tpu.wait_indirect_dma semaphore(%arg15 : memref<!tpu.dma_semaphore, #tpu.memory_space<semaphore_mem>>) src(%dma_wait3A_37 : memref<10000x16xf32, #tpu.memory_space<hbm>>) dst(%arg10 : memref<400x16xf32, #tpu.memory_space<vmem>>)
      %dma_wait3A_38 = arith.constant 0 : i32
      %dma_wait3A_39 = arith.constant 0 : i32
      %dma_wait3A_40 = tpu.memref_slice %arg2[%dma_wait3A_38, %dma_wait3A_39] : memref<10000x16xf32, #tpu.memory_space<hbm>> -> memref<10000x16xf32, #tpu.memory_space<hbm>>
      tpu.wait_indirect_dma semaphore(%arg15 : memref<!tpu.dma_semaphore, #tpu.memory_space<semaphore_mem>>) src(%dma_wait3A_40 : memref<10000x16xf32, #tpu.memory_space<hbm>>) dst(%arg11 : memref<400x16xf32, #tpu.memory_space<vmem>>)
      %scan3A_41 = arith.constant 0 : i32
      %scan3A_42 = arith.constant 25 : i32
      %scan3A_43 = arith.addi %scan3A_41, %scan3A_42 : i32
      %scan3A_44 = arith.constant 1 : i32
      %scan3A_45 = scf.for %scan3A_47 = %scan3A_41 to %scan3A_43 step %scan3A_44 iter_args(%scan3A_48 = %scan3A_27) -> (vector<16xf32>)  : i32 {
        %mul3A_49 = arith.constant 16 : i32
        %mul3A_50 = arith.muli %scan3A_47, %mul3A_49 : i32
        %add3A_51 = vector.broadcast %mul3A_50 : i32 to vector<16xi32>
        %add3A_52 = arith.addi %iota3A, %add3A_51 : vector<16xi32>
        %gather3A = tpu.vector_load_idx %arg10[%add3A_52, %broadcast_in_dim3A_4] : memref<400x16xf32, #tpu.memory_space<vmem>>[vector<16xi32>, vector<16xi32>], vector<16xf32>,
        %gather3A_53 = tpu.vector_load_idx %arg10[%add3A_52, %add3A_7] : memref<400x16xf32, #tpu.memory_space<vmem>>[vector<16xi32>, vector<16xi32>], vector<16xf32>,
        %gather3A_54 = tpu.vector_load_idx %arg11[%add3A_52, %add3A_10] : memref<400x16xf32, #tpu.memory_space<vmem>>[vector<16xi32>, vector<16xi32>], vector<16xf32>,
        %gather3A_55 = tpu.vector_load_idx %arg11[%add3A_52, %add3A_13] : memref<400x16xf32, #tpu.memory_space<vmem>>[vector<16xi32>, vector<16xi32>], vector<16xf32>,
        %add3A_56 = arith.addf %gather3A, %gather3A_54 : vector<16xf32>
        %mul3A_57 = arith.constant 2.000000e-01 : f32
        %mul3A_58 = vector.broadcast %mul3A_57 : f32 to vector<16xf32>
        %mul3A_59 = arith.mulf %mul3A_58, %add3A_56 : vector<16xf32>
        %max3A = arith.maximumf %add3A_56, %mul3A_59 : vector<16xf32>
        %add3A_60 = arith.addf %gather3A_53, %gather3A_55 : vector<16xf32>
        %mul3A_61 = arith.constant 2.000000e-01 : f32
        %mul3A_62 = vector.broadcast %mul3A_61 : f32 to vector<16xf32>
        %mul3A_63 = arith.mulf %mul3A_62, %add3A_60 : vector<16xf32>
        %max3A_64 = arith.maximumf %add3A_60, %mul3A_63 : vector<16xf32>
        %mul3A_65 = vector.broadcast %squeeze3A : f32 to vector<16xf32>
        %mul3A_66 = arith.mulf %max3A, %mul3A_65 : vector<16xf32>
        %mul3A_67 = vector.broadcast %squeeze3A_3 : f32 to vector<16xf32>
        %mul3A_68 = arith.mulf %max3A_64, %mul3A_67 : vector<16xf32>
        %add3A_69 = arith.addf %mul3A_66, %mul3A_68 : vector<16xf32>
        %mul3A_70 = arith.constant 16 : i32
        %mul3A_71 = arith.muli %scan3A_47, %mul3A_70 : i32
        %swap3A_72 = arith.index_cast %mul3A_71 : i32 to index
        %swap3A_73 = tpu.vector_load %arg12[%swap3A_72] {strides = array<i32>} : memref<400xf32, #tpu.memory_space<vmem>>, vector<16xf32>,
        tpu.vector_store %arg12[%swap3A_72], %add3A_69 {strides = array<i32>} : memref<400xf32, #tpu.memory_space<vmem>>, vector<16xf32>,
        %max3A_74 = arith.maximumf %scan3A_48, %add3A_69 : vector<16xf32>
        scf.yield %max3A_74 : vector<16xf32>
      }
      %scan3A_46 = arith.constant 25 : i32
      "tpu.region"() ({
        %run_scoped3A = tpu.sem_alloc : memref<!tpu.dma_semaphore, #tpu.memory_space<semaphore_mem>>
        %dma_start3A_47 = tpu.memref_slice %arg6[%add3A_30] : memref<320000xf32, #tpu.memory_space<hbm>> -> memref<400xf32, #tpu.memory_space<hbm>>
        %dma_start3A_48 = tpu.memref_slice %arg6[%add3A_30] : memref<320000xf32, #tpu.memory_space<hbm>> -> memref<400xf32, #tpu.memory_space<hbm>>
        tpu.enqueue_dma source(%arg12 : memref<400xf32, #tpu.memory_space<vmem>>) target(%dma_start3A_48 : memref<400xf32, #tpu.memory_space<hbm>>) target_semaphore(%run_scoped3A : memref<!tpu.dma_semaphore, #tpu.memory_space<semaphore_mem>>)
        %dma_wait3A_49 = tpu.memref_slice %arg6[%add3A_30] : memref<320000xf32, #tpu.memory_space<hbm>> -> memref<400xf32, #tpu.memory_space<hbm>>
        %dma_wait3A_50 = tpu.memref_slice %arg6[%add3A_30] : memref<320000xf32, #tpu.memory_space<hbm>> -> memref<400xf32, #tpu.memory_space<hbm>>
        tpu.wait_dma2 semaphore(%run_scoped3A : memref<!tpu.dma_semaphore, #tpu.memory_space<semaphore_mem>>) src(%arg12 : memref<400xf32, #tpu.memory_space<vmem>>) dst(%dma_wait3A_50 : memref<400xf32, #tpu.memory_space<hbm>>)
        tpu.yield
      }) : () -> ()
      scf.yield %scan3A_45 : vector<16xf32>
    }
    %scan3A_22 = arith.constant 25 : i32
    %swap3A = arith.constant 0 : index
    %swap3A_23 = tpu.vector_load %arg14[%swap3A] {strides = array<i32>} : memref<16xf32, #tpu.memory_space<vmem>>, vector<16xf32>,
    tpu.vector_store %arg14[%swap3A], %scan3A_21 {strides = array<i32>} : memref<16xf32, #tpu.memory_space<vmem>>, vector<16xf32>,
    %mul3A_24 = arith.constant 16 : i32
    %mul3A_25 = arith.muli %add3A, %mul3A_24 : i32
    "tpu.region"() ({
      %run_scoped3A = tpu.sem_alloc : memref<!tpu.dma_semaphore, #tpu.memory_space<semaphore_mem>>
      %dma_start3A = tpu.memref_slice %arg7[%mul3A_25] : memref<512xf32, #tpu.memory_space<hbm>> -> memref<16xf32, #tpu.memory_space<hbm>>
      %dma_start3A_26 = tpu.memref_slice %arg7[%mul3A_25] : memref<512xf32, #tpu.memory_space<hbm>> -> memref<16xf32, #tpu.memory_space<hbm>>
      tpu.enqueue_dma source(%arg14 : memref<16xf32, #tpu.memory_space<vmem>>) target(%dma_start3A_26 : memref<16xf32, #tpu.memory_space<hbm>>) target_semaphore(%run_scoped3A : memref<!tpu.dma_semaphore, #tpu.memory_space<semaphore_mem>>)
      %dma_wait3A = tpu.memref_slice %arg7[%mul3A_25] : memref<512xf32, #tpu.memory_space<hbm>> -> memref<16xf32, #tpu.memory_space<hbm>>
      %dma_wait3A_27 = tpu.memref_slice %arg7[%mul3A_25] : memref<512xf32, #tpu.memory_space<hbm>> -> memref<16xf32, #tpu.memory_space<hbm>>
      tpu.wait_dma2 semaphore(%run_scoped3A : memref<!tpu.dma_semaphore, #tpu.memory_space<semaphore_mem>>) src(%arg14 : memref<16xf32, #tpu.memory_space<vmem>>) dst(%dma_wait3A_27 : memref<16xf32, #tpu.memory_space<hbm>>)
      tpu.yield
    }) : () -> ()
    return
  }
}

module attributes {stable_mosaic.version = 14 : i64} {
  func.func @body(%arg0: memref<10000x128xf32, #tpu.memory_space<vmem>>, %arg1: memref<128x128xf32, #tpu.memory_space<vmem>>, %arg2: memref<10000x64xf32, #tpu.memory_space<vmem>>, %arg3: memref<10000x64xf32, #tpu.memory_space<vmem>>) attributes {dimension_semantics = [], scalar_prefetch = 0 : i64, scratch_operands = 0 : i64, tpu.core_type = #tpu.core_type<tc>} {
    %get3A = arith.constant 0 : index
    %get3A_0 = arith.constant 0 : index
    %get3A_1 = vector.load %arg0[%get3A, %get3A_0] : memref<10000x128xf32, #tpu.memory_space<vmem>>, vector<10000x128xf32>
    %get3A_2 = arith.constant 0 : index
    %get3A_3 = arith.constant 0 : index
    %get3A_4 = vector.load %arg1[%get3A_2, %get3A_3] : memref<128x128xf32, #tpu.memory_space<vmem>>, vector<128x128xf32>
    %dot_general3A = arith.constant dense<0.000000e+00> : vector<10000x128xf32>
    %dot_general3A_5 = tpu.matmul %get3A_1, %get3A_4, %dot_general3A {dimension_numbers = #tpu.dot_dimension_numbers<[1], [0], [0], [1], [0, 0, 1, 1], [], []>, transpose_lhs_hint = false} : vector<10000x128xf32>, vector<128x128xf32>, vector<10000x128xf32> -> vector<10000x128xf32>
    %slice3A = vector.extract_strided_slice %dot_general3A_5 {offsets = [0, 0], sizes = [10000, 64], strides = [1, 1]} : vector<10000x128xf32> to vector<10000x64xf32>
    %swap3A = arith.constant 0 : index
    %swap3A_6 = arith.constant 0 : index
    %swap3A_7 = vector.load %arg2[%swap3A, %swap3A_6] : memref<10000x64xf32, #tpu.memory_space<vmem>>, vector<10000x64xf32>
    tpu.vector_store %arg2[%swap3A, %swap3A_6], %slice3A {strides = array<i32>} : memref<10000x64xf32, #tpu.memory_space<vmem>>, vector<10000x64xf32>,
    %slice3A_8 = vector.extract_strided_slice %dot_general3A_5 {offsets = [0, 64], sizes = [10000, 64], strides = [1, 1]} : vector<10000x128xf32> to vector<10000x64xf32>
    %swap3A_9 = arith.constant 0 : index
    %swap3A_10 = arith.constant 0 : index
    %swap3A_11 = vector.load %arg3[%swap3A_9, %swap3A_10] : memref<10000x64xf32, #tpu.memory_space<vmem>>, vector<10000x64xf32>
    tpu.vector_store %arg3[%swap3A_9, %swap3A_10], %slice3A_8 {strides = array<i32>} : memref<10000x64xf32, #tpu.memory_space<vmem>>, vector<10000x64xf32>,
    return
  }
}

module attributes {stable_mosaic.version = 14 : i64} {
  func.func @body(%arg0: memref<2x10000x80xf32, #tpu.memory_space<vmem>>, %arg1: memref<64xf32, #tpu.memory_space<vmem>>, %arg2: memref<64xf32, #tpu.memory_space<vmem>>, %arg3: memref<64xf32, #tpu.memory_space<vmem>>, %arg4: memref<4x64xf32, #tpu.memory_space<vmem>>, %arg5: memref<64x16xf32, #tpu.memory_space<vmem>>, %arg6: memref<64x2xf32, #tpu.memory_space<vmem>>, %arg7: memref<2xf32, #tpu.memory_space<vmem>>, %arg8: memref<10000x16xf32, #tpu.memory_space<vmem>>, %arg9: memref<10000x2xf32, #tpu.memory_space<vmem>>) attributes {dimension_semantics = [], scalar_prefetch = 0 : i64, scratch_operands = 0 : i64, tpu.core_type = #tpu.core_type<tc>} {
    %get3A = arith.constant 0 : index
    %get3A_0 = arith.constant 0 : index
    %get3A_1 = arith.constant 0 : index
    %get3A_2 = vector.load %arg0[%get3A, %get3A_0, %get3A_1] : memref<2x10000x80xf32, #tpu.memory_space<vmem>>, vector<1x10000x80xf32>
    %get3A_3 = vector.shape_cast %get3A_2 : vector<1x10000x80xf32> to vector<10000x80xf32>
    %get3A_4 = arith.constant 1 : index
    %get3A_5 = arith.constant 0 : index
    %get3A_6 = arith.constant 0 : index
    %get3A_7 = vector.load %arg0[%get3A_4, %get3A_5, %get3A_6] : memref<2x10000x80xf32, #tpu.memory_space<vmem>>, vector<1x10000x80xf32>
    %get3A_8 = vector.shape_cast %get3A_7 : vector<1x10000x80xf32> to vector<10000x80xf32>
    %add3A = arith.addf %get3A_3, %get3A_8 : vector<10000x80xf32>
    %slice3A = vector.extract_strided_slice %add3A {offsets = [0, 0], sizes = [10000, 64], strides = [1, 1]} : vector<10000x80xf32> to vector<10000x64xf32>
    %slice3A_9 = vector.extract_strided_slice %add3A {offsets = [0, 64], sizes = [10000, 4], strides = [1, 1]} : vector<10000x80xf32> to vector<10000x4xf32>
    %add3A_10 = arith.constant 1.000000e-16 : f32
    %add3A_11 = vector.broadcast %add3A_10 : f32 to vector<10000x4xf32>
    %add3A_12 = arith.addf %slice3A_9, %add3A_11 : vector<10000x4xf32>
    %div3A = arith.constant 1.000000e+00 : f32
    %div3A_13 = vector.broadcast %div3A : f32 to vector<10000x4xf32>
    %div3A_14 = arith.divf %div3A_13, %add3A_12 : vector<10000x4xf32>
    %get3A_15 = arith.constant 0 : index
    %get3A_16 = arith.constant 0 : index
    %get3A_17 = vector.load %arg4[%get3A_15, %get3A_16] : memref<4x64xf32, #tpu.memory_space<vmem>>, vector<4x64xf32>
    %dot_general3A = arith.constant dense<0.000000e+00> : vector<10000x64xf32>
    %dot_general3A_18 = tpu.matmul %div3A_14, %get3A_17, %dot_general3A {dimension_numbers = #tpu.dot_dimension_numbers<[1], [0], [0], [1], [0, 0, 1, 1], [], []>, transpose_lhs_hint = false} : vector<10000x4xf32>, vector<4x64xf32>, vector<10000x64xf32> -> vector<10000x64xf32>
    %mul3A = arith.mulf %slice3A, %dot_general3A_18 : vector<10000x64xf32>
    %get3A_19 = arith.constant 0 : index
    %get3A_20 = vector.load %arg1[%get3A_19] : memref<64xf32, #tpu.memory_space<vmem>>, vector<64xf32>
    %broadcast_in_dim3A = vector.shape_cast %get3A_20 : vector<64xf32> to vector<1x64xf32>
    %add3A_21 = vector.broadcast %broadcast_in_dim3A : vector<1x64xf32> to vector<10000x64xf32>
    %add3A_22 = arith.addf %mul3A, %add3A_21 : vector<10000x64xf32>
    %gt3A = arith.constant 0.000000e+00 : f32
    %gt3A_23 = vector.broadcast %gt3A : f32 to vector<10000x64xf32>
    %gt3A_24 = arith.cmpf ogt, %add3A_22, %gt3A_23 : vector<10000x64xf32>
    %exp3A = math.exp %add3A_22 : vector<10000x64xf32>
    %sub3A = arith.constant 1.000000e+00 : f32
    %sub3A_25 = vector.broadcast %sub3A : f32 to vector<10000x64xf32>
    %sub3A_26 = arith.subf %exp3A, %sub3A_25 : vector<10000x64xf32>
    %select_n3A = arith.select %gt3A_24, %add3A_22, %sub3A_26 : vector<10000x64xi1>, vector<10000x64xf32>
    %reduce_sum3A = arith.constant dense<0.000000e+00> : vector<64xf32>
    %reduce_sum3A_27 = vector.multi_reduction <add>, %select_n3A, %reduce_sum3A [0] : vector<10000x64xf32> to vector<64xf32>
    %div3A_28 = arith.constant 1.000000e+04 : f32
    %div3A_29 = vector.broadcast %div3A_28 : f32 to vector<64xf32>
    %div3A_30 = arith.divf %reduce_sum3A_27, %div3A_29 : vector<64xf32>
    %broadcast_in_dim3A_31 = vector.shape_cast %div3A_30 : vector<64xf32> to vector<1x64xf32>
    %sub3A_32 = vector.broadcast %broadcast_in_dim3A_31 : vector<1x64xf32> to vector<10000x64xf32>
    %sub3A_33 = arith.subf %select_n3A, %sub3A_32 : vector<10000x64xf32>
    %mul3A_34 = arith.mulf %sub3A_33, %sub3A_33 : vector<10000x64xf32>
    %reduce_sum3A_35 = arith.constant dense<0.000000e+00> : vector<64xf32>
    %reduce_sum3A_36 = vector.multi_reduction <add>, %mul3A_34, %reduce_sum3A_35 [0] : vector<10000x64xf32> to vector<64xf32>
    %div3A_37 = arith.constant 1.000000e+04 : f32
    %div3A_38 = vector.broadcast %div3A_37 : f32 to vector<64xf32>
    %div3A_39 = arith.divf %reduce_sum3A_36, %div3A_38 : vector<64xf32>
    %get3A_40 = arith.constant 0 : index
    %get3A_41 = vector.load %arg2[%get3A_40] : memref<64xf32, #tpu.memory_space<vmem>>, vector<64xf32>
    %broadcast_in_dim3A_42 = vector.shape_cast %get3A_41 : vector<64xf32> to vector<1x64xf32>
    %mul3A_43 = vector.broadcast %broadcast_in_dim3A_42 : vector<1x64xf32> to vector<10000x64xf32>
    %mul3A_44 = arith.mulf %mul3A_43, %sub3A_33 : vector<10000x64xf32>
    %add3A_45 = arith.constant 9.99999974E-6 : f32
    %add3A_46 = vector.broadcast %add3A_45 : f32 to vector<64xf32>
    %add3A_47 = arith.addf %div3A_39, %add3A_46 : vector<64xf32>
    %sqrt3A = math.sqrt %add3A_47 : vector<64xf32>
    %broadcast_in_dim3A_48 = vector.shape_cast %sqrt3A : vector<64xf32> to vector<1x64xf32>
    %div3A_49 = vector.broadcast %broadcast_in_dim3A_48 : vector<1x64xf32> to vector<10000x64xf32>
    %div3A_50 = arith.divf %mul3A_44, %div3A_49 : vector<10000x64xf32>
    %get3A_51 = arith.constant 0 : index
    %get3A_52 = vector.load %arg3[%get3A_51] : memref<64xf32, #tpu.memory_space<vmem>>, vector<64xf32>
    %broadcast_in_dim3A_53 = vector.shape_cast %get3A_52 : vector<64xf32> to vector<1x64xf32>
    %add3A_54 = vector.broadcast %broadcast_in_dim3A_53 : vector<1x64xf32> to vector<10000x64xf32>
    %add3A_55 = arith.addf %div3A_50, %add3A_54 : vector<10000x64xf32>
    %get3A_56 = arith.constant 0 : index
    %get3A_57 = arith.constant 0 : index
    %get3A_58 = vector.load %arg5[%get3A_56, %get3A_57] : memref<64x16xf32, #tpu.memory_space<vmem>>, vector<64x16xf32>
    %dot_general3A_59 = arith.constant dense<0.000000e+00> : vector<10000x16xf32>
    %dot_general3A_60 = tpu.matmul %add3A_55, %get3A_58, %dot_general3A_59 {dimension_numbers = #tpu.dot_dimension_numbers<[1], [0], [0], [1], [0, 0, 1, 1], [], []>, transpose_lhs_hint = false} : vector<10000x64xf32>, vector<64x16xf32>, vector<10000x16xf32> -> vector<10000x16xf32>
    %swap3A = arith.constant 0 : index
    %swap3A_61 = arith.constant 0 : index
    %swap3A_62 = vector.load %arg8[%swap3A, %swap3A_61] : memref<10000x16xf32, #tpu.memory_space<vmem>>, vector<10000x16xf32>
    tpu.vector_store %arg8[%swap3A, %swap3A_61], %dot_general3A_60 {strides = array<i32>} : memref<10000x16xf32, #tpu.memory_space<vmem>>, vector<10000x16xf32>,
    %get3A_63 = arith.constant 0 : index
    %get3A_64 = arith.constant 0 : index
    %get3A_65 = vector.load %arg6[%get3A_63, %get3A_64] : memref<64x2xf32, #tpu.memory_space<vmem>>, vector<64x2xf32>
    %dot_general3A_66 = arith.constant dense<0.000000e+00> : vector<10000x2xf32>
    %dot_general3A_67 = tpu.matmul %add3A_55, %get3A_65, %dot_general3A_66 {dimension_numbers = #tpu.dot_dimension_numbers<[1], [0], [0], [1], [0, 0, 1, 1], [], []>, transpose_lhs_hint = false} : vector<10000x64xf32>, vector<64x2xf32>, vector<10000x2xf32> -> vector<10000x2xf32>
    %get3A_68 = arith.constant 0 : index
    %get3A_69 = vector.load %arg7[%get3A_68] : memref<2xf32, #tpu.memory_space<vmem>>, vector<2xf32>
    %broadcast_in_dim3A_70 = vector.shape_cast %get3A_69 : vector<2xf32> to vector<1x2xf32>
    %add3A_71 = vector.broadcast %broadcast_in_dim3A_70 : vector<1x2xf32> to vector<10000x2xf32>
    %add3A_72 = arith.addf %dot_general3A_67, %add3A_71 : vector<10000x2xf32>
    %swap3A_73 = arith.constant 0 : index
    %swap3A_74 = arith.constant 0 : index
    %swap3A_75 = vector.load %arg9[%swap3A_73, %swap3A_74] : memref<10000x2xf32, #tpu.memory_space<vmem>>, vector<10000x2xf32>
    tpu.vector_store %arg9[%swap3A_73, %swap3A_74], %add3A_72 {strides = array<i32>} : memref<10000x2xf32, #tpu.memory_space<vmem>>, vector<10000x2xf32>,
    return
  }
}

module attributes {stable_mosaic.version = 14 : i64} {
  func.func @body(%arg0: memref<2x10000x8xf32, #tpu.memory_space<vmem>>, %arg1: memref<10000x2xf32, #tpu.memory_space<vmem>>, %arg2: memref<2xf32, #tpu.memory_space<vmem>>, %arg3: memref<10000x2xf32, #tpu.memory_space<vmem>>) attributes {dimension_semantics = [], scalar_prefetch = 0 : i64, scratch_operands = 0 : i64, tpu.core_type = #tpu.core_type<tc>} {
    %get3A = arith.constant 0 : index
    %get3A_0 = arith.constant 0 : index
    %get3A_1 = arith.constant 0 : index
    %get3A_2 = vector.load %arg0[%get3A, %get3A_0, %get3A_1] : memref<2x10000x8xf32, #tpu.memory_space<vmem>>, vector<1x10000x8xf32>
    %get3A_3 = vector.shape_cast %get3A_2 : vector<1x10000x8xf32> to vector<10000x8xf32>
    %get3A_4 = arith.constant 1 : index
    %get3A_5 = arith.constant 0 : index
    %get3A_6 = arith.constant 0 : index
    %get3A_7 = vector.load %arg0[%get3A_4, %get3A_5, %get3A_6] : memref<2x10000x8xf32, #tpu.memory_space<vmem>>, vector<1x10000x8xf32>
    %get3A_8 = vector.shape_cast %get3A_7 : vector<1x10000x8xf32> to vector<10000x8xf32>
    %add3A = arith.addf %get3A_3, %get3A_8 : vector<10000x8xf32>
    %slice3A = vector.extract_strided_slice %add3A {offsets = [0, 0], sizes = [10000, 2], strides = [1, 1]} : vector<10000x8xf32> to vector<10000x2xf32>
    %slice3A_9 = vector.extract_strided_slice %add3A {offsets = [0, 2], sizes = [10000, 2], strides = [1, 1]} : vector<10000x8xf32> to vector<10000x2xf32>
    %add3A_10 = arith.constant 1.000000e-16 : f32
    %add3A_11 = vector.broadcast %add3A_10 : f32 to vector<10000x2xf32>
    %add3A_12 = arith.addf %slice3A_9, %add3A_11 : vector<10000x2xf32>
    %div3A = arith.divf %slice3A, %add3A_12 : vector<10000x2xf32>
    %get3A_13 = arith.constant 0 : index
    %get3A_14 = vector.load %arg2[%get3A_13] : memref<2xf32, #tpu.memory_space<vmem>>, vector<2xf32>
    %broadcast_in_dim3A = vector.shape_cast %get3A_14 : vector<2xf32> to vector<1x2xf32>
    %add3A_15 = vector.broadcast %broadcast_in_dim3A : vector<1x2xf32> to vector<10000x2xf32>
    %add3A_16 = arith.addf %div3A, %add3A_15 : vector<10000x2xf32>
    %get3A_17 = arith.constant 0 : index
    %get3A_18 = arith.constant 0 : index
    %get3A_19 = vector.load %arg1[%get3A_17, %get3A_18] : memref<10000x2xf32, #tpu.memory_space<vmem>>, vector<10000x2xf32>
    %add3A_20 = arith.addf %add3A_16, %get3A_19 : vector<10000x2xf32>
    %gt3A = arith.constant 0.000000e+00 : f32
    %gt3A_21 = vector.broadcast %gt3A : f32 to vector<10000x2xf32>
    %gt3A_22 = arith.cmpf ogt, %add3A_20, %gt3A_21 : vector<10000x2xf32>
    %exp3A = math.exp %add3A_20 : vector<10000x2xf32>
    %sub3A = arith.constant 1.000000e+00 : f32
    %sub3A_23 = vector.broadcast %sub3A : f32 to vector<10000x2xf32>
    %sub3A_24 = arith.subf %exp3A, %sub3A_23 : vector<10000x2xf32>
    %select_n3A = arith.select %gt3A_22, %add3A_20, %sub3A_24 : vector<10000x2xi1>, vector<10000x2xf32>
    %swap3A = arith.constant 0 : index
    %swap3A_25 = arith.constant 0 : index
    %swap3A_26 = vector.load %arg3[%swap3A, %swap3A_25] : memref<10000x2xf32, #tpu.memory_space<vmem>>, vector<10000x2xf32>
    tpu.vector_store %arg3[%swap3A, %swap3A_25], %select_n3A {strides = array<i32>} : memref<10000x2xf32, #tpu.memory_space<vmem>>, vector<10000x2xf32>,
    return
  }
}

</mosaic_0001>

<sc_bundles>
// kernel: kernel.12.cloned.1.call-start
scs
__scs_entry_jumppad:
0x0: {  	(pc) =	sbr.rel $0x88, $3  }
0x1: {  	(tag) =	ssettag $0x0;
	lr =	simm.s32 $0x1  }
0x2: {  	[smem:$0x3F93] =	sst lr;
	_ =	strace $0xD0000000  }
0x3: {  	_ = 	snop  }
0x4: {  	_ = 	snop  }
0x5: {  	_ = 	snop  }
0x6: {  	_ = 	snop  }
0x7: {  	_ = 	snop  }
__scs_overlays_trampoline_lowered:
0x8: {  	[smem:$0x3FA2] =	sst s0  }
0x9: {  	[smem:$0x3FA3] =	sst s1  }
0xa: {  	[smem:$0x3FA4] =	sst s2  }
0xb: {  	[smem:$0x3FA5] =	sst s3  }
0xc: {  	[smem:$0x3FA6] =	sst s4  }
0xd: {  	[smem:$0x3FA7] =	sst s5  }
0xe: {  	[smem:$0x3FA8] =	sst s6  }
0xf: {  	[smem:$0x3FA9] =	sst s7  }
0x10: {  	[smem:$0x3FAA] =	sst s8  }
0x11: {  	[smem:$0x3FAB] =	sst s9;
	s0 =	simm.s32 @!p0 $0x0  }
0x12: {  	s1 =	sld [smem:$0x3F91];
	s0 =	simm.s32 @p0 $0x1  }
0x13: {  	[smem:$0x3FAC] =	sst s0;
	s0 =	simm.s32 @!p1 $0x0  }
0x14: {  	s2 =	sld [smem:$0x3F90];
	s0 =	simm.s32 @p1 $0x1  }
0x15: {  	[smem:$0x3FAD] =	sst s0;
	s0 =	simm.s32 @!p2 $0x0  }
0x16: {  	s3 =	sld [smem:$0x3FDB];
	s0 =	simm.s32 @p2 $0x1  }
0x17: {  	s4 =	simm.s32 $0x1BF5;
	[smem:$0x3FAF] =	sst s0  }
0x18: {  	s0 =	sld [smem:$0x3F92];
	_ =	swait.ge [sflag:s4], $0x0  }
0x19: {  	s7 =	sld [smem:$0x3F93]  }
0x1a: {  	s8 =	sadd.s32 $0xFFFFE003, lr  }
0x1b: {  	s9 =	sadd.s32 $0xFFFFFEF7, lr;
	s5 =	simm.s32 $0xFFFFFFFF;
	p2 =	slt.u32 s8, $0xFFFFF086  }
0x1c: {  	p1 =	slt.u32 s9, $0xF7A;
	s5 =	simm.s32 @!p2 $0x0  }
0x1d: {  	s5 =	simm.s32 @p1 $0x1;
	p0 =	seq.s32 s7, s2  }
0x1e: {  	s7 =	smul.u32 @!p0 $0xF7A, s2;
	p2 =	seq.s32 @!p0 s5, $0x0  }
0x1f: {  	s9 =	smul.u32 $0xF7A, s1;
	s8 =	simm.s32 @!p0 $0x1BF5;
	p2 =	por !p2, p0  }
0x20: {  	[sflag:s8] =	ssyncset.s32 @!p0 $0xFFFFF086;
	s6 =	sadd.s32 @!p0 s3, s7;
	s7 =	simm.s32 @!p0 $0x108  }
0x21: {  	s3 =	sadd.s32 s3, s9;
	s6 =	sadd.s32 @!p0 $0x88, s6;
	s7 =	simm.s32 @p2 $0x1082  }
0x22: {  	[simem:s7], [sflag:s8] =	dma.local @!p0 [hbm:s6], $0xF7A  }
0x23: {  	s9 =	sor.u32 $0xD0000000, s2;
	s6 =	simm.s32 $0x108;
	_ =	swait.ge @!p0 [sflag:s8], $0x0  }
0x24: {  	s3 =	sadd.s32 $0x88, s3;
	s6 =	simm.s32 @!p1 $0x1082;
	[sflag:s4] =	ssyncset.s32 $0xFFFFF086  }
0x25: {  	[simem:s6], [sflag:s4] =	dma.local [hbm:s3], $0xF7A  }
0x26: {  	[smem:$0x3F93] =	sst s1;
	(tag) =	ssettag s2;
	_ =	strace s9  }
0x27: {  	s1 =	sld [smem:$0x3FA3]  }
0x28: {  	s2 =	sld [smem:$0x3FA4]  }
0x29: {  	s4 =	sld [smem:$0x3FA6]  }
0x2a: {  	p0 =	seq.s32 s5, $0x0;
	s5 =	sld [smem:$0x3FA7]  }
0x2b: {  	s6 =	sld [smem:$0x3FA8]  }
0x2c: {  	s7 =	sld [smem:$0x3FA9]  }
0x2d: {  	s3 =	simm.s32 $0x108;
	s8 =	sld [smem:$0x3FAA]  }
0x2e: {  	s3 =	simm.s32 @!p0 $0x1082;
	s9 =	sld [smem:$0x3FAB]  }
0x2f: {  	lr =	sadd.s32 s0, s3;
	s0 =	sld [smem:$0x3FA2]  }
0x30: {  	s3 =	sld [smem:$0x3FA5]  }
0x31: {  	[smem:$0x3FAE] =	sst s10  }
0x32: {  	s10 =	sld [smem:$0x3FAC];
	_ =	sdelay $0x3  }
0x33: {  	p0 =	seq.s32 s10, $0x1;
	s10 =	sld [smem:$0x3FAE];
	_ =	sdelay $0x3  }
0x34: {  	[smem:$0x3FAE] =	sst s10  }
0x35: {  	s10 =	sld [smem:$0x3FAD];
	_ =	sdelay $0x3  }
0x36: {  	p1 =	seq.s32 s10, $0x1;
	s10 =	sld [smem:$0x3FAE];
	_ =	sdelay $0x3  }
0x37: {  	[smem:$0x3FAE] =	sst s10  }
0x38: {  	s10 =	sld [smem:$0x3FAF]  }
0x39: {  	_ = 	snop;
	(pc) =	sbr.ind lr, $3  }
0x3a: {  	_ = 	snop  }
0x3b: {  	_ = 	snop  }
0x3c: {  	p2 =	seq.s32 s10, $0x1;
	s10 =	sld [smem:$0x3FAE]  }
0x3d: {  	_ =	shalt  }
0x3e: {  	_ =	shalt  }
0x3f: {  	_ =	shalt  }
0x40: {  	_ =	shalt  }
0x41: {  	_ =	shalt  }
0x42: {  	_ =	shalt  }
0x43: {  	_ =	shalt  }
0x44: {  	_ =	shalt  }
0x45: {  	_ =	shalt  }
0x46: {  	_ =	shalt  }
0x47: {  	_ =	shalt  }
0x48: {  	_ =	shalt  }
0x49: {  	_ =	shalt  }
0x4a: {  	_ =	shalt  }
0x4b: {  	_ =	shalt  }
0x4c: {  	_ =	shalt  }
0x4d: {  	_ =	shalt  }
0x4e: {  	_ =	shalt  }
0x4f: {  	_ =	shalt  }
0x50: {  	_ =	shalt  }
0x51: {  	_ =	shalt  }
0x52: {  	_ =	shalt  }
0x53: {  	_ =	shalt  }
0x54: {  	_ =	shalt  }
0x55: {  	_ =	shalt  }
0x56: {  	_ =	shalt  }
0x57: {  	_ =	shalt  }
0x58: {  	_ =	shalt  }
0x59: {  	_ =	shalt  }
0x5a: {  	_ =	shalt  }
0x5b: {  	_ =	shalt  }
0x5c: {  	_ =	shalt  }
0x5d: {  	_ =	shalt  }
0x5e: {  	_ =	shalt  }
0x5f: {  	_ =	shalt  }
0x60: {  	_ =	shalt  }
0x61: {  	_ =	shalt  }
0x62: {  	_ =	shalt  }
0x63: {  	_ =	shalt  }
0x64: {  	_ =	shalt  }
0x65: {  	_ =	shalt  }
0x66: {  	_ =	shalt  }
0x67: {  	_ =	shalt  }
0x68: {  	_ =	shalt  }
0x69: {  	_ =	shalt  }
0x6a: {  	_ =	shalt  }
0x6b: {  	_ =	shalt  }
0x6c: {  	_ =	shalt  }
0x6d: {  	_ =	shalt  }
0x6e: {  	_ =	shalt  }
0x6f: {  	_ =	shalt  }
0x70: {  	_ =	shalt  }
0x71: {  	_ =	shalt  }
0x72: {  	_ =	shalt  }
0x73: {  	_ =	shalt  }
0x74: {  	_ =	shalt  }
0x75: {  	_ =	shalt  }
0x76: {  	_ =	shalt  }
0x77: {  	_ =	shalt  }
0x78: {  	_ =	shalt  }
0x79: {  	_ =	shalt  }
0x7a: {  	_ =	shalt  }
0x7b: {  	_ =	shalt  }
0x7c: {  	_ =	shalt  }
0x7d: {  	_ =	shalt  }
0x7e: {  	_ =	shalt  }
0x7f: {  	_ =	shalt  }
0x80: {  	_ =	shalt  }
0x81: {  	_ =	shalt  }
0x82: {  	_ =	shalt  }
0x83: {  	_ =	shalt  }
0x84: {  	_ =	shalt  }
0x85: {  	_ =	shalt  }
0x86: {  	_ =	shalt  }
0x87: {  	_ =	shalt  }
.Lfunc_end0:
.L_simem_size_0:
called_computation.1_lowered:
.L_overlay_start_0:
0x88: {  	s2 =	sld [smem:$0x3FD9]  }
0x89: {  	s3 =	sld [smem:$0x3FFE];
	_ =	sdelay $0x1  }
0x8a: {  	s1 =	srdreg.scid  }
0x8b: {  	s0 =	sand.u32 $0x1, s1  }
0x8c: {  	s17 =	sshll.u32 s0, $0xA;
	s2 =	sadd.s32 s3, s2  }
0x8d: {  	s2 =	sadd.s32 s2, s17  }
0x8e: {  	[smem:$0x3FBA] =	sst s2  }
0x8f: {  	_ = 	snop  }
0x90: {  	s2 =	sld [smem:$0x3FD0];
	(tm) =	ssettm $0x1  }
0x91: {  	s18 =	sld [smem:$0x3FFB];
	_ =	sdelay $0x3  }
0x92: {  	_ =	strace s18  }
0x93: {  	s3 =	sld [smem:$0x3FFC];
	_ =	sdelay $0x3  }
0x94: {  	_ =	strace s3  }
0x95: {  	s3 =	sld [smem:$0x3FFD];
	_ =	sdelay $0x3  }
0x96: {  	_ =	strace s3  }
0x97: {  	_ =	strace $0x8FFFFFFF  }
0x98: {  	s19 =	sld [smem:$0x3FDB];
	_ =	sdelay $0x1  }
0x99: {  	s4 =	simm.s32 $_scs_section_size  }
0x9a: {  	s5 =	simm.s32 $_size__tile_overlayer_lowered;
	s6 =	simm.s32 $_tile_overlayer_lowered  }
0x9b: {  	s22 =	simm.s32 $0x1BFF;
	s21 =	sshll.u32 s6, $0x1;
	s3 =	sadd.s32 s4, s19  }
0x9c: {  	s7 =	simm.s32 $0x0;
	s20 =	sshll.u32 s5, $0x1;
	s5 =	sadd.s32 s21, s3  }
0x9d: {  	[timem:s7], [sflag:s22] =	dma.local [hbm:s5], s20  }
0x9e: {  	_ =	swait.ge [sflag:s22], s20  }
0x9f: {  	s4 =	ssub.s32 $0x0, s20;
	[sflag:s22] =	ssyncset.done $0x0  }
0xa0: {  	[sflag:s22] =	ssyncadd.s32 s4;
	_ =	sdelay $0x1  }
0xa1: {  	s23 =	simm.s32 $0x1B8B  }
0xa2: {  	_ =	swait.ge [sflag:s23], $0x1  }
0xa3: {  	[sflag:s23] =	ssyncset.done $0x0  }
0xa4: {  	s25 =	simm.s32 $0x1B8E;
	s24 =	sld [smem:$0x3FFE];
	[sflag:s23] =	ssyncadd.s32 $0xFFFFFFFF  }
0xa5: {  	s26 =	simm.s32 $execute0_lowered;
	[smem:$0x3FD2] =	sst s25  }
0xa6: {  	s5 =	sshll.u32 s26, $0x1;
	_ =	strace $0x80000049;
	[dreg:$0x1] =	wrdreg $0xFFFFFFFF  }
0xa7: {  	s28 =	simm.s32 $_size_execute0_lowered;
	s3 =	sadd.s32 s3, s5;
	[dreg:$0x0] =	wrdreg $0x0  }
0xa8: {  	s5 =	sshll.u32 s28, $0x1;
	[dreg:$0x2] =	wrdreg s3  }
0xa9: {  	[dreg:$0x3] =	wrdreg s5  }
0xaa: {  	[dreg:$0x4] =	wrdreg $0xC0  }
0xab: {  	_ =	task [dreg:s7], $0x5FFFF  }
0xac: {  	[dreg:$0x1] =	wrdreg $0xFFFFFFFF  }
0xad: {  	[dreg:$0x0] =	wrdreg $0x60  }
0xae: {  	[dreg:$0x2] =	wrdreg s24  }
0xaf: {  	[dreg:$0x3] =	wrdreg s2  }
0xb0: {  	[dreg:$0x4] =	wrdreg $0xB9A80  }
0xb1: {  	[dreg:$0x5] =	wrdreg $0x9  }
0xb2: {  	_ =	task.clear_ibuf [dreg:s7], $0x6FFFF;
	_ =	strace $0x90000049  }
0xb3: {  	s29 =	simm.s32 $0x9;
	_ =	strace $0x8000004B  }
0xb4: {  	_ =	swait.ge [sflag:s29], $0x1  }
0xb5: {  	[sflag:s29] =	ssyncadd.s32 $0xFFFFFFFF  }
0xb6: {  	_ =	strace $0x9000004B  }
0xb7: {  	_ =	sfence  }
0xb8: {  	s30 =	sld [smem:$0x0];
	_ =	sdelay $0x2  }
0xb9: {  	s31 =	sshll.u32 s1, $0xD;
	s1 =	sshrl.u32 s1, $0x2  }
0xba: {  	s3 =	sand.u32 $0x4000, s31;
	s1 =	sadd.s32 s1, s30  }
0xbb: {  	s0 =	sor.u32 s3, s0;
	s1 =	sshll.u32 s1, $0x11  }
0xbc: {  	s0 =	sor.u32 s1, s0  }
0xbd: {  	s0 =	sadd.s32 $0x8F2B, s0  }
0xbe: {  	[sflag:s0] =	ssyncadd.remote.s32 $0x1  }
0xbf: {  	_ =	sfence.sel $0xFFFF  }
0xc0: {  	[dreg:$0x0] =	wrdreg $0xFFFFFFFF;
	(pc) =	sbr.abs _section_cstart, $3  }
0xc1: {  	[dreg:$0x1] =	wrdreg $0xFFFFFFFF  }
0xc2: {  	_ =	task.clear_ibuf [dreg:s7], $0x2FFFF;
	_ =	strace $0x9FFFFFFF  }
0xc3: {  	(tm) =	ssettm $0x7FFFFFFF  }
tec
execute0_lowered:
.L_overlay_start_1:
0x0: {  	(tag) =	ssettag $0x1  }
0x1: {  	s0 =	rddreg [dreg:$0x0]  }
0x2: {  	s3 =	rddreg [dreg:$0x2]  }
0x3: {  	s4 =	simm.s32 $0x0;
	s1 =	srdreg.scid;
	s15 =	stileid.u32  }
0x4: {  	s18 =	simm.s32 $0x3AA8;
	s19 =	simm.s32 $0x7928;
	s20 =	simm.s32 $0x3458  }
0x5: {  	v0 =	vimm.s32 $0xEFCDAB89;
	s21 =	simm.s32 $0xC8;
	s22 =	simm.s32 $0x258;
	s23 =	simm.s32 $0x190  }
0x6: {  	v1 =	vimm.s32 $0x67452301;
	v2 =	vimm.s32 $0xDCFE98BA;
	v3 =	vimm.s32 $0x54761032;
	s24 =	simm.s32 $0x1;
	s25 =	simm.s32 $0x2;
	s26 =	simm.s32 $0x0  }
0x7: {  	v4 =	vimm.s32 $0xBA98FEDC;
	v5 =	vimm.s32 $0xFEDCBA98;
	[smem:$0x7FF] =	sst s4;
	s1 =	sand.u32 $0x1, s1;
	s2 =	smul.u32 $0xC350, s15  }
0x8: {  	v6 =	vimm.s32 $0x32107654;
	s5 =	sadd.s32 $0x16A00, s0;
	s6 =	sadd.s32 $0xCC00, s0;
	s7 =	sadd.s32 $0x2E00, s0  }
0x9: {  	v7 =	vimm.s32 $0x76543210;
	v0 =	vunpack.c.l.s4.s8 v0;
	s8 =	sadd.s32 $0x3E000, s0;
	s31 =	sshll.u32 s15, $0x6;
	_ =	strace $0x8000004A  }
0xa: {  	v1 =	vunpack.c.l.s4.s8 v1;
	v2 =	vunpack.c.l.s4.s8 v2;
	v3 =	vunpack.c.l.s4.s8 v3;
	s9 =	smul.u32 $0xC3500, s1;
	s11 =	ssub.s32 $0x2, s1;
	s1 =	sshll.u32 s1, $0x4  }
0xb: {  	v5 =	vunpack.c.l.s4.s8 v5;
	v4 =	vunpack.c.l.s4.s8 v4;
	v6 =	vunpack.c.l.s4.s8 v6;
	s16 =	sor.u32 $0x1C03, s31;
	s12 =	sshrl.u32 s11, $0x1;
	s1 =	sor.u32 s15, s1  }
.Ltmp0:
0xc: {  	v7 =	vunpack.c.l.s4.s8 v7;
	v0 =	vunpack.c.0.s8.s32 v0;
	v1 =	vunpack.c.0.s8.s32 v1;
	s14 =	sadd.s32 s2, s3;
	s15 =	simm.s32 $0x3;
	(pc) =	sbr.rel .LBB2_1-.Ltmp0, $4  }
0xd: {  	v2 =	vunpack.c.0.s8.s32 v2;
	v3 =	vunpack.c.0.s8.s32 v3;
	v5 =	vunpack.c.0.s8.s32 v5;
	s10 =	sadd.s32 s2, s9;
	s9 =	sadd.s32 $0x65200, s0;
	s13 =	ssub.s32 s11, s12  }
0xe: {  	v4 =	vunpack.c.0.s8.s32 v4;
	v6 =	vunpack.c.0.s8.s32 v6;
	v7 =	vunpack.c.0.s8.s32 v7;
	s2 =	sshrl.u32 s2, $0x3;
	s11 =	smul.u32 $0x2710, s1;
	s10 =	sshrl.u32 s10, $0x3  }
0xf: {  	s17 =	sshrl.u32 s14, $0x3;
	s2 =	sadd.s32 s9, s2;
	v0 =	vcombine.low v1, v0;
	v1 =	vcombine.low v3, v2;
	v3 =	vand.u32 $0xF, v5;
	s0 =	sadd.s32 s10, s0  }
0x10: {  	s13 =	smax.u32 s13, $0x1;
	v2 =	vcombine.low v6, v4;
	[dreg:$0x4] =	wrdreg s2;
	v3 =	vcombine.low v3, v7;
	s12 =	sadd.s32 $0x7DA00, s0  }
.LBB2_14:
0x11: {  	_ =	swait.ge [sflag:s25], $0x3E80  }
0x12: {  	[sflag:s25] =	ssyncset.done $0x0  }
0x13: {  	[sflag:s25] =	ssyncadd.s32 $0xFFFFC180  }
0x14: {  	_ =	swait.ge [sflag:s25], $0x3E80  }
0x15: {  	s26 =	sadd.s32 $0x1, s26;
	[sflag:s25] =	ssyncset.done $0x0  }
0x16: {  	p0 =	sne.s32 s26, s13;
	[sflag:s25] =	ssyncadd.s32 $0xFFFFC180  }
.Ltmp1:
0x17: {  	[bflag:$0x0] =	sbarrier.arrive $0xFFFF;
	(pc) =	sbr.rel @!p0 .LBB2_15-.Ltmp1, $4  }
0x18: {  	[hbm:s12], [sflag:s16] =	dma.local [spmem:s17], $0x186A  }
0x19: {  	_ =	swait.ge [sflag:s15], $0x186A  }
0x1a: {  	[sflag:s15] =	ssyncset.done $0x0  }
0x1b: {  	[sflag:s15] =	ssyncadd.s32 $0xFFFFE796  }
.LBB2_1:
0x1c: {  	s0 =	rddreg [dreg:$0x1];
	s1 =	simm.s32 $0xB7A8  }
0x1d: {  	[tilespmem:s1], [sflag:$0x3] =	stream.linear.gather [hbm4b:s0+s4], $0x200, $0x38;
	[tilespmem:$0x17CF8] =	vst v63  }
0x1e: {  	_ =	swait.ge [sflag:s15], $0x200  }
0x1f: {  	[sflag:s15] =	ssyncset.done $0x0  }
0x20: {  	[sflag:s15] =	ssyncadd.s32 $0xFFFFFE00  }
0x21: {  	v4 =	vld [tilespmem:$0xB7A8]  }
0x22: {  	v5 =	vld [tilespmem:$0xB7B8]  }
0x23: {  	v6 =	vld [tilespmem:$0xB7C8]  }
0x24: {  	v7 =	vld [tilespmem:$0xB7D8]  }
0x25: {  	v8 =	vld [tilespmem:$0xB7E8]  }
0x26: {  	v9 =	vld [tilespmem:$0xB7F8];
	v4 =	vmax.f32 v4, $-3.000000010e+38  }
0x27: {  	v4 =	vmax.f32 v4, v5;
	v5 =	vld [tilespmem:$0xB808]  }
0x28: {  	v4 =	vmax.f32 v4, v6;
	v6 =	vld [tilespmem:$0xB818]  }
0x29: {  	v4 =	vmax.f32 v4, v7;
	v7 =	vld [tilespmem:$0xB828]  }
0x2a: {  	v54 =	vld [tilespmem:$0xB838];
	v4 =	vmax.f32 v4, v8  }
0x2b: {  	v55 =	vld [tilespmem:$0xB848];
	v4 =	vmax.f32 v4, v9  }
0x2c: {  	v4 =	vmax.f32 v4, v5;
	v5 =	vld [tilespmem:$0xB858]  }
0x2d: {  	v4 =	vmax.f32 v4, v6;
	v6 =	vld [tilespmem:$0xB868]  }
0x2e: {  	v4 =	vmax.f32 v4, v7;
	v7 =	vld [tilespmem:$0xB878]  }
0x2f: {  	v56 =	vld [tilespmem:$0xB888];
	v4 =	vmax.f32 v4, v54  }
0x30: {  	v57 =	vld [tilespmem:$0xB898];
	v4 =	vmax.f32 v4, v55  }
0x31: {  	v4 =	vmax.f32 v4, v5;
	v5 =	vld [tilespmem:$0xB8A8]  }
0x32: {  	v4 =	vmax.f32 v4, v6;
	v6 =	vld [tilespmem:$0xB8B8]  }
0x33: {  	v4 =	vmax.f32 v4, v7;
	v7 =	vld [tilespmem:$0xB8C8]  }
0x34: {  	v58 =	vld [tilespmem:$0xB8D8];
	v4 =	vmax.f32 v4, v56  }
0x35: {  	v59 =	vld [tilespmem:$0xB8E8];
	v4 =	vmax.f32 v4, v57  }
0x36: {  	v4 =	vmax.f32 v4, v5;
	v5 =	vld [tilespmem:$0xB8F8]  }
0x37: {  	v4 =	vmax.f32 v4, v6;
	v6 =	vld [tilespmem:$0xB908]  }
0x38: {  	v4 =	vmax.f32 v4, v7;
	v7 =	vld [tilespmem:$0xB918]  }
0x39: {  	v60 =	vld [tilespmem:$0xB928];
	v4 =	vmax.f32 v4, v58  }
0x3a: {  	v61 =	vld [tilespmem:$0xB938];
	v4 =	vmax.f32 v4, v59  }
0x3b: {  	v4 =	vmax.f32 v4, v5;
	v5 =	vld [tilespmem:$0xB948]  }
0x3c: {  	v4 =	vmax.f32 v4, v6;
	v6 =	vld [tilespmem:$0xB958]  }
0x3d: {  	v4 =	vmax.f32 v4, v7;
	v7 =	vld [tilespmem:$0xB968]  }
0x3e: {  	v62 =	vld [tilespmem:$0xB978];
	v4 =	vmax.f32 v4, v60  }
0x3f: {  	v63 =	vld [tilespmem:$0xB988];
	v4 =	vmax.f32 v4, v61  }
0x40: {  	v4 =	vmax.f32 v4, v5;
	v5 =	vld [tilespmem:$0xB998]  }
0x41: {  	v4 =	vmax.f32 v4, v6  }
0x42: {  	v4 =	vmax.f32 v4, v7  }
0x43: {  	s31 =	rddreg [dreg:$0x4];
	v4 =	vmax.f32 v4, v62  }
0x44: {  	[spmem:s17], [sflag:s16] =	dma.local [hbm:s31], $0x186A;
	v4 =	vmax.f32 v4, v63  }
0x45: {  	_ =	swait.ge [sflag:s15], $0x186A;
	v4 =	vmax.f32 v4, v5  }
0x46: {  	[sflag:s15] =	ssyncset.done $0x0;
	v5 =	vperm.xlane v4, v0  }
0x47: {  	[sflag:s15] =	ssyncadd.s32 $0xFFFFE796  }
0x48: {  	[tilespmem:s18], [sflag:$0x3] =	stream.linear.gather [hbm4b:s9+s4], $0x3E80, $0x38;
	v4 =	vmax.f32 v4, v5;
	[tilespmem:$0x17CF8] =	vst v63  }
0x49: {  	_ =	swait.ge [sflag:s15], $0x3E80;
	v5 =	vperm.xlane v4, v1  }
0x4a: {  	[sflag:s15] =	ssyncset.done $0x0  }
0x4b: {  	[sflag:s15] =	ssyncadd.s32 $0xFFFFC180;
	v4 =	vmax.f32 v4, v5  }
0x4c: {  	[tilespmem:s19], [sflag:$0x3] =	stream.linear.gather [hbm4b:s9+s4], $0x3E80, $0x38;
	v5 =	vperm.xlane v4, v2;
	[tilespmem:$0x17CF8] =	vst v63  }
.Ltmp2:
0x4d: {  	_ =	swait.ge [sflag:s15], $0x3E80;
	(pc) =	sbr.rel .LBB2_2-.Ltmp2, $4  }
0x4e: {  	[sflag:s15] =	ssyncset.done $0x0;
	v4 =	vmax.f32 v4, v5  }
0x4f: {  	[sflag:s15] =	ssyncadd.s32 $0xFFFFC180;
	v5 =	vperm.xlane v4, v3  }
0x50: {  	[bflag:$0x0] =	sbarrier.arrive $0xFFFF  }
0x51: {  	s28 =	simm.s32 $0x0;
	v4 =	vmax.f32 v4, v5  }
.LBB2_13:
0x52: {  	s28 =	sadd.s32 $0x1, s28  }
0x53: {  	p0 =	sne.s32 s28, $0x32  }
.Ltmp3:
0x54: {  	_ = 	snop;
	(pc) =	sbr.rel @!p0 .LBB2_14-.Ltmp3, $1  }
0x55: {  	_ =	sdelay $0x3  }
.LBB2_2:
0x56: {  	s1 =	sand.u32 $0x1, s28  }
0x57: {  	s0 =	smul.u32 $0xC8, s28;
	p0 =	seq.s32 s1, $0x0  }
.Ltmp4:
0x58: {  	_ = 	snop;
	(pc) =	sbr.rel @!p0 .LBB2_8-.Ltmp4, $4  }
0x59: {  	_ = 	snop  }
0x5a: {  	s0 =	sadd.s32 s11, s0  }
0x5b: {  	s29 =	sshrl.u32 s0, $0x3  }
0x5c: {  	s30 =	sshrl.u32 s0, $0x1;
	s31 =	sadd.s32 s6, s29  }
0x5d: {  	s0 =	simm.s32 $0x0  }
0x5e: {  	[tilespmem:s0], [sflag:$0x3] =	stream.linear.gather [hbm4b:s31+s0], $0xC8, $0x38;
	[tilespmem:$0x17CF8] =	vst v63  }
0x5f: {  	_ =	swait.ge [sflag:s15], $0xC8  }
0x60: {  	s1 =	sand.u32 $0x1FFFFFF8, s30;
	[sflag:s15] =	ssyncset.done $0x0  }
0x61: {  	s1 =	sadd.s32 s8, s1;
	[sflag:s15] =	ssyncadd.s32 $0xFFFFFF38  }
0x62: {  	[tilespmem:s20], [sflag:$0x3] =	stream.linear.gather [hbm4b:s1+s0], $0x320, $0x38;
	[tilespmem:$0x17CF8] =	vst v63  }
0x63: {  	_ =	swait.ge [sflag:s15], $0x320  }
0x64: {  	[sflag:s15] =	ssyncset.done $0x0  }
0x65: {  	[sflag:s15] =	ssyncadd.s32 $0xFFFFFCE0  }
0x66: {  	[tilespmem:s22], [sflag:$0x1] =	stream.indirect.gather [hbm4b:s5+s21], $0x40, s0, s21, $0xb8;
	[tilespmem:$0x17CF8] =	vst v63  }
0x67: {  	s0 =	simm.s32 $0x0  }
0x68: {  	v5 =	vld [tilespmem:s0+$0x3458];
	_ =	sdelay $0x1  }
0x69: {  	s1 =	simm.s32 $0x10  }
0x6a: {  	v6 =	vld [tilespmem:s1+$0x3458];
	_ =	sdelay $0x1  }
0x6b: {  	v5 =	vsub.f32 v5, v4;
	_ =	sdelay $0x1  }
0x6c: {  	v5 =	vmul.f32 $1.442695020e+00, v5  }
0x6d: {  	v6 =	vsub.f32 v6, v4  }
0x6e: {  	(erf) = vpow2.f32 v5  }
0x6f: {  	v6 =	vmul.f32 $1.442695020e+00, v6  }
0x70: {  	s2 =	simm.s32 $0x20  }
0x71: {  	v5 =	vld [tilespmem:s2+$0x3458];
	(erf) = vpow2.f32 v6;
	_ =	sdelay $0x2  }
0x72: {  	s14 =	simm.s32 $0xC0  }
.LBB2_4:
0x73: {  	p1 =	sne.s32 s14, $0xC40  }
.Ltmp5:
0x74: {  	s10 =	sshra.s32 s14, $0x2;
	s14 =	sadd.s32 $0x40, s14;
	v6 =	vsub.f32 v5, v4;
	(pc) =	sbr.rel @p1 .LBB2_4-.Ltmp5, $4  }
0x75: {  	v5 =	vld [tilespmem:s10+$0x3458];
	v7 =	vpop (erf)  }
0x76: {  	v6 =	vmul.f32 $1.442695020e+00, v6;
	[tilespmem:s0+$0x3778] =	vst v7;
	s0 =	smov.u32 s1;
	s1 =	smov.u32 s2;
	s2 =	smov.u32 s10  }
0x77: {  	_ = 	snop  }
0x78: {  	(erf) = vpow2.f32 v6  }
0x79: {  	_ = 	snop  }
0x7a: {  	v5 =	vsub.f32 v5, v4;
	_ =	sdelay $0x1  }
0x7b: {  	v5 =	vmul.f32 $1.442695020e+00, v5;
	_ =	sdelay $0x1  }
0x7c: {  	(erf) = vpow2.f32 v5;
	_ =	sdelay $0x6  }
0x7d: {  	v5 =	vpop (erf)  }
0x7e: {  	[tilespmem:s0+$0x3778] =	vst v5;
	v5 =	vpop (erf)  }
0x7f: {  	p1 =	slt.u32 s28, $0x2;
	[tilespmem:s1+$0x3778] =	vst v5;
	v5 =	vpop (erf)  }
0x80: {  	s0 =	simm.s32 @!p1 $0x2;
	[tilespmem:s2+$0x3778] =	vst v5  }
0x81: {  	_ =	swait.ge @!p1 [sflag:s0], $0x3E80  }
0x82: {  	[sflag:s0] =	ssyncset.done @!p1 $0x0  }
0x83: {  	s10 =	simm.s32 $0x0;
	s2 =	sadd.s32 s7, s29;
	[sflag:s0] =	ssyncadd.s32 @!p1 $0xFFFFC180  }
0x84: {  	[tilespmem:s21], [sflag:$0x3] =	stream.linear.gather [hbm4b:s2+s10], $0xC8, $0x38;
	[tilespmem:$0x17CF8] =	vst v63  }
0x85: {  	_ =	swait.ge [sflag:s15], $0xC8  }
0x86: {  	[sflag:s15] =	ssyncset.done $0x0  }
0x87: {  	[sflag:s15] =	ssyncadd.s32 $0xFFFFFF38  }
0x88: {  	_ =	swait.ge [sflag:s24], $0x3200  }
0x89: {  	[sflag:s24] =	ssyncset.done $0x0  }
0x8a: {  	s14 =	simm.s32 $0x0;
	[sflag:s24] =	ssyncadd.s32 $0xFFFFCE00  }
0x8b: {  	v5 =	vld [tilespmem:s14+$0x3778]  }
0x8c: {  	s0 =	simm.s32 $0x278  }
0x8d: {  	v6 =	vld [tilespmem:s0+$0xFFFFFFE0];
	_ =	sdelay $0x2  }
0x8e: {  	v7 =	vbroadcast v5, $0x0;
	_ =	sdelay $0x1  }
0x8f: {  	v6 =	vmul.f32 v7, v6  }
0x90: {  	s2 =	simm.s32 $0x3AC8  }
0x91: {  	[tilespmem:s2+$0xFFFFFFE0] =	vst v6  }
0x92: {  	v6 =	vld [tilespmem:s0+$0xFFFFFFF0];
	_ =	sdelay $0x2  }
0x93: {  	v7 =	vbroadcast v5, $0x1;
	_ =	sdelay $0x1  }
0x94: {  	v6 =	vmul.f32 v6, v7;
	_ =	sdelay $0x1  }
0x95: {  	[tilespmem:s2+$0xFFFFFFF0] =	vst v6  }
0x96: {  	v6 =	vld [tilespmem:s0+$0x0];
	_ =	sdelay $0x2  }
0x97: {  	v7 =	vbroadcast v5, $0x2;
	_ =	sdelay $0x1  }
0x98: {  	v6 =	vmul.f32 v6, v7;
	_ =	sdelay $0x1  }
0x99: {  	[tilespmem:s2+$0x0] =	vst v6  }
0x9a: {  	v6 =	vld [tilespmem:s0+$0x10];
	_ =	sdelay $0x2  }
0x9b: {  	v7 =	vbroadcast v5, $0x3;
	_ =	sdelay $0x1  }
0x9c: {  	v6 =	vmul.f32 v6, v7  }
0x9d: {  	[tilespmem:s2+$0x20] =	vst v5  }
0x9e: {  	s1 =	simm.s32 $0x20;
	s14 =	simm.s32 $0x4;
	[tilespmem:s2+$0x10] =	vst v6  }
.LBB2_6:
0x9f: {  	p1 =	sne.s32 s1, $0xC70;
	v5 =	vld [tilespmem:s14+$0x3778]  }
0xa0: {  	s0 =	sadd.s32 $0x40, s0  }
0xa1: {  	v6 =	vld [tilespmem:s0+$0xFFFFFFE0];
	_ =	sdelay $0x2  }
0xa2: {  	v7 =	vbroadcast v5, $0x0;
	_ =	sdelay $0x1  }
0xa3: {  	v6 =	vmul.f32 v7, v6  }
0xa4: {  	s2 =	sadd.s32 $0x50, s2  }
0xa5: {  	[tilespmem:s2+$0xFFFFFFE0] =	vst v6  }
0xa6: {  	v6 =	vld [tilespmem:s0+$0xFFFFFFF0];
	_ =	sdelay $0x2  }
0xa7: {  	v7 =	vbroadcast v5, $0x1;
	_ =	sdelay $0x1  }
0xa8: {  	v6 =	vmul.f32 v6, v7;
	_ =	sdelay $0x1  }
0xa9: {  	[tilespmem:s2+$0xFFFFFFF0] =	vst v6  }
0xaa: {  	v6 =	vld [tilespmem:s0+$0x0];
	_ =	sdelay $0x2  }
0xab: {  	v7 =	vbroadcast v5, $0x2;
	_ =	sdelay $0x1  }
0xac: {  	v6 =	vmul.f32 v6, v7;
	_ =	sdelay $0x1  }
0xad: {  	[tilespmem:s2+$0x0] =	vst v6  }
0xae: {  	v6 =	vld [tilespmem:s0+$0x10];
	[tilespmem:s2+$0x20] =	vst v5;
	_ =	sdelay $0x2  }
.Ltmp6:
0xaf: {  	v5 =	vbroadcast v5, $0x3;
	(pc) =	sbr.rel @p1 .LBB2_6-.Ltmp6, $3  }
0xb0: {  	_ = 	snop  }
0xb1: {  	v5 =	vmul.f32 v6, v5;
	_ =	sdelay $0x1  }
0xb2: {  	s14 =	sshra.s32 s1, $0x2;
	s1 =	sadd.s32 $0x10, s1;
	[tilespmem:s2+$0x10] =	vst v5  }
0xb3: {  	v5 =	vld [tilespmem:s14+$0x3778]  }
0xb4: {  	s0 =	sadd.s32 $0x40, s0  }
0xb5: {  	v6 =	vld [tilespmem:s0+$0xFFFFFFE0];
	_ =	sdelay $0x2  }
0xb6: {  	v7 =	vbroadcast v5, $0x0;
	_ =	sdelay $0x1  }
0xb7: {  	v6 =	vmul.f32 v7, v6  }
0xb8: {  	s1 =	sadd.s32 $0x50, s2  }
0xb9: {  	[tilespmem:s1+$0xFFFFFFE0] =	vst v6  }
0xba: {  	v6 =	vld [tilespmem:s0+$0xFFFFFFF0];
	_ =	sdelay $0x2  }
0xbb: {  	v7 =	vbroadcast v5, $0x1;
	_ =	sdelay $0x1  }
0xbc: {  	v6 =	vmul.f32 v6, v7;
	_ =	sdelay $0x1  }
0xbd: {  	[tilespmem:s1+$0xFFFFFFF0] =	vst v6  }
0xbe: {  	v6 =	vld [tilespmem:s0+$0x0];
	_ =	sdelay $0x2  }
0xbf: {  	v7 =	vbroadcast v5, $0x2;
	_ =	sdelay $0x1  }
0xc0: {  	v6 =	vmul.f32 v6, v7;
	_ =	sdelay $0x1  }
0xc1: {  	[tilespmem:s1+$0x0] =	vst v6  }
0xc2: {  	v6 =	vld [tilespmem:s0+$0x10];
	_ =	sdelay $0x2  }
0xc3: {  	v7 =	vbroadcast v5, $0x3  }
.Ltmp7:
0xc4: {  	_ = 	snop;
	(pc) =	sbr.rel @p0 .LBB2_13-.Ltmp7, $4  }
0xc5: {  	v6 =	vmul.f32 v6, v7  }
0xc6: {  	[tilespmem:s1+$0x20] =	vst v5  }
0xc7: {  	[tilespmem:s1+$0x10] =	vst v6  }
0xc8: {  	[spmem:s3] =	stream.indirect.scatter.add.f32 [tilespmem:s18], [sflag:$0x2], $0x50, s21, s21, $0xb8;
	[tilespmem:$0x17CF8] =	vst v63  }
.LBB2_8:
0xc9: {  	s0 =	simm.s32 $0x0  }
0xca: {  	[tilespmem:s0], [sflag:$0x3] =	stream.linear.gather [hbm4b:s31+s0], $0xC8, $0x38;
	[tilespmem:$0x17CF8] =	vst v63  }
0xcb: {  	_ =	swait.ge [sflag:s15], $0xC8  }
0xcc: {  	[sflag:s15] =	ssyncset.done $0x0  }
0xcd: {  	s1 =	sadd.s32 s8, s30;
	[sflag:s15] =	ssyncadd.s32 $0xFFFFFF38  }
0xce: {  	[tilespmem:s20], [sflag:$0x3] =	stream.linear.gather [hbm4b:s1+s0], $0x320, $0x38;
	[tilespmem:$0x17CF8] =	vst v63  }
0xcf: {  	_ =	swait.ge [sflag:s15], $0x320  }
0xd0: {  	[sflag:s15] =	ssyncset.done $0x0  }
0xd1: {  	[sflag:s15] =	ssyncadd.s32 $0xFFFFFCE0  }
0xd2: {  	[tilespmem:s22], [sflag:$0x1] =	stream.indirect.gather [hbm4b:s5+s21], $0x40, s0, s21, $0xb8;
	[tilespmem:$0x17CF8] =	vst v63  }
0xd3: {  	s0 =	simm.s32 $0x0  }
0xd4: {  	v5 =	vld [tilespmem:s0+$0x3458];
	_ =	sdelay $0x1  }
0xd5: {  	s1 =	simm.s32 $0x10  }
0xd6: {  	v6 =	vld [tilespmem:s1+$0x3458];
	_ =	sdelay $0x1  }
0xd7: {  	v5 =	vsub.f32 v5, v4;
	_ =	sdelay $0x1  }
0xd8: {  	v5 =	vmul.f32 $1.442695020e+00, v5  }
0xd9: {  	v6 =	vsub.f32 v6, v4  }
0xda: {  	(erf) = vpow2.f32 v5  }
0xdb: {  	v6 =	vmul.f32 $1.442695020e+00, v6  }
0xdc: {  	s2 =	simm.s32 $0x20  }
0xdd: {  	v5 =	vld [tilespmem:s2+$0x3458];
	(erf) = vpow2.f32 v6;
	_ =	sdelay $0x2  }
0xde: {  	s14 =	simm.s32 $0xC0  }
.LBB2_9:
0xdf: {  	p0 =	sne.s32 s14, $0xC40  }
.Ltmp8:
0xe0: {  	s10 =	sshra.s32 s14, $0x2;
	s14 =	sadd.s32 $0x40, s14;
	v6 =	vsub.f32 v5, v4;
	(pc) =	sbr.rel @p0 .LBB2_9-.Ltmp8, $4  }
0xe1: {  	v5 =	vld [tilespmem:s10+$0x3458];
	v7 =	vpop (erf)  }
0xe2: {  	v6 =	vmul.f32 $1.442695020e+00, v6;
	[tilespmem:s0+$0x3778] =	vst v7;
	s0 =	smov.u32 s1;
	s1 =	smov.u32 s2;
	s2 =	smov.u32 s10  }
0xe3: {  	_ = 	snop  }
0xe4: {  	(erf) = vpow2.f32 v6  }
0xe5: {  	_ = 	snop  }
0xe6: {  	v5 =	vsub.f32 v5, v4;
	_ =	sdelay $0x1  }
0xe7: {  	v5 =	vmul.f32 $1.442695020e+00, v5;
	_ =	sdelay $0x1  }
0xe8: {  	(erf) = vpow2.f32 v5;
	_ =	sdelay $0x6  }
0xe9: {  	v5 =	vpop (erf)  }
0xea: {  	[tilespmem:s0+$0x3778] =	vst v5;
	v5 =	vpop (erf)  }
0xeb: {  	p0 =	slt.u32 s28, $0x2;
	[tilespmem:s1+$0x3778] =	vst v5;
	v5 =	vpop (erf)  }
0xec: {  	s0 =	simm.s32 @!p0 $0x2;
	[tilespmem:s2+$0x3778] =	vst v5  }
0xed: {  	_ =	swait.ge @!p0 [sflag:s0], $0x3E80  }
0xee: {  	[sflag:s0] =	ssyncset.done @!p0 $0x0  }
0xef: {  	s29 =	sadd.s32 s7, s29;
	s30 =	simm.s32 $0x0;
	[sflag:s0] =	ssyncadd.s32 @!p0 $0xFFFFC180  }
0xf0: {  	[tilespmem:s23], [sflag:$0x3] =	stream.linear.gather [hbm4b:s29+s30], $0xC8, $0x38;
	[tilespmem:$0x17CF8] =	vst v63  }
0xf1: {  	_ =	swait.ge [sflag:s15], $0xC8  }
0xf2: {  	[sflag:s15] =	ssyncset.done $0x0  }
0xf3: {  	[sflag:s15] =	ssyncadd.s32 $0xFFFFFF38  }
0xf4: {  	_ =	swait.ge [sflag:s24], $0x3200  }
0xf5: {  	[sflag:s24] =	ssyncset.done $0x0  }
0xf6: {  	s31 =	simm.s32 $0x0;
	[sflag:s24] =	ssyncadd.s32 $0xFFFFCE00  }
0xf7: {  	v5 =	vld [tilespmem:s31+$0x3778]  }
0xf8: {  	s0 =	simm.s32 $0x278  }
0xf9: {  	v6 =	vld [tilespmem:s0+$0xFFFFFFE0];
	_ =	sdelay $0x2  }
0xfa: {  	v7 =	vbroadcast v5, $0x0;
	_ =	sdelay $0x1  }
0xfb: {  	v6 =	vmul.f32 v7, v6  }
0xfc: {  	s2 =	simm.s32 $0x7948  }
0xfd: {  	[tilespmem:s2+$0xFFFFFFE0] =	vst v6  }
0xfe: {  	v6 =	vld [tilespmem:s0+$0xFFFFFFF0];
	_ =	sdelay $0x2  }
0xff: {  	v7 =	vbroadcast v5, $0x1;
	_ =	sdelay $0x1  }
0x100: {  	v6 =	vmul.f32 v6, v7;
	_ =	sdelay $0x1  }
0x101: {  	[tilespmem:s2+$0xFFFFFFF0] =	vst v6  }
0x102: {  	v6 =	vld [tilespmem:s0+$0x0];
	_ =	sdelay $0x2  }
0x103: {  	v7 =	vbroadcast v5, $0x2;
	_ =	sdelay $0x1  }
0x104: {  	v6 =	vmul.f32 v6, v7;
	_ =	sdelay $0x1  }
0x105: {  	[tilespmem:s2+$0x0] =	vst v6  }
0x106: {  	v6 =	vld [tilespmem:s0+$0x10];
	_ =	sdelay $0x2  }
0x107: {  	v7 =	vbroadcast v5, $0x3;
	_ =	sdelay $0x1  }
0x108: {  	v6 =	vmul.f32 v6, v7  }
0x109: {  	[tilespmem:s2+$0x20] =	vst v5  }
0x10a: {  	s14 =	simm.s32 $0x4;
	s1 =	simm.s32 $0x20;
	[tilespmem:s2+$0x10] =	vst v6  }
.LBB2_11:
0x10b: {  	p0 =	sne.s32 s1, $0xC70;
	v5 =	vld [tilespmem:s14+$0x3778]  }
0x10c: {  	s0 =	sadd.s32 $0x40, s0  }
0x10d: {  	v6 =	vld [tilespmem:s0+$0xFFFFFFE0];
	_ =	sdelay $0x2  }
0x10e: {  	v7 =	vbroadcast v5, $0x0;
	_ =	sdelay $0x1  }
0x10f: {  	v6 =	vmul.f32 v7, v6  }
0x110: {  	s2 =	sadd.s32 $0x50, s2  }
0x111: {  	[tilespmem:s2+$0xFFFFFFE0] =	vst v6  }
0x112: {  	v6 =	vld [tilespmem:s0+$0xFFFFFFF0];
	_ =	sdelay $0x2  }
0x113: {  	v7 =	vbroadcast v5, $0x1;
	_ =	sdelay $0x1  }
0x114: {  	v6 =	vmul.f32 v6, v7;
	_ =	sdelay $0x1  }
0x115: {  	[tilespmem:s2+$0xFFFFFFF0] =	vst v6  }
0x116: {  	v6 =	vld [tilespmem:s0+$0x0];
	_ =	sdelay $0x2  }
0x117: {  	v7 =	vbroadcast v5, $0x2;
	_ =	sdelay $0x1  }
0x118: {  	v6 =	vmul.f32 v6, v7;
	_ =	sdelay $0x1  }
0x119: {  	[tilespmem:s2+$0x0] =	vst v6  }
0x11a: {  	v6 =	vld [tilespmem:s0+$0x10];
	[tilespmem:s2+$0x20] =	vst v5;
	_ =	sdelay $0x2  }
.Ltmp9:
0x11b: {  	v5 =	vbroadcast v5, $0x3;
	(pc) =	sbr.rel @p0 .LBB2_11-.Ltmp9, $3  }
0x11c: {  	_ = 	snop  }
0x11d: {  	v5 =	vmul.f32 v6, v5;
	_ =	sdelay $0x1  }
0x11e: {  	s14 =	sshra.s32 s1, $0x2;
	s1 =	sadd.s32 $0x10, s1;
	[tilespmem:s2+$0x10] =	vst v5  }
0x11f: {  	v5 =	vld [tilespmem:s14+$0x3778]  }
0x120: {  	s0 =	sadd.s32 $0x40, s0  }
0x121: {  	v6 =	vld [tilespmem:s0+$0xFFFFFFE0];
	_ =	sdelay $0x2  }
0x122: {  	v7 =	vbroadcast v5, $0x0;
	_ =	sdelay $0x1  }
0x123: {  	v6 =	vmul.f32 v7, v6  }
0x124: {  	s1 =	sadd.s32 $0x50, s2  }
0x125: {  	[tilespmem:s1+$0xFFFFFFE0] =	vst v6  }
0x126: {  	v6 =	vld [tilespmem:s0+$0xFFFFFFF0];
	_ =	sdelay $0x2  }
0x127: {  	v7 =	vbroadcast v5, $0x1;
	_ =	sdelay $0x1  }
0x128: {  	v6 =	vmul.f32 v6, v7;
	_ =	sdelay $0x1  }
0x129: {  	[tilespmem:s1+$0xFFFFFFF0] =	vst v6  }
0x12a: {  	v6 =	vld [tilespmem:s0+$0x0];
	_ =	sdelay $0x2  }
0x12b: {  	v7 =	vbroadcast v5, $0x2;
	_ =	sdelay $0x1  }
0x12c: {  	v6 =	vmul.f32 v6, v7;
	_ =	sdelay $0x1  }
0x12d: {  	[tilespmem:s1+$0x0] =	vst v6  }
0x12e: {  	v6 =	vld [tilespmem:s0+$0x10];
	_ =	sdelay $0x2  }
0x12f: {  	v7 =	vbroadcast v5, $0x3  }
.Ltmp10:
0x130: {  	_ = 	snop;
	(pc) =	sbr.rel .LBB2_13-.Ltmp10, $4  }
0x131: {  	v6 =	vmul.f32 v6, v7  }
0x132: {  	[tilespmem:s1+$0x20] =	vst v5  }
0x133: {  	[tilespmem:s1+$0x10] =	vst v6  }
0x134: {  	[spmem:s3] =	stream.indirect.scatter.add.f32 [tilespmem:s19], [sflag:$0x2], $0x50, s23, s21, $0xb8;
	[tilespmem:$0x17CF8] =	vst v63  }
.LBB2_15:
0x135: {  	_ =	sfence.sel $0x180000  }
0x136: {  	[bflag:$0x0] =	sbarrier.arrive $0xFFFF  }
0x137: {  	_ =	strace $0x9000004A  }
0x138: {  	s0 =	stileid.u32;
	[bflag:$0x2] =	sbarrier.arrive $0xFFFF  }
0x139: {  	p0 =	sne.s32 s0, $0x0;
	s0 =	rddreg [dreg:$0x3]  }
0x13a: {  	s0 =	sadd.s32 @!p0 $0x100000, s0  }
0x13b: {  	[sflag:s0] =	ssyncadd.tile.s32 @!p0 $0x1;
	_ =	shalt  }
.Lfunc_end2:
_tile_overlayer_lowered:
.L_overlay_start_2:
0x13c: {  	(tag) =	ssettag $0x2  }
0x13d: {  	s0 =	rddreg [dreg:$0x0];
	s2 =	stileid.u32  }
0x13e: {  	s1 =	rddreg [dreg:$0x1];
	p0 =	sne.s32 s2, $0x0  }
0x13f: {  	s3 =	rddreg [dreg:$0x2];
	[bflag:$0x3] =	sbarrier.arrive $0xFFFF;
	s2 =	simm.s32 @!p0 $0x1C03  }
0x140: {  	[timem:s3], [sflag:s2] =	dma.local @!p0 [hbm:s0], s1  }
0x141: {  	s0 =	simm.s32 @!p0 $0x3  }
0x142: {  	_ =	swait.ge @!p0 [sflag:s0], s1  }
0x143: {  	s1 =	ssub.s32 @!p0 $0x0, s1;
	[sflag:s0] =	ssyncset.done @!p0 $0x0  }
0x144: {  	[sflag:s0] =	ssyncadd.s32 @!p0 s1  }
0x145: {  	[bflag:$0x3] =	sbarrier.arrive $0xFFFF  }
0x146: {  	_ =	shalt  }

// kernel: kernel.15.cloned.1.call-start
scs
__scs_entry_jumppad:
0x0: {  	(pc) =	sbr.rel $0x88, $3  }
0x1: {  	(tag) =	ssettag $0x0;
	lr =	simm.s32 $0x1  }
0x2: {  	[smem:$0x3F93] =	sst lr;
	_ =	strace $0xD0000000  }
0x3: {  	_ = 	snop  }
0x4: {  	_ = 	snop  }
0x5: {  	_ = 	snop  }
0x6: {  	_ = 	snop  }
0x7: {  	_ = 	snop  }
__scs_overlays_trampoline_lowered:
0x8: {  	[smem:$0x3FA2] =	sst s0  }
0x9: {  	[smem:$0x3FA3] =	sst s1  }
0xa: {  	[smem:$0x3FA4] =	sst s2  }
0xb: {  	[smem:$0x3FA5] =	sst s3  }
0xc: {  	[smem:$0x3FA6] =	sst s4  }
0xd: {  	[smem:$0x3FA7] =	sst s5  }
0xe: {  	[smem:$0x3FA8] =	sst s6  }
0xf: {  	[smem:$0x3FA9] =	sst s7  }
0x10: {  	[smem:$0x3FAA] =	sst s8  }
0x11: {  	[smem:$0x3FAB] =	sst s9;
	s0 =	simm.s32 @!p0 $0x0  }
0x12: {  	s1 =	sld [smem:$0x3F91];
	s0 =	simm.s32 @p0 $0x1  }
0x13: {  	[smem:$0x3FAC] =	sst s0;
	s0 =	simm.s32 @!p1 $0x0  }
0x14: {  	s2 =	sld [smem:$0x3F90];
	s0 =	simm.s32 @p1 $0x1  }
0x15: {  	[smem:$0x3FAD] =	sst s0;
	s0 =	simm.s32 @!p2 $0x0  }
0x16: {  	s3 =	sld [smem:$0x3FDB];
	s0 =	simm.s32 @p2 $0x1  }
0x17: {  	s4 =	simm.s32 $0x1BF5;
	[smem:$0x3FAF] =	sst s0  }
0x18: {  	s0 =	sld [smem:$0x3F92];
	_ =	swait.ge [sflag:s4], $0x0  }
0x19: {  	s7 =	sld [smem:$0x3F93]  }
0x1a: {  	s8 =	sadd.s32 $0xFFFFE003, lr  }
0x1b: {  	s9 =	sadd.s32 $0xFFFFFEF7, lr;
	s5 =	simm.s32 $0xFFFFFFFF;
	p2 =	slt.u32 s8, $0xFFFFF086  }
0x1c: {  	p1 =	slt.u32 s9, $0xF7A;
	s5 =	simm.s32 @!p2 $0x0  }
0x1d: {  	s5 =	simm.s32 @p1 $0x1;
	p0 =	seq.s32 s7, s2  }
0x1e: {  	s7 =	smul.u32 @!p0 $0xF7A, s2;
	p2 =	seq.s32 @!p0 s5, $0x0  }
0x1f: {  	s9 =	smul.u32 $0xF7A, s1;
	s8 =	simm.s32 @!p0 $0x1BF5;
	p2 =	por !p2, p0  }
0x20: {  	[sflag:s8] =	ssyncset.s32 @!p0 $0xFFFFF086;
	s6 =	sadd.s32 @!p0 s3, s7;
	s7 =	simm.s32 @!p0 $0x108  }
0x21: {  	s3 =	sadd.s32 s3, s9;
	s6 =	sadd.s32 @!p0 $0x88, s6;
	s7 =	simm.s32 @p2 $0x1082  }
0x22: {  	[simem:s7], [sflag:s8] =	dma.local @!p0 [hbm:s6], $0xF7A  }
0x23: {  	s9 =	sor.u32 $0xD0000000, s2;
	s6 =	simm.s32 $0x108;
	_ =	swait.ge @!p0 [sflag:s8], $0x0  }
0x24: {  	s3 =	sadd.s32 $0x88, s3;
	s6 =	simm.s32 @!p1 $0x1082;
	[sflag:s4] =	ssyncset.s32 $0xFFFFF086  }
0x25: {  	[simem:s6], [sflag:s4] =	dma.local [hbm:s3], $0xF7A  }
0x26: {  	[smem:$0x3F93] =	sst s1;
	(tag) =	ssettag s2;
	_ =	strace s9  }
0x27: {  	s1 =	sld [smem:$0x3FA3]  }
0x28: {  	s2 =	sld [smem:$0x3FA4]  }
0x29: {  	s4 =	sld [smem:$0x3FA6]  }
0x2a: {  	p0 =	seq.s32 s5, $0x0;
	s5 =	sld [smem:$0x3FA7]  }
0x2b: {  	s6 =	sld [smem:$0x3FA8]  }
0x2c: {  	s7 =	sld [smem:$0x3FA9]  }
0x2d: {  	s3 =	simm.s32 $0x108;
	s8 =	sld [smem:$0x3FAA]  }
0x2e: {  	s3 =	simm.s32 @!p0 $0x1082;
	s9 =	sld [smem:$0x3FAB]  }
0x2f: {  	lr =	sadd.s32 s0, s3;
	s0 =	sld [smem:$0x3FA2]  }
0x30: {  	s3 =	sld [smem:$0x3FA5]  }
0x31: {  	[smem:$0x3FAE] =	sst s10  }
0x32: {  	s10 =	sld [smem:$0x3FAC];
	_ =	sdelay $0x3  }
0x33: {  	p0 =	seq.s32 s10, $0x1;
	s10 =	sld [smem:$0x3FAE];
	_ =	sdelay $0x3  }
0x34: {  	[smem:$0x3FAE] =	sst s10  }
0x35: {  	s10 =	sld [smem:$0x3FAD];
	_ =	sdelay $0x3  }
0x36: {  	p1 =	seq.s32 s10, $0x1;
	s10 =	sld [smem:$0x3FAE];
	_ =	sdelay $0x3  }
0x37: {  	[smem:$0x3FAE] =	sst s10  }
0x38: {  	s10 =	sld [smem:$0x3FAF]  }
0x39: {  	_ = 	snop;
	(pc) =	sbr.ind lr, $3  }
0x3a: {  	_ = 	snop  }
0x3b: {  	_ = 	snop  }
0x3c: {  	p2 =	seq.s32 s10, $0x1;
	s10 =	sld [smem:$0x3FAE]  }
0x3d: {  	_ =	shalt  }
0x3e: {  	_ =	shalt  }
0x3f: {  	_ =	shalt  }
0x40: {  	_ =	shalt  }
0x41: {  	_ =	shalt  }
0x42: {  	_ =	shalt  }
0x43: {  	_ =	shalt  }
0x44: {  	_ =	shalt  }
0x45: {  	_ =	shalt  }
0x46: {  	_ =	shalt  }
0x47: {  	_ =	shalt  }
0x48: {  	_ =	shalt  }
0x49: {  	_ =	shalt  }
0x4a: {  	_ =	shalt  }
0x4b: {  	_ =	shalt  }
0x4c: {  	_ =	shalt  }
0x4d: {  	_ =	shalt  }
0x4e: {  	_ =	shalt  }
0x4f: {  	_ =	shalt  }
0x50: {  	_ =	shalt  }
0x51: {  	_ =	shalt  }
0x52: {  	_ =	shalt  }
0x53: {  	_ =	shalt  }
0x54: {  	_ =	shalt  }
0x55: {  	_ =	shalt  }
0x56: {  	_ =	shalt  }
0x57: {  	_ =	shalt  }
0x58: {  	_ =	shalt  }
0x59: {  	_ =	shalt  }
0x5a: {  	_ =	shalt  }
0x5b: {  	_ =	shalt  }
0x5c: {  	_ =	shalt  }
0x5d: {  	_ =	shalt  }
0x5e: {  	_ =	shalt  }
0x5f: {  	_ =	shalt  }
0x60: {  	_ =	shalt  }
0x61: {  	_ =	shalt  }
0x62: {  	_ =	shalt  }
0x63: {  	_ =	shalt  }
0x64: {  	_ =	shalt  }
0x65: {  	_ =	shalt  }
0x66: {  	_ =	shalt  }
0x67: {  	_ =	shalt  }
0x68: {  	_ =	shalt  }
0x69: {  	_ =	shalt  }
0x6a: {  	_ =	shalt  }
0x6b: {  	_ =	shalt  }
0x6c: {  	_ =	shalt  }
0x6d: {  	_ =	shalt  }
0x6e: {  	_ =	shalt  }
0x6f: {  	_ =	shalt  }
0x70: {  	_ =	shalt  }
0x71: {  	_ =	shalt  }
0x72: {  	_ =	shalt  }
0x73: {  	_ =	shalt  }
0x74: {  	_ =	shalt  }
0x75: {  	_ =	shalt  }
0x76: {  	_ =	shalt  }
0x77: {  	_ =	shalt  }
0x78: {  	_ =	shalt  }
0x79: {  	_ =	shalt  }
0x7a: {  	_ =	shalt  }
0x7b: {  	_ =	shalt  }
0x7c: {  	_ =	shalt  }
0x7d: {  	_ =	shalt  }
0x7e: {  	_ =	shalt  }
0x7f: {  	_ =	shalt  }
0x80: {  	_ =	shalt  }
0x81: {  	_ =	shalt  }
0x82: {  	_ =	shalt  }
0x83: {  	_ =	shalt  }
0x84: {  	_ =	shalt  }
0x85: {  	_ =	shalt  }
0x86: {  	_ =	shalt  }
0x87: {  	_ =	shalt  }
.Lfunc_end0:
.L_simem_size_0:
called_computation.2_lowered:
.L_overlay_start_0:
0x88: {  	s2 =	sld [smem:$0x3FD9]  }
0x89: {  	s3 =	sld [smem:$0x3FFE];
	_ =	sdelay $0x1  }
0x8a: {  	s1 =	srdreg.scid  }
0x8b: {  	s0 =	sand.u32 $0x1, s1  }
0x8c: {  	s17 =	sshll.u32 s0, $0xA;
	s2 =	sadd.s32 s3, s2  }
0x8d: {  	s2 =	sadd.s32 s2, s17  }
0x8e: {  	[smem:$0x3FBA] =	sst s2  }
0x8f: {  	_ = 	snop  }
0x90: {  	s2 =	sld [smem:$0x3FD0];
	(tm) =	ssettm $0x1  }
0x91: {  	s18 =	sld [smem:$0x3FFB];
	_ =	sdelay $0x3  }
0x92: {  	_ =	strace s18  }
0x93: {  	s3 =	sld [smem:$0x3FFC];
	_ =	sdelay $0x3  }
0x94: {  	_ =	strace s3  }
0x95: {  	s3 =	sld [smem:$0x3FFD];
	_ =	sdelay $0x3  }
0x96: {  	_ =	strace s3  }
0x97: {  	_ =	strace $0x8FFFFFFF  }
0x98: {  	s19 =	sld [smem:$0x3FDB];
	_ =	sdelay $0x1  }
0x99: {  	s4 =	simm.s32 $_scs_section_size  }
0x9a: {  	s5 =	simm.s32 $_size__tile_overlayer_lowered;
	s6 =	simm.s32 $_tile_overlayer_lowered  }
0x9b: {  	s22 =	simm.s32 $0x1BFF;
	s21 =	sshll.u32 s6, $0x1;
	s3 =	sadd.s32 s4, s19  }
0x9c: {  	s7 =	simm.s32 $0x0;
	s20 =	sshll.u32 s5, $0x1;
	s5 =	sadd.s32 s21, s3  }
0x9d: {  	[timem:s7], [sflag:s22] =	dma.local [hbm:s5], s20  }
0x9e: {  	_ =	swait.ge [sflag:s22], s20  }
0x9f: {  	s4 =	ssub.s32 $0x0, s20;
	[sflag:s22] =	ssyncset.done $0x0  }
0xa0: {  	[sflag:s22] =	ssyncadd.s32 s4;
	_ =	sdelay $0x1  }
0xa1: {  	s23 =	simm.s32 $0x1B8B  }
0xa2: {  	_ =	swait.ge [sflag:s23], $0x1  }
0xa3: {  	[sflag:s23] =	ssyncset.done $0x0  }
0xa4: {  	s25 =	simm.s32 $0x1B8E;
	s24 =	sld [smem:$0x3FFE];
	[sflag:s23] =	ssyncadd.s32 $0xFFFFFFFF  }
0xa5: {  	s26 =	simm.s32 $execute0_lowered;
	[smem:$0x3FD2] =	sst s25  }
0xa6: {  	s5 =	sshll.u32 s26, $0x1;
	_ =	strace $0x8000004C;
	[dreg:$0x1] =	wrdreg $0xFFFFFFFF  }
0xa7: {  	s28 =	simm.s32 $_size_execute0_lowered;
	s3 =	sadd.s32 s3, s5;
	[dreg:$0x0] =	wrdreg $0x0  }
0xa8: {  	s5 =	sshll.u32 s28, $0x1;
	[dreg:$0x2] =	wrdreg s3  }
0xa9: {  	[dreg:$0x3] =	wrdreg s5  }
0xaa: {  	[dreg:$0x4] =	wrdreg $0xC0  }
0xab: {  	_ =	task [dreg:s7], $0x5FFFF  }
0xac: {  	[dreg:$0x1] =	wrdreg $0xFFFFFFFF  }
0xad: {  	[dreg:$0x0] =	wrdreg $0x60  }
0xae: {  	[dreg:$0x2] =	wrdreg s24  }
0xaf: {  	[dreg:$0x3] =	wrdreg s2  }
0xb0: {  	[dreg:$0x4] =	wrdreg $0x9  }
0xb1: {  	_ =	task.clear_ibuf [dreg:s7], $0x5FFFF;
	_ =	strace $0x9000004C  }
0xb2: {  	s29 =	simm.s32 $0x9;
	_ =	strace $0x8000004E  }
0xb3: {  	_ =	swait.ge [sflag:s29], $0x1  }
0xb4: {  	[sflag:s29] =	ssyncadd.s32 $0xFFFFFFFF  }
0xb5: {  	_ =	strace $0x9000004E  }
0xb6: {  	_ =	sfence  }
0xb7: {  	s30 =	sld [smem:$0x0];
	_ =	sdelay $0x2  }
0xb8: {  	s31 =	sshll.u32 s1, $0xD;
	s1 =	sshrl.u32 s1, $0x2  }
0xb9: {  	s3 =	sand.u32 $0x4000, s31;
	s1 =	sadd.s32 s1, s30  }
0xba: {  	s0 =	sor.u32 s3, s0;
	s1 =	sshll.u32 s1, $0x11  }
0xbb: {  	s0 =	sor.u32 s1, s0  }
0xbc: {  	s0 =	sadd.s32 $0x8F2B, s0  }
0xbd: {  	[sflag:s0] =	ssyncadd.remote.s32 $0x1  }
0xbe: {  	_ =	sfence.sel $0xFFFF  }
0xbf: {  	[dreg:$0x0] =	wrdreg $0xFFFFFFFF;
	(pc) =	sbr.abs _section_cstart, $3  }
0xc0: {  	[dreg:$0x1] =	wrdreg $0xFFFFFFFF  }
0xc1: {  	_ =	task.clear_ibuf [dreg:s7], $0x2FFFF;
	_ =	strace $0x9FFFFFFF  }
0xc2: {  	(tm) =	ssettm $0x7FFFFFFF  }
0xc3: {  	_ =	shalt  }
tec
execute0_lowered:
.L_overlay_start_1:
0x0: {  	(tag) =	ssettag $0x1  }
0x1: {  	s7 =	rddreg [dreg:$0x0]  }
0x2: {  	s9 =	rddreg [dreg:$0x1]  }
0x3: {  	s0 =	rddreg [dreg:$0x2];
	s1 =	simm.s32 $0x0;
	s3 =	srdreg.scid  }
0x4: {  	s13 =	simm.s32 $0x190;
	s14 =	simm.s32 $0x320;
	s15 =	simm.s32 $0x1C20  }
0x5: {  	s16 =	simm.s32 $0x1;
	s17 =	simm.s32 $0x3520;
	s18 =	simm.s32 $0x36C0  }
0x6: {  	s19 =	simm.s32 $0x0;
	[smem:$0x7FF] =	sst s1;
	s2 =	sadd.s32 $0x16A00, s7  }
0x7: {  	s4 =	sadd.s32 $0xCC00, s7;
	s5 =	sadd.s32 $0x2E00, s7;
	s6 =	sand.u32 $0x1, s3  }
0x8: {  	s3 =	stileid.u32;
	_ =	strace $0x8000004D;
	s10 =	sshll.u32 s6, $0x4  }
0x9: {  	s8 =	ssub.s32 $0x2, s6;
	s6 =	sadd.s32 $0x2A400, s7;
	s10 =	sor.u32 s3, s10  }
0xa: {  	s7 =	sadd.s32 $0x1BA00, s7;
	s11 =	sshrl.u32 s8, $0x1;
	s12 =	sshll.u32 s10, $0x1  }
0xb: {  	v0 =	vlaneseq.u32;
	s11 =	ssub.s32 s8, s11;
	s8 =	smul.u32 $0x2710, s10;
	s9 =	sadd.s32 s9, s12  }
0xc: {  	v0 =	vmul.u32 $0x10, v0;
	s10 =	smax.u32 s11, $0x1;
	s11 =	simm.s32 $0x36B0;
	s12 =	simm.s32 $0x2  }
.LBB2_1:
0xd: {  	[tilespmem:s11], [sflag:$0x2] =	stream.linear.gather [hbm4b:s6+s1], $0x10, $0x38;
	[tilespmem:$0x36D0] =	vst v63  }
0xe: {  	_ =	swait.ge [sflag:s12], $0x10  }
0xf: {  	[sflag:s12] =	ssyncset.done $0x0  }
0x10: {  	[sflag:s12] =	ssyncadd.s32 $0xFFFFFFF0  }
0x11: {  	v2 =	vld [tilespmem:$0x36B0];
	_ =	sdelay $0x4  }
0x12: {  	v3 =	vimm.f32 $-3.000000010e+38;
	s20 =	simm.s32 $0x0;
	v1 =	vbroadcast v2, $0x0;
	v2 =	vbroadcast v2, $0x1  }
.LBB2_2:
0x13: {  	s21 =	smul.u32 $0x190, s20;
	_ =	sdelay $0x1  }
0x14: {  	s21 =	sadd.s32 s8, s21  }
0x15: {  	s21 =	sshrl.u32 s21, $0x3  }
0x16: {  	s23 =	simm.s32 $0x0;
	s22 =	sadd.s32 s4, s21  }
0x17: {  	[tilespmem:s23], [sflag:$0x2] =	stream.linear.gather [hbm4b:s22+s23], $0x190, $0x38;
	[tilespmem:$0x36D0] =	vst v63  }
0x18: {  	_ =	swait.ge [sflag:s12], $0x190  }
0x19: {  	[sflag:s12] =	ssyncset.done $0x0  }
0x1a: {  	s29 =	sadd.s32 s5, s21;
	[sflag:s12] =	ssyncadd.s32 $0xFFFFFE70  }
0x1b: {  	[tilespmem:s13], [sflag:$0x2] =	stream.linear.gather [hbm4b:s29+s23], $0x190, $0x38;
	[tilespmem:$0x36D0] =	vst v63  }
0x1c: {  	_ =	swait.ge [sflag:s12], $0x190  }
0x1d: {  	[sflag:s12] =	ssyncset.done $0x0  }
0x1e: {  	[sflag:s12] =	ssyncadd.s32 $0xFFFFFE70  }
0x1f: {  	[tilespmem:s14], [sflag:$0x1] =	stream.indirect.gather [hbm4b:s2+s13], $0x10, s23, s13, $0xb8;
	[tilespmem:$0x36D0] =	vst v63  }
0x20: {  	v4 =	vmov s23  }
0x21: {  	v4 =	vshll.u32 v4, $0x4;
	[tilespmem:s15], [sflag:$0x1] =	stream.indirect.gather [hbm4b:s2+s13], $0x10, s13, s13, $0xb8;
	[tilespmem:$0x36D0] =	vst v63  }
0x22: {  	v4 =	vor.u32 v0, v4;
	_ =	swait.ge [sflag:s16], $0x1900  }
0x23: {  	v5 =	vor.u32 $0x2, v4;
	[sflag:s16] =	ssyncset.done $0x0  }
0x24: {  	[sflag:s16] =	ssyncadd.s32 $0xFFFFE700  }
0x25: {  	v6 =	vor.u32 $0x1, v4;
	_ =	swait.ge [sflag:s16], $0x1900  }
0x26: {  	v7 =	vor.u32 $0x3, v4;
	[sflag:s16] =	ssyncset.done $0x0  }
0x27: {  	[sflag:s16] =	ssyncadd.s32 $0xFFFFE700  }
0x28: {  	v5 =	vld.idx.msk [tilespmem:v5+s15+$0x0], $0xffff  }
0x29: {  	v4 =	vld.idx.msk [tilespmem:v4+s14+$0x0], $0xffff  }
0x2a: {  	v6 =	vld.idx.msk [tilespmem:v6+s14+$0x0], $0xffff  }
0x2b: {  	v7 =	vld.idx.msk [tilespmem:v7+s15+$0x0], $0xffff;
	_ =	sdelay $0x4  }
0x2c: {  	v4 =	vadd.f32 v5, v4;
	v5 =	vadd.f32 v7, v6  }
0x2d: {  	s30 =	simm.s32 $0x10  }
0x2e: {  	v6 =	vmov s30;
	v7 =	vmul.f32 $2.000000030e-01, v4;
	v8 =	vmul.f32 $2.000000030e-01, v5  }
0x2f: {  	v6 =	vshll.u32 v6, $0x4  }
0x30: {  	v6 =	vor.u32 v0, v6;
	v4 =	vmax.f32 v4, v7;
	v5 =	vmax.f32 v5, v8  }
0x31: {  	v7 =	vor.u32 $0x2, v6;
	v4 =	vmul.f32 v4, v1;
	v5 =	vmul.f32 v5, v2;
	_ =	sdelay $0x1  }
0x32: {  	v8 =	vor.u32 $0x1, v6;
	v4 =	vadd.f32 v5, v4  }
0x33: {  	s22 =	simm.s32 $0x3520;
	v5 =	vor.u32 $0x3, v6  }
0x34: {  	[tilespmem:s22+$0x0] =	vst v4  }
0x35: {  	v7 =	vld.idx.msk [tilespmem:v7+s15+$0x0], $0xffff  }
0x36: {  	v6 =	vld.idx.msk [tilespmem:v6+s14+$0x0], $0xffff  }
0x37: {  	v8 =	vld.idx.msk [tilespmem:v8+s14+$0x0], $0xffff  }
0x38: {  	v5 =	vld.idx.msk [tilespmem:v5+s15+$0x0], $0xffff;
	_ =	sdelay $0x4  }
0x39: {  	v6 =	vadd.f32 v7, v6;
	v5 =	vadd.f32 v5, v8  }
0x3a: {  	s31 =	simm.s32 $0x20  }
0x3b: {  	v7 =	vmov s31;
	v8 =	vmul.f32 $2.000000030e-01, v6;
	v9 =	vmul.f32 $2.000000030e-01, v5  }
0x3c: {  	v3 =	vmax.f32 v3, v4;
	v4 =	vshll.u32 v7, $0x4  }
0x3d: {  	v4 =	vor.u32 v0, v4;
	v6 =	vmax.f32 v6, v8;
	v7 =	vmax.f32 v5, v9  }
0x3e: {  	s23 =	simm.s32 $0x30;
	v6 =	vmul.f32 v6, v1;
	v5 =	vor.u32 $0x2, v4;
	v7 =	vmul.f32 v7, v2  }
.LBB2_3:
0x3f: {  	p0 =	sne.s32 s23, $0x180  }
0x40: {  	v8 =	vor.u32 $0x1, v4;
	v6 =	vadd.f32 v7, v6  }
0x41: {  	s22 =	sadd.s32 $0x10, s22;
	v7 =	vor.u32 $0x3, v4  }
0x42: {  	[tilespmem:s22+$0x0] =	vst v6;
	v3 =	vmax.f32 v3, v6  }
0x43: {  	v5 =	vld.idx.msk [tilespmem:v5+s15+$0x0], $0xffff  }
0x44: {  	v4 =	vld.idx.msk [tilespmem:v4+s14+$0x0], $0xffff  }
0x45: {  	v6 =	vld.idx.msk [tilespmem:v8+s14+$0x0], $0xffff  }
0x46: {  	v7 =	vld.idx.msk [tilespmem:v7+s15+$0x0], $0xffff;
	_ =	sdelay $0x5  }
0x47: {  	v5 =	vadd.f32 v5, v4;
	v6 =	vadd.f32 v7, v6  }
.Ltmp0:
0x48: {  	(pc) =	sbr.rel @p0 .LBB2_3-.Ltmp0, $4  }
0x49: {  	v4 =	vmov s23;
	v7 =	vmul.f32 $2.000000030e-01, v5;
	v8 =	vmul.f32 $2.000000030e-01, v6  }
0x4a: {  	v4 =	vshll.u32 v4, $0x4  }
0x4b: {  	v4 =	vor.u32 v0, v4;
	v7 =	vmax.f32 v5, v7;
	v8 =	vmax.f32 v6, v8  }
0x4c: {  	s23 =	sadd.s32 $0x10, s23;
	v5 =	vor.u32 $0x2, v4;
	v6 =	vmul.f32 v7, v1;
	v7 =	vmul.f32 v8, v2  }
0x4d: {  	_ = 	snop  }
0x4e: {  	v8 =	vor.u32 $0x1, v4;
	v6 =	vadd.f32 v7, v6  }
0x4f: {  	v62 =	vor.u32 $0x3, v4;
	s22 =	sadd.s32 $0x10, s22  }
0x50: {  	[tilespmem:s22+$0x0] =	vst v6  }
0x51: {  	v5 =	vld.idx.msk [tilespmem:v5+s15+$0x0], $0xffff  }
0x52: {  	v4 =	vld.idx.msk [tilespmem:v4+s14+$0x0], $0xffff  }
0x53: {  	v8 =	vld.idx.msk [tilespmem:v8+s14+$0x0], $0xffff  }
0x54: {  	v7 =	vld.idx.msk [tilespmem:v62+s15+$0x0], $0xffff;
	_ =	sdelay $0x4  }
0x55: {  	v4 =	vadd.f32 v5, v4;
	v5 =	vadd.f32 v7, v8;
	_ =	sdelay $0x1  }
0x56: {  	v63 =	vmul.f32 $2.000000030e-01, v4;
	v8 =	vmul.f32 $2.000000030e-01, v5;
	_ =	sdelay $0x1  }
0x57: {  	v4 =	vmax.f32 v4, v63;
	v5 =	vmax.f32 v5, v8  }
0x58: {  	v4 =	vmul.f32 v4, v1;
	v5 =	vmul.f32 v5, v2;
	_ =	sdelay $0x1  }
0x59: {  	s20 =	sadd.s32 $0x1, s20;
	v4 =	vadd.f32 v5, v4  }
0x5a: {  	p0 =	sne.s32 s20, $0x19;
	s22 =	sadd.s32 $0x10, s22  }
.Ltmp1:
0x5b: {  	s21 =	sadd.s32 s7, s21;
	[tilespmem:s22+$0x0] =	vst v4;
	(pc) =	sbr.rel @p0 .LBB2_2-.Ltmp1, $4  }
0x5c: {  	[hbm4b:s21+s1] =	stream.linear.scatter [tilespmem:s17], [sflag:$0x2], $0x190, $0x38;
	[tilespmem:$0x36D0] =	vst v63  }
0x5d: {  	_ =	swait.ge [sflag:s12], $0x190  }
0x5e: {  	v3 =	vmax.f32 v3, v6;
	[sflag:s12] =	ssyncset.done $0x0  }
0x5f: {  	v3 =	vmax.f32 v3, v4;
	[sflag:s12] =	ssyncadd.s32 $0xFFFFFE70  }
0x60: {  	s19 =	sadd.s32 $0x1, s19  }
0x61: {  	p0 =	sne.s32 s19, s10  }
.Ltmp2:
0x62: {  	[tilespmem:$0x36C0] =	vst v3;
	(pc) =	sbr.rel @p0 .LBB2_1-.Ltmp2, $4  }
0x63: {  	[hbm4b:s9+s1] =	stream.linear.scatter [tilespmem:s18], [sflag:$0x2], $0x10, $0x38;
	[tilespmem:$0x36D0] =	vst v63  }
0x64: {  	_ =	swait.ge [sflag:s12], $0x10  }
0x65: {  	[sflag:s12] =	ssyncset.done $0x0  }
0x66: {  	[sflag:s12] =	ssyncadd.s32 $0xFFFFFFF0  }
0x67: {  	_ =	sfence.sel $0x180000  }
0x68: {  	[bflag:$0x0] =	sbarrier.arrive $0xFFFF  }
0x69: {  	p0 =	sne.s32 s3, $0x0;
	_ =	strace $0x9000004D  }
0x6a: {  	s0 =	sadd.s32 @!p0 $0x100000, s0;
	[bflag:$0x2] =	sbarrier.arrive $0xFFFF  }
0x6b: {  	[sflag:s0] =	ssyncadd.tile.s32 @!p0 $0x1;
	_ =	shalt  }
.Lfunc_end2:
_tile_overlayer_lowered:
.L_overlay_start_2:
0x6c: {  	(tag) =	ssettag $0x2  }
0x6d: {  	s0 =	rddreg [dreg:$0x0];
	s2 =	stileid.u32  }
0x6e: {  	s1 =	rddreg [dreg:$0x1];
	p0 =	sne.s32 s2, $0x0  }
0x6f: {  	s3 =	rddreg [dreg:$0x2];
	[bflag:$0x3] =	sbarrier.arrive $0xFFFF;
	s2 =	simm.s32 @!p0 $0x1C02  }
0x70: {  	[timem:s3], [sflag:s2] =	dma.local @!p0 [hbm:s0], s1  }
0x71: {  	s0 =	simm.s32 @!p0 $0x2  }
0x72: {  	_ =	swait.ge @!p0 [sflag:s0], s1  }
0x73: {  	s1 =	ssub.s32 @!p0 $0x0, s1;
	[sflag:s0] =	ssyncset.done @!p0 $0x0  }
0x74: {  	[sflag:s0] =	ssyncadd.s32 @!p0 s1  }
0x75: {  	[bflag:$0x3] =	sbarrier.arrive $0xFFFF  }
0x76: {  	_ =	shalt  }

// kernel: kernel.18.cloned.1.call-start
scs
__scs_entry_jumppad:
0x0: {  	(pc) =	sbr.rel $0x88, $3  }
0x1: {  	(tag) =	ssettag $0x0;
	lr =	simm.s32 $0x1  }
0x2: {  	[smem:$0x3F93] =	sst lr;
	_ =	strace $0xD0000000  }
0x3: {  	_ = 	snop  }
0x4: {  	_ = 	snop  }
0x5: {  	_ = 	snop  }
0x6: {  	_ = 	snop  }
0x7: {  	_ = 	snop  }
__scs_overlays_trampoline_lowered:
0x8: {  	[smem:$0x3FA2] =	sst s0  }
0x9: {  	[smem:$0x3FA3] =	sst s1  }
0xa: {  	[smem:$0x3FA4] =	sst s2  }
0xb: {  	[smem:$0x3FA5] =	sst s3  }
0xc: {  	[smem:$0x3FA6] =	sst s4  }
0xd: {  	[smem:$0x3FA7] =	sst s5  }
0xe: {  	[smem:$0x3FA8] =	sst s6  }
0xf: {  	[smem:$0x3FA9] =	sst s7  }
0x10: {  	[smem:$0x3FAA] =	sst s8  }
0x11: {  	[smem:$0x3FAB] =	sst s9;
	s0 =	simm.s32 @!p0 $0x0  }
0x12: {  	s1 =	sld [smem:$0x3F91];
	s0 =	simm.s32 @p0 $0x1  }
0x13: {  	[smem:$0x3FAC] =	sst s0;
	s0 =	simm.s32 @!p1 $0x0  }
0x14: {  	s2 =	sld [smem:$0x3F90];
	s0 =	simm.s32 @p1 $0x1  }
0x15: {  	[smem:$0x3FAD] =	sst s0;
	s0 =	simm.s32 @!p2 $0x0  }
0x16: {  	s3 =	sld [smem:$0x3FDB];
	s0 =	simm.s32 @p2 $0x1  }
0x17: {  	s4 =	simm.s32 $0x1BF5;
	[smem:$0x3FAF] =	sst s0  }
0x18: {  	s0 =	sld [smem:$0x3F92];
	_ =	swait.ge [sflag:s4], $0x0  }
0x19: {  	s7 =	sld [smem:$0x3F93]  }
0x1a: {  	s8 =	sadd.s32 $0xFFFFE003, lr  }
0x1b: {  	s9 =	sadd.s32 $0xFFFFFEF7, lr;
	s5 =	simm.s32 $0xFFFFFFFF;
	p2 =	slt.u32 s8, $0xFFFFF086  }
0x1c: {  	p1 =	slt.u32 s9, $0xF7A;
	s5 =	simm.s32 @!p2 $0x0  }
0x1d: {  	s5 =	simm.s32 @p1 $0x1;
	p0 =	seq.s32 s7, s2  }
0x1e: {  	s7 =	smul.u32 @!p0 $0xF7A, s2;
	p2 =	seq.s32 @!p0 s5, $0x0  }
0x1f: {  	s9 =	smul.u32 $0xF7A, s1;
	s8 =	simm.s32 @!p0 $0x1BF5;
	p2 =	por !p2, p0  }
0x20: {  	[sflag:s8] =	ssyncset.s32 @!p0 $0xFFFFF086;
	s6 =	sadd.s32 @!p0 s3, s7;
	s7 =	simm.s32 @!p0 $0x108  }
0x21: {  	s3 =	sadd.s32 s3, s9;
	s6 =	sadd.s32 @!p0 $0x88, s6;
	s7 =	simm.s32 @p2 $0x1082  }
0x22: {  	[simem:s7], [sflag:s8] =	dma.local @!p0 [hbm:s6], $0xF7A  }
0x23: {  	s9 =	sor.u32 $0xD0000000, s2;
	s6 =	simm.s32 $0x108;
	_ =	swait.ge @!p0 [sflag:s8], $0x0  }
0x24: {  	s3 =	sadd.s32 $0x88, s3;
	s6 =	simm.s32 @!p1 $0x1082;
	[sflag:s4] =	ssyncset.s32 $0xFFFFF086  }
0x25: {  	[simem:s6], [sflag:s4] =	dma.local [hbm:s3], $0xF7A  }
0x26: {  	[smem:$0x3F93] =	sst s1;
	(tag) =	ssettag s2;
	_ =	strace s9  }
0x27: {  	s1 =	sld [smem:$0x3FA3]  }
0x28: {  	s2 =	sld [smem:$0x3FA4]  }
0x29: {  	s4 =	sld [smem:$0x3FA6]  }
0x2a: {  	p0 =	seq.s32 s5, $0x0;
	s5 =	sld [smem:$0x3FA7]  }
0x2b: {  	s6 =	sld [smem:$0x3FA8]  }
0x2c: {  	s7 =	sld [smem:$0x3FA9]  }
0x2d: {  	s3 =	simm.s32 $0x108;
	s8 =	sld [smem:$0x3FAA]  }
0x2e: {  	s3 =	simm.s32 @!p0 $0x1082;
	s9 =	sld [smem:$0x3FAB]  }
0x2f: {  	lr =	sadd.s32 s0, s3;
	s0 =	sld [smem:$0x3FA2]  }
0x30: {  	s3 =	sld [smem:$0x3FA5]  }
0x31: {  	[smem:$0x3FAE] =	sst s10  }
0x32: {  	s10 =	sld [smem:$0x3FAC];
	_ =	sdelay $0x3  }
0x33: {  	p0 =	seq.s32 s10, $0x1;
	s10 =	sld [smem:$0x3FAE];
	_ =	sdelay $0x3  }
0x34: {  	[smem:$0x3FAE] =	sst s10  }
0x35: {  	s10 =	sld [smem:$0x3FAD];
	_ =	sdelay $0x3  }
0x36: {  	p1 =	seq.s32 s10, $0x1;
	s10 =	sld [smem:$0x3FAE];
	_ =	sdelay $0x3  }
0x37: {  	[smem:$0x3FAE] =	sst s10  }
0x38: {  	s10 =	sld [smem:$0x3FAF]  }
0x39: {  	_ = 	snop;
	(pc) =	sbr.ind lr, $3  }
0x3a: {  	_ = 	snop  }
0x3b: {  	_ = 	snop  }
0x3c: {  	p2 =	seq.s32 s10, $0x1;
	s10 =	sld [smem:$0x3FAE]  }
0x3d: {  	_ =	shalt  }
0x3e: {  	_ =	shalt  }
0x3f: {  	_ =	shalt  }
0x40: {  	_ =	shalt  }
0x41: {  	_ =	shalt  }
0x42: {  	_ =	shalt  }
0x43: {  	_ =	shalt  }
0x44: {  	_ =	shalt  }
0x45: {  	_ =	shalt  }
0x46: {  	_ =	shalt  }
0x47: {  	_ =	shalt  }
0x48: {  	_ =	shalt  }
0x49: {  	_ =	shalt  }
0x4a: {  	_ =	shalt  }
0x4b: {  	_ =	shalt  }
0x4c: {  	_ =	shalt  }
0x4d: {  	_ =	shalt  }
0x4e: {  	_ =	shalt  }
0x4f: {  	_ =	shalt  }
0x50: {  	_ =	shalt  }
0x51: {  	_ =	shalt  }
0x52: {  	_ =	shalt  }
0x53: {  	_ =	shalt  }
0x54: {  	_ =	shalt  }
0x55: {  	_ =	shalt  }
0x56: {  	_ =	shalt  }
0x57: {  	_ =	shalt  }
0x58: {  	_ =	shalt  }
0x59: {  	_ =	shalt  }
0x5a: {  	_ =	shalt  }
0x5b: {  	_ =	shalt  }
0x5c: {  	_ =	shalt  }
0x5d: {  	_ =	shalt  }
0x5e: {  	_ =	shalt  }
0x5f: {  	_ =	shalt  }
0x60: {  	_ =	shalt  }
0x61: {  	_ =	shalt  }
0x62: {  	_ =	shalt  }
0x63: {  	_ =	shalt  }
0x64: {  	_ =	shalt  }
0x65: {  	_ =	shalt  }
0x66: {  	_ =	shalt  }
0x67: {  	_ =	shalt  }
0x68: {  	_ =	shalt  }
0x69: {  	_ =	shalt  }
0x6a: {  	_ =	shalt  }
0x6b: {  	_ =	shalt  }
0x6c: {  	_ =	shalt  }
0x6d: {  	_ =	shalt  }
0x6e: {  	_ =	shalt  }
0x6f: {  	_ =	shalt  }
0x70: {  	_ =	shalt  }
0x71: {  	_ =	shalt  }
0x72: {  	_ =	shalt  }
0x73: {  	_ =	shalt  }
0x74: {  	_ =	shalt  }
0x75: {  	_ =	shalt  }
0x76: {  	_ =	shalt  }
0x77: {  	_ =	shalt  }
0x78: {  	_ =	shalt  }
0x79: {  	_ =	shalt  }
0x7a: {  	_ =	shalt  }
0x7b: {  	_ =	shalt  }
0x7c: {  	_ =	shalt  }
0x7d: {  	_ =	shalt  }
0x7e: {  	_ =	shalt  }
0x7f: {  	_ =	shalt  }
0x80: {  	_ =	shalt  }
0x81: {  	_ =	shalt  }
0x82: {  	_ =	shalt  }
0x83: {  	_ =	shalt  }
0x84: {  	_ =	shalt  }
0x85: {  	_ =	shalt  }
0x86: {  	_ =	shalt  }
0x87: {  	_ =	shalt  }
.Lfunc_end0:
.L_simem_size_0:
called_computation.3_lowered:
.L_overlay_start_0:
0x88: {  	s2 =	sld [smem:$0x3FD9]  }
0x89: {  	s3 =	sld [smem:$0x3FFE];
	_ =	sdelay $0x1  }
0x8a: {  	s1 =	srdreg.scid  }
0x8b: {  	s0 =	sand.u32 $0x1, s1  }
0x8c: {  	s17 =	sshll.u32 s0, $0xA;
	s2 =	sadd.s32 s3, s2  }
0x8d: {  	s2 =	sadd.s32 s2, s17  }
0x8e: {  	[smem:$0x3FBA] =	sst s2  }
0x8f: {  	_ = 	snop  }
0x90: {  	s2 =	sld [smem:$0x3FD0];
	(tm) =	ssettm $0x1  }
0x91: {  	s18 =	sld [smem:$0x3FFB];
	_ =	sdelay $0x3  }
0x92: {  	_ =	strace s18  }
0x93: {  	s3 =	sld [smem:$0x3FFC];
	_ =	sdelay $0x3  }
0x94: {  	_ =	strace s3  }
0x95: {  	s3 =	sld [smem:$0x3FFD];
	_ =	sdelay $0x3  }
0x96: {  	_ =	strace s3  }
0x97: {  	_ =	strace $0x8FFFFFFF  }
0x98: {  	s19 =	sld [smem:$0x3FDB];
	_ =	sdelay $0x1  }
0x99: {  	s4 =	simm.s32 $_scs_section_size  }
0x9a: {  	s5 =	simm.s32 $_size__tile_overlayer_lowered;
	s6 =	simm.s32 $_tile_overlayer_lowered  }
0x9b: {  	s22 =	simm.s32 $0x1BFF;
	s21 =	sshll.u32 s6, $0x1;
	s3 =	sadd.s32 s4, s19  }
0x9c: {  	s7 =	simm.s32 $0x0;
	s20 =	sshll.u32 s5, $0x1;
	s5 =	sadd.s32 s21, s3  }
0x9d: {  	[timem:s7], [sflag:s22] =	dma.local [hbm:s5], s20  }
0x9e: {  	_ =	swait.ge [sflag:s22], s20  }
0x9f: {  	s4 =	ssub.s32 $0x0, s20;
	[sflag:s22] =	ssyncset.done $0x0  }
0xa0: {  	[sflag:s22] =	ssyncadd.s32 s4;
	_ =	sdelay $0x1  }
0xa1: {  	s23 =	simm.s32 $0x1B8B  }
0xa2: {  	_ =	swait.ge [sflag:s23], $0x1  }
0xa3: {  	[sflag:s23] =	ssyncset.done $0x0  }
0xa4: {  	s25 =	simm.s32 $0x1B8E;
	s24 =	sld [smem:$0x3FFE];
	[sflag:s23] =	ssyncadd.s32 $0xFFFFFFFF  }
0xa5: {  	s26 =	simm.s32 $execute0_lowered;
	[smem:$0x3FD2] =	sst s25  }
0xa6: {  	s5 =	sshll.u32 s26, $0x1;
	_ =	strace $0x8000004F;
	[dreg:$0x1] =	wrdreg $0xFFFFFFFF  }
0xa7: {  	s28 =	simm.s32 $_size_execute0_lowered;
	s3 =	sadd.s32 s3, s5;
	[dreg:$0x0] =	wrdreg $0x0  }
0xa8: {  	s5 =	sshll.u32 s28, $0x1;
	[dreg:$0x2] =	wrdreg s3  }
0xa9: {  	[dreg:$0x3] =	wrdreg s5  }
0xaa: {  	[dreg:$0x4] =	wrdreg $0xC0  }
0xab: {  	_ =	task [dreg:s7], $0x5FFFF  }
0xac: {  	[dreg:$0x1] =	wrdreg $0xFFFFFFFF  }
0xad: {  	[dreg:$0x0] =	wrdreg $0x60  }
0xae: {  	[dreg:$0x2] =	wrdreg s24  }
0xaf: {  	[dreg:$0x3] =	wrdreg s2  }
0xb0: {  	[dreg:$0x4] =	wrdreg $0x2C300  }
0xb1: {  	[dreg:$0x5] =	wrdreg $0x9  }
0xb2: {  	_ =	task.clear_ibuf [dreg:s7], $0x6FFFF;
	_ =	strace $0x9000004F  }
0xb3: {  	s29 =	simm.s32 $0x9;
	_ =	strace $0x80000051  }
0xb4: {  	_ =	swait.ge [sflag:s29], $0x1  }
0xb5: {  	[sflag:s29] =	ssyncadd.s32 $0xFFFFFFFF  }
0xb6: {  	_ =	strace $0x90000051  }
0xb7: {  	_ =	sfence  }
0xb8: {  	s30 =	sld [smem:$0x0];
	_ =	sdelay $0x2  }
0xb9: {  	s31 =	sshll.u32 s1, $0xD;
	s1 =	sshrl.u32 s1, $0x2  }
0xba: {  	s3 =	sand.u32 $0x4000, s31;
	s1 =	sadd.s32 s1, s30  }
0xbb: {  	s0 =	sor.u32 s3, s0;
	s1 =	sshll.u32 s1, $0x11  }
0xbc: {  	s0 =	sor.u32 s1, s0  }
0xbd: {  	s0 =	sadd.s32 $0x8F2B, s0  }
0xbe: {  	[sflag:s0] =	ssyncadd.remote.s32 $0x1  }
0xbf: {  	_ =	sfence.sel $0xFFFF  }
0xc0: {  	[dreg:$0x0] =	wrdreg $0xFFFFFFFF;
	(pc) =	sbr.abs _section_cstart, $3  }
0xc1: {  	[dreg:$0x1] =	wrdreg $0xFFFFFFFF  }
0xc2: {  	_ =	task.clear_ibuf [dreg:s7], $0x2FFFF;
	_ =	strace $0x9FFFFFFF  }
0xc3: {  	(tm) =	ssettm $0x7FFFFFFF  }
tec
execute0_lowered:
.L_overlay_start_1:
0x0: {  	(tag) =	ssettag $0x1  }
0x1: {  	s10 =	rddreg [dreg:$0x0]  }
0x2: {  	s2 =	rddreg [dreg:$0x1]  }
0x3: {  	s3 =	rddreg [dreg:$0x2]  }
0x4: {  	s0 =	rddreg [dreg:$0x3]  }
0x5: {  	s5 =	srdreg.scid;
	s1 =	stileid.u32  }
0x6: {  	s4 =	simm.s32 $0x0;
	v0 =	vimm.s32 $0xEFCDAB89;
	s15 =	simm.s32 $0x2;
	s18 =	simm.s32 $0x1DB0  }
0x7: {  	v1 =	vimm.s32 $0x67452301;
	v2 =	vimm.s32 $0xDCFE98BA;
	s19 =	simm.s32 $0x190;
	s20 =	simm.s32 $0x320;
	s21 =	simm.s32 $0x1  }
0x8: {  	v3 =	vimm.s32 $0x54761032;
	v4 =	vimm.s32 $0xBA98FEDC;
	v5 =	vimm.s32 $0xFEDCBA98;
	s22 =	simm.s32 $0x0;
	s26 =	simm.s32 $0x0;
	s11 =	sand.u32 $0x1, s5  }
0x9: {  	v6 =	vimm.s32 $0x32107654;
	s12 =	smul.u32 $0x1388, s1;
	[smem:$0x7FF] =	sst s4;
	s5 =	sadd.s32 $0x16A00, s10  }
0xa: {  	v7 =	vimm.s32 $0x76543210;
	v0 =	vunpack.c.l.s4.s8 v0;
	s6 =	sadd.s32 $0xCC00, s10;
	s7 =	sadd.s32 $0x2E00, s10;
	s8 =	sadd.s32 $0x1BA00, s10  }
0xb: {  	v1 =	vunpack.c.l.s4.s8 v1;
	v2 =	vunpack.c.l.s4.s8 v2;
	v3 =	vunpack.c.l.s4.s8 v3;
	s16 =	sshll.u32 s1, $0x6;
	s9 =	smul.u32 $0x13880, s11;
	_ =	strace $0x80000050  }
0xc: {  	v5 =	vunpack.c.l.s4.s8 v5;
	v4 =	vunpack.c.l.s4.s8 v4;
	v6 =	vunpack.c.l.s4.s8 v6;
	s14 =	ssub.s32 $0x2, s11;
	s11 =	sshll.u32 s11, $0x4;
	s16 =	sor.u32 $0x1C02, s16  }
0xd: {  	v7 =	vunpack.c.l.s4.s8 v7;
	v0 =	vunpack.c.0.s8.s32 v0;
	v1 =	vunpack.c.0.s8.s32 v1;
	s30 =	sshrl.u32 s14, $0x1;
	s11 =	sor.u32 s1, s11;
	s31 =	sshrl.u32 s12, $0x3  }
0xe: {  	s17 =	sadd.s32 s12, s3;
	v2 =	vunpack.c.0.s8.s32 v2;
	v3 =	vunpack.c.0.s8.s32 v3;
	v5 =	vunpack.c.0.s8.s32 v5;
	s13 =	sadd.s32 s12, s9;
	s9 =	sadd.s32 $0x25800, s10  }
0xf: {  	v4 =	vunpack.c.0.s8.s32 v4;
	v6 =	vunpack.c.0.s8.s32 v6;
	v7 =	vunpack.c.0.s8.s32 v7;
	s14 =	ssub.s32 s14, s30;
	s11 =	smul.u32 $0x2710, s11;
	s13 =	sshrl.u32 s13, $0x3  }
0x10: {  	s17 =	sshrl.u32 s17, $0x3;
	v0 =	vcombine.low v1, v0;
	v1 =	vcombine.low v3, v2;
	v3 =	vand.u32 $0xF, v5;
	s13 =	sadd.s32 s13, s10;
	s10 =	sadd.s32 s9, s31  }
0x11: {  	v2 =	vcombine.low v6, v4;
	v4 =	vlaneseq.u32;
	v3 =	vcombine.low v3, v7;
	s12 =	sadd.s32 $0x28000, s13;
	s13 =	smax.u32 s14, $0x1;
	s14 =	simm.s32 $0x2A30  }
.LBB2_1:
0x12: {  	[tilespmem:s14], [sflag:$0x2] =	stream.linear.gather [hbm4b:s2+s4], $0x200, $0x38;
	[tilespmem:$0x3FB8] =	vst v63  }
0x13: {  	_ =	swait.ge [sflag:s15], $0x200  }
0x14: {  	[sflag:s15] =	ssyncset.done $0x0  }
0x15: {  	[sflag:s15] =	ssyncadd.s32 $0xFFFFFE00  }
0x16: {  	v5 =	vld [tilespmem:$0x2A30]  }
0x17: {  	v6 =	vld [tilespmem:$0x2A40]  }
0x18: {  	v7 =	vld [tilespmem:$0x2A50]  }
0x19: {  	v8 =	vld [tilespmem:$0x2A60]  }
0x1a: {  	v9 =	vld [tilespmem:$0x2A70]  }
0x1b: {  	v10 =	vld [tilespmem:$0x2A80];
	v5 =	vmax.f32 v5, $-3.000000010e+38  }
0x1c: {  	v5 =	vmax.f32 v5, v6;
	v6 =	vld [tilespmem:$0x2A90]  }
0x1d: {  	v5 =	vmax.f32 v5, v7;
	v7 =	vld [tilespmem:$0x2AA0]  }
0x1e: {  	v49 =	vld [tilespmem:$0x2AB0];
	v5 =	vmax.f32 v5, v8  }
0x1f: {  	v50 =	vld [tilespmem:$0x2AC0];
	v5 =	vmax.f32 v5, v9  }
0x20: {  	v51 =	vld [tilespmem:$0x2AD0];
	v5 =	vmax.f32 v5, v10  }
0x21: {  	v5 =	vmax.f32 v5, v6;
	v6 =	vld [tilespmem:$0x2AE0]  }
0x22: {  	v5 =	vmax.f32 v5, v7;
	v7 =	vld [tilespmem:$0x2AF0]  }
0x23: {  	v52 =	vld [tilespmem:$0x2B00];
	v5 =	vmax.f32 v5, v49  }
0x24: {  	v53 =	vld [tilespmem:$0x2B10];
	v5 =	vmax.f32 v5, v50  }
0x25: {  	v54 =	vld [tilespmem:$0x2B20];
	v5 =	vmax.f32 v5, v51  }
0x26: {  	v5 =	vmax.f32 v5, v6;
	v6 =	vld [tilespmem:$0x2B30]  }
0x27: {  	v5 =	vmax.f32 v5, v7;
	v7 =	vld [tilespmem:$0x2B40]  }
0x28: {  	v55 =	vld [tilespmem:$0x2B50];
	v5 =	vmax.f32 v5, v52  }
0x29: {  	v56 =	vld [tilespmem:$0x2B60];
	v5 =	vmax.f32 v5, v53  }
0x2a: {  	v57 =	vld [tilespmem:$0x2B70];
	v5 =	vmax.f32 v5, v54  }
0x2b: {  	v5 =	vmax.f32 v5, v6;
	v6 =	vld [tilespmem:$0x2B80]  }
0x2c: {  	v5 =	vmax.f32 v5, v7;
	v7 =	vld [tilespmem:$0x2B90]  }
0x2d: {  	v58 =	vld [tilespmem:$0x2BA0];
	v5 =	vmax.f32 v5, v55  }
0x2e: {  	v59 =	vld [tilespmem:$0x2BB0];
	v5 =	vmax.f32 v5, v56  }
0x2f: {  	v60 =	vld [tilespmem:$0x2BC0];
	v5 =	vmax.f32 v5, v57  }
0x30: {  	v5 =	vmax.f32 v5, v6;
	v6 =	vld [tilespmem:$0x2BD0]  }
0x31: {  	v5 =	vmax.f32 v5, v7;
	v7 =	vld [tilespmem:$0x2BE0]  }
0x32: {  	v61 =	vld [tilespmem:$0x2BF0];
	v5 =	vmax.f32 v5, v58  }
0x33: {  	v62 =	vld [tilespmem:$0x2C00];
	v5 =	vmax.f32 v5, v59  }
0x34: {  	v63 =	vld [tilespmem:$0x2C10];
	v5 =	vmax.f32 v5, v60  }
0x35: {  	v5 =	vmax.f32 v5, v6;
	v6 =	vld [tilespmem:$0x2C20]  }
0x36: {  	v5 =	vmax.f32 v5, v7  }
0x37: {  	v5 =	vmax.f32 v5, v61  }
0x38: {  	v5 =	vmax.f32 v5, v62  }
0x39: {  	v5 =	vmax.f32 v5, v63  }
0x3a: {  	v5 =	vmax.f32 v5, v6  }
0x3b: {  	v6 =	vperm.xlane v5, v0;
	_ =	sdelay $0x1  }
0x3c: {  	v5 =	vmax.f32 v5, v6  }
0x3d: {  	[spmem:s17], [sflag:s16] =	dma.local [hbm:s10], $0x271;
	v6 =	vperm.xlane v5, v1  }
0x3e: {  	_ =	swait.ge [sflag:s15], $0x271  }
0x3f: {  	[sflag:s15] =	ssyncset.done $0x0;
	v5 =	vmax.f32 v5, v6  }
0x40: {  	[sflag:s15] =	ssyncadd.s32 $0xFFFFFD8F;
	v6 =	vperm.xlane v5, v2  }
0x41: {  	[tilespmem:s18], [sflag:$0x2] =	stream.linear.gather [hbm4b:s9+s4], $0xC80, $0x38;
	[tilespmem:$0x3FB8] =	vst v63  }
0x42: {  	_ =	swait.ge [sflag:s15], $0xC80;
	v5 =	vmax.f32 v5, v6  }
0x43: {  	[sflag:s15] =	ssyncset.done $0x0;
	v6 =	vperm.xlane v5, v3  }
0x44: {  	[sflag:s15] =	ssyncadd.s32 $0xFFFFF380  }
0x45: {  	s23 =	simm.s32 $0x0;
	[bflag:$0x0] =	sbarrier.arrive $0xFFFF;
	v5 =	vmax.f32 v5, v6  }
.LBB2_2:
0x46: {  	s24 =	smul.u32 $0x190, s23;
	_ =	sdelay $0x1  }
0x47: {  	s24 =	sadd.s32 s11, s24  }
0x48: {  	s24 =	sshrl.u32 s24, $0x3  }
0x49: {  	s25 =	sadd.s32 s6, s24  }
0x4a: {  	[tilespmem:s26], [sflag:$0x2] =	stream.linear.gather [hbm4b:s25+s26], $0x190, $0x38;
	[tilespmem:$0x3FB8] =	vst v63  }
0x4b: {  	_ =	swait.ge [sflag:s15], $0x190  }
0x4c: {  	[sflag:s15] =	ssyncset.done $0x0  }
0x4d: {  	s30 =	sadd.s32 s7, s24;
	[sflag:s15] =	ssyncadd.s32 $0xFFFFFE70  }
0x4e: {  	[tilespmem:s19], [sflag:$0x2] =	stream.linear.gather [hbm4b:s30+s26], $0x190, $0x38;
	[tilespmem:$0x3FB8] =	vst v63  }
0x4f: {  	_ =	swait.ge [sflag:s15], $0x190  }
0x50: {  	[sflag:s15] =	ssyncset.done $0x0  }
0x51: {  	s31 =	sadd.s32 s8, s24;
	s24 =	simm.s32 $0x1C20;
	[sflag:s15] =	ssyncadd.s32 $0xFFFFFE70  }
0x52: {  	[tilespmem:s24], [sflag:$0x2] =	stream.linear.gather [hbm4b:s31+s26], $0x190, $0x38;
	[tilespmem:$0x3FB8] =	vst v63  }
0x53: {  	_ =	swait.ge [sflag:s15], $0x190  }
0x54: {  	[sflag:s15] =	ssyncset.done $0x0  }
0x55: {  	v6 =	vor.u32 s26, v4;
	[sflag:s15] =	ssyncadd.s32 $0xFFFFFE70  }
0x56: {  	v8 =	vshll.u32 v6, $0x4;
	[tilespmem:s20], [sflag:$0x1] =	stream.indirect.gather [hbm4b:s5+s19], $0x10, s26, s19, $0xb8;
	[tilespmem:$0x3FB8] =	vst v63  }
0x57: {  	v7 =	vor.u32 $0x1, v8;
	_ =	swait.ge [sflag:s21], $0x1900  }
0x58: {  	[sflag:s21] =	ssyncset.done $0x0  }
0x59: {  	[sflag:s21] =	ssyncadd.s32 $0xFFFFE700  }
0x5a: {  	v9 =	vld [tilespmem:s24+$0x0];
	_ =	sdelay $0x1  }
0x5b: {  	v7 =	vld.idx.msk [tilespmem:v7+s20+$0x0], $0xffff  }
0x5c: {  	s25 =	simm.s32 $0x10;
	v8 =	vld.idx.msk [tilespmem:v8+s20+$0x0], $0xffff  }
.LBB2_3:
0x5d: {  	p0 =	sne.s32 s25, $0x180  }
0x5e: {  	v9 =	vsub.f32 v9, v5;
	_ =	sdelay $0x1  }
0x5f: {  	v9 =	vmul.f32 $1.442695020e+00, v9;
	_ =	sdelay $0x1  }
0x60: {  	(erf) = vpow2.f32 v9;
	_ =	sdelay $0x6  }
0x61: {  	v9 =	vshll.u32 v6, $0x3  }
0x62: {  	v10 =	vor.u32 $0x1, v9  }
0x63: {  	v11 =	vor.u32 $0x2, v9;
	v12 =	vpop (erf)  }
0x64: {  	v6 =	vor.u32 s25, v4;
	v13 =	vor.u32 $0x3, v9;
	v8 =	vmul.f32 v12, v8  }
0x65: {  	v14 =	vshll.u32 v6, $0x4;
	v7 =	vmul.f32 v12, v7  }
0x66: {  	v15 =	vor.u32 $0x1, v14;
	[tilespmem:v9+s18+$0x0] =	vst.idx.msk $0xffff, v8  }
0x67: {  	[tilespmem:v10+s18+$0x0] =	vst.idx.msk $0xffff, v7  }
0x68: {  	[tilespmem:v11+s18+$0x0] =	vst.idx.msk $0xffff, v12  }
.Ltmp0:
0x69: {  	s24 =	sadd.s32 $0x10, s24;
	[tilespmem:v13+s18+$0x0] =	vst.idx.msk $0xffff, v12;
	(pc) =	sbr.rel @p0 .LBB2_3-.Ltmp0, $4  }
0x6a: {  	v9 =	vld [tilespmem:s24+$0x0]  }
0x6b: {  	v7 =	vld.idx.msk [tilespmem:v15+s20+$0x0], $0xffff  }
0x6c: {  	v8 =	vld.idx.msk [tilespmem:v14+s20+$0x0], $0xffff  }
0x6d: {  	s25 =	sadd.s32 $0x10, s25  }
0x6e: {  	_ = 	snop  }
0x6f: {  	v9 =	vsub.f32 v9, v5;
	_ =	sdelay $0x1  }
0x70: {  	v9 =	vmul.f32 $1.442695020e+00, v9;
	_ =	sdelay $0x1  }
0x71: {  	(erf) = vpow2.f32 v9;
	_ =	sdelay $0x6  }
0x72: {  	v6 =	vshll.u32 v6, $0x3  }
0x73: {  	v63 =	vor.u32 $0x1, v6  }
0x74: {  	v10 =	vor.u32 $0x2, v6;
	v11 =	vpop (erf)  }
0x75: {  	v12 =	vor.u32 $0x3, v6;
	v8 =	vmul.f32 v11, v8  }
0x76: {  	v7 =	vmul.f32 v11, v7  }
0x77: {  	[tilespmem:v6+s18+$0x0] =	vst.idx.msk $0xffff, v8  }
0x78: {  	s23 =	sadd.s32 $0x1, s23;
	[tilespmem:v63+s18+$0x0] =	vst.idx.msk $0xffff, v7  }
0x79: {  	p0 =	sne.s32 s23, $0x19;
	[tilespmem:v10+s18+$0x0] =	vst.idx.msk $0xffff, v11  }
.Ltmp1:
0x7a: {  	[tilespmem:v12+s18+$0x0] =	vst.idx.msk $0xffff, v11;
	(pc) =	sbr.rel @p0 .LBB2_2-.Ltmp1, $4  }
0x7b: {  	[spmem:s3] =	stream.indirect.scatter.add.f32 [tilespmem:s18], [sflag:$0x2], $0x8, s19, s19, $0xb8;
	[tilespmem:$0x3FB8] =	vst v63  }
0x7c: {  	_ =	swait.ge [sflag:s15], $0xC80  }
0x7d: {  	[sflag:s15] =	ssyncset.done $0x0  }
0x7e: {  	[sflag:s15] =	ssyncadd.s32 $0xFFFFF380  }
0x7f: {  	s22 =	sadd.s32 $0x1, s22  }
0x80: {  	p0 =	sne.s32 s22, s13  }
.Ltmp2:
0x81: {  	[bflag:$0x0] =	sbarrier.arrive $0xFFFF;
	(pc) =	sbr.rel @p0 .LBB2_1-.Ltmp2, $4  }
0x82: {  	[hbm:s12], [sflag:s16] =	dma.local [spmem:s17], $0x271  }
0x83: {  	_ =	swait.ge [sflag:s15], $0x271  }
0x84: {  	[sflag:s15] =	ssyncset.done $0x0  }
0x85: {  	[sflag:s15] =	ssyncadd.s32 $0xFFFFFD8F  }
0x86: {  	_ =	sfence.sel $0x180000  }
0x87: {  	[bflag:$0x0] =	sbarrier.arrive $0xFFFF  }
0x88: {  	p0 =	sne.s32 s1, $0x0;
	_ =	strace $0x90000050  }
0x89: {  	s0 =	sadd.s32 @!p0 $0x100000, s0;
	[bflag:$0x2] =	sbarrier.arrive $0xFFFF  }
0x8a: {  	[sflag:s0] =	ssyncadd.tile.s32 @!p0 $0x1;
	_ =	shalt  }
.Lfunc_end2:
_tile_overlayer_lowered:
.L_overlay_start_2:
0x8b: {  	(tag) =	ssettag $0x2  }
0x8c: {  	s0 =	rddreg [dreg:$0x0];
	s2 =	stileid.u32  }
0x8d: {  	s1 =	rddreg [dreg:$0x1];
	p0 =	sne.s32 s2, $0x0  }
0x8e: {  	s3 =	rddreg [dreg:$0x2];
	[bflag:$0x3] =	sbarrier.arrive $0xFFFF;
	s2 =	simm.s32 @!p0 $0x1C02  }
0x8f: {  	[timem:s3], [sflag:s2] =	dma.local @!p0 [hbm:s0], s1  }
0x90: {  	s0 =	simm.s32 @!p0 $0x2  }
0x91: {  	_ =	swait.ge @!p0 [sflag:s0], s1  }
0x92: {  	s1 =	ssub.s32 @!p0 $0x0, s1;
	[sflag:s0] =	ssyncset.done @!p0 $0x0  }
0x93: {  	[sflag:s0] =	ssyncadd.s32 @!p0 s1  }
0x94: {  	[bflag:$0x3] =	sbarrier.arrive $0xFFFF  }
0x95: {  	_ =	shalt  }

// kernel: kernel.9.cloned.1.call-start
scs
__scs_entry_jumppad:
0x0: {  	(pc) =	sbr.rel $0x88, $3  }
0x1: {  	(tag) =	ssettag $0x0;
	lr =	simm.s32 $0x1  }
0x2: {  	[smem:$0x3F93] =	sst lr;
	_ =	strace $0xD0000000  }
0x3: {  	_ = 	snop  }
0x4: {  	_ = 	snop  }
0x5: {  	_ = 	snop  }
0x6: {  	_ = 	snop  }
0x7: {  	_ = 	snop  }
__scs_overlays_trampoline_lowered:
0x8: {  	[smem:$0x3FA2] =	sst s0  }
0x9: {  	[smem:$0x3FA3] =	sst s1  }
0xa: {  	[smem:$0x3FA4] =	sst s2  }
0xb: {  	[smem:$0x3FA5] =	sst s3  }
0xc: {  	[smem:$0x3FA6] =	sst s4  }
0xd: {  	[smem:$0x3FA7] =	sst s5  }
0xe: {  	[smem:$0x3FA8] =	sst s6  }
0xf: {  	[smem:$0x3FA9] =	sst s7  }
0x10: {  	[smem:$0x3FAA] =	sst s8  }
0x11: {  	[smem:$0x3FAB] =	sst s9;
	s0 =	simm.s32 @!p0 $0x0  }
0x12: {  	s1 =	sld [smem:$0x3F91];
	s0 =	simm.s32 @p0 $0x1  }
0x13: {  	[smem:$0x3FAC] =	sst s0;
	s0 =	simm.s32 @!p1 $0x0  }
0x14: {  	s2 =	sld [smem:$0x3F90];
	s0 =	simm.s32 @p1 $0x1  }
0x15: {  	[smem:$0x3FAD] =	sst s0;
	s0 =	simm.s32 @!p2 $0x0  }
0x16: {  	s3 =	sld [smem:$0x3FDB];
	s0 =	simm.s32 @p2 $0x1  }
0x17: {  	s4 =	simm.s32 $0x1BF5;
	[smem:$0x3FAF] =	sst s0  }
0x18: {  	s0 =	sld [smem:$0x3F92];
	_ =	swait.ge [sflag:s4], $0x0  }
0x19: {  	s7 =	sld [smem:$0x3F93]  }
0x1a: {  	s8 =	sadd.s32 $0xFFFFE003, lr  }
0x1b: {  	s9 =	sadd.s32 $0xFFFFFEF7, lr;
	s5 =	simm.s32 $0xFFFFFFFF;
	p2 =	slt.u32 s8, $0xFFFFF086  }
0x1c: {  	p1 =	slt.u32 s9, $0xF7A;
	s5 =	simm.s32 @!p2 $0x0  }
0x1d: {  	s5 =	simm.s32 @p1 $0x1;
	p0 =	seq.s32 s7, s2  }
0x1e: {  	s7 =	smul.u32 @!p0 $0xF7A, s2;
	p2 =	seq.s32 @!p0 s5, $0x0  }
0x1f: {  	s9 =	smul.u32 $0xF7A, s1;
	s8 =	simm.s32 @!p0 $0x1BF5;
	p2 =	por !p2, p0  }
0x20: {  	[sflag:s8] =	ssyncset.s32 @!p0 $0xFFFFF086;
	s6 =	sadd.s32 @!p0 s3, s7;
	s7 =	simm.s32 @!p0 $0x108  }
0x21: {  	s3 =	sadd.s32 s3, s9;
	s6 =	sadd.s32 @!p0 $0x88, s6;
	s7 =	simm.s32 @p2 $0x1082  }
0x22: {  	[simem:s7], [sflag:s8] =	dma.local @!p0 [hbm:s6], $0xF7A  }
0x23: {  	s9 =	sor.u32 $0xD0000000, s2;
	s6 =	simm.s32 $0x108;
	_ =	swait.ge @!p0 [sflag:s8], $0x0  }
0x24: {  	s3 =	sadd.s32 $0x88, s3;
	s6 =	simm.s32 @!p1 $0x1082;
	[sflag:s4] =	ssyncset.s32 $0xFFFFF086  }
0x25: {  	[simem:s6], [sflag:s4] =	dma.local [hbm:s3], $0xF7A  }
0x26: {  	[smem:$0x3F93] =	sst s1;
	(tag) =	ssettag s2;
	_ =	strace s9  }
0x27: {  	s1 =	sld [smem:$0x3FA3]  }
0x28: {  	s2 =	sld [smem:$0x3FA4]  }
0x29: {  	s4 =	sld [smem:$0x3FA6]  }
0x2a: {  	p0 =	seq.s32 s5, $0x0;
	s5 =	sld [smem:$0x3FA7]  }
0x2b: {  	s6 =	sld [smem:$0x3FA8]  }
0x2c: {  	s7 =	sld [smem:$0x3FA9]  }
0x2d: {  	s3 =	simm.s32 $0x108;
	s8 =	sld [smem:$0x3FAA]  }
0x2e: {  	s3 =	simm.s32 @!p0 $0x1082;
	s9 =	sld [smem:$0x3FAB]  }
0x2f: {  	lr =	sadd.s32 s0, s3;
	s0 =	sld [smem:$0x3FA2]  }
0x30: {  	s3 =	sld [smem:$0x3FA5]  }
0x31: {  	[smem:$0x3FAE] =	sst s10  }
0x32: {  	s10 =	sld [smem:$0x3FAC];
	_ =	sdelay $0x3  }
0x33: {  	p0 =	seq.s32 s10, $0x1;
	s10 =	sld [smem:$0x3FAE];
	_ =	sdelay $0x3  }
0x34: {  	[smem:$0x3FAE] =	sst s10  }
0x35: {  	s10 =	sld [smem:$0x3FAD];
	_ =	sdelay $0x3  }
0x36: {  	p1 =	seq.s32 s10, $0x1;
	s10 =	sld [smem:$0x3FAE];
	_ =	sdelay $0x3  }
0x37: {  	[smem:$0x3FAE] =	sst s10  }
0x38: {  	s10 =	sld [smem:$0x3FAF]  }
0x39: {  	_ = 	snop;
	(pc) =	sbr.ind lr, $3  }
0x3a: {  	_ = 	snop  }
0x3b: {  	_ = 	snop  }
0x3c: {  	p2 =	seq.s32 s10, $0x1;
	s10 =	sld [smem:$0x3FAE]  }
0x3d: {  	_ =	shalt  }
0x3e: {  	_ =	shalt  }
0x3f: {  	_ =	shalt  }
0x40: {  	_ =	shalt  }
0x41: {  	_ =	shalt  }
0x42: {  	_ =	shalt  }
0x43: {  	_ =	shalt  }
0x44: {  	_ =	shalt  }
0x45: {  	_ =	shalt  }
0x46: {  	_ =	shalt  }
0x47: {  	_ =	shalt  }
0x48: {  	_ =	shalt  }
0x49: {  	_ =	shalt  }
0x4a: {  	_ =	shalt  }
0x4b: {  	_ =	shalt  }
0x4c: {  	_ =	shalt  }
0x4d: {  	_ =	shalt  }
0x4e: {  	_ =	shalt  }
0x4f: {  	_ =	shalt  }
0x50: {  	_ =	shalt  }
0x51: {  	_ =	shalt  }
0x52: {  	_ =	shalt  }
0x53: {  	_ =	shalt  }
0x54: {  	_ =	shalt  }
0x55: {  	_ =	shalt  }
0x56: {  	_ =	shalt  }
0x57: {  	_ =	shalt  }
0x58: {  	_ =	shalt  }
0x59: {  	_ =	shalt  }
0x5a: {  	_ =	shalt  }
0x5b: {  	_ =	shalt  }
0x5c: {  	_ =	shalt  }
0x5d: {  	_ =	shalt  }
0x5e: {  	_ =	shalt  }
0x5f: {  	_ =	shalt  }
0x60: {  	_ =	shalt  }
0x61: {  	_ =	shalt  }
0x62: {  	_ =	shalt  }
0x63: {  	_ =	shalt  }
0x64: {  	_ =	shalt  }
0x65: {  	_ =	shalt  }
0x66: {  	_ =	shalt  }
0x67: {  	_ =	shalt  }
0x68: {  	_ =	shalt  }
0x69: {  	_ =	shalt  }
0x6a: {  	_ =	shalt  }
0x6b: {  	_ =	shalt  }
0x6c: {  	_ =	shalt  }
0x6d: {  	_ =	shalt  }
0x6e: {  	_ =	shalt  }
0x6f: {  	_ =	shalt  }
0x70: {  	_ =	shalt  }
0x71: {  	_ =	shalt  }
0x72: {  	_ =	shalt  }
0x73: {  	_ =	shalt  }
0x74: {  	_ =	shalt  }
0x75: {  	_ =	shalt  }
0x76: {  	_ =	shalt  }
0x77: {  	_ =	shalt  }
0x78: {  	_ =	shalt  }
0x79: {  	_ =	shalt  }
0x7a: {  	_ =	shalt  }
0x7b: {  	_ =	shalt  }
0x7c: {  	_ =	shalt  }
0x7d: {  	_ =	shalt  }
0x7e: {  	_ =	shalt  }
0x7f: {  	_ =	shalt  }
0x80: {  	_ =	shalt  }
0x81: {  	_ =	shalt  }
0x82: {  	_ =	shalt  }
0x83: {  	_ =	shalt  }
0x84: {  	_ =	shalt  }
0x85: {  	_ =	shalt  }
0x86: {  	_ =	shalt  }
0x87: {  	_ =	shalt  }
.Lfunc_end0:
.L_simem_size_0:
called_computation_lowered:
.L_overlay_start_0:
0x88: {  	s2 =	sld [smem:$0x3FD9]  }
0x89: {  	s3 =	sld [smem:$0x3FFE];
	_ =	sdelay $0x1  }
0x8a: {  	s1 =	srdreg.scid  }
0x8b: {  	s0 =	sand.u32 $0x1, s1  }
0x8c: {  	s17 =	sshll.u32 s0, $0xA;
	s2 =	sadd.s32 s3, s2  }
0x8d: {  	s2 =	sadd.s32 s2, s17  }
0x8e: {  	[smem:$0x3FBA] =	sst s2  }
0x8f: {  	_ = 	snop  }
0x90: {  	s2 =	sld [smem:$0x3FD0];
	(tm) =	ssettm $0x1  }
0x91: {  	s18 =	sld [smem:$0x3FFB];
	_ =	sdelay $0x3  }
0x92: {  	_ =	strace s18  }
0x93: {  	s3 =	sld [smem:$0x3FFC];
	_ =	sdelay $0x3  }
0x94: {  	_ =	strace s3  }
0x95: {  	s3 =	sld [smem:$0x3FFD];
	_ =	sdelay $0x3  }
0x96: {  	_ =	strace s3  }
0x97: {  	_ =	strace $0x8FFFFFFF  }
0x98: {  	s19 =	sld [smem:$0x3FDB];
	_ =	sdelay $0x1  }
0x99: {  	s4 =	simm.s32 $_scs_section_size  }
0x9a: {  	s5 =	simm.s32 $_size__tile_overlayer_lowered;
	s6 =	simm.s32 $_tile_overlayer_lowered  }
0x9b: {  	s22 =	simm.s32 $0x1BFF;
	s21 =	sshll.u32 s6, $0x1;
	s3 =	sadd.s32 s4, s19  }
0x9c: {  	s7 =	simm.s32 $0x0;
	s20 =	sshll.u32 s5, $0x1;
	s5 =	sadd.s32 s21, s3  }
0x9d: {  	[timem:s7], [sflag:s22] =	dma.local [hbm:s5], s20  }
0x9e: {  	_ =	swait.ge [sflag:s22], s20  }
0x9f: {  	s4 =	ssub.s32 $0x0, s20;
	[sflag:s22] =	ssyncset.done $0x0  }
0xa0: {  	[sflag:s22] =	ssyncadd.s32 s4;
	_ =	sdelay $0x1  }
0xa1: {  	s23 =	simm.s32 $0x1B8B  }
0xa2: {  	_ =	swait.ge [sflag:s23], $0x1  }
0xa3: {  	[sflag:s23] =	ssyncset.done $0x0  }
0xa4: {  	s25 =	simm.s32 $0x1B8E;
	s24 =	sld [smem:$0x3FFE];
	[sflag:s23] =	ssyncadd.s32 $0xFFFFFFFF  }
0xa5: {  	s26 =	simm.s32 $execute0_lowered;
	[smem:$0x3FD2] =	sst s25  }
0xa6: {  	s5 =	sshll.u32 s26, $0x1;
	_ =	strace $0x80000046;
	[dreg:$0x1] =	wrdreg $0xFFFFFFFF  }
0xa7: {  	s28 =	simm.s32 $_size_execute0_lowered;
	s3 =	sadd.s32 s3, s5;
	[dreg:$0x0] =	wrdreg $0x0  }
0xa8: {  	s5 =	sshll.u32 s28, $0x1;
	[dreg:$0x2] =	wrdreg s3  }
0xa9: {  	[dreg:$0x3] =	wrdreg s5  }
0xaa: {  	[dreg:$0x4] =	wrdreg $0xC0  }
0xab: {  	_ =	task [dreg:s7], $0x5FFFF  }
0xac: {  	[dreg:$0x1] =	wrdreg $0xFFFFFFFF  }
0xad: {  	[dreg:$0x0] =	wrdreg $0x60  }
0xae: {  	[dreg:$0x2] =	wrdreg s24  }
0xaf: {  	[dreg:$0x3] =	wrdreg s2  }
0xb0: {  	[dreg:$0x4] =	wrdreg $0x9  }
0xb1: {  	_ =	task.clear_ibuf [dreg:s7], $0x5FFFF;
	_ =	strace $0x90000046  }
0xb2: {  	s29 =	simm.s32 $0x9;
	_ =	strace $0x80000048  }
0xb3: {  	_ =	swait.ge [sflag:s29], $0x1  }
0xb4: {  	[sflag:s29] =	ssyncadd.s32 $0xFFFFFFFF  }
0xb5: {  	_ =	strace $0x90000048  }
0xb6: {  	_ =	sfence  }
0xb7: {  	s30 =	sld [smem:$0x0];
	_ =	sdelay $0x2  }
0xb8: {  	s31 =	sshll.u32 s1, $0xD;
	s1 =	sshrl.u32 s1, $0x2  }
0xb9: {  	s3 =	sand.u32 $0x4000, s31;
	s1 =	sadd.s32 s1, s30  }
0xba: {  	s0 =	sor.u32 s3, s0;
	s1 =	sshll.u32 s1, $0x11  }
0xbb: {  	s0 =	sor.u32 s1, s0  }
0xbc: {  	s0 =	sadd.s32 $0x8F2B, s0  }
0xbd: {  	[sflag:s0] =	ssyncadd.remote.s32 $0x1  }
0xbe: {  	_ =	sfence.sel $0xFFFF  }
0xbf: {  	[dreg:$0x0] =	wrdreg $0xFFFFFFFF;
	(pc) =	sbr.abs _section_cstart, $3  }
0xc0: {  	[dreg:$0x1] =	wrdreg $0xFFFFFFFF  }
0xc1: {  	_ =	task.clear_ibuf [dreg:s7], $0x2FFFF;
	_ =	strace $0x9FFFFFFF  }
0xc2: {  	(tm) =	ssettm $0x7FFFFFFF  }
0xc3: {  	_ =	shalt  }
tec
execute0_lowered:
.L_overlay_start_1:
0x0: {  	(tag) =	ssettag $0x1  }
0x1: {  	v0 =	vimm.s32 $0xFEDCBA9  }
0x2: {  	v0 =	vunpack.c.l.s4.s8 v0  }
0x3: {  	v3 =	vimm.s32 $0x98765432  }
0x4: {  	v4 =	vimm.s32 $0xA9876543;
	v7 =	vunpack.c.0.s8.s32 v0;
	v0 =	vimm.s32 $0x10FEDCBA  }
0x5: {  	v5 =	vimm.s32 $0x3210FEDC;
	v6 =	vimm.s32 $0xBA987654;
	v2 =	vunpack.c.l.s4.s8 v0  }
0x6: {  	v18 =	vimm.s32 $0xDCBA9876;
	v19 =	vimm.s32 $0xEDCBA987;
	v4 =	vunpack.c.l.s4.s8 v4  }
0x7: {  	v9 =	vunpack.c.0.s8.s32 v2;
	v2 =	vunpack.c.l.s4.s8 v3;
	v3 =	vimm.s32 $0x210FEDCB  }
0x8: {  	v5 =	vunpack.c.l.s4.s8 v5;
	v19 =	vunpack.c.l.s4.s8 v19;
	v3 =	vunpack.c.l.s4.s8 v3  }
0x9: {  	v12 =	vunpack.c.0.s8.s32 v4;
	v10 =	vunpack.c.0.s8.s32 v2;
	v2 =	vunpack.c.l.s4.s8 v6  }
0xa: {  	v13 =	vunpack.c.0.s8.s32 v5;
	v11 =	vunpack.c.0.s8.s32 v3;
	v3 =	vimm.s32 $0x43210FED  }
0xb: {  	v14 =	vunpack.c.0.s8.s32 v2;
	v2 =	vunpack.c.l.s4.s8 v3;
	v3 =	vimm.s32 $0xCBA98765  }
0xc: {  	v19 =	vunpack.c.0.s8.s32 v19;
	v5 =	vcombine.low v12, v11;
	v3 =	vunpack.c.l.s4.s8 v3  }
0xd: {  	v4 =	vcombine.low v10, v9;
	v15 =	vunpack.c.0.s8.s32 v2;
	v2 =	vimm.s32 $0x543210FE  }
0xe: {  	v16 =	vunpack.c.0.s8.s32 v3;
	v3 =	vand.u32 $0xF, v5;
	v5 =	vunpack.c.l.s4.s8 v18  }
0xf: {  	v11 =	vcombine.low v11, v12;
	v6 =	vcombine.low v14, v13;
	v17 =	vunpack.c.l.s4.s8 v2  }
0x10: {  	v12 =	vcombine.low v13, v14;
	v18 =	vunpack.c.0.s8.s32 v5;
	v5 =	vimm.s32 $0x6543210F  }
0x11: {  	v2 =	vand.u32 $0xF, v4;
	v17 =	vunpack.c.0.s8.s32 v17;
	v5 =	vunpack.c.l.s4.s8 v5  }
0x12: {  	v63 =	vand.u32 $0xF, v6;
	v6 =	vcombine.low v16, v15;
	v13 =	vcombine.low v15, v16  }
0x13: {  	v16 =	vimm.s32 $0x1C1B1A19;
	v14 =	vcombine.low v17, v18;
	v23 =	vunpack.c.0.s8.s32 v5  }
0x14: {  	v34 =	vunpack.c.0.s8.s32 v16;
	v21 =	vcombine.low v18, v17;
	v17 =	vimm.s32 $0x101F1E1D  }
0x15: {  	v16 =	vand.u32 $0xF, v14;
	v14 =	vimm.s32 $0x14131211;
	v15 =	vcombine.low v23, v19  }
0x16: {  	v39 =	vunpack.c.0.s8.s32 v17;
	v40 =	vunpack.c.0.s8.s32 v14;
	v14 =	vimm.s32 $0x1D1C1B1A  }
0x17: {  	v42 =	vunpack.c.0.s8.s32 v14;
	v14 =	vimm.s32 $0x11101F1E;
	v17 =	vand.u32 $0xF, v15  }
0x18: {  	v15 =	vimm.s32 $0x18171615;
	v41 =	vunpack.c.0.s8.s32 v14;
	v14 =	vimm.s32 $0x19181716  }
0x19: {  	v35 =	vunpack.c.0.s8.s32 v15;
	v15 =	vimm.s32 $0x15141312;
	v44 =	vunpack.c.0.s8.s32 v14  }
0x1a: {  	v14 =	vimm.s32 $0x1E1D1C1B;
	v43 =	vunpack.c.0.s8.s32 v15;
	v15 =	vimm.s32 $0x1211101F  }
0x1b: {  	v45 =	vunpack.c.0.s8.s32 v14;
	v14 =	vimm.s32 $0x16151413;
	v46 =	vunpack.c.0.s8.s32 v15  }
0x1c: {  	v47 =	vunpack.c.0.s8.s32 v14;
	v14 =	vimm.s32 $0x1A191817;
	v15 =	vimm.s32 $0x1F1E1D1C  }
0x1d: {  	v0 =	vunpack.c.0.s8.s32 v14;
	v49 =	vunpack.c.0.s8.s32 v15;
	v14 =	vimm.s32 $0x13121110  }
0x1e: {  	v15 =	vimm.s32 $0x1B1A1918;
	v48 =	vunpack.c.0.s8.s32 v14;
	v14 =	vimm.s32 $0x17161514  }
0x1f: {  	v4 =	vunpack.c.0.s8.s32 v15;
	v53 =	vunpack.c.0.s8.s32 v14;
	v14 =	vimm.s32 $0x2C2B2A29  }
0x20: {  	v15 =	vimm.s32 $0x24232221;
	v56 =	vunpack.c.0.s8.s32 v14;
	v14 =	vimm.s32 $0x202F2E2D  }
0x21: {  	v52 =	vunpack.c.0.s8.s32 v15;
	v62 =	vunpack.c.0.s8.s32 v14;
	v14 =	vimm.s32 $0x28272625  }
0x22: {  	v15 =	vimm.s32 $0x21202F2E;
	v55 =	vunpack.c.0.s8.s32 v14;
	v14 =	vimm.s32 $0x2D2C2B2A  }
0x23: {  	v51 =	vunpack.c.0.s8.s32 v14;
	v14 =	vunpack.c.0.s8.s32 v15;
	_ =	sdelay $0x1  }
0x24: {  	[tilespmem:$0x1FD50] =	vst v14;
	v14 =	vimm.s32 $0x25242322  }
0x25: {  	v14 =	vunpack.c.0.s8.s32 v14;
	_ =	sdelay $0x1  }
0x26: {  	[tilespmem:$0x1FD60] =	vst v14;
	v14 =	vimm.s32 $0x29282726  }
0x27: {  	v14 =	vunpack.c.0.s8.s32 v14  }
0x28: {  	v15 =	vimm.s32 $0x2E2D2C2B  }
0x29: {  	[tilespmem:$0x1FD70] =	vst v14;
	v14 =	vunpack.c.0.s8.s32 v15;
	_ =	sdelay $0x1  }
0x2a: {  	[tilespmem:$0x1FD80] =	vst v14;
	v14 =	vimm.s32 $0x2221202F  }
0x2b: {  	v14 =	vunpack.c.0.s8.s32 v14;
	_ =	sdelay $0x1  }
0x2c: {  	[tilespmem:$0x1FD90] =	vst v14;
	v14 =	vimm.s32 $0x26252423  }
0x2d: {  	v14 =	vunpack.c.0.s8.s32 v14  }
0x2e: {  	v15 =	vimm.s32 $0x2A292827  }
0x2f: {  	[tilespmem:$0x1FDA0] =	vst v14;
	v14 =	vunpack.c.0.s8.s32 v15;
	_ =	sdelay $0x1  }
0x30: {  	[tilespmem:$0x1FDB0] =	vst v14;
	v14 =	vimm.s32 $0x2F2E2D2C  }
0x31: {  	v14 =	vunpack.c.0.s8.s32 v14;
	_ =	sdelay $0x1  }
0x32: {  	[tilespmem:$0x1FDC0] =	vst v14;
	v14 =	vimm.s32 $0x23222120  }
0x33: {  	v14 =	vunpack.c.0.s8.s32 v14  }
0x34: {  	v15 =	vimm.s32 $0x27262524  }
0x35: {  	[tilespmem:$0x1FDD0] =	vst v14;
	v14 =	vunpack.c.0.s8.s32 v15;
	_ =	sdelay $0x1  }
0x36: {  	[tilespmem:$0x1FDE0] =	vst v14;
	v14 =	vimm.s32 $0x2B2A2928  }
0x37: {  	v14 =	vunpack.c.0.s8.s32 v14;
	_ =	sdelay $0x1  }
0x38: {  	[tilespmem:$0x1FDF0] =	vst v14;
	v14 =	vimm.s32 $0x3C3B3A39  }
0x39: {  	v14 =	vunpack.c.0.s8.s32 v14  }
0x3a: {  	v15 =	vimm.s32 $0x303F3E3D  }
0x3b: {  	[tilespmem:$0x1FE00] =	vst v14;
	v14 =	vunpack.c.0.s8.s32 v15;
	_ =	sdelay $0x1  }
0x3c: {  	s8 =	rddreg [dreg:$0x0];
	[tilespmem:$0x1FE10] =	vst v14;
	v14 =	vimm.s32 $0x34333231  }
0x3d: {  	s10 =	rddreg [dreg:$0x1];
	s1 =	simm.s32 $0x0;
	v14 =	vunpack.c.0.s8.s32 v14  }
0x3e: {  	[smem:$0x7FF] =	sst s1;
	[tilespmem:$0x1FD40] =	vst v4  }
0x3f: {  	s0 =	rddreg [dreg:$0x2];
	_ =	strace $0x80000047;
	[tilespmem:$0x1FE20] =	vst v14;
	v14 =	vimm.s32 $0x38373635  }
0x40: {  	v14 =	vunpack.c.0.s8.s32 v14  }
0x41: {  	v15 =	vimm.s32 $0x3D3C3B3A  }
0x42: {  	[tilespmem:$0x1FE30] =	vst v14;
	v14 =	vunpack.c.0.s8.s32 v15;
	_ =	sdelay $0x1  }
0x43: {  	[tilespmem:$0x1FE40] =	vst v14;
	v14 =	vimm.s32 $0x31303F3E  }
0x44: {  	v14 =	vunpack.c.0.s8.s32 v14;
	_ =	sdelay $0x1  }
0x45: {  	[tilespmem:$0x1FE50] =	vst v14;
	v14 =	vimm.s32 $0x35343332  }
0x46: {  	v14 =	vunpack.c.0.s8.s32 v14  }
0x47: {  	[tilespmem:$0x1FF00] =	vst v3;
	v15 =	vimm.s32 $0x39383736  }
0x48: {  	[tilespmem:$0x1FE60] =	vst v14;
	v14 =	vunpack.c.0.s8.s32 v15  }
0x49: {  	[tilespmem:$0x1FF10] =	vst v39  }
0x4a: {  	[tilespmem:$0x1FE70] =	vst v14;
	v14 =	vimm.s32 $0x3E3D3C3B  }
0x4b: {  	[tilespmem:$0x1FF20] =	vst v40;
	v14 =	vunpack.c.0.s8.s32 v14  }
0x4c: {  	[tilespmem:$0x1FF30] =	vst v43  }
0x4d: {  	[tilespmem:$0x1FE80] =	vst v14;
	v14 =	vimm.s32 $0x3231303F  }
0x4e: {  	[tilespmem:$0x1FF40] =	vst v44;
	v14 =	vunpack.c.0.s8.s32 v14  }
0x4f: {  	[tilespmem:$0x1FF50] =	vst v46;
	v15 =	vimm.s32 $0x36353433  }
0x50: {  	[tilespmem:$0x1FE90] =	vst v14;
	v14 =	vunpack.c.0.s8.s32 v15  }
0x51: {  	[tilespmem:$0x1FF60] =	vst v45  }
0x52: {  	[tilespmem:$0x1FEA0] =	vst v14;
	v14 =	vimm.s32 $0x3A393837  }
0x53: {  	v1 =	vimm.s32 $0x87654321;
	vm0 =	vcmask $0x1F10;
	[tilespmem:$0x1FF70] =	vst v0;
	v14 =	vunpack.c.0.s8.s32 v14  }
0x54: {  	v57 =	vlaneseq.u32;
	v18 =	vsel vm0, v39, v34;
	v4 =	vsel vm0, v35, v40;
	[tilespmem:$0x1FF80] =	vst v34  }
0x55: {  	v37 =	vor.u32 $0x10, v57;
	v38 =	vcombine.low v4, v18;
	[tilespmem:$0x1FEB0] =	vst v14;
	v14 =	vimm.s32 $0x3F3E3D3C  }
0x56: {  	v20 =	vimm.s32 $0xFEDCBA98;
	v1 =	vunpack.c.l.s4.s8 v1;
	[tilespmem:$0x1FF90] =	vst v37;
	v14 =	vunpack.c.0.s8.s32 v14  }
0x57: {  	v22 =	vimm.s32 $0x76543210;
	v20 =	vunpack.c.l.s4.s8 v20;
	[tilespmem:$0x1FFA0] =	vst v38;
	v15 =	vimm.s32 $0x33323130  }
0x58: {  	s6 =	srdreg.scid;
	s14 =	simm.s32 $0x190;
	s15 =	simm.s32 $0x320;
	v22 =	vunpack.c.l.s4.s8 v22;
	v8 =	vunpack.c.0.s8.s32 v1;
	[tilespmem:$0x1FEC0] =	vst v14;
	v14 =	vunpack.c.0.s8.s32 v15  }
0x59: {  	s16 =	simm.s32 $0x6720;
	s17 =	simm.s32 $0x1;
	s18 =	simm.s32 $0xCB20;
	v20 =	vunpack.c.0.s8.s32 v20;
	[tilespmem:$0x1FFB0] =	vst v47  }
0x5a: {  	s19 =	simm.s32 $0xD1A0;
	s20 =	simm.s32 $0x0;
	s2 =	sadd.s32 $0x16A00, s8;
	v22 =	vunpack.c.0.s8.s32 v22;
	v1 =	vcombine.low v8, v7;
	[tilespmem:$0x1FED0] =	vst v14;
	v14 =	vimm.s32 $0x37363534  }
0x5b: {  	s3 =	sadd.s32 $0x2A400, s8;
	s4 =	sadd.s32 $0xCC00, s8;
	s7 =	sand.u32 $0x1, s6;
	v24 =	vcombine.low v7, v8;
	v8 =	vand.u32 $0xF, v20;
	[tilespmem:$0x1FFC0] =	vst v35;
	v14 =	vunpack.c.0.s8.s32 v14  }
0x5c: {  	s5 =	sadd.s32 $0x2E00, s8;
	s6 =	stileid.u32;
	s11 =	sshll.u32 s7, $0x4;
	v8 =	vcombine.low v8, v22;
	v10 =	vcombine.low v9, v10;
	[tilespmem:$0x1FFD0] =	vst v49  }
0x5d: {  	s9 =	ssub.s32 $0x2, s7;
	s7 =	sadd.s32 $0x3DE00, s8;
	s11 =	sor.u32 s6, s11;
	v1 =	vand.u32 $0xF, v1;
	v9 =	vand.u32 $0xF, v24;
	[tilespmem:$0x1FEE0] =	vst v14;
	v14 =	vimm.s32 $0x3B3A3938  }
0x5e: {  	s8 =	sadd.s32 $0x3E000, s8;
	s12 =	sshrl.u32 s9, $0x1;
	s13 =	sshll.u32 s11, $0x1;
	v10 =	vand.u32 $0xF, v10;
	v33 =	vcombine.low v19, v23;
	[tilespmem:$0x1FFE0] =	vst v42;
	v14 =	vunpack.c.0.s8.s32 v14  }
0x5f: {  	s12 =	ssub.s32 s9, s12;
	s9 =	smul.u32 $0x2710, s11;
	s10 =	sadd.s32 s10, s13;
	v11 =	vand.u32 $0xF, v11;
	v12 =	vand.u32 $0xF, v12;
	v13 =	vand.u32 $0xF, v13;
	[tilespmem:$0x1FFF0] =	vst v41  }
0x60: {  	s11 =	smax.u32 s12, $0x1;
	s12 =	simm.s32 $0xD160;
	s13 =	simm.s32 $0x2;
	v5 =	vand.u32 $0xF, v6;
	v6 =	vand.u32 $0xF, v21;
	v7 =	vand.u32 $0xF, v33;
	v50 =	vmovc v4;
	v15 =	vmovc v18;
	[tilespmem:$0x1FEF0] =	vst v14  }
.LBB2_1:
0x61: {  	[tilespmem:s12], [sflag:$0x2] =	stream.linear.gather [hbm4b:s7+s1], $0x40, $0x38;
	[tilespmem:$0xD1B0] =	vst v63  }
0x62: {  	_ =	swait.ge [sflag:s13], $0x40  }
0x63: {  	[sflag:s13] =	ssyncset.done $0x0  }
0x64: {  	[sflag:s13] =	ssyncadd.s32 $0xFFFFFFC0  }
0x65: {  	v18 =	vld [tilespmem:$0xD160]  }
0x66: {  	v14 =	vld [tilespmem:$0xD170];
	_ =	sdelay $0x3  }
0x67: {  	v19 =	vperm.xlane v18, v7  }
0x68: {  	v20 =	vperm.xlane v14, v57  }
0x69: {  	v21 =	vperm.xlane v14, v1;
	[tilespmem:$0x1FC10] =	vst v19  }
0x6a: {  	v35 =	vperm.xlane v18, v57;
	[tilespmem:$0x1FC90] =	vst v20  }
0x6b: {  	v36 =	vperm.xlane v18, v1;
	[tilespmem:$0x1FCA0] =	vst v21  }
0x6c: {  	v19 =	vperm.xlane v18, v8;
	[tilespmem:$0x1FCC0] =	vst v35  }
0x6d: {  	v54 =	vperm.xlane v18, v2;
	[tilespmem:$0x1FCD0] =	vst v36  }
0x6e: {  	[tilespmem:$0x1FC20] =	vst v19;
	v19 =	vperm.xlane v18, v9  }
0x6f: {  	v3 =	vperm.xlane v18, v3;
	[tilespmem:$0x1FCE0] =	vst v54  }
0x70: {  	[tilespmem:$0x1FC30] =	vst v19;
	v19 =	vperm.xlane v18, v10  }
0x71: {  	v59 =	vperm.xlane v18, v63;
	[tilespmem:$0x1FCF0] =	vst v3  }
0x72: {  	[tilespmem:$0x1FC40] =	vst v19;
	v19 =	vperm.xlane v18, v11  }
0x73: {  	v60 =	vperm.xlane v18, v5;
	[tilespmem:$0x1FD00] =	vst v59  }
0x74: {  	[tilespmem:$0x1FC50] =	vst v19;
	v19 =	vperm.xlane v18, v12  }
0x75: {  	v61 =	vperm.xlane v18, v6;
	[tilespmem:$0x1FD10] =	vst v60  }
0x76: {  	[tilespmem:$0x1FC60] =	vst v19;
	v19 =	vperm.xlane v18, v13  }
0x77: {  	v21 =	vperm.xlane v14, v2;
	[tilespmem:$0x1FD20] =	vst v61  }
0x78: {  	[tilespmem:$0x1FC70] =	vst v19;
	v19 =	vperm.xlane v18, v16  }
0x79: {  	[tilespmem:$0x1FCB0] =	vst v21;
	v18 =	vperm.xlane v18, v17  }
0x7a: {  	v20 =	vld [tilespmem:$0xD190];
	[tilespmem:$0x1FC80] =	vst v19  }
0x7b: {  	v22 =	vimm.f32 $-3.000000010e+38;
	s21 =	simm.s32 $0x0;
	v19 =	vld [tilespmem:$0xD180];
	[tilespmem:$0x1FD30] =	vst v18  }
.LBB2_2:
0x7c: {  	s22 =	smul.u32 $0x190, s21;
	_ =	sdelay $0x1  }
0x7d: {  	s22 =	sadd.s32 s9, s22  }
0x7e: {  	s24 =	sshrl.u32 s22, $0x3  }
0x7f: {  	s23 =	simm.s32 $0x0;
	s25 =	sadd.s32 s4, s24  }
0x80: {  	[tilespmem:s23], [sflag:$0x2] =	stream.linear.gather [hbm4b:s25+s23], $0x190, $0x38;
	[tilespmem:$0xD1B0] =	vst v63  }
0x81: {  	_ =	swait.ge [sflag:s13], $0x190  }
0x82: {  	[sflag:s13] =	ssyncset.done $0x0  }
0x83: {  	s24 =	sadd.s32 s5, s24;
	[sflag:s13] =	ssyncadd.s32 $0xFFFFFE70  }
0x84: {  	[tilespmem:s14], [sflag:$0x2] =	stream.linear.gather [hbm4b:s24+s23], $0x190, $0x38;
	[tilespmem:$0xD1B0] =	vst v63  }
0x85: {  	_ =	swait.ge [sflag:s13], $0x190  }
0x86: {  	[sflag:s13] =	ssyncset.done $0x0  }
0x87: {  	[sflag:s13] =	ssyncadd.s32 $0xFFFFFE70  }
0x88: {  	[tilespmem:s15], [sflag:$0x1] =	stream.indirect.gather [hbm4b:s2+s14], $0x40, s23, s14, $0xb8;
	[tilespmem:$0xD1B0] =	vst v63  }
0x89: {  	_ = 	snop  }
0x8a: {  	[tilespmem:s16], [sflag:$0x1] =	stream.indirect.gather [hbm4b:s3+s14], $0x40, s14, s14, $0xb8;
	[tilespmem:$0xD1B0] =	vst v63  }
0x8b: {  	_ =	swait.ge [sflag:s17], $0x6400  }
0x8c: {  	[sflag:s17] =	ssyncset.done $0x0  }
0x8d: {  	[sflag:s17] =	ssyncadd.s32 $0xFFFF9C00  }
0x8e: {  	_ =	swait.ge [sflag:s17], $0x6400  }
0x8f: {  	[sflag:s17] =	ssyncset.done $0x0  }
0x90: {  	[sflag:s17] =	ssyncadd.s32 $0xFFFF9C00  }
.LBB2_3:
0x91: {  	[tilespmem:$0x1FBE0] =	vst v22;
	v22 =	vor.u32 s23, v57  }
0x92: {  	v21 =	vshll.u32 v22, $0x6  }
0x93: {  	v23 =	vor.u32 v57, v21;
	_ =	sdelay $0x1  }
0x94: {  	v4 =	vld [tilespmem:$0x1FF00];
	v24 =	vor.u32 v1, v21;
	_ =	sdelay $0x2  }
0x95: {  	v25 =	vor.u32 v2, v21;
	v26 =	vld.idx.msk [tilespmem:v23+s15+$0x0], $0xffff  }
0x96: {  	v23 =	vld.idx.msk [tilespmem:v23+s16+$0x0], $0xffff  }
0x97: {  	v27 =	vor.u32 v4, v21;
	v28 =	vld.idx.msk [tilespmem:v24+s15+$0x0], $0xffff  }
0x98: {  	v24 =	vld.idx.msk [tilespmem:v24+s16+$0x0], $0xffff  }
0x99: {  	v29 =	vor.u32 v63, v21  }
0x9a: {  	v30 =	vld.idx.msk [tilespmem:v25+s15+$0x0], $0xffff  }
0x9b: {  	v31 =	vor.u32 v5, v21;
	v25 =	vld.idx.msk [tilespmem:v25+s16+$0x0], $0xffff  }
0x9c: {  	v23 =	vadd.f32 v23, v26;
	v26 =	vld.idx.msk [tilespmem:v27+s15+$0x0], $0xffff  }
0x9d: {  	v32 =	vor.u32 v6, v21;
	v27 =	vld.idx.msk [tilespmem:v27+s16+$0x0], $0xffff;
	v24 =	vadd.f32 v24, v28  }
0x9e: {  	v28 =	vld.idx.msk [tilespmem:v29+s15+$0x0], $0xffff  }
0x9f: {  	v34 =	vor.u32 v7, v21;
	v29 =	vld.idx.msk [tilespmem:v29+s16+$0x0], $0xffff;
	v33 =	vmul.f32 $2.000000030e-01, v23;
	v58 =	vmul.f32 $2.000000030e-01, v24  }
0xa0: {  	v25 =	vadd.f32 v25, v30;
	v30 =	vld.idx.msk [tilespmem:v31+s15+$0x0], $0xffff  }
0xa1: {  	v31 =	vld.idx.msk [tilespmem:v31+s16+$0x0], $0xffff;
	v23 =	vmax.f32 v23, v33;
	v24 =	vmax.f32 v24, v58  }
0xa2: {  	v58 =	vmul.f32 $2.000000030e-01, v25;
	v23 =	vmul.f32 v23, v35;
	v26 =	vadd.f32 v27, v26;
	v27 =	vld.idx.msk [tilespmem:v32+s15+$0x0], $0xffff  }
0xa3: {  	v35 =	vor.u32 v8, v21;
	v24 =	vmul.f32 v24, v36;
	v32 =	vld.idx.msk [tilespmem:v32+s16+$0x0], $0xffff  }
0xa4: {  	v28 =	vadd.f32 v29, v28;
	v29 =	vld.idx.msk [tilespmem:v34+s15+$0x0], $0xffff;
	v25 =	vmax.f32 v25, v58;
	v23 =	vadd.f32 $0.0e+00, v23  }
0xa5: {  	v58 =	vmul.f32 $2.000000030e-01, v26;
	v54 =	vmul.f32 v25, v54;
	v25 =	vld.idx.msk [tilespmem:v34+s16+$0x0], $0xffff  }
0xa6: {  	v23 =	vadd.f32 v24, v23  }
0xa7: {  	v30 =	vadd.f32 v31, v30;
	v26 =	vmax.f32 v26, v58;
	v58 =	vmul.f32 $2.000000030e-01, v28  }
0xa8: {  	v36 =	vor.u32 v9, v21;
	v31 =	vld.idx.msk [tilespmem:v35+s15+$0x0], $0xffff;
	v23 =	vadd.f32 v54, v23  }
0xa9: {  	v54 =	vmul.f32 v26, v3;
	v26 =	vld.idx.msk [tilespmem:v35+s16+$0x0], $0xffff;
	v28 =	vmax.f32 v28, v58;
	v58 =	vmul.f32 $2.000000030e-01, v30  }
0xaa: {  	v27 =	vadd.f32 v32, v27;
	v3 =	vld [tilespmem:$0x1FC10];
	v25 =	vadd.f32 v25, v29  }
0xab: {  	v23 =	vadd.f32 v54, v23;
	v54 =	vmul.f32 v28, v59;
	v30 =	vmax.f32 v30, v58  }
0xac: {  	v59 =	vmul.f32 v30, v60;
	v60 =	vmul.f32 $2.000000030e-01, v25  }
0xad: {  	v34 =	vor.u32 v10, v21;
	v32 =	vld.idx.msk [tilespmem:v36+s15+$0x0], $0xffff;
	v58 =	vmul.f32 $2.000000030e-01, v27  }
0xae: {  	v28 =	vld.idx.msk [tilespmem:v36+s16+$0x0], $0xffff;
	v25 =	vmax.f32 v25, v60  }
0xaf: {  	v27 =	vmax.f32 v27, v58;
	v26 =	vadd.f32 v26, v31;
	v58 =	vmul.f32 v25, v3;
	v3 =	vld [tilespmem:$0x1FC20];
	_ =	sdelay $0x1  }
0xb0: {  	v23 =	vadd.f32 v54, v23;
	v54 =	vmul.f32 $2.000000030e-01, v26  }
0xb1: {  	v35 =	vor.u32 v11, v21;
	v29 =	vld.idx.msk [tilespmem:v34+s15+$0x0], $0xffff  }
0xb2: {  	v30 =	vld.idx.msk [tilespmem:v34+s16+$0x0], $0xffff;
	v26 =	vmax.f32 v26, v54  }
0xb3: {  	v28 =	vadd.f32 v28, v32;
	v60 =	vmul.f32 v26, v3;
	v3 =	vld [tilespmem:$0x1FC30]  }
0xb4: {  	v36 =	vor.u32 v12, v21  }
0xb5: {  	v23 =	vadd.f32 v59, v23;
	v59 =	vmul.f32 $2.000000030e-01, v28  }
0xb6: {  	v34 =	vor.u32 v13, v21;
	v31 =	vld.idx.msk [tilespmem:v35+s15+$0x0], $0xffff  }
0xb7: {  	v61 =	vmul.f32 v27, v61;
	v27 =	vld.idx.msk [tilespmem:v35+s16+$0x0], $0xffff;
	v35 =	vor.u32 v16, v21;
	v28 =	vmax.f32 v28, v59  }
0xb8: {  	v29 =	vadd.f32 v30, v29;
	v54 =	vmul.f32 v28, v3;
	v3 =	vld [tilespmem:$0x1FC40]  }
0xb9: {  	v32 =	vld.idx.msk [tilespmem:v36+s15+$0x0], $0xffff;
	v23 =	vadd.f32 v61, v23  }
0xba: {  	v25 =	vld.idx.msk [tilespmem:v36+s16+$0x0], $0xffff;
	v61 =	vmul.f32 $2.000000030e-01, v29  }
0xbb: {  	v36 =	vor.u32 v17, v21;
	v30 =	vld.idx.msk [tilespmem:v34+s15+$0x0], $0xffff;
	v23 =	vadd.f32 v58, v23  }
0xbc: {  	v27 =	vadd.f32 v27, v31;
	v31 =	vld.idx.msk [tilespmem:v35+s15+$0x0], $0xffff;
	v29 =	vmax.f32 v29, v61  }
0xbd: {  	v23 =	vadd.f32 v60, v23;
	v60 =	vmul.f32 v29, v3;
	v3 =	vld [tilespmem:$0x1FC50]  }
0xbe: {  	v58 =	vld.idx.msk [tilespmem:v35+s16+$0x0], $0xffff  }
0xbf: {  	v26 =	vld.idx.msk [tilespmem:v34+s16+$0x0], $0xffff;
	v59 =	vmul.f32 $2.000000030e-01, v27  }
0xc0: {  	v25 =	vadd.f32 v25, v32;
	v32 =	vld.idx.msk [tilespmem:v36+s15+$0x0], $0xffff  }
0xc1: {  	v27 =	vmax.f32 v27, v59;
	v29 =	vld.idx.msk [tilespmem:v36+s16+$0x0], $0xffff  }
0xc2: {  	v36 =	vmul.f32 v27, v3;
	v3 =	vld [tilespmem:$0x1FC60];
	_ =	sdelay $0x1  }
0xc3: {  	v61 =	vmul.f32 $2.000000030e-01, v25;
	_ =	sdelay $0x1  }
0xc4: {  	v25 =	vmax.f32 v25, v61  }
0xc5: {  	v26 =	vadd.f32 v26, v30;
	v28 =	vadd.f32 v58, v31;
	v58 =	vmul.f32 v25, v3;
	v3 =	vld [tilespmem:$0x1FC70];
	_ =	sdelay $0x1  }
0xc6: {  	v23 =	vadd.f32 v54, v23;
	v54 =	vmul.f32 $2.000000030e-01, v26;
	_ =	sdelay $0x1  }
0xc7: {  	v59 =	vmax.f32 v26, v54;
	v23 =	vadd.f32 v60, v23  }
0xc8: {  	v61 =	vadd.f32 v29, v32;
	v29 =	vmul.f32 v59, v3;
	v3 =	vld [tilespmem:$0x1FC80]  }
0xc9: {  	v23 =	vadd.f32 v36, v23  }
0xca: {  	v60 =	vmul.f32 $2.000000030e-01, v28  }
0xcb: {  	v23 =	vadd.f32 v58, v23  }
0xcc: {  	v30 =	vmax.f32 v28, v60;
	v31 =	vmul.f32 $2.000000030e-01, v61  }
0xcd: {  	v23 =	vadd.f32 v29, v23;
	v32 =	vmul.f32 v30, v3  }
0xce: {  	v33 =	vmax.f32 v61, v31  }
0xcf: {  	v22 =	vshll.u32 v22, $0x2;
	v34 =	vmul.f32 v33, v18;
	v23 =	vadd.f32 v32, v23;
	_ =	sdelay $0x1  }
0xd0: {  	v3 =	vadd.f32 v34, v23;
	_ =	sdelay $0x1  }
0xd1: {  	v23 =	vld [tilespmem:$0x1FFC0];
	[tilespmem:$0x1FBF0] =	vst v3  }
0xd2: {  	[tilespmem:v22+s18+$0x0] =	vst.idx.msk $0xffff, v3;
	v3 =	vld [tilespmem:$0x1FF80];
	_ =	sdelay $0x2  }
0xd3: {  	v36 =	vor.u32 v38, v21;
	_ =	sdelay $0x1  }
0xd4: {  	v33 =	vsel vm0, v40, v39;
	v39 =	vsel vm0, v3, v23;
	v3 =	vld [tilespmem:$0x1FFF0]  }
0xd5: {  	v26 =	vsel vm0, v41, v42  }
0xd6: {  	v27 =	vsel vm0, v44, v43;
	v31 =	vsel vm0, v0, v47;
	v30 =	vsel vm0, v46, v45  }
0xd7: {  	v35 =	vor.u32 v37, v21;
	v37 =	vcombine.low v27, v26;
	v41 =	vcombine.low v31, v30;
	v42 =	vld.idx.msk [tilespmem:v36+s15+$0x0], $0xffff  }
0xd8: {  	v24 =	vld.idx.msk [tilespmem:v36+s16+$0x0], $0xffff  }
0xd9: {  	v28 =	vor.u32 v37, v21;
	v32 =	vor.u32 v41, v21;
	v41 =	vsel vm0, v43, v3;
	v3 =	vld [tilespmem:$0x1FFE0]  }
0xda: {  	v18 =	vld [tilespmem:$0x1FD40];
	_ =	sdelay $0x1  }
0xdb: {  	v38 =	vld.idx.msk [tilespmem:v35+s15+$0x0], $0xffff  }
0xdc: {  	v25 =	vld.idx.msk [tilespmem:v35+s16+$0x0], $0xffff  }
0xdd: {  	v29 =	vld.idx.msk [tilespmem:v28+s15+$0x0], $0xffff;
	v24 =	vadd.f32 v24, v42;
	v42 =	vsel vm0, v3, v44  }
0xde: {  	v34 =	vsel vm0, v48, v49;
	v28 =	vld.idx.msk [tilespmem:v28+s16+$0x0], $0xffff;
	v35 =	vsel vm0, v18, v53;
	v43 =	vcombine.low v42, v41  }
0xdf: {  	v59 =	vld.idx.msk [tilespmem:v32+s15+$0x0], $0xffff;
	v60 =	vcombine.low v35, v34  }
0xe0: {  	v36 =	vor.u32 v43, v21;
	v43 =	vsel vm0, v45, v0;
	v0 =	vld [tilespmem:$0x1FCA0]  }
0xe1: {  	v32 =	vld.idx.msk [tilespmem:v32+s16+$0x0], $0xffff;
	v25 =	vadd.f32 v25, v38;
	v38 =	vor.u32 v60, v21  }
0xe2: {  	v40 =	vcombine.low v39, v33;
	v61 =	vmul.f32 $2.000000030e-01, v24;
	_ =	sdelay $0x1  }
0xe3: {  	v40 =	vor.u32 v40, v21;
	v24 =	vmax.f32 v24, v61  }
0xe4: {  	v24 =	vmul.f32 v24, v0;
	v0 =	vld [tilespmem:$0x1FFD0]  }
0xe5: {  	v28 =	vadd.f32 v28, v29;
	v29 =	vadd.f32 v32, v59;
	v32 =	vld.idx.msk [tilespmem:v38+s15+$0x0], $0xffff  }
0xe6: {  	v37 =	vsel vm0, v47, v46;
	v58 =	vmul.f32 $2.000000030e-01, v25;
	v3 =	vld [tilespmem:$0x1FC90]  }
0xe7: {  	v38 =	vld.idx.msk [tilespmem:v38+s16+$0x0], $0xffff;
	v49 =	vcombine.low v43, v37  }
0xe8: {  	v59 =	vsel vm0, v53, v48;
	v25 =	vmax.f32 v25, v58;
	v58 =	vmul.f32 $2.000000030e-01, v28;
	v47 =	vld.idx.msk [tilespmem:v40+s15+$0x0], $0xffff  }
0xe9: {  	v46 =	vmul.f32 $2.000000030e-01, v29;
	v40 =	vld.idx.msk [tilespmem:v40+s16+$0x0], $0xffff;
	v44 =	vor.u32 v49, v21;
	v60 =	vsel vm0, v0, v18  }
0xea: {  	v54 =	vmov v53;
	v53 =	vmax.f32 v28, v58;
	v0 =	vld [tilespmem:$0x1FCB0];
	v58 =	vcombine.low v60, v59  }
0xeb: {  	v26 =	vcombine.low v26, v27;
	v29 =	vmax.f32 v29, v46;
	v25 =	vmul.f32 v25, v3;
	v46 =	vld.idx.msk [tilespmem:v36+s15+$0x0], $0xffff  }
0xec: {  	v36 =	vld.idx.msk [tilespmem:v36+s16+$0x0], $0xffff;
	v60 =	vcombine.low v15, v50;
	v28 =	vor.u32 v58, v21  }
0xed: {  	v26 =	vor.u32 v26, v21;
	v32 =	vadd.f32 v38, v32;
	v25 =	vadd.f32 $0.0e+00, v25  }
0xee: {  	v3 =	vmov v50;
	v59 =	vperm.xlane v14, v4;
	v50 =	vld.idx.msk [tilespmem:v44+s15+$0x0], $0xffff;
	v38 =	vor.u32 v60, v21  }
0xef: {  	v30 =	vcombine.low v30, v31;
	v24 =	vadd.f32 v24, v25;
	v44 =	vld.idx.msk [tilespmem:v44+s16+$0x0], $0xffff;
	v25 =	vmul.f32 v53, v0  }
0xf0: {  	v61 =	vmovc v48;
	v40 =	vadd.f32 v40, v47;
	v49 =	vmul.f32 $2.000000030e-01, v32;
	v48 =	vmul.f32 v29, v59  }
0xf1: {  	v60 =	vadd.f32 v36, v46;
	v53 =	vperm.xlane v14, v63;
	v24 =	vadd.f32 v25, v24;
	v36 =	vld.idx.msk [tilespmem:v28+s15+$0x0], $0xffff  }
0xf2: {  	v30 =	vor.u32 v30, v21;
	v29 =	vmax.f32 v32, v49;
	v58 =	vmul.f32 $2.000000030e-01, v40;
	v28 =	vld.idx.msk [tilespmem:v28+s16+$0x0], $0xffff  }
0xf3: {  	v59 =	vperm.xlane v14, v5;
	v25 =	vmul.f32 v29, v53;
	v24 =	vadd.f32 v48, v24;
	v48 =	vld.idx.msk [tilespmem:v38+s15+$0x0], $0xffff  }
0xf4: {  	v32 =	vmax.f32 v40, v58;
	v47 =	vmul.f32 $2.000000030e-01, v60;
	v50 =	vadd.f32 v44, v50;
	v38 =	vld.idx.msk [tilespmem:v38+s16+$0x0], $0xffff  }
0xf5: {  	v46 =	vmul.f32 v32, v59;
	v53 =	vcombine.low v34, v35;
	v24 =	vadd.f32 v25, v24  }
0xf6: {  	v49 =	vperm.xlane v14, v6;
	v27 =	vmax.f32 v60, v47;
	v59 =	vmul.f32 $2.000000030e-01, v50  }
0xf7: {  	v29 =	vor.u32 v53, v21;
	v24 =	vadd.f32 v46, v24;
	v46 =	vcombine.low v33, v39  }
0xf8: {  	v44 =	vld.idx.msk [tilespmem:v26+s15+$0x0], $0xffff;
	v58 =	vmul.f32 v27, v49;
	v45 =	vmax.f32 v50, v59;
	v50 =	vcombine.low v41, v42  }
0xf9: {  	v26 =	vld.idx.msk [tilespmem:v26+s16+$0x0], $0xffff;
	v28 =	vadd.f32 v28, v36;
	v31 =	vadd.f32 v38, v48;
	v27 =	vor.u32 v46, v21  }
0xfa: {  	v37 =	vcombine.low v37, v43;
	v60 =	vperm.xlane v14, v7;
	v36 =	vor.u32 v50, v21;
	v48 =	vld.idx.msk [tilespmem:v30+s15+$0x0], $0xffff  }
0xfb: {  	v30 =	vld.idx.msk [tilespmem:v30+s16+$0x0], $0xffff;
	v24 =	vadd.f32 v58, v24;
	v47 =	vmul.f32 $2.000000030e-01, v28;
	v58 =	vmul.f32 $2.000000030e-01, v31  }
0xfc: {  	v49 =	vperm.xlane v14, v8;
	v25 =	vmul.f32 v45, v60;
	v60 =	vld.idx.msk [tilespmem:v29+s15+$0x0], $0xffff  }
0xfd: {  	v29 =	vld.idx.msk [tilespmem:v29+s16+$0x0], $0xffff;
	v53 =	vmax.f32 v28, v47;
	v28 =	vmax.f32 v31, v58;
	v31 =	vor.u32 v37, v21  }
0xfe: {  	v26 =	vadd.f32 v26, v44;
	v40 =	vld.idx.msk [tilespmem:v27+s15+$0x0], $0xffff  }
0xff: {  	v59 =	vperm.xlane v14, v9;
	v24 =	vadd.f32 v25, v24;
	v25 =	vmul.f32 v53, v49;
	v27 =	vld.idx.msk [tilespmem:v27+s16+$0x0], $0xffff  }
0x100: {  	v39 =	vmul.f32 $2.000000030e-01, v26;
	v44 =	vld.idx.msk [tilespmem:v36+s15+$0x0], $0xffff;
	v30 =	vadd.f32 v30, v48  }
0x101: {  	v41 =	vperm.xlane v14, v10;
	v46 =	vld.idx.msk [tilespmem:v36+s16+$0x0], $0xffff;
	v38 =	vmul.f32 v28, v59;
	v24 =	vadd.f32 v25, v24  }
0x102: {  	v42 =	vmax.f32 v26, v39;
	v29 =	vadd.f32 v29, v60;
	v43 =	vmul.f32 $2.000000030e-01, v30;
	v49 =	vld.idx.msk [tilespmem:v31+s15+$0x0], $0xffff  }
0x103: {  	v45 =	vperm.xlane v14, v11;
	v25 =	vmul.f32 v42, v41;
	v24 =	vadd.f32 v38, v24;
	v31 =	vld.idx.msk [tilespmem:v31+s16+$0x0], $0xffff  }
0x104: {  	v48 =	vmul.f32 $2.000000030e-01, v29;
	v26 =	vmax.f32 v30, v43;
	v27 =	vadd.f32 v27, v40  }
0x105: {  	v50 =	vperm.xlane v14, v12;
	v24 =	vadd.f32 v25, v24;
	v47 =	vmul.f32 v26, v45  }
0x106: {  	v53 =	vmax.f32 v29, v48;
	v28 =	vadd.f32 v46, v44;
	v58 =	vmul.f32 $2.000000030e-01, v27  }
0x107: {  	v59 =	vperm.xlane v14, v13;
	v25 =	vmul.f32 v53, v50;
	v24 =	vadd.f32 v47, v24  }
0x108: {  	v32 =	vmul.f32 $2.000000030e-01, v28;
	v34 =	vadd.f32 v31, v49;
	v60 =	vmax.f32 v27, v58  }
0x109: {  	v33 =	vperm.xlane v14, v16;
	v24 =	vadd.f32 v25, v24;
	v25 =	vmul.f32 v60, v59  }
0x10a: {  	v26 =	vmax.f32 v28, v32;
	v36 =	vmul.f32 $2.000000030e-01, v34  }
0x10b: {  	v37 =	vperm.xlane v14, v17;
	v35 =	vmul.f32 v26, v33;
	v24 =	vadd.f32 v25, v24  }
0x10c: {  	v18 =	vld [tilespmem:$0x1FD60];
	v38 =	vmax.f32 v34, v36  }
0x10d: {  	v23 =	vmovc v15;
	v15 =	vld [tilespmem:$0x1FD50];
	v39 =	vor.u32 $0x1, v22;
	v25 =	vmul.f32 v38, v37;
	v24 =	vadd.f32 v35, v24  }
0x10e: {  	v48 =	vld [tilespmem:$0x1FD80]  }
0x10f: {  	v50 =	vld [tilespmem:$0x1FDA0];
	v0 =	vadd.f32 v25, v24  }
0x110: {  	v24 =	vld [tilespmem:$0x1FD70]  }
0x111: {  	v49 =	vld [tilespmem:$0x1FD90];
	[tilespmem:$0x1FC00] =	vst v0  }
0x112: {  	v29 =	vsel vm0, v55, v52;
	v40 =	vor.u32 $0x20, v57;
	v28 =	vsel vm0, v62, v56;
	[tilespmem:v39+s18+$0x0] =	vst.idx.msk $0xffff, v0;
	v0 =	vld [tilespmem:$0x1FDB0]  }
0x113: {  	v41 =	vcombine.low v29, v28;
	v27 =	vor.u32 v40, v21  }
0x114: {  	v53 =	vld [tilespmem:$0x1FDC0]  }
0x115: {  	v30 =	vsel vm0, v15, v51;
	v58 =	vld [tilespmem:$0x1FDE0];
	v42 =	vor.u32 v41, v21;
	v31 =	vsel vm0, v24, v18  }
0x116: {  	v59 =	vmov v52;
	v52 =	vld [tilespmem:$0x1FDD0];
	v43 =	vcombine.low v31, v30  }
0x117: {  	v60 =	vmov v55;
	v55 =	vld [tilespmem:$0x1FDF0];
	v33 =	vsel vm0, v49, v48;
	v34 =	vsel vm0, v0, v50  }
0x118: {  	v44 =	vld.idx.msk [tilespmem:v27+s15+$0x0], $0xffff;
	v26 =	vor.u32 v43, v21;
	v45 =	vcombine.low v34, v33  }
0x119: {  	v27 =	vld.idx.msk [tilespmem:v27+s16+$0x0], $0xffff  }
0x11a: {  	v46 =	vld.idx.msk [tilespmem:v42+s15+$0x0], $0xffff;
	v35 =	vor.u32 v45, v21  }
0x11b: {  	v28 =	vcombine.low v28, v29;
	v25 =	vld.idx.msk [tilespmem:v42+s16+$0x0], $0xffff;
	_ =	sdelay $0x1  }
0x11c: {  	v28 =	vor.u32 v28, v21;
	v37 =	vsel vm0, v52, v53;
	v38 =	vsel vm0, v55, v58;
	v32 =	vld.idx.msk [tilespmem:v26+s15+$0x0], $0xffff  }
0x11d: {  	v36 =	vsel vm0, v59, v62;
	v52 =	vsel vm0, v58, v52;
	v47 =	vcombine.low v38, v37;
	v26 =	vld.idx.msk [tilespmem:v26+s16+$0x0], $0xffff  }
0x11e: {  	v53 =	vsel vm0, v53, v55;
	v42 =	vsel vm0, v56, v60;
	v27 =	vadd.f32 v27, v44;
	v40 =	vld.idx.msk [tilespmem:v35+s15+$0x0], $0xffff  }
0x11f: {  	v41 =	vor.u32 v47, v21;
	v25 =	vadd.f32 v25, v46;
	v44 =	vcombine.low v42, v36;
	v35 =	vld.idx.msk [tilespmem:v35+s16+$0x0], $0xffff  }
0x120: {  	v47 =	vsel vm0, v51, v24;
	v43 =	vperm.xlane v19, v57;
	v39 =	vmul.f32 $2.000000030e-01, v27  }
0x121: {  	v46 =	vsel vm0, v18, v15;
	v57 =	vmul.f32 $2.000000030e-01, v25;
	v44 =	vor.u32 v44, v21  }
0x122: {  	v45 =	vcombine.low v47, v46;
	v27 =	vmax.f32 v27, v39;
	v39 =	vperm.xlane v19, v1  }
0x123: {  	v25 =	vmax.f32 v25, v57;
	v27 =	vmul.f32 v27, v43;
	v43 =	vsel vm0, v48, v0  }
0x124: {  	v26 =	vadd.f32 v26, v32;
	v32 =	vadd.f32 v35, v40;
	v35 =	vld.idx.msk [tilespmem:v41+s15+$0x0], $0xffff;
	v40 =	vsel vm0, v50, v49  }
0x125: {  	v25 =	vmul.f32 v25, v39;
	v39 =	vor.u32 v45, v21;
	v41 =	vld.idx.msk [tilespmem:v41+s16+$0x0], $0xffff;
	v48 =	vcombine.low v43, v40  }
0x126: {  	v52 =	vcombine.low v53, v52;
	v24 =	vmovc v3;
	v3 =	vmovc v59;
	v59 =	vmov v60;
	v60 =	vmov v51;
	v51 =	vld.idx.msk [tilespmem:v44+s15+$0x0], $0xffff  }
0x127: {  	v53 =	vperm.xlane v19, v4;
	v27 =	vadd.f32 $0.0e+00, v27;
	v44 =	vld.idx.msk [tilespmem:v44+s16+$0x0], $0xffff;
	v48 =	vor.u32 v48, v21  }
0x128: {  	v30 =	vcombine.low v30, v31;
	v18 =	vmovc v17;
	v17 =	vmovc v16;
	v16 =	vmov v13;
	v49 =	vmul.f32 $2.000000030e-01, v26  }
0x129: {  	v13 =	vmovc v12;
	v45 =	vperm.xlane v19, v2;
	v25 =	vadd.f32 v25, v27;
	v27 =	vor.u32 v52, v21  }
0x12a: {  	v12 =	vmovc v11;
	v50 =	vmul.f32 $2.000000030e-01, v32;
	v26 =	vmax.f32 v26, v49;
	v49 =	vld.idx.msk [tilespmem:v39+s15+$0x0], $0xffff;
	v35 =	vadd.f32 v41, v35  }
0x12b: {  	v11 =	vmovc v10;
	v10 =	vmovc v9;
	v9 =	vmov v8;
	v8 =	vmov v7;
	v39 =	vld.idx.msk [tilespmem:v39+s16+$0x0], $0xffff;
	v26 =	vmul.f32 v26, v45  }
0x12c: {  	v7 =	vmovc v6;
	v32 =	vmax.f32 v32, v50;
	v50 =	vadd.f32 v44, v51;
	v58 =	vmul.f32 $2.000000030e-01, v35;
	v41 =	vld.idx.msk [tilespmem:v48+s15+$0x0], $0xffff  }
0x12d: {  	v51 =	vperm.xlane v19, v63;
	v25 =	vadd.f32 v26, v25;
	v55 =	vmul.f32 v32, v53;
	v52 =	vld.idx.msk [tilespmem:v48+s16+$0x0], $0xffff  }
0x12e: {  	v6 =	vmovc v5;
	v5 =	vmovc v63;
	v30 =	vor.u32 v30, v21;
	v53 =	vmul.f32 $2.000000030e-01, v50;
	v29 =	vmax.f32 v35, v58  }
0x12f: {  	v63 =	vld.idx.msk [tilespmem:v27+s15+$0x0], $0xffff;
	v25 =	vadd.f32 v55, v25;
	v55 =	vperm.xlane v19, v6;
	v26 =	vmul.f32 v29, v51  }
0x130: {  	v33 =	vcombine.low v33, v34;
	v27 =	vld.idx.msk [tilespmem:v27+s16+$0x0], $0xffff;
	v32 =	vmax.f32 v50, v53  }
0x131: {  	v58 =	vadd.f32 v39, v49;
	v45 =	vmul.f32 v32, v55;
	v49 =	vld.idx.msk [tilespmem:v28+s15+$0x0], $0xffff;
	v25 =	vadd.f32 v26, v25  }
0x132: {  	v33 =	vor.u32 v33, v21;
	v28 =	vld.idx.msk [tilespmem:v28+s16+$0x0], $0xffff;
	v51 =	vadd.f32 v52, v41;
	v52 =	vcombine.low v37, v38  }
0x133: {  	v48 =	vmul.f32 $2.000000030e-01, v58;
	v25 =	vadd.f32 v45, v25  }
0x134: {  	v44 =	vld.idx.msk [tilespmem:v30+s16+$0x0], $0xffff;
	v45 =	vcombine.low v36, v42;
	v55 =	vmul.f32 $2.000000030e-01, v51;
	v31 =	vor.u32 v52, v21  }
0x135: {  	v50 =	vperm.xlane v19, v7;
	v27 =	vadd.f32 v27, v63;
	v63 =	vld.idx.msk [tilespmem:v30+s15+$0x0], $0xffff;
	v29 =	vmax.f32 v58, v48  }
0x136: {  	v15 =	vld [tilespmem:$0x1FE10];
	v30 =	vor.u32 v45, v21;
	v41 =	vmax.f32 v51, v55;
	v51 =	vcombine.low v46, v47  }
0x137: {  	v58 =	vperm.xlane v19, v8;
	v48 =	vmul.f32 $2.000000030e-01, v27;
	v28 =	vadd.f32 v28, v49;
	v49 =	vld.idx.msk [tilespmem:v33+s15+$0x0], $0xffff  }
0x138: {  	v38 =	vcombine.low v40, v43;
	v53 =	vmul.f32 v29, v50;
	v33 =	vld.idx.msk [tilespmem:v33+s16+$0x0], $0xffff;
	v36 =	vor.u32 v51, v21  }
0x139: {  	v57 =	vlaneseq.u32;
	v50 =	vperm.xlane v19, v9;
	v26 =	vmul.f32 v41, v58;
	v58 =	vld.idx.msk [tilespmem:v31+s15+$0x0], $0xffff  }
0x13a: {  	v63 =	vadd.f32 v44, v63;
	v25 =	vadd.f32 v53, v25;
	v37 =	vld.idx.msk [tilespmem:v31+s16+$0x0], $0xffff;
	v31 =	vor.u32 v38, v21  }
0x13b: {  	v42 =	vperm.xlane v19, v11;
	v52 =	vmax.f32 v27, v48;
	v53 =	vmul.f32 $2.000000030e-01, v28;
	v41 =	vld.idx.msk [tilespmem:v30+s15+$0x0], $0xffff  }
0x13c: {  	v55 =	vperm.xlane v19, v10;
	v25 =	vadd.f32 v26, v25;
	v26 =	vmul.f32 v52, v50;
	v30 =	vld.idx.msk [tilespmem:v30+s16+$0x0], $0xffff  }
0x13d: {  	v40 =	vmul.f32 $2.000000030e-01, v63;
	v27 =	vmax.f32 v28, v53;
	v32 =	vadd.f32 v33, v49;
	v45 =	vld.idx.msk [tilespmem:v36+s15+$0x0], $0xffff  }
0x13e: {  	v46 =	vperm.xlane v19, v12;
	v39 =	vmul.f32 v27, v55;
	v25 =	vadd.f32 v26, v25;
	v47 =	vld.idx.msk [tilespmem:v36+s16+$0x0], $0xffff  }
0x13f: {  	v43 =	vmax.f32 v63, v40;
	v44 =	vmul.f32 $2.000000030e-01, v32;
	v29 =	vadd.f32 v37, v58;
	v50 =	vld.idx.msk [tilespmem:v31+s15+$0x0], $0xffff  }
0x140: {  	v51 =	vperm.xlane v19, v13;
	v26 =	vmul.f32 v43, v42;
	v25 =	vadd.f32 v39, v25;
	v31 =	vld.idx.msk [tilespmem:v31+s16+$0x0], $0xffff  }
0x141: {  	v0 =	vld [tilespmem:$0x1FE00];
	v27 =	vmax.f32 v32, v44;
	v30 =	vadd.f32 v30, v41;
	v49 =	vmul.f32 $2.000000030e-01, v29  }
0x142: {  	v55 =	vperm.xlane v19, v16;
	v43 =	vld [tilespmem:$0x1FE20];
	v48 =	vmul.f32 v27, v46;
	v25 =	vadd.f32 v26, v25  }
0x143: {  	v44 =	vld [tilespmem:$0x1FE30];
	v53 =	vmul.f32 $2.000000030e-01, v30;
	v52 =	vmax.f32 v29, v49;
	v28 =	vadd.f32 v47, v45  }
0x144: {  	v33 =	vperm.xlane v19, v17;
	v46 =	vld [tilespmem:$0x1FE50];
	v25 =	vadd.f32 v48, v25;
	v26 =	vmul.f32 v52, v51  }
0x145: {  	v48 =	vld [tilespmem:$0x1FE70];
	v58 =	vmax.f32 v30, v53;
	v34 =	vadd.f32 v31, v50;
	v63 =	vmul.f32 $2.000000030e-01, v28  }
0x146: {  	v39 =	vor.u32 $0x2, v22;
	v45 =	vld [tilespmem:$0x1FE40];
	v25 =	vadd.f32 v26, v25;
	v26 =	vmul.f32 v58, v55  }
0x147: {  	v37 =	vperm.xlane v19, v18;
	v47 =	vld [tilespmem:$0x1FE60];
	v36 =	vmul.f32 $2.000000030e-01, v34;
	v27 =	vmax.f32 v28, v63  }
0x148: {  	v29 =	vsel vm0, v15, v0;
	v25 =	vadd.f32 v26, v25;
	v35 =	vmul.f32 v27, v33  }
0x149: {  	v51 =	vor.u32 $0x30, v57;
	v30 =	vsel vm0, v44, v43;
	v38 =	vmax.f32 v34, v36  }
0x14a: {  	v49 =	vld [tilespmem:$0x1FE80];
	v28 =	vor.u32 v51, v21;
	v26 =	vmul.f32 v38, v37;
	v25 =	vadd.f32 v35, v25  }
0x14b: {  	v50 =	vld [tilespmem:$0x1FE90];
	v52 =	vcombine.low v30, v29  }
0x14c: {  	v58 =	vld [tilespmem:$0x1FEE0];
	v32 =	vsel vm0, v48, v47;
	v25 =	vadd.f32 v26, v25;
	v26 =	vsel vm0, v46, v45  }
0x14d: {  	v31 =	vor.u32 v52, v21;
	v51 =	vld [tilespmem:$0x1FEA0];
	v53 =	vcombine.low v32, v26  }
0x14e: {  	v52 =	vld [tilespmem:$0x1FEB0];
	[tilespmem:v39+s18+$0x0] =	vst.idx.msk $0xffff, v25  }
0x14f: {  	v27 =	vld.idx.msk [tilespmem:v28+s15+$0x0], $0xffff;
	v33 =	vor.u32 v53, v21  }
0x150: {  	v28 =	vld.idx.msk [tilespmem:v28+s16+$0x0], $0xffff  }
0x151: {  	v63 =	vld [tilespmem:$0x1FEF0]  }
0x152: {  	v34 =	vld.idx.msk [tilespmem:v31+s15+$0x0], $0xffff  }
0x153: {  	v35 =	vsel vm0, v50, v49;
	v36 =	vsel vm0, v52, v51;
	v53 =	vld [tilespmem:$0x1FEC0]  }
0x154: {  	v55 =	vcombine.low v36, v35;
	v38 =	vld.idx.msk [tilespmem:v33+s15+$0x0], $0xffff  }
0x155: {  	v27 =	vadd.f32 v28, v27;
	v28 =	vld.idx.msk [tilespmem:v33+s16+$0x0], $0xffff  }
0x156: {  	v33 =	vor.u32 v55, v21;
	v55 =	vld [tilespmem:$0x1FED0]  }
0x157: {  	v31 =	vld.idx.msk [tilespmem:v31+s16+$0x0], $0xffff;
	_ =	sdelay $0x1  }
0x158: {  	v42 =	vperm.xlane v20, v57  }
0x159: {  	v43 =	vsel vm0, v43, v15;
	v44 =	vsel vm0, v0, v44;
	v40 =	vmul.f32 $2.000000030e-01, v27  }
0x15a: {  	v39 =	vsel vm0, v63, v58;
	v37 =	vsel vm0, v55, v53;
	v28 =	vadd.f32 v28, v38  }
0x15b: {  	v31 =	vadd.f32 v31, v34;
	v27 =	vmax.f32 v27, v40;
	v41 =	vcombine.low v39, v37  }
0x15c: {  	v27 =	vmul.f32 v27, v42;
	v42 =	vsel vm0, v45, v48;
	v48 =	vmul.f32 $2.000000030e-01, v28  }
0x15d: {  	v34 =	vld.idx.msk [tilespmem:v33+s15+$0x0], $0xffff;
	v40 =	vor.u32 v41, v21;
	v41 =	vcombine.low v44, v43  }
0x15e: {  	v29 =	vcombine.low v29, v30;
	v33 =	vld.idx.msk [tilespmem:v33+s16+$0x0], $0xffff;
	v45 =	vmul.f32 $2.000000030e-01, v31;
	v28 =	vmax.f32 v28, v48  }
0x15f: {  	v48 =	vsel vm0, v51, v50;
	v50 =	vsel vm0, v58, v55;
	v38 =	vor.u32 v41, v21  }
0x160: {  	v58 =	vsel vm0, v53, v63;
	v41 =	vsel vm0, v47, v46;
	v47 =	vperm.xlane v20, v1  }
0x161: {  	v31 =	vmax.f32 v31, v45;
	v50 =	vcombine.low v58, v50;
	v46 =	vcombine.low v42, v41  }
0x162: {  	v31 =	vmul.f32 v31, v47;
	v47 =	vperm.xlane v20, v2;
	v45 =	vld.idx.msk [tilespmem:v40+s15+$0x0], $0xffff  }
0x163: {  	v27 =	vadd.f32 $0.0e+00, v27;
	v33 =	vadd.f32 v33, v34;
	v46 =	vor.u32 v46, v21;
	v40 =	vld.idx.msk [tilespmem:v40+s16+$0x0], $0xffff  }
0x164: {  	v49 =	vsel vm0, v49, v52;
	v30 =	vor.u32 v50, v21;
	v28 =	vmul.f32 v28, v47;
	v34 =	vld.idx.msk [tilespmem:v38+s15+$0x0], $0xffff  }
0x165: {  	v27 =	vadd.f32 v31, v27;
	v47 =	vmul.f32 $2.000000030e-01, v33;
	v31 =	vld.idx.msk [tilespmem:v38+s16+$0x0], $0xffff;
	v38 =	vcombine.low v49, v48  }
0x166: {  	v0 =	vld [tilespmem:$0x1FF70];
	v63 =	vperm.xlane v20, v4  }
0x167: {  	v52 =	vmov v3;
	v3 =	vld [tilespmem:$0x1FCF0];
	v55 =	vmax.f32 v33, v47;
	v38 =	vor.u32 v38, v21  }
0x168: {  	v27 =	vadd.f32 v28, v27;
	v28 =	vmul.f32 v55, v63;
	v51 =	vld.idx.msk [tilespmem:v46+s15+$0x0], $0xffff  }
0x169: {  	v26 =	vcombine.low v26, v32;
	v58 =	vadd.f32 v40, v45;
	v40 =	vld.idx.msk [tilespmem:v46+s16+$0x0], $0xffff  }
0x16a: {  	v35 =	vcombine.low v35, v36;
	v33 =	vld.idx.msk [tilespmem:v30+s15+$0x0], $0xffff;
	v27 =	vadd.f32 v28, v27;
	v28 =	vor.u32 v29, v21  }
0x16b: {  	v26 =	vor.u32 v26, v21;
	v37 =	vcombine.low v37, v39;
	v30 =	vld.idx.msk [tilespmem:v30+s16+$0x0], $0xffff  }
0x16c: {  	v35 =	vor.u32 v35, v21;
	v63 =	vmovc v5;
	v31 =	vadd.f32 v31, v34;
	v55 =	vmul.f32 $2.000000030e-01, v58;
	v34 =	vld.idx.msk [tilespmem:v38+s15+$0x0], $0xffff  }
0x16d: {  	v39 =	vcombine.low v43, v44;
	v37 =	vor.u32 v37, v21;
	v29 =	vperm.xlane v20, v63;
	v36 =	vld.idx.msk [tilespmem:v38+s16+$0x0], $0xffff  }
0x16e: {  	v44 =	vld [tilespmem:$0x1FF40];
	v5 =	vmovc v6;
	v32 =	vmax.f32 v58, v55;
	v58 =	vmul.f32 $2.000000030e-01, v31;
	v40 =	vadd.f32 v40, v51  }
0x16f: {  	v53 =	vmov v54;
	v54 =	vperm.xlane v20, v5;
	v29 =	vmul.f32 v32, v29;
	v32 =	vld.idx.msk [tilespmem:v28+s15+$0x0], $0xffff  }
0x170: {  	v6 =	vmovc v7;
	v30 =	vadd.f32 v30, v33;
	v31 =	vmax.f32 v31, v58;
	v28 =	vld.idx.msk [tilespmem:v28+s16+$0x0], $0xffff;
	v58 =	vmul.f32 $2.000000030e-01, v40  }
0x171: {  	v43 =	vld [tilespmem:$0x1FF30];
	v7 =	vmovc v8;
	v51 =	vmovc v60;
	v60 =	vperm.xlane v20, v6;
	v55 =	vmov v59;
	v27 =	vadd.f32 v29, v27  }
0x172: {  	v59 =	vmul.f32 v31, v54;
	v38 =	vmax.f32 v40, v58;
	v31 =	vadd.f32 v36, v34;
	v34 =	vld.idx.msk [tilespmem:v26+s15+$0x0], $0xffff  }
0x173: {  	v36 =	vcombine.low v41, v42;
	v26 =	vld.idx.msk [tilespmem:v26+s16+$0x0], $0xffff;
	v54 =	vmul.f32 v38, v60;
	v38 =	vor.u32 v39, v21  }
0x174: {  	v50 =	vmovc v24;
	v33 =	vld.idx.msk [tilespmem:v35+s15+$0x0], $0xffff;
	v27 =	vadd.f32 v59, v27;
	v58 =	vperm.xlane v20, v7;
	v24 =	vmul.f32 $2.000000030e-01, v31  }
0x175: {  	v35 =	vld.idx.msk [tilespmem:v35+s16+$0x0], $0xffff;
	v39 =	vcombine.low v48, v49;
	v36 =	vor.u32 v36, v21;
	v28 =	vadd.f32 v28, v32  }
0x176: {  	v8 =	vmovc v9;
	v32 =	vld.idx.msk [tilespmem:v37+s15+$0x0], $0xffff;
	v27 =	vadd.f32 v54, v27;
	v29 =	vmax.f32 v31, v24;
	v24 =	vmul.f32 $2.000000030e-01, v30  }
0x177: {  	v37 =	vld.idx.msk [tilespmem:v37+s16+$0x0], $0xffff;
	v21 =	vor.u32 v39, v21;
	v39 =	vperm.xlane v20, v8;
	v29 =	vmul.f32 v29, v58  }
0x178: {  	v9 =	vmovc v10;
	v58 =	vmul.f32 $2.000000030e-01, v28;
	v26 =	vadd.f32 v26, v34;
	v30 =	vmax.f32 v30, v24;
	v34 =	vld.idx.msk [tilespmem:v38+s15+$0x0], $0xffff  }
0x179: {  	v38 =	vld.idx.msk [tilespmem:v38+s16+$0x0], $0xffff;
	v27 =	vadd.f32 v29, v27;
	v24 =	vmul.f32 v30, v39;
	v30 =	vperm.xlane v20, v9  }
0x17a: {  	v10 =	vmovc v11;
	v33 =	vadd.f32 v35, v33;
	v28 =	vmax.f32 v28, v58;
	v58 =	vmul.f32 $2.000000030e-01, v26;
	v35 =	vld.idx.msk [tilespmem:v36+s15+$0x0], $0xffff  }
0x17b: {  	v29 =	vperm.xlane v20, v10;
	v27 =	vadd.f32 v24, v27;
	v28 =	vmul.f32 v28, v30;
	v30 =	vld.idx.msk [tilespmem:v36+s16+$0x0], $0xffff  }
0x17c: {  	v4 =	vld [tilespmem:$0x1FBE0];
	v11 =	vmovc v12;
	v32 =	vadd.f32 v37, v32;
	v26 =	vmax.f32 v26, v58;
	v58 =	vmul.f32 $2.000000030e-01, v33  }
0x17d: {  	v47 =	vld [tilespmem:$0x1FFB0];
	v26 =	vmul.f32 v26, v29;
	v27 =	vadd.f32 v28, v27;
	v28 =	vperm.xlane v20, v11  }
0x17e: {  	v12 =	vmovc v13;
	v45 =	vld [tilespmem:$0x1FF60];
	v29 =	vmax.f32 v33, v58;
	v31 =	vadd.f32 v38, v34;
	v58 =	vmul.f32 $2.000000030e-01, v32  }
0x17f: {  	v46 =	vld [tilespmem:$0x1FF50];
	v26 =	vadd.f32 v26, v27;
	v27 =	vmul.f32 v29, v28;
	v28 =	vperm.xlane v20, v12  }
0x180: {  	v13 =	vmovc v16;
	v41 =	vld [tilespmem:$0x1FFF0];
	v29 =	vmax.f32 v32, v58;
	v58 =	vmul.f32 $2.000000030e-01, v31;
	v30 =	vadd.f32 v30, v35  }
0x181: {  	v42 =	vld [tilespmem:$0x1FFE0];
	v34 =	vperm.xlane v20, v13;
	v26 =	vadd.f32 v27, v26;
	v27 =	vmul.f32 v29, v28  }
0x182: {  	v16 =	vmov v17;
	v36 =	vld.idx.msk [tilespmem:v21+s15+$0x0], $0xffff;
	v58 =	vmax.f32 v31, v58;
	v33 =	vmul.f32 $2.000000030e-01, v30  }
0x183: {  	v21 =	vld.idx.msk [tilespmem:v21+s16+$0x0], $0xffff;
	v26 =	vadd.f32 v27, v26;
	v27 =	vmul.f32 v58, v34;
	v34 =	vperm.xlane v20, v16  }
0x184: {  	v59 =	vld [tilespmem:$0x1FD00];
	v58 =	vmax.f32 v30, v33  }
0x185: {  	v17 =	vmov v18;
	v34 =	vmul.f32 v58, v34;
	v58 =	vperm.xlane v20, v18;
	v18 =	vld [tilespmem:$0x1FBF0]  }
0x186: {  	v40 =	vld [tilespmem:$0x1FF20]  }
0x187: {  	v60 =	vld [tilespmem:$0x1FD10]  }
0x188: {  	v48 =	vmov v61;
	v61 =	vld [tilespmem:$0x1FD20];
	v21 =	vadd.f32 v21, v36  }
0x189: {  	v49 =	vld [tilespmem:$0x1FFD0]  }
0x18a: {  	v33 =	vmul.f32 $2.000000030e-01, v21;
	v18 =	vmax.f32 v4, v18;
	v4 =	vld [tilespmem:$0x1FC00]  }
0x18b: {  	v54 =	vld [tilespmem:$0x1FCE0];
	v26 =	vadd.f32 v27, v26  }
0x18c: {  	p0 =	sne.s32 s23, $0x180;
	v22 =	vor.u32 $0x3, v22;
	v39 =	vld [tilespmem:$0x1FF10];
	v21 =	vmax.f32 v21, v33  }
.Ltmp0:
0x18d: {  	v37 =	vld [tilespmem:$0x1FF90];
	v26 =	vadd.f32 v34, v26;
	v21 =	vmul.f32 v21, v58;
	(pc) =	sbr.rel @p0 .LBB2_3-.Ltmp0, $4  }
0x18e: {  	v38 =	vld [tilespmem:$0x1FFA0]  }
0x18f: {  	v35 =	vld [tilespmem:$0x1FCC0];
	v21 =	vadd.f32 v21, v26;
	v18 =	vmax.f32 v18, v4  }
0x190: {  	v36 =	vld [tilespmem:$0x1FCD0];
	v18 =	vmax.f32 v18, v25  }
0x191: {  	s23 =	sadd.s32 $0x10, s23;
	v15 =	vmov v23;
	[tilespmem:v22+s18+$0x0] =	vst.idx.msk $0xffff, v21;
	v22 =	vmax.f32 v18, v21;
	v18 =	vld [tilespmem:$0x1FD30]  }
0x192: {  	s21 =	sadd.s32 $0x1, s21  }
0x193: {  	s22 =	sshrl.u32 s22, $0x1;
	p0 =	sne.s32 s21, $0x19  }
.Ltmp1:
0x194: {  	s22 =	sadd.s32 s8, s22;
	(pc) =	sbr.rel @p0 .LBB2_2-.Ltmp1, $4  }
0x195: {  	[hbm4b:s22+s1] =	stream.linear.scatter [tilespmem:s18], [sflag:$0x2], $0x640, $0x38;
	[tilespmem:$0xD1B0] =	vst v63  }
0x196: {  	_ =	swait.ge [sflag:s13], $0x640  }
0x197: {  	[sflag:s13] =	ssyncset.done $0x0  }
0x198: {  	[sflag:s13] =	ssyncadd.s32 $0xFFFFF9C0  }
0x199: {  	s20 =	sadd.s32 $0x1, s20  }
0x19a: {  	p0 =	sne.s32 s20, s11  }
.Ltmp2:
0x19b: {  	[tilespmem:$0xD1A0] =	vst v22;
	(pc) =	sbr.rel @p0 .LBB2_1-.Ltmp2, $4  }
0x19c: {  	[hbm4b:s10+s1] =	stream.linear.scatter [tilespmem:s19], [sflag:$0x2], $0x10, $0x38;
	[tilespmem:$0xD1B0] =	vst v63  }
0x19d: {  	_ =	swait.ge [sflag:s13], $0x10  }
0x19e: {  	[sflag:s13] =	ssyncset.done $0x0  }
0x19f: {  	v3 =	vld [tilespmem:$0x1FF00];
	[sflag:s13] =	ssyncadd.s32 $0xFFFFFFF0  }
0x1a0: {  	_ =	sfence.sel $0x180000  }
0x1a1: {  	[bflag:$0x0] =	sbarrier.arrive $0xFFFF  }
0x1a2: {  	p0 =	sne.s32 s6, $0x0;
	_ =	strace $0x90000047  }
0x1a3: {  	s0 =	sadd.s32 @!p0 $0x100000, s0;
	[bflag:$0x2] =	sbarrier.arrive $0xFFFF  }
0x1a4: {  	[sflag:s0] =	ssyncadd.tile.s32 @!p0 $0x1;
	_ =	shalt  }
.Lfunc_end2:
_tile_overlayer_lowered:
.L_overlay_start_2:
0x1a5: {  	(tag) =	ssettag $0x2  }
0x1a6: {  	s0 =	rddreg [dreg:$0x0];
	s2 =	stileid.u32  }
0x1a7: {  	s1 =	rddreg [dreg:$0x1];
	p0 =	sne.s32 s2, $0x0  }
0x1a8: {  	s3 =	rddreg [dreg:$0x2];
	[bflag:$0x3] =	sbarrier.arrive $0xFFFF;
	s2 =	simm.s32 @!p0 $0x1C02  }
0x1a9: {  	[timem:s3], [sflag:s2] =	dma.local @!p0 [hbm:s0], s1  }
0x1aa: {  	s0 =	simm.s32 @!p0 $0x2  }
0x1ab: {  	_ =	swait.ge @!p0 [sflag:s0], s1  }
0x1ac: {  	s1 =	ssub.s32 @!p0 $0x0, s1;
	[sflag:s0] =	ssyncset.done @!p0 $0x0  }
0x1ad: {  	[sflag:s0] =	ssyncadd.s32 @!p0 s1  }
0x1ae: {  	[bflag:$0x3] =	sbarrier.arrive $0xFFFF  }
0x1af: {  	_ =	shalt  }

</sc_bundles>
